<compile_context>
chip_gen: v7x
topology: tpu7x:2x2x1
jax: 0.10.2.dev20260603
libtpu: 0.0.44.dev20260713+nightly
codegen_flags: <defaults>
</compile_context>

<pallas_src>
import jax
import jax.numpy as jnp
from jax import lax
from jax.experimental import pallas as pl
from jax.experimental.pallas import tpu as pltpu
from jax.experimental.pallas import tpu_sc as plsc

N = 10000
E = 160000
D = 256
H = 256
A = 8

NC = 2
NS = 16
CH = 128
E_PAD = 163840
NCHUNK = E_PAD // CH
CPS = NCHUNK // NS
CPH = CPS // 2
CPT = NCHUNK // (NC * NS)
N_PAD = 10112
ROWS_T = N_PAD // NS
HB = 128
RB = 632
GRID_R = N_PAD // RB

_mesh = plsc.VectorSubcoreMesh(core_axis_name="c", subcore_axis_name="s")


def _i32(*vals):
    return tuple(jnp.int32(v) for v in vals)



def _deg_body(dst2d, zrows, orows, out, hist_s, didx, ones_v):
    c = lax.axis_index("c")
    s = lax.axis_index("s")
    wid = s * NC + c
    pltpu.sync_copy(zrows.at[pl.ds(s * ROWS_T, ROWS_T)],
                    hist_s.at[pl.ds(s * ROWS_T, ROWS_T)])
    pltpu.sync_copy(orows, ones_v)
    pltpu.sync_copy(dst2d.at[pl.ds(wid * CPT, CPT)], didx)
    plsc.subcore_barrier()

    def body(j, carry):
        pltpu.sync_copy(ones_v, hist_s.at[didx.at[j]], add=True)
        return carry

    lax.fori_loop(jnp.int32(0), jnp.int32(CPT), body, jnp.int32(0))
    plsc.subcore_barrier()
    pltpu.sync_copy(hist_s.at[pl.ds(s * ROWS_T, ROWS_T)],
                    out.at[pl.ds(c * N_PAD + s * ROWS_T, ROWS_T)])


_deg = pl.kernel(
    _deg_body,
    out_type=jax.ShapeDtypeStruct((2 * N_PAD, HB), jnp.float32),
    mesh=_mesh,
    scratch_types=[
        pltpu.VMEM_SHARED((N_PAD, HB), jnp.float32),
        pltpu.VMEM((CPT, CH), jnp.int32),
        pltpu.VMEM((CH, HB), jnp.float32),
    ],
)


def _agg_body(g, srcall, dst2d, out, acc_s, sidx, didx, rows0, rows1, sem0, sem1):
    c = lax.axis_index("c")
    s = lax.axis_index("s")
    pltpu.sync_copy(g.at[pl.ds(c * N_PAD + s * ROWS_T, ROWS_T)],
                    acc_s.at[pl.ds(s * ROWS_T, ROWS_T)])
    plsc.subcore_barrier()

    for h in range(2):
        base = s * CPS + h * CPH
        pltpu.sync_copy(srcall.at[pl.ds(c * NCHUNK + base, CPH)], sidx)
        pltpu.sync_copy(dst2d.at[pl.ds(base, CPH)], didx)
        pltpu.async_copy(g.at[sidx.at[jnp.int32(0)]], rows0, sem0)

        def body(jj, carry):
            j0 = jj * 2
            j1 = j0 + 1
            j2 = jnp.minimum(j0 + 2, CPH - 1)
            pltpu.make_async_copy(g.at[sidx.at[j0]], rows0, sem0).wait()
            pltpu.async_copy(g.at[sidx.at[j1]], rows1, sem1)
            pltpu.sync_copy(rows0, acc_s.at[didx.at[j0]], add=True)
            pltpu.make_async_copy(g.at[sidx.at[j1]], rows1, sem1).wait()
            pltpu.async_copy(g.at[sidx.at[j2]], rows0, sem0)
            pltpu.sync_copy(rows1, acc_s.at[didx.at[j1]], add=True)
            return carry

        lax.fori_loop(jnp.int32(0), jnp.int32(CPH // 2), body, jnp.int32(0))
        pltpu.make_async_copy(g.at[sidx.at[jnp.int32(CPH - 1)]], rows0, sem0).wait()
    plsc.subcore_barrier()
    pltpu.sync_copy(acc_s.at[pl.ds(s * ROWS_T, ROWS_T)],
                    out.at[pl.ds(c * N_PAD + s * ROWS_T, ROWS_T)])


_agg = pl.kernel(
    _agg_body,
    out_type=jax.ShapeDtypeStruct((2 * N_PAD, 128), jnp.float32),
    mesh=_mesh,
    scratch_types=[
        pltpu.VMEM_SHARED((N_PAD, 128), jnp.float32),
        pltpu.VMEM((CPH, CH), jnp.int32),
        pltpu.VMEM((CPH, CH), jnp.int32),
        pltpu.VMEM((CH, 128), jnp.float32),
        pltpu.VMEM((CH, 128), jnp.float32),
        pltpu.SemaphoreType.DMA,
        pltpu.SemaphoreType.DMA,
    ],
)



def _dis(hlo, hhi):
    deg = hlo[:, 0:1] + hhi[:, 0:1] + 1.0
    return lax.rsqrt(deg)


def _dense0_body(x_ref, hlo, hhi, w_ref, out_ref):
    dis = _dis(hlo, hhi)
    g = jnp.dot(x_ref[...], w_ref[...], preferred_element_type=jnp.float32)
    out_ref[...] = g * dis


_dense0 = pl.pallas_call(
    _dense0_body,
    grid=(GRID_R, NC),
    in_specs=[
        pl.BlockSpec((RB, D), lambda i, c: _i32(i, 0)),
        pl.BlockSpec((RB, HB), lambda i, c: _i32(i, 0)),
        pl.BlockSpec((RB, HB), lambda i, c: _i32(GRID_R + i, 0)),
        pl.BlockSpec((D, 128), lambda i, c: _i32(0, c)),
    ],
    out_specs=pl.BlockSpec((RB, 128), lambda i, c: _i32(c * GRID_R + i, 0)),
    out_shape=jax.ShapeDtypeStruct((2 * N_PAD, 128), jnp.float32),
)


def _densem_body(alo, ahi, hlo, hhi, b_ref, w_ref, out_ref):
    dis = _dis(hlo, hhi)
    acc = jnp.concatenate([alo[...], ahi[...]], axis=1)
    h = jnp.maximum(acc * dis + b_ref[...], 0.0)
    g = jnp.dot(h, w_ref[...], preferred_element_type=jnp.float32)
    out_ref[...] = g * dis


_densem = pl.pallas_call(
    _densem_body,
    grid=(GRID_R, NC),
    in_specs=[
        pl.BlockSpec((RB, 128), lambda i, c: _i32(i, 0)),
        pl.BlockSpec((RB, 128), lambda i, c: _i32(GRID_R + i, 0)),
        pl.BlockSpec((RB, HB), lambda i, c: _i32(i, 0)),
        pl.BlockSpec((RB, HB), lambda i, c: _i32(GRID_R + i, 0)),
        pl.BlockSpec((1, H), lambda i, c: _i32(0, 0)),
        pl.BlockSpec((H, 128), lambda i, c: _i32(0, c)),
    ],
    out_specs=pl.BlockSpec((RB, 128), lambda i, c: _i32(c * GRID_R + i, 0)),
    out_shape=jax.ShapeDtypeStruct((2 * N_PAD, 128), jnp.float32),
)


def _read_body(*refs):
    alo = refs[0:A]
    ahi = refs[A:2 * A]
    hlo = refs[2 * A:3 * A]
    hhi = refs[3 * A:4 * A]
    b_ref, aw, ab, cw, cb, lo_ref, vo_ref = refs[4 * A:]
    for a in range(A):
        dis = _dis(hlo[a], hhi[a])
        acc = jnp.concatenate([alo[a][...], ahi[a][...]], axis=1)
        h = jnp.maximum(acc * dis + b_ref[...], 0.0)
        m = jnp.mean(h, axis=0, keepdims=True)
        mx = jnp.max(h, axis=0, keepdims=True)
        emb = jnp.concatenate([m, mx], axis=1)
        lo_ref[a:a + 1, :] = (
            jnp.dot(emb, aw[a], preferred_element_type=jnp.float32)
            + ab[a:a + 1, :])
        vo_ref[a:a + 1, :] = (jnp.sum(emb[0] * cw[a]).reshape(1, 1)
                              + cb[a:a + 1, :])


_AB = 125
_HI = N_PAD // 8

_read = pl.pallas_call(
    _read_body,
    grid=(1,),
    in_specs=(
        [pl.BlockSpec((8, 128), lambda i, a=a: _i32(_AB * a, 0)) for a in range(A)]
        + [pl.BlockSpec((8, 128), lambda i, a=a: _i32(_HI + _AB * a, 0))
           for a in range(A)]
        + [pl.BlockSpec((8, HB), lambda i, a=a: _i32(_AB * a, 0)) for a in range(A)]
        + [pl.BlockSpec((8, HB), lambda i, a=a: _i32(_HI + _AB * a, 0))
           for a in range(A)]
        + [
            pl.BlockSpec((1, H), lambda i: _i32(0, 0)),
            pl.BlockSpec((A, 2 * H, 16), lambda i: _i32(0, 0, 0)),
            pl.BlockSpec((A, 16), lambda i: _i32(0, 0)),
            pl.BlockSpec((A, 2 * H), lambda i: _i32(0, 0)),
            pl.BlockSpec((A, 1), lambda i: _i32(0, 0)),
        ]
    ),
    out_specs=[
        pl.BlockSpec((A, 16), lambda i: _i32(0, 0)),
        pl.BlockSpec((A, 1), lambda i: _i32(0, 0)),
    ],
    out_shape=[
        jax.ShapeDtypeStruct((A, 16), jnp.float32),
        jax.ShapeDtypeStruct((A, 1), jnp.float32),
    ],
)



def kernel(x, edge_index, W0, b0, W1, b1, W2, b2,
           actor_W, actor_b, critic_W, critic_b):
    x = jnp.pad(x.astype(jnp.float32), ((0, N_PAD - N), (0, 0)))
    ei = edge_index.astype(jnp.int32)
    pad = E_PAD - E
    src = jnp.concatenate([ei[0], jnp.zeros((pad,), jnp.int32)])
    dst = jnp.concatenate([ei[1], jnp.full((pad,), N, jnp.int32)])
    src2d = src.reshape(NCHUNK, CH)
    dst2d = dst.reshape(NCHUNK, CH)
    srchi = src2d + N_PAD
    zrows = jnp.zeros((N_PAD, HB), jnp.float32)
    orows = jnp.ones((CH, HB), jnp.float32)

    srcall = jnp.concatenate([src2d, srchi])
    hist = _deg(dst2d, zrows, orows)
    g0 = _dense0(x, hist, hist, W0)
    acc0 = _agg(g0, srcall, dst2d)
    g1 = _densem(acc0, acc0, hist, hist, b0.reshape(1, H), W1)
    acc1 = _agg(g1, srcall, dst2d)
    g2 = _densem(acc1, acc1, hist, hist, b1.reshape(1, H), W2)

    acc2 = _agg(g2, srcall, dst2d)
    read_args = ([acc2] * A + [acc2] * A + [hist] * A + [hist] * A
                 + [b2.reshape(1, H), actor_W, actor_b,
                    critic_W[..., 0], critic_b])
    logits, values = _read(*read_args)
    return logits, values

# --- scband reference (transcript-rebuilt; emitter-appended) ---
"""Pipeline reference for scband-policy-gnn-31078383354334 (READ-ONLY COPY).

The authoritative reference and input builder live on the scoring server;
editing this copy changes nothing except your own understanding.
"""

import jax, jax.numpy as jnp
import numpy as np

jax.config.update("jax_enable_x64", True)

N = 10000
E = 160000
D = 256
H = 256
A = 8
ACTION_SPACE_SIZE = 4
AGENT_PARTITIONS = [[[1000 * i + 2 * j, 1000 * i + 2 * j + 1] for j in range(4)] for i in range(A)]
AGENT_NODES = [np.array(sorted({n for link in part for n in link}), dtype=np.int64) for part in AGENT_PARTITIONS]


def _gcn_conv(x, src, dst, W, b):
    # PyG GCNConv: add self-loops (done by caller via src/dst), symmetric normalization, linear transform, scatter-add aggregation, bias.
    h = x @ W
    deg = jnp.zeros((x.shape[0],), x.dtype).at[dst].add(jnp.ones_like(dst, dtype=x.dtype))
    dis = jnp.where(deg > 0, jax.lax.rsqrt(jnp.maximum(deg, 1e-12)), 0.0)
    norm = dis[src] * dis[dst]
    msg = h[src] * norm[:, None]
    out = jax.ops.segment_sum(msg, dst, num_segments=x.shape[0])
    return out + b


def setup_inputs(seed: int = 0) -> dict:
    key = jax.random.key(seed)
    ks = jax.random.split(key, 10)
    x = jax.random.normal(ks[0], (N, D), dtype=jnp.float32)
    edge_index = jax.random.randint(ks[1], (2, E), 0, N, dtype=jnp.int64)
    s_in = 1.0 / np.sqrt(D)
    s_h = 1.0 / np.sqrt(H)
    s_2h = 1.0 / np.sqrt(2 * H)
    W0 = jax.random.uniform(ks[2], (D, H), jnp.float32, -s_in, s_in)
    b0 = jnp.zeros((H,), jnp.float32)
    W1 = jax.random.uniform(ks[3], (H, H), jnp.float32, -s_h, s_h)
    b1 = jnp.zeros((H,), jnp.float32)
    W2 = jax.random.uniform(ks[4], (H, H), jnp.float32, -s_h, s_h)
    b2 = jnp.zeros((H,), jnp.float32)
    actor_W = jax.random.uniform(ks[5], (A, 2 * H, 4 * ACTION_SPACE_SIZE), jnp.float32, -s_2h, s_2h)
    actor_b = jax.random.uniform(ks[6], (A, 4 * ACTION_SPACE_SIZE), jnp.float32, -s_2h, s_2h)
    critic_W = jax.random.uniform(ks[7], (A, 2 * H, 1), jnp.float32, -s_2h, s_2h)
    critic_b = jax.random.uniform(ks[8], (A, 1), jnp.float32, -s_2h, s_2h)
    return {"x": x, "edge_index": edge_index, "W0": W0, "b0": b0, "W1": W1, "b1": b1, "W2": W2, "b2": b2, "actor_W": actor_W, "actor_b": actor_b, "critic_W": critic_W, "critic_b": critic_b}


def reference(x, edge_index, W0, b0, W1, b1, W2, b2, actor_W, actor_b, critic_W, critic_b):
    loops = jnp.arange(N, dtype=edge_index.dtype)
    src = jnp.concatenate([edge_index[0], loops])
    dst = jnp.concatenate([edge_index[1], loops])
    h = x
    for W, b in ((W0, b0), (W1, b1), (W2, b2)):
        h = jax.nn.relu(_gcn_conv(h, src, dst, W, b))
    all_logits = []
    all_values = []
    for i in range(A):
        agent_nodes = jnp.asarray(AGENT_NODES[i])
        emb = h[agent_nodes]
        agent_embedding = jnp.concatenate([emb.mean(axis=0), emb.max(axis=0)])
        all_logits.append(agent_embedding @ actor_W[i] + actor_b[i])
        all_values.append(agent_embedding @ critic_W[i] + critic_b[i])
    return (jnp.stack(all_logits), jnp.stack(all_values))

if __name__ == "__main__":
    import jax
    _d = setup_inputs()
    print(jax.jit(kernel)(*tuple(_d.values())))

</pallas_src>

<mosaic_0001>
#map = affine_map<(d0, d1) -> (0, 0)>
module attributes {stable_mosaic.version = 14 : i64} {
  func.func @_deg_body(%arg0: i32, %arg1: i32, %arg2: memref<1280x128xi32, #tpu.memory_space<hbm>>, %arg3: memref<10112x128xf32, #tpu.memory_space<hbm>>, %arg4: memref<128x128xf32, #tpu.memory_space<hbm>>, %arg5: memref<20224x128xf32, #tpu.memory_space<hbm>>, %arg6: memref<10112x128xf32, #tpu.memory_space<vmem_shared>>, %arg7: memref<40x128xi32, #tpu.memory_space<vmem>>, %arg8: memref<128x128xf32, #tpu.memory_space<vmem>>) attributes {dimension_semantics = [#tpu.dimension_semantics<core_parallel>, #tpu.dimension_semantics<subcore_parallel>], iteration_bounds = array<i64: 2, 16>, scalar_prefetch = 0 : i64, scratch_operands = 3 : i64, tpu.core_type = #tpu.core_type<sc_vector_subcore>, window_params = [{transform_indices = #map}, {transform_indices = #map}, {transform_indices = #map}, {transform_indices = #map}]} {
    %mul3A = arith.constant 2 : i32
    %mul3A_0 = arith.muli %arg1, %mul3A : i32
    %add3A = arith.addi %mul3A_0, %arg0 : i32
    %mul3A_1 = arith.constant 632 : i32
    %mul3A_2 = arith.muli %arg1, %mul3A_1 : i32
    %mul3A_3 = arith.constant 632 : i32
    %mul3A_4 = arith.muli %arg1, %mul3A_3 : i32
    "tpu.region"() ({
      %run_scoped3A = tpu.sem_alloc : memref<!tpu.dma_semaphore, #tpu.memory_space<semaphore_mem>>
      %dma_start3A = arith.constant 0 : i32
      %dma_start3A_25 = tpu.memref_slice %arg6[%mul3A_4, %dma_start3A] : memref<10112x128xf32, #tpu.memory_space<vmem_shared>> -> memref<632x128xf32, #tpu.memory_space<vmem_shared>>
      %dma_start3A_26 = arith.constant 0 : i32
      %dma_start3A_27 = tpu.memref_slice %arg3[%mul3A_2, %dma_start3A_26] : memref<10112x128xf32, #tpu.memory_space<hbm>> -> memref<632x128xf32, #tpu.memory_space<hbm>>
      tpu.enqueue_dma source(%dma_start3A_27 : memref<632x128xf32, #tpu.memory_space<hbm>>) target(%dma_start3A_25 : memref<632x128xf32, #tpu.memory_space<vmem_shared>>) target_semaphore(%run_scoped3A : memref<!tpu.dma_semaphore, #tpu.memory_space<semaphore_mem>>)
      %dma_wait3A = arith.constant 0 : i32
      %dma_wait3A_28 = tpu.memref_slice %arg6[%mul3A_4, %dma_wait3A] : memref<10112x128xf32, #tpu.memory_space<vmem_shared>> -> memref<632x128xf32, #tpu.memory_space<vmem_shared>>
      %dma_wait3A_29 = arith.constant 0 : i32
      %dma_wait3A_30 = tpu.memref_slice %arg3[%mul3A_2, %dma_wait3A_29] : memref<10112x128xf32, #tpu.memory_space<hbm>> -> memref<632x128xf32, #tpu.memory_space<hbm>>
      tpu.wait_dma2 semaphore(%run_scoped3A : memref<!tpu.dma_semaphore, #tpu.memory_space<semaphore_mem>>) src(%dma_wait3A_30 : memref<632x128xf32, #tpu.memory_space<hbm>>) dst(%dma_wait3A_28 : memref<632x128xf32, #tpu.memory_space<vmem_shared>>)
      tpu.yield
    }) : () -> ()
    "tpu.region"() ({
      %run_scoped3A = tpu.sem_alloc : memref<!tpu.dma_semaphore, #tpu.memory_space<semaphore_mem>>
      tpu.enqueue_dma source(%arg4 : memref<128x128xf32, #tpu.memory_space<hbm>>) target(%arg8 : memref<128x128xf32, #tpu.memory_space<vmem>>) target_semaphore(%run_scoped3A : memref<!tpu.dma_semaphore, #tpu.memory_space<semaphore_mem>>)
      tpu.wait_dma2 semaphore(%run_scoped3A : memref<!tpu.dma_semaphore, #tpu.memory_space<semaphore_mem>>) src(%arg4 : memref<128x128xf32, #tpu.memory_space<hbm>>) dst(%arg8 : memref<128x128xf32, #tpu.memory_space<vmem>>)
      tpu.yield
    }) : () -> ()
    %mul3A_5 = arith.constant 40 : i32
    %mul3A_6 = arith.muli %add3A, %mul3A_5 : i32
    "tpu.region"() ({
      %run_scoped3A = tpu.sem_alloc : memref<!tpu.dma_semaphore, #tpu.memory_space<semaphore_mem>>
      %dma_start3A = arith.constant 0 : i32
      %dma_start3A_25 = tpu.memref_slice %arg2[%mul3A_6, %dma_start3A] : memref<1280x128xi32, #tpu.memory_space<hbm>> -> memref<40x128xi32, #tpu.memory_space<hbm>>
      %dma_start3A_26 = arith.constant 0 : i32
      %dma_start3A_27 = tpu.memref_slice %arg2[%mul3A_6, %dma_start3A_26] : memref<1280x128xi32, #tpu.memory_space<hbm>> -> memref<40x128xi32, #tpu.memory_space<hbm>>
      tpu.enqueue_dma source(%dma_start3A_27 : memref<40x128xi32, #tpu.memory_space<hbm>>) target(%arg7 : memref<40x128xi32, #tpu.memory_space<vmem>>) target_semaphore(%run_scoped3A : memref<!tpu.dma_semaphore, #tpu.memory_space<semaphore_mem>>)
      %dma_wait3A = arith.constant 0 : i32
      %dma_wait3A_28 = tpu.memref_slice %arg2[%mul3A_6, %dma_wait3A] : memref<1280x128xi32, #tpu.memory_space<hbm>> -> memref<40x128xi32, #tpu.memory_space<hbm>>
      %dma_wait3A_29 = arith.constant 0 : i32
      %dma_wait3A_30 = tpu.memref_slice %arg2[%mul3A_6, %dma_wait3A_29] : memref<1280x128xi32, #tpu.memory_space<hbm>> -> memref<40x128xi32, #tpu.memory_space<hbm>>
      tpu.wait_dma2 semaphore(%run_scoped3A : memref<!tpu.dma_semaphore, #tpu.memory_space<semaphore_mem>>) src(%dma_wait3A_30 : memref<40x128xi32, #tpu.memory_space<hbm>>) dst(%arg7 : memref<40x128xi32, #tpu.memory_space<vmem>>)
      tpu.yield
    }) : () -> ()
    %barrier3A = arith.constant 0 : index
    tpu.barrier barrier_id(%barrier3A)
    %while3A = arith.constant 0 : i32
    %while3A_7 = arith.constant 0 : i32
    %while3A_8 = arith.constant 40 : i32
    %while3A_9 = arith.subi %while3A_8, %while3A_7 : i32
    %while3A_10 = arith.addi %while3A_7, %while3A_9 : i32
    %while3A_11 = arith.constant 1 : i32
    %while3A_12 = arith.divsi %while3A_9, %while3A_11 : i32
    %while3A_13 = arith.muli %while3A_12, %while3A_11 : i32
    %while3A_14 = arith.addi %while3A_7, %while3A_13 : i32
    %while3A_15 = arith.constant 1 : i32
    scf.for %while3A_25 = %while3A_7 to %while3A_14 step %while3A_15  : i32 {
      "tpu.region"() ({
        %run_scoped3A = tpu.sem_alloc : memref<!tpu.dma_semaphore, #tpu.memory_space<semaphore_mem>>
        %dma_start3A = arith.constant 0 : i32
        %dma_start3A_26 = tpu.memref_slice %arg7[%while3A_25, %dma_start3A] : memref<40x128xi32, #tpu.memory_space<vmem>> -> memref<1x128xi32, #tpu.memory_space<vmem>>
        %dma_start3A_27 = tpu.memref_squeeze %dma_start3A_26 : memref<1x128xi32, #tpu.memory_space<vmem>> -> memref<128xi32, #tpu.memory_space<vmem>>
        %dma_start3A_28 = arith.constant 0 : i32
        %dma_start3A_29 = arith.constant 0 : i32
        %dma_start3A_30 = tpu.memref_slice %arg6[%dma_start3A_28, %dma_start3A_29] : memref<10112x128xf32, #tpu.memory_space<vmem_shared>> -> memref<10112x128xf32, #tpu.memory_space<vmem_shared>>
        tpu.enqueue_indirect_dma source(%arg8 : memref<128x128xf32, #tpu.memory_space<vmem>>) target(%dma_start3A_30 : memref<10112x128xf32, #tpu.memory_space<vmem_shared>>) offsets(%dma_start3A_27 : memref<128xi32, #tpu.memory_space<vmem>>) semaphore(%run_scoped3A : memref<!tpu.dma_semaphore, #tpu.memory_space<semaphore_mem>>) {add = true}
        %dma_wait3A = arith.constant 0 : i32
        %dma_wait3A_31 = tpu.memref_slice %arg7[%while3A_25, %dma_wait3A] : memref<40x128xi32, #tpu.memory_space<vmem>> -> memref<1x128xi32, #tpu.memory_space<vmem>>
        %dma_wait3A_32 = tpu.memref_squeeze %dma_wait3A_31 : memref<1x128xi32, #tpu.memory_space<vmem>> -> memref<128xi32, #tpu.memory_space<vmem>>
        %dma_wait3A_33 = arith.constant 0 : i32
        %dma_wait3A_34 = arith.constant 0 : i32
        %dma_wait3A_35 = tpu.memref_slice %arg6[%dma_wait3A_33, %dma_wait3A_34] : memref<10112x128xf32, #tpu.memory_space<vmem_shared>> -> memref<10112x128xf32, #tpu.memory_space<vmem_shared>>
        tpu.wait_indirect_dma semaphore(%run_scoped3A : memref<!tpu.dma_semaphore, #tpu.memory_space<semaphore_mem>>) src(%arg8 : memref<128x128xf32, #tpu.memory_space<vmem>>) dst(%dma_wait3A_35 : memref<10112x128xf32, #tpu.memory_space<vmem_shared>>)
        tpu.yield
      }) : () -> ()
    }
    %while3A_16 = arith.constant 1 : i32
    scf.for %while3A_25 = %while3A_14 to %while3A_10 step %while3A_16  : i32 {
      "tpu.region"() ({
        %run_scoped3A = tpu.sem_alloc : memref<!tpu.dma_semaphore, #tpu.memory_space<semaphore_mem>>
        %dma_start3A = arith.constant 0 : i32
        %dma_start3A_26 = tpu.memref_slice %arg7[%while3A_25, %dma_start3A] : memref<40x128xi32, #tpu.memory_space<vmem>> -> memref<1x128xi32, #tpu.memory_space<vmem>>
        %dma_start3A_27 = tpu.memref_squeeze %dma_start3A_26 : memref<1x128xi32, #tpu.memory_space<vmem>> -> memref<128xi32, #tpu.memory_space<vmem>>
        %dma_start3A_28 = arith.constant 0 : i32
        %dma_start3A_29 = arith.constant 0 : i32
        %dma_start3A_30 = tpu.memref_slice %arg6[%dma_start3A_28, %dma_start3A_29] : memref<10112x128xf32, #tpu.memory_space<vmem_shared>> -> memref<10112x128xf32, #tpu.memory_space<vmem_shared>>
        tpu.enqueue_indirect_dma source(%arg8 : memref<128x128xf32, #tpu.memory_space<vmem>>) target(%dma_start3A_30 : memref<10112x128xf32, #tpu.memory_space<vmem_shared>>) offsets(%dma_start3A_27 : memref<128xi32, #tpu.memory_space<vmem>>) semaphore(%run_scoped3A : memref<!tpu.dma_semaphore, #tpu.memory_space<semaphore_mem>>) {add = true}
        %dma_wait3A = arith.constant 0 : i32
        %dma_wait3A_31 = tpu.memref_slice %arg7[%while3A_25, %dma_wait3A] : memref<40x128xi32, #tpu.memory_space<vmem>> -> memref<1x128xi32, #tpu.memory_space<vmem>>
        %dma_wait3A_32 = tpu.memref_squeeze %dma_wait3A_31 : memref<1x128xi32, #tpu.memory_space<vmem>> -> memref<128xi32, #tpu.memory_space<vmem>>
        %dma_wait3A_33 = arith.constant 0 : i32
        %dma_wait3A_34 = arith.constant 0 : i32
        %dma_wait3A_35 = tpu.memref_slice %arg6[%dma_wait3A_33, %dma_wait3A_34] : memref<10112x128xf32, #tpu.memory_space<vmem_shared>> -> memref<10112x128xf32, #tpu.memory_space<vmem_shared>>
        tpu.wait_indirect_dma semaphore(%run_scoped3A : memref<!tpu.dma_semaphore, #tpu.memory_space<semaphore_mem>>) src(%arg8 : memref<128x128xf32, #tpu.memory_space<vmem>>) dst(%dma_wait3A_35 : memref<10112x128xf32, #tpu.memory_space<vmem_shared>>)
        tpu.yield
      }) : () -> ()
    }
    %barrier3A_17 = arith.constant 0 : index
    tpu.barrier barrier_id(%barrier3A_17)
    %mul3A_18 = arith.constant 632 : i32
    %mul3A_19 = arith.muli %arg1, %mul3A_18 : i32
    %mul3A_20 = arith.constant 10112 : i32
    %mul3A_21 = arith.muli %arg0, %mul3A_20 : i32
    %mul3A_22 = arith.constant 632 : i32
    %mul3A_23 = arith.muli %arg1, %mul3A_22 : i32
    %add3A_24 = arith.addi %mul3A_21, %mul3A_23 : i32
    "tpu.region"() ({
      %run_scoped3A = tpu.sem_alloc : memref<!tpu.dma_semaphore, #tpu.memory_space<semaphore_mem>>
      %dma_start3A = arith.constant 0 : i32
      %dma_start3A_25 = tpu.memref_slice %arg5[%add3A_24, %dma_start3A] : memref<20224x128xf32, #tpu.memory_space<hbm>> -> memref<632x128xf32, #tpu.memory_space<hbm>>
      %dma_start3A_26 = arith.constant 0 : i32
      %dma_start3A_27 = tpu.memref_slice %arg6[%mul3A_19, %dma_start3A_26] : memref<10112x128xf32, #tpu.memory_space<vmem_shared>> -> memref<632x128xf32, #tpu.memory_space<vmem_shared>>
      tpu.enqueue_dma source(%dma_start3A_27 : memref<632x128xf32, #tpu.memory_space<vmem_shared>>) target(%dma_start3A_25 : memref<632x128xf32, #tpu.memory_space<hbm>>) target_semaphore(%run_scoped3A : memref<!tpu.dma_semaphore, #tpu.memory_space<semaphore_mem>>)
      %dma_wait3A = arith.constant 0 : i32
      %dma_wait3A_28 = tpu.memref_slice %arg5[%add3A_24, %dma_wait3A] : memref<20224x128xf32, #tpu.memory_space<hbm>> -> memref<632x128xf32, #tpu.memory_space<hbm>>
      %dma_wait3A_29 = arith.constant 0 : i32
      %dma_wait3A_30 = tpu.memref_slice %arg6[%mul3A_19, %dma_wait3A_29] : memref<10112x128xf32, #tpu.memory_space<vmem_shared>> -> memref<632x128xf32, #tpu.memory_space<vmem_shared>>
      tpu.wait_dma2 semaphore(%run_scoped3A : memref<!tpu.dma_semaphore, #tpu.memory_space<semaphore_mem>>) src(%dma_wait3A_30 : memref<632x128xf32, #tpu.memory_space<vmem_shared>>) dst(%dma_wait3A_28 : memref<632x128xf32, #tpu.memory_space<hbm>>)
      tpu.yield
    }) : () -> ()
    return
  }
}

#map = affine_map<(d0, d1) -> (0, 0)>
module attributes {stable_mosaic.version = 14 : i64} {
  func.func @_agg_body(%arg0: i32, %arg1: i32, %arg2: memref<20224x128xf32, #tpu.memory_space<hbm>>, %arg3: memref<2560x128xi32, #tpu.memory_space<hbm>>, %arg4: memref<1280x128xi32, #tpu.memory_space<hbm>>, %arg5: memref<20224x128xf32, #tpu.memory_space<hbm>>, %arg6: memref<10112x128xf32, #tpu.memory_space<vmem_shared>>, %arg7: memref<40x128xi32, #tpu.memory_space<vmem>>, %arg8: memref<40x128xi32, #tpu.memory_space<vmem>>, %arg9: memref<128x128xf32, #tpu.memory_space<vmem>>, %arg10: memref<128x128xf32, #tpu.memory_space<vmem>>, %arg11: memref<!tpu.dma_semaphore, #tpu.memory_space<semaphore_mem>>, %arg12: memref<!tpu.dma_semaphore, #tpu.memory_space<semaphore_mem>>) attributes {dimension_semantics = [#tpu.dimension_semantics<core_parallel>, #tpu.dimension_semantics<subcore_parallel>], iteration_bounds = array<i64: 2, 16>, scalar_prefetch = 0 : i64, scratch_operands = 7 : i64, tpu.core_type = #tpu.core_type<sc_vector_subcore>, window_params = [{transform_indices = #map}, {transform_indices = #map}, {transform_indices = #map}, {transform_indices = #map}]} {
    %mul3A = arith.constant 10112 : i32
    %mul3A_0 = arith.muli %arg0, %mul3A : i32
    %mul3A_1 = arith.constant 632 : i32
    %mul3A_2 = arith.muli %arg1, %mul3A_1 : i32
    %add3A = arith.addi %mul3A_0, %mul3A_2 : i32
    %mul3A_3 = arith.constant 632 : i32
    %mul3A_4 = arith.muli %arg1, %mul3A_3 : i32
    "tpu.region"() ({
      %run_scoped3A = tpu.sem_alloc : memref<!tpu.dma_semaphore, #tpu.memory_space<semaphore_mem>>
      %dma_start3A_74 = arith.constant 0 : i32
      %dma_start3A_75 = tpu.memref_slice %arg6[%mul3A_4, %dma_start3A_74] : memref<10112x128xf32, #tpu.memory_space<vmem_shared>> -> memref<632x128xf32, #tpu.memory_space<vmem_shared>>
      %dma_start3A_76 = arith.constant 0 : i32
      %dma_start3A_77 = tpu.memref_slice %arg2[%add3A, %dma_start3A_76] : memref<20224x128xf32, #tpu.memory_space<hbm>> -> memref<632x128xf32, #tpu.memory_space<hbm>>
      tpu.enqueue_dma source(%dma_start3A_77 : memref<632x128xf32, #tpu.memory_space<hbm>>) target(%dma_start3A_75 : memref<632x128xf32, #tpu.memory_space<vmem_shared>>) target_semaphore(%run_scoped3A : memref<!tpu.dma_semaphore, #tpu.memory_space<semaphore_mem>>)
      %dma_wait3A_78 = arith.constant 0 : i32
      %dma_wait3A_79 = tpu.memref_slice %arg6[%mul3A_4, %dma_wait3A_78] : memref<10112x128xf32, #tpu.memory_space<vmem_shared>> -> memref<632x128xf32, #tpu.memory_space<vmem_shared>>
      %dma_wait3A_80 = arith.constant 0 : i32
      %dma_wait3A_81 = tpu.memref_slice %arg2[%add3A, %dma_wait3A_80] : memref<20224x128xf32, #tpu.memory_space<hbm>> -> memref<632x128xf32, #tpu.memory_space<hbm>>
      tpu.wait_dma2 semaphore(%run_scoped3A : memref<!tpu.dma_semaphore, #tpu.memory_space<semaphore_mem>>) src(%dma_wait3A_81 : memref<632x128xf32, #tpu.memory_space<hbm>>) dst(%dma_wait3A_79 : memref<632x128xf32, #tpu.memory_space<vmem_shared>>)
      tpu.yield
    }) : () -> ()
    %barrier3A = arith.constant 0 : index
    tpu.barrier barrier_id(%barrier3A)
    %mul3A_5 = arith.constant 80 : i32
    %mul3A_6 = arith.muli %arg1, %mul3A_5 : i32
    %add3A_7 = arith.constant 0 : i32
    %add3A_8 = arith.addi %mul3A_6, %add3A_7 : i32
    %mul3A_9 = arith.constant 1280 : i32
    %mul3A_10 = arith.muli %arg0, %mul3A_9 : i32
    %add3A_11 = arith.addi %mul3A_10, %add3A_8 : i32
    "tpu.region"() ({
      %run_scoped3A = tpu.sem_alloc : memref<!tpu.dma_semaphore, #tpu.memory_space<semaphore_mem>>
      %dma_start3A_74 = arith.constant 0 : i32
      %dma_start3A_75 = tpu.memref_slice %arg3[%add3A_11, %dma_start3A_74] : memref<2560x128xi32, #tpu.memory_space<hbm>> -> memref<40x128xi32, #tpu.memory_space<hbm>>
      %dma_start3A_76 = arith.constant 0 : i32
      %dma_start3A_77 = tpu.memref_slice %arg3[%add3A_11, %dma_start3A_76] : memref<2560x128xi32, #tpu.memory_space<hbm>> -> memref<40x128xi32, #tpu.memory_space<hbm>>
      tpu.enqueue_dma source(%dma_start3A_77 : memref<40x128xi32, #tpu.memory_space<hbm>>) target(%arg7 : memref<40x128xi32, #tpu.memory_space<vmem>>) target_semaphore(%run_scoped3A : memref<!tpu.dma_semaphore, #tpu.memory_space<semaphore_mem>>)
      %dma_wait3A_78 = arith.constant 0 : i32
      %dma_wait3A_79 = tpu.memref_slice %arg3[%add3A_11, %dma_wait3A_78] : memref<2560x128xi32, #tpu.memory_space<hbm>> -> memref<40x128xi32, #tpu.memory_space<hbm>>
      %dma_wait3A_80 = arith.constant 0 : i32
      %dma_wait3A_81 = tpu.memref_slice %arg3[%add3A_11, %dma_wait3A_80] : memref<2560x128xi32, #tpu.memory_space<hbm>> -> memref<40x128xi32, #tpu.memory_space<hbm>>
      tpu.wait_dma2 semaphore(%run_scoped3A : memref<!tpu.dma_semaphore, #tpu.memory_space<semaphore_mem>>) src(%dma_wait3A_81 : memref<40x128xi32, #tpu.memory_space<hbm>>) dst(%arg7 : memref<40x128xi32, #tpu.memory_space<vmem>>)
      tpu.yield
    }) : () -> ()
    "tpu.region"() ({
      %run_scoped3A = tpu.sem_alloc : memref<!tpu.dma_semaphore, #tpu.memory_space<semaphore_mem>>
      %dma_start3A_74 = arith.constant 0 : i32
      %dma_start3A_75 = tpu.memref_slice %arg4[%add3A_8, %dma_start3A_74] : memref<1280x128xi32, #tpu.memory_space<hbm>> -> memref<40x128xi32, #tpu.memory_space<hbm>>
      %dma_start3A_76 = arith.constant 0 : i32
      %dma_start3A_77 = tpu.memref_slice %arg4[%add3A_8, %dma_start3A_76] : memref<1280x128xi32, #tpu.memory_space<hbm>> -> memref<40x128xi32, #tpu.memory_space<hbm>>
      tpu.enqueue_dma source(%dma_start3A_77 : memref<40x128xi32, #tpu.memory_space<hbm>>) target(%arg8 : memref<40x128xi32, #tpu.memory_space<vmem>>) target_semaphore(%run_scoped3A : memref<!tpu.dma_semaphore, #tpu.memory_space<semaphore_mem>>)
      %dma_wait3A_78 = arith.constant 0 : i32
      %dma_wait3A_79 = tpu.memref_slice %arg4[%add3A_8, %dma_wait3A_78] : memref<1280x128xi32, #tpu.memory_space<hbm>> -> memref<40x128xi32, #tpu.memory_space<hbm>>
      %dma_wait3A_80 = arith.constant 0 : i32
      %dma_wait3A_81 = tpu.memref_slice %arg4[%add3A_8, %dma_wait3A_80] : memref<1280x128xi32, #tpu.memory_space<hbm>> -> memref<40x128xi32, #tpu.memory_space<hbm>>
      tpu.wait_dma2 semaphore(%run_scoped3A : memref<!tpu.dma_semaphore, #tpu.memory_space<semaphore_mem>>) src(%dma_wait3A_81 : memref<40x128xi32, #tpu.memory_space<hbm>>) dst(%arg8 : memref<40x128xi32, #tpu.memory_space<vmem>>)
      tpu.yield
    }) : () -> ()
    %dma_start3A = arith.constant 0 : i32
    %dma_start3A_12 = arith.constant 0 : i32
    %dma_start3A_13 = tpu.memref_slice %arg7[%dma_start3A, %dma_start3A_12] : memref<40x128xi32, #tpu.memory_space<vmem>> -> memref<1x128xi32, #tpu.memory_space<vmem>>
    %dma_start3A_14 = tpu.memref_squeeze %dma_start3A_13 : memref<1x128xi32, #tpu.memory_space<vmem>> -> memref<128xi32, #tpu.memory_space<vmem>>
    %dma_start3A_15 = arith.constant 0 : i32
    %dma_start3A_16 = arith.constant 0 : i32
    %dma_start3A_17 = tpu.memref_slice %arg2[%dma_start3A_15, %dma_start3A_16] : memref<20224x128xf32, #tpu.memory_space<hbm>> -> memref<20224x128xf32, #tpu.memory_space<hbm>>
    tpu.enqueue_indirect_dma source(%dma_start3A_17 : memref<20224x128xf32, #tpu.memory_space<hbm>>) target(%arg9 : memref<128x128xf32, #tpu.memory_space<vmem>>) offsets(%dma_start3A_14 : memref<128xi32, #tpu.memory_space<vmem>>) semaphore(%arg11 : memref<!tpu.dma_semaphore, #tpu.memory_space<semaphore_mem>>)
    %while3A = arith.constant 0 : i32
    %while3A_18 = arith.constant 0 : i32
    %while3A_19 = arith.constant 20 : i32
    %while3A_20 = arith.subi %while3A_19, %while3A_18 : i32
    %while3A_21 = arith.addi %while3A_18, %while3A_20 : i32
    %while3A_22 = arith.constant 1 : i32
    %while3A_23 = arith.divsi %while3A_20, %while3A_22 : i32
    %while3A_24 = arith.muli %while3A_23, %while3A_22 : i32
    %while3A_25 = arith.addi %while3A_18, %while3A_24 : i32
    %while3A_26 = arith.constant 1 : i32
    scf.for %while3A_74 = %while3A_18 to %while3A_25 step %while3A_26  : i32 {
      %mul3A_75 = arith.constant 2 : i32
      %mul3A_76 = arith.muli %while3A_74, %mul3A_75 : i32
      %add3A_77 = arith.constant 1 : i32
      %add3A_78 = arith.addi %mul3A_76, %add3A_77 : i32
      %add3A_79 = arith.constant 2 : i32
      %add3A_80 = arith.addi %mul3A_76, %add3A_79 : i32
      %min3A = arith.constant 39 : i32
      %min3A_81 = arith.minsi %add3A_80, %min3A : i32
      %dma_wait3A_82 = arith.constant 0 : i32
      %dma_wait3A_83 = tpu.memref_slice %arg7[%mul3A_76, %dma_wait3A_82] : memref<40x128xi32, #tpu.memory_space<vmem>> -> memref<1x128xi32, #tpu.memory_space<vmem>>
      %dma_wait3A_84 = tpu.memref_squeeze %dma_wait3A_83 : memref<1x128xi32, #tpu.memory_space<vmem>> -> memref<128xi32, #tpu.memory_space<vmem>>
      %dma_wait3A_85 = arith.constant 0 : i32
      %dma_wait3A_86 = arith.constant 0 : i32
      %dma_wait3A_87 = tpu.memref_slice %arg2[%dma_wait3A_85, %dma_wait3A_86] : memref<20224x128xf32, #tpu.memory_space<hbm>> -> memref<20224x128xf32, #tpu.memory_space<hbm>>
      tpu.wait_indirect_dma semaphore(%arg11 : memref<!tpu.dma_semaphore, #tpu.memory_space<semaphore_mem>>) src(%dma_wait3A_87 : memref<20224x128xf32, #tpu.memory_space<hbm>>) dst(%arg9 : memref<128x128xf32, #tpu.memory_space<vmem>>)
      %dma_start3A_88 = arith.constant 0 : i32
      %dma_start3A_89 = tpu.memref_slice %arg7[%add3A_78, %dma_start3A_88] : memref<40x128xi32, #tpu.memory_space<vmem>> -> memref<1x128xi32, #tpu.memory_space<vmem>>
      %dma_start3A_90 = tpu.memref_squeeze %dma_start3A_89 : memref<1x128xi32, #tpu.memory_space<vmem>> -> memref<128xi32, #tpu.memory_space<vmem>>
      %dma_start3A_91 = arith.constant 0 : i32
      %dma_start3A_92 = arith.constant 0 : i32
      %dma_start3A_93 = tpu.memref_slice %arg2[%dma_start3A_91, %dma_start3A_92] : memref<20224x128xf32, #tpu.memory_space<hbm>> -> memref<20224x128xf32, #tpu.memory_space<hbm>>
      tpu.enqueue_indirect_dma source(%dma_start3A_93 : memref<20224x128xf32, #tpu.memory_space<hbm>>) target(%arg10 : memref<128x128xf32, #tpu.memory_space<vmem>>) offsets(%dma_start3A_90 : memref<128xi32, #tpu.memory_space<vmem>>) semaphore(%arg12 : memref<!tpu.dma_semaphore, #tpu.memory_space<semaphore_mem>>)
      "tpu.region"() ({
        %run_scoped3A = tpu.sem_alloc : memref<!tpu.dma_semaphore, #tpu.memory_space<semaphore_mem>>
        %dma_start3A_106 = arith.constant 0 : i32
        %dma_start3A_107 = tpu.memref_slice %arg8[%mul3A_76, %dma_start3A_106] : memref<40x128xi32, #tpu.memory_space<vmem>> -> memref<1x128xi32, #tpu.memory_space<vmem>>
        %dma_start3A_108 = tpu.memref_squeeze %dma_start3A_107 : memref<1x128xi32, #tpu.memory_space<vmem>> -> memref<128xi32, #tpu.memory_space<vmem>>
        %dma_start3A_109 = arith.constant 0 : i32
        %dma_start3A_110 = arith.constant 0 : i32
        %dma_start3A_111 = tpu.memref_slice %arg6[%dma_start3A_109, %dma_start3A_110] : memref<10112x128xf32, #tpu.memory_space<vmem_shared>> -> memref<10112x128xf32, #tpu.memory_space<vmem_shared>>
        tpu.enqueue_indirect_dma source(%arg9 : memref<128x128xf32, #tpu.memory_space<vmem>>) target(%dma_start3A_111 : memref<10112x128xf32, #tpu.memory_space<vmem_shared>>) offsets(%dma_start3A_108 : memref<128xi32, #tpu.memory_space<vmem>>) semaphore(%run_scoped3A : memref<!tpu.dma_semaphore, #tpu.memory_space<semaphore_mem>>) {add = true}
        %dma_wait3A_112 = arith.constant 0 : i32
        %dma_wait3A_113 = tpu.memref_slice %arg8[%mul3A_76, %dma_wait3A_112] : memref<40x128xi32, #tpu.memory_space<vmem>> -> memref<1x128xi32, #tpu.memory_space<vmem>>
        %dma_wait3A_114 = tpu.memref_squeeze %dma_wait3A_113 : memref<1x128xi32, #tpu.memory_space<vmem>> -> memref<128xi32, #tpu.memory_space<vmem>>
        %dma_wait3A_115 = arith.constant 0 : i32
        %dma_wait3A_116 = arith.constant 0 : i32
        %dma_wait3A_117 = tpu.memref_slice %arg6[%dma_wait3A_115, %dma_wait3A_116] : memref<10112x128xf32, #tpu.memory_space<vmem_shared>> -> memref<10112x128xf32, #tpu.memory_space<vmem_shared>>
        tpu.wait_indirect_dma semaphore(%run_scoped3A : memref<!tpu.dma_semaphore, #tpu.memory_space<semaphore_mem>>) src(%arg9 : memref<128x128xf32, #tpu.memory_space<vmem>>) dst(%dma_wait3A_117 : memref<10112x128xf32, #tpu.memory_space<vmem_shared>>)
        tpu.yield
      }) : () -> ()
      %dma_wait3A_94 = arith.constant 0 : i32
      %dma_wait3A_95 = tpu.memref_slice %arg7[%add3A_78, %dma_wait3A_94] : memref<40x128xi32, #tpu.memory_space<vmem>> -> memref<1x128xi32, #tpu.memory_space<vmem>>
      %dma_wait3A_96 = tpu.memref_squeeze %dma_wait3A_95 : memref<1x128xi32, #tpu.memory_space<vmem>> -> memref<128xi32, #tpu.memory_space<vmem>>
      %dma_wait3A_97 = arith.constant 0 : i32
      %dma_wait3A_98 = arith.constant 0 : i32
      %dma_wait3A_99 = tpu.memref_slice %arg2[%dma_wait3A_97, %dma_wait3A_98] : memref<20224x128xf32, #tpu.memory_space<hbm>> -> memref<20224x128xf32, #tpu.memory_space<hbm>>
      tpu.wait_indirect_dma semaphore(%arg12 : memref<!tpu.dma_semaphore, #tpu.memory_space<semaphore_mem>>) src(%dma_wait3A_99 : memref<20224x128xf32, #tpu.memory_space<hbm>>) dst(%arg10 : memref<128x128xf32, #tpu.memory_space<vmem>>)
      %dma_start3A_100 = arith.constant 0 : i32
      %dma_start3A_101 = tpu.memref_slice %arg7[%min3A_81, %dma_start3A_100] : memref<40x128xi32, #tpu.memory_space<vmem>> -> memref<1x128xi32, #tpu.memory_space<vmem>>
      %dma_start3A_102 = tpu.memref_squeeze %dma_start3A_101 : memref<1x128xi32, #tpu.memory_space<vmem>> -> memref<128xi32, #tpu.memory_space<vmem>>
      %dma_start3A_103 = arith.constant 0 : i32
      %dma_start3A_104 = arith.constant 0 : i32
      %dma_start3A_105 = tpu.memref_slice %arg2[%dma_start3A_103, %dma_start3A_104] : memref<20224x128xf32, #tpu.memory_space<hbm>> -> memref<20224x128xf32, #tpu.memory_space<hbm>>
      tpu.enqueue_indirect_dma source(%dma_start3A_105 : memref<20224x128xf32, #tpu.memory_space<hbm>>) target(%arg9 : memref<128x128xf32, #tpu.memory_space<vmem>>) offsets(%dma_start3A_102 : memref<128xi32, #tpu.memory_space<vmem>>) semaphore(%arg11 : memref<!tpu.dma_semaphore, #tpu.memory_space<semaphore_mem>>)
      "tpu.region"() ({
        %run_scoped3A = tpu.sem_alloc : memref<!tpu.dma_semaphore, #tpu.memory_space<semaphore_mem>>
        %dma_start3A_106 = arith.constant 0 : i32
        %dma_start3A_107 = tpu.memref_slice %arg8[%add3A_78, %dma_start3A_106] : memref<40x128xi32, #tpu.memory_space<vmem>> -> memref<1x128xi32, #tpu.memory_space<vmem>>
        %dma_start3A_108 = tpu.memref_squeeze %dma_start3A_107 : memref<1x128xi32, #tpu.memory_space<vmem>> -> memref<128xi32, #tpu.memory_space<vmem>>
        %dma_start3A_109 = arith.constant 0 : i32
        %dma_start3A_110 = arith.constant 0 : i32
        %dma_start3A_111 = tpu.memref_slice %arg6[%dma_start3A_109, %dma_start3A_110] : memref<10112x128xf32, #tpu.memory_space<vmem_shared>> -> memref<10112x128xf32, #tpu.memory_space<vmem_shared>>
        tpu.enqueue_indirect_dma source(%arg10 : memref<128x128xf32, #tpu.memory_space<vmem>>) target(%dma_start3A_111 : memref<10112x128xf32, #tpu.memory_space<vmem_shared>>) offsets(%dma_start3A_108 : memref<128xi32, #tpu.memory_space<vmem>>) semaphore(%run_scoped3A : memref<!tpu.dma_semaphore, #tpu.memory_space<semaphore_mem>>) {add = true}
        %dma_wait3A_112 = arith.constant 0 : i32
        %dma_wait3A_113 = tpu.memref_slice %arg8[%add3A_78, %dma_wait3A_112] : memref<40x128xi32, #tpu.memory_space<vmem>> -> memref<1x128xi32, #tpu.memory_space<vmem>>
        %dma_wait3A_114 = tpu.memref_squeeze %dma_wait3A_113 : memref<1x128xi32, #tpu.memory_space<vmem>> -> memref<128xi32, #tpu.memory_space<vmem>>
        %dma_wait3A_115 = arith.constant 0 : i32
        %dma_wait3A_116 = arith.constant 0 : i32
        %dma_wait3A_117 = tpu.memref_slice %arg6[%dma_wait3A_115, %dma_wait3A_116] : memref<10112x128xf32, #tpu.memory_space<vmem_shared>> -> memref<10112x128xf32, #tpu.memory_space<vmem_shared>>
        tpu.wait_indirect_dma semaphore(%run_scoped3A : memref<!tpu.dma_semaphore, #tpu.memory_space<semaphore_mem>>) src(%arg10 : memref<128x128xf32, #tpu.memory_space<vmem>>) dst(%dma_wait3A_117 : memref<10112x128xf32, #tpu.memory_space<vmem_shared>>)
        tpu.yield
      }) : () -> ()
    }
    %while3A_27 = arith.constant 1 : i32
    scf.for %while3A_74 = %while3A_25 to %while3A_21 step %while3A_27  : i32 {
      %mul3A_75 = arith.constant 2 : i32
      %mul3A_76 = arith.muli %while3A_74, %mul3A_75 : i32
      %add3A_77 = arith.constant 1 : i32
      %add3A_78 = arith.addi %mul3A_76, %add3A_77 : i32
      %add3A_79 = arith.constant 2 : i32
      %add3A_80 = arith.addi %mul3A_76, %add3A_79 : i32
      %min3A = arith.constant 39 : i32
      %min3A_81 = arith.minsi %add3A_80, %min3A : i32
      %dma_wait3A_82 = arith.constant 0 : i32
      %dma_wait3A_83 = tpu.memref_slice %arg7[%mul3A_76, %dma_wait3A_82] : memref<40x128xi32, #tpu.memory_space<vmem>> -> memref<1x128xi32, #tpu.memory_space<vmem>>
      %dma_wait3A_84 = tpu.memref_squeeze %dma_wait3A_83 : memref<1x128xi32, #tpu.memory_space<vmem>> -> memref<128xi32, #tpu.memory_space<vmem>>
      %dma_wait3A_85 = arith.constant 0 : i32
      %dma_wait3A_86 = arith.constant 0 : i32
      %dma_wait3A_87 = tpu.memref_slice %arg2[%dma_wait3A_85, %dma_wait3A_86] : memref<20224x128xf32, #tpu.memory_space<hbm>> -> memref<20224x128xf32, #tpu.memory_space<hbm>>
      tpu.wait_indirect_dma semaphore(%arg11 : memref<!tpu.dma_semaphore, #tpu.memory_space<semaphore_mem>>) src(%dma_wait3A_87 : memref<20224x128xf32, #tpu.memory_space<hbm>>) dst(%arg9 : memref<128x128xf32, #tpu.memory_space<vmem>>)
      %dma_start3A_88 = arith.constant 0 : i32
      %dma_start3A_89 = tpu.memref_slice %arg7[%add3A_78, %dma_start3A_88] : memref<40x128xi32, #tpu.memory_space<vmem>> -> memref<1x128xi32, #tpu.memory_space<vmem>>
      %dma_start3A_90 = tpu.memref_squeeze %dma_start3A_89 : memref<1x128xi32, #tpu.memory_space<vmem>> -> memref<128xi32, #tpu.memory_space<vmem>>
      %dma_start3A_91 = arith.constant 0 : i32
      %dma_start3A_92 = arith.constant 0 : i32
      %dma_start3A_93 = tpu.memref_slice %arg2[%dma_start3A_91, %dma_start3A_92] : memref<20224x128xf32, #tpu.memory_space<hbm>> -> memref<20224x128xf32, #tpu.memory_space<hbm>>
      tpu.enqueue_indirect_dma source(%dma_start3A_93 : memref<20224x128xf32, #tpu.memory_space<hbm>>) target(%arg10 : memref<128x128xf32, #tpu.memory_space<vmem>>) offsets(%dma_start3A_90 : memref<128xi32, #tpu.memory_space<vmem>>) semaphore(%arg12 : memref<!tpu.dma_semaphore, #tpu.memory_space<semaphore_mem>>)
      "tpu.region"() ({
        %run_scoped3A = tpu.sem_alloc : memref<!tpu.dma_semaphore, #tpu.memory_space<semaphore_mem>>
        %dma_start3A_106 = arith.constant 0 : i32
        %dma_start3A_107 = tpu.memref_slice %arg8[%mul3A_76, %dma_start3A_106] : memref<40x128xi32, #tpu.memory_space<vmem>> -> memref<1x128xi32, #tpu.memory_space<vmem>>
        %dma_start3A_108 = tpu.memref_squeeze %dma_start3A_107 : memref<1x128xi32, #tpu.memory_space<vmem>> -> memref<128xi32, #tpu.memory_space<vmem>>
        %dma_start3A_109 = arith.constant 0 : i32
        %dma_start3A_110 = arith.constant 0 : i32
        %dma_start3A_111 = tpu.memref_slice %arg6[%dma_start3A_109, %dma_start3A_110] : memref<10112x128xf32, #tpu.memory_space<vmem_shared>> -> memref<10112x128xf32, #tpu.memory_space<vmem_shared>>
        tpu.enqueue_indirect_dma source(%arg9 : memref<128x128xf32, #tpu.memory_space<vmem>>) target(%dma_start3A_111 : memref<10112x128xf32, #tpu.memory_space<vmem_shared>>) offsets(%dma_start3A_108 : memref<128xi32, #tpu.memory_space<vmem>>) semaphore(%run_scoped3A : memref<!tpu.dma_semaphore, #tpu.memory_space<semaphore_mem>>) {add = true}
        %dma_wait3A_112 = arith.constant 0 : i32
        %dma_wait3A_113 = tpu.memref_slice %arg8[%mul3A_76, %dma_wait3A_112] : memref<40x128xi32, #tpu.memory_space<vmem>> -> memref<1x128xi32, #tpu.memory_space<vmem>>
        %dma_wait3A_114 = tpu.memref_squeeze %dma_wait3A_113 : memref<1x128xi32, #tpu.memory_space<vmem>> -> memref<128xi32, #tpu.memory_space<vmem>>
        %dma_wait3A_115 = arith.constant 0 : i32
        %dma_wait3A_116 = arith.constant 0 : i32
        %dma_wait3A_117 = tpu.memref_slice %arg6[%dma_wait3A_115, %dma_wait3A_116] : memref<10112x128xf32, #tpu.memory_space<vmem_shared>> -> memref<10112x128xf32, #tpu.memory_space<vmem_shared>>
        tpu.wait_indirect_dma semaphore(%run_scoped3A : memref<!tpu.dma_semaphore, #tpu.memory_space<semaphore_mem>>) src(%arg9 : memref<128x128xf32, #tpu.memory_space<vmem>>) dst(%dma_wait3A_117 : memref<10112x128xf32, #tpu.memory_space<vmem_shared>>)
        tpu.yield
      }) : () -> ()
      %dma_wait3A_94 = arith.constant 0 : i32
      %dma_wait3A_95 = tpu.memref_slice %arg7[%add3A_78, %dma_wait3A_94] : memref<40x128xi32, #tpu.memory_space<vmem>> -> memref<1x128xi32, #tpu.memory_space<vmem>>
      %dma_wait3A_96 = tpu.memref_squeeze %dma_wait3A_95 : memref<1x128xi32, #tpu.memory_space<vmem>> -> memref<128xi32, #tpu.memory_space<vmem>>
      %dma_wait3A_97 = arith.constant 0 : i32
      %dma_wait3A_98 = arith.constant 0 : i32
      %dma_wait3A_99 = tpu.memref_slice %arg2[%dma_wait3A_97, %dma_wait3A_98] : memref<20224x128xf32, #tpu.memory_space<hbm>> -> memref<20224x128xf32, #tpu.memory_space<hbm>>
      tpu.wait_indirect_dma semaphore(%arg12 : memref<!tpu.dma_semaphore, #tpu.memory_space<semaphore_mem>>) src(%dma_wait3A_99 : memref<20224x128xf32, #tpu.memory_space<hbm>>) dst(%arg10 : memref<128x128xf32, #tpu.memory_space<vmem>>)
      %dma_start3A_100 = arith.constant 0 : i32
      %dma_start3A_101 = tpu.memref_slice %arg7[%min3A_81, %dma_start3A_100] : memref<40x128xi32, #tpu.memory_space<vmem>> -> memref<1x128xi32, #tpu.memory_space<vmem>>
      %dma_start3A_102 = tpu.memref_squeeze %dma_start3A_101 : memref<1x128xi32, #tpu.memory_space<vmem>> -> memref<128xi32, #tpu.memory_space<vmem>>
      %dma_start3A_103 = arith.constant 0 : i32
      %dma_start3A_104 = arith.constant 0 : i32
      %dma_start3A_105 = tpu.memref_slice %arg2[%dma_start3A_103, %dma_start3A_104] : memref<20224x128xf32, #tpu.memory_space<hbm>> -> memref<20224x128xf32, #tpu.memory_space<hbm>>
      tpu.enqueue_indirect_dma source(%dma_start3A_105 : memref<20224x128xf32, #tpu.memory_space<hbm>>) target(%arg9 : memref<128x128xf32, #tpu.memory_space<vmem>>) offsets(%dma_start3A_102 : memref<128xi32, #tpu.memory_space<vmem>>) semaphore(%arg11 : memref<!tpu.dma_semaphore, #tpu.memory_space<semaphore_mem>>)
      "tpu.region"() ({
        %run_scoped3A = tpu.sem_alloc : memref<!tpu.dma_semaphore, #tpu.memory_space<semaphore_mem>>
        %dma_start3A_106 = arith.constant 0 : i32
        %dma_start3A_107 = tpu.memref_slice %arg8[%add3A_78, %dma_start3A_106] : memref<40x128xi32, #tpu.memory_space<vmem>> -> memref<1x128xi32, #tpu.memory_space<vmem>>
        %dma_start3A_108 = tpu.memref_squeeze %dma_start3A_107 : memref<1x128xi32, #tpu.memory_space<vmem>> -> memref<128xi32, #tpu.memory_space<vmem>>
        %dma_start3A_109 = arith.constant 0 : i32
        %dma_start3A_110 = arith.constant 0 : i32
        %dma_start3A_111 = tpu.memref_slice %arg6[%dma_start3A_109, %dma_start3A_110] : memref<10112x128xf32, #tpu.memory_space<vmem_shared>> -> memref<10112x128xf32, #tpu.memory_space<vmem_shared>>
        tpu.enqueue_indirect_dma source(%arg10 : memref<128x128xf32, #tpu.memory_space<vmem>>) target(%dma_start3A_111 : memref<10112x128xf32, #tpu.memory_space<vmem_shared>>) offsets(%dma_start3A_108 : memref<128xi32, #tpu.memory_space<vmem>>) semaphore(%run_scoped3A : memref<!tpu.dma_semaphore, #tpu.memory_space<semaphore_mem>>) {add = true}
        %dma_wait3A_112 = arith.constant 0 : i32
        %dma_wait3A_113 = tpu.memref_slice %arg8[%add3A_78, %dma_wait3A_112] : memref<40x128xi32, #tpu.memory_space<vmem>> -> memref<1x128xi32, #tpu.memory_space<vmem>>
        %dma_wait3A_114 = tpu.memref_squeeze %dma_wait3A_113 : memref<1x128xi32, #tpu.memory_space<vmem>> -> memref<128xi32, #tpu.memory_space<vmem>>
        %dma_wait3A_115 = arith.constant 0 : i32
        %dma_wait3A_116 = arith.constant 0 : i32
        %dma_wait3A_117 = tpu.memref_slice %arg6[%dma_wait3A_115, %dma_wait3A_116] : memref<10112x128xf32, #tpu.memory_space<vmem_shared>> -> memref<10112x128xf32, #tpu.memory_space<vmem_shared>>
        tpu.wait_indirect_dma semaphore(%run_scoped3A : memref<!tpu.dma_semaphore, #tpu.memory_space<semaphore_mem>>) src(%arg10 : memref<128x128xf32, #tpu.memory_space<vmem>>) dst(%dma_wait3A_117 : memref<10112x128xf32, #tpu.memory_space<vmem_shared>>)
        tpu.yield
      }) : () -> ()
    }
    %dma_wait3A = arith.constant 39 : i32
    %dma_wait3A_28 = arith.constant 0 : i32
    %dma_wait3A_29 = tpu.memref_slice %arg7[%dma_wait3A, %dma_wait3A_28] : memref<40x128xi32, #tpu.memory_space<vmem>> -> memref<1x128xi32, #tpu.memory_space<vmem>>
    %dma_wait3A_30 = tpu.memref_squeeze %dma_wait3A_29 : memref<1x128xi32, #tpu.memory_space<vmem>> -> memref<128xi32, #tpu.memory_space<vmem>>
    %dma_wait3A_31 = arith.constant 0 : i32
    %dma_wait3A_32 = arith.constant 0 : i32
    %dma_wait3A_33 = tpu.memref_slice %arg2[%dma_wait3A_31, %dma_wait3A_32] : memref<20224x128xf32, #tpu.memory_space<hbm>> -> memref<20224x128xf32, #tpu.memory_space<hbm>>
    tpu.wait_indirect_dma semaphore(%arg11 : memref<!tpu.dma_semaphore, #tpu.memory_space<semaphore_mem>>) src(%dma_wait3A_33 : memref<20224x128xf32, #tpu.memory_space<hbm>>) dst(%arg9 : memref<128x128xf32, #tpu.memory_space<vmem>>)
    %mul3A_34 = arith.constant 80 : i32
    %mul3A_35 = arith.muli %arg1, %mul3A_34 : i32
    %add3A_36 = arith.constant 40 : i32
    %add3A_37 = arith.addi %mul3A_35, %add3A_36 : i32
    %mul3A_38 = arith.constant 1280 : i32
    %mul3A_39 = arith.muli %arg0, %mul3A_38 : i32
    %add3A_40 = arith.addi %mul3A_39, %add3A_37 : i32
    "tpu.region"() ({
      %run_scoped3A = tpu.sem_alloc : memref<!tpu.dma_semaphore, #tpu.memory_space<semaphore_mem>>
      %dma_start3A_74 = arith.constant 0 : i32
      %dma_start3A_75 = tpu.memref_slice %arg3[%add3A_40, %dma_start3A_74] : memref<2560x128xi32, #tpu.memory_space<hbm>> -> memref<40x128xi32, #tpu.memory_space<hbm>>
      %dma_start3A_76 = arith.constant 0 : i32
      %dma_start3A_77 = tpu.memref_slice %arg3[%add3A_40, %dma_start3A_76] : memref<2560x128xi32, #tpu.memory_space<hbm>> -> memref<40x128xi32, #tpu.memory_space<hbm>>
      tpu.enqueue_dma source(%dma_start3A_77 : memref<40x128xi32, #tpu.memory_space<hbm>>) target(%arg7 : memref<40x128xi32, #tpu.memory_space<vmem>>) target_semaphore(%run_scoped3A : memref<!tpu.dma_semaphore, #tpu.memory_space<semaphore_mem>>)
      %dma_wait3A_78 = arith.constant 0 : i32
      %dma_wait3A_79 = tpu.memref_slice %arg3[%add3A_40, %dma_wait3A_78] : memref<2560x128xi32, #tpu.memory_space<hbm>> -> memref<40x128xi32, #tpu.memory_space<hbm>>
      %dma_wait3A_80 = arith.constant 0 : i32
      %dma_wait3A_81 = tpu.memref_slice %arg3[%add3A_40, %dma_wait3A_80] : memref<2560x128xi32, #tpu.memory_space<hbm>> -> memref<40x128xi32, #tpu.memory_space<hbm>>
      tpu.wait_dma2 semaphore(%run_scoped3A : memref<!tpu.dma_semaphore, #tpu.memory_space<semaphore_mem>>) src(%dma_wait3A_81 : memref<40x128xi32, #tpu.memory_space<hbm>>) dst(%arg7 : memref<40x128xi32, #tpu.memory_space<vmem>>)
      tpu.yield
    }) : () -> ()
    "tpu.region"() ({
      %run_scoped3A = tpu.sem_alloc : memref<!tpu.dma_semaphore, #tpu.memory_space<semaphore_mem>>
      %dma_start3A_74 = arith.constant 0 : i32
      %dma_start3A_75 = tpu.memref_slice %arg4[%add3A_37, %dma_start3A_74] : memref<1280x128xi32, #tpu.memory_space<hbm>> -> memref<40x128xi32, #tpu.memory_space<hbm>>
      %dma_start3A_76 = arith.constant 0 : i32
      %dma_start3A_77 = tpu.memref_slice %arg4[%add3A_37, %dma_start3A_76] : memref<1280x128xi32, #tpu.memory_space<hbm>> -> memref<40x128xi32, #tpu.memory_space<hbm>>
      tpu.enqueue_dma source(%dma_start3A_77 : memref<40x128xi32, #tpu.memory_space<hbm>>) target(%arg8 : memref<40x128xi32, #tpu.memory_space<vmem>>) target_semaphore(%run_scoped3A : memref<!tpu.dma_semaphore, #tpu.memory_space<semaphore_mem>>)
      %dma_wait3A_78 = arith.constant 0 : i32
      %dma_wait3A_79 = tpu.memref_slice %arg4[%add3A_37, %dma_wait3A_78] : memref<1280x128xi32, #tpu.memory_space<hbm>> -> memref<40x128xi32, #tpu.memory_space<hbm>>
      %dma_wait3A_80 = arith.constant 0 : i32
      %dma_wait3A_81 = tpu.memref_slice %arg4[%add3A_37, %dma_wait3A_80] : memref<1280x128xi32, #tpu.memory_space<hbm>> -> memref<40x128xi32, #tpu.memory_space<hbm>>
      tpu.wait_dma2 semaphore(%run_scoped3A : memref<!tpu.dma_semaphore, #tpu.memory_space<semaphore_mem>>) src(%dma_wait3A_81 : memref<40x128xi32, #tpu.memory_space<hbm>>) dst(%arg8 : memref<40x128xi32, #tpu.memory_space<vmem>>)
      tpu.yield
    }) : () -> ()
    %dma_start3A_41 = arith.constant 0 : i32
    %dma_start3A_42 = arith.constant 0 : i32
    %dma_start3A_43 = tpu.memref_slice %arg7[%dma_start3A_41, %dma_start3A_42] : memref<40x128xi32, #tpu.memory_space<vmem>> -> memref<1x128xi32, #tpu.memory_space<vmem>>
    %dma_start3A_44 = tpu.memref_squeeze %dma_start3A_43 : memref<1x128xi32, #tpu.memory_space<vmem>> -> memref<128xi32, #tpu.memory_space<vmem>>
    %dma_start3A_45 = arith.constant 0 : i32
    %dma_start3A_46 = arith.constant 0 : i32
    %dma_start3A_47 = tpu.memref_slice %arg2[%dma_start3A_45, %dma_start3A_46] : memref<20224x128xf32, #tpu.memory_space<hbm>> -> memref<20224x128xf32, #tpu.memory_space<hbm>>
    tpu.enqueue_indirect_dma source(%dma_start3A_47 : memref<20224x128xf32, #tpu.memory_space<hbm>>) target(%arg9 : memref<128x128xf32, #tpu.memory_space<vmem>>) offsets(%dma_start3A_44 : memref<128xi32, #tpu.memory_space<vmem>>) semaphore(%arg11 : memref<!tpu.dma_semaphore, #tpu.memory_space<semaphore_mem>>)
    %while3A_48 = arith.constant 0 : i32
    %while3A_49 = arith.constant 0 : i32
    %while3A_50 = arith.constant 20 : i32
    %while3A_51 = arith.subi %while3A_50, %while3A_49 : i32
    %while3A_52 = arith.addi %while3A_49, %while3A_51 : i32
    %while3A_53 = arith.constant 1 : i32
    %while3A_54 = arith.divsi %while3A_51, %while3A_53 : i32
    %while3A_55 = arith.muli %while3A_54, %while3A_53 : i32
    %while3A_56 = arith.addi %while3A_49, %while3A_55 : i32
    %while3A_57 = arith.constant 1 : i32
    scf.for %while3A_74 = %while3A_49 to %while3A_56 step %while3A_57  : i32 {
      %mul3A_75 = arith.constant 2 : i32
      %mul3A_76 = arith.muli %while3A_74, %mul3A_75 : i32
      %add3A_77 = arith.constant 1 : i32
      %add3A_78 = arith.addi %mul3A_76, %add3A_77 : i32
      %add3A_79 = arith.constant 2 : i32
      %add3A_80 = arith.addi %mul3A_76, %add3A_79 : i32
      %min3A = arith.constant 39 : i32
      %min3A_81 = arith.minsi %add3A_80, %min3A : i32
      %dma_wait3A_82 = arith.constant 0 : i32
      %dma_wait3A_83 = tpu.memref_slice %arg7[%mul3A_76, %dma_wait3A_82] : memref<40x128xi32, #tpu.memory_space<vmem>> -> memref<1x128xi32, #tpu.memory_space<vmem>>
      %dma_wait3A_84 = tpu.memref_squeeze %dma_wait3A_83 : memref<1x128xi32, #tpu.memory_space<vmem>> -> memref<128xi32, #tpu.memory_space<vmem>>
      %dma_wait3A_85 = arith.constant 0 : i32
      %dma_wait3A_86 = arith.constant 0 : i32
      %dma_wait3A_87 = tpu.memref_slice %arg2[%dma_wait3A_85, %dma_wait3A_86] : memref<20224x128xf32, #tpu.memory_space<hbm>> -> memref<20224x128xf32, #tpu.memory_space<hbm>>
      tpu.wait_indirect_dma semaphore(%arg11 : memref<!tpu.dma_semaphore, #tpu.memory_space<semaphore_mem>>) src(%dma_wait3A_87 : memref<20224x128xf32, #tpu.memory_space<hbm>>) dst(%arg9 : memref<128x128xf32, #tpu.memory_space<vmem>>)
      %dma_start3A_88 = arith.constant 0 : i32
      %dma_start3A_89 = tpu.memref_slice %arg7[%add3A_78, %dma_start3A_88] : memref<40x128xi32, #tpu.memory_space<vmem>> -> memref<1x128xi32, #tpu.memory_space<vmem>>
      %dma_start3A_90 = tpu.memref_squeeze %dma_start3A_89 : memref<1x128xi32, #tpu.memory_space<vmem>> -> memref<128xi32, #tpu.memory_space<vmem>>
      %dma_start3A_91 = arith.constant 0 : i32
      %dma_start3A_92 = arith.constant 0 : i32
      %dma_start3A_93 = tpu.memref_slice %arg2[%dma_start3A_91, %dma_start3A_92] : memref<20224x128xf32, #tpu.memory_space<hbm>> -> memref<20224x128xf32, #tpu.memory_space<hbm>>
      tpu.enqueue_indirect_dma source(%dma_start3A_93 : memref<20224x128xf32, #tpu.memory_space<hbm>>) target(%arg10 : memref<128x128xf32, #tpu.memory_space<vmem>>) offsets(%dma_start3A_90 : memref<128xi32, #tpu.memory_space<vmem>>) semaphore(%arg12 : memref<!tpu.dma_semaphore, #tpu.memory_space<semaphore_mem>>)
      "tpu.region"() ({
        %run_scoped3A = tpu.sem_alloc : memref<!tpu.dma_semaphore, #tpu.memory_space<semaphore_mem>>
        %dma_start3A_106 = arith.constant 0 : i32
        %dma_start3A_107 = tpu.memref_slice %arg8[%mul3A_76, %dma_start3A_106] : memref<40x128xi32, #tpu.memory_space<vmem>> -> memref<1x128xi32, #tpu.memory_space<vmem>>
        %dma_start3A_108 = tpu.memref_squeeze %dma_start3A_107 : memref<1x128xi32, #tpu.memory_space<vmem>> -> memref<128xi32, #tpu.memory_space<vmem>>
        %dma_start3A_109 = arith.constant 0 : i32
        %dma_start3A_110 = arith.constant 0 : i32
        %dma_start3A_111 = tpu.memref_slice %arg6[%dma_start3A_109, %dma_start3A_110] : memref<10112x128xf32, #tpu.memory_space<vmem_shared>> -> memref<10112x128xf32, #tpu.memory_space<vmem_shared>>
        tpu.enqueue_indirect_dma source(%arg9 : memref<128x128xf32, #tpu.memory_space<vmem>>) target(%dma_start3A_111 : memref<10112x128xf32, #tpu.memory_space<vmem_shared>>) offsets(%dma_start3A_108 : memref<128xi32, #tpu.memory_space<vmem>>) semaphore(%run_scoped3A : memref<!tpu.dma_semaphore, #tpu.memory_space<semaphore_mem>>) {add = true}
        %dma_wait3A_112 = arith.constant 0 : i32
        %dma_wait3A_113 = tpu.memref_slice %arg8[%mul3A_76, %dma_wait3A_112] : memref<40x128xi32, #tpu.memory_space<vmem>> -> memref<1x128xi32, #tpu.memory_space<vmem>>
        %dma_wait3A_114 = tpu.memref_squeeze %dma_wait3A_113 : memref<1x128xi32, #tpu.memory_space<vmem>> -> memref<128xi32, #tpu.memory_space<vmem>>
        %dma_wait3A_115 = arith.constant 0 : i32
        %dma_wait3A_116 = arith.constant 0 : i32
        %dma_wait3A_117 = tpu.memref_slice %arg6[%dma_wait3A_115, %dma_wait3A_116] : memref<10112x128xf32, #tpu.memory_space<vmem_shared>> -> memref<10112x128xf32, #tpu.memory_space<vmem_shared>>
        tpu.wait_indirect_dma semaphore(%run_scoped3A : memref<!tpu.dma_semaphore, #tpu.memory_space<semaphore_mem>>) src(%arg9 : memref<128x128xf32, #tpu.memory_space<vmem>>) dst(%dma_wait3A_117 : memref<10112x128xf32, #tpu.memory_space<vmem_shared>>)
        tpu.yield
      }) : () -> ()
      %dma_wait3A_94 = arith.constant 0 : i32
      %dma_wait3A_95 = tpu.memref_slice %arg7[%add3A_78, %dma_wait3A_94] : memref<40x128xi32, #tpu.memory_space<vmem>> -> memref<1x128xi32, #tpu.memory_space<vmem>>
      %dma_wait3A_96 = tpu.memref_squeeze %dma_wait3A_95 : memref<1x128xi32, #tpu.memory_space<vmem>> -> memref<128xi32, #tpu.memory_space<vmem>>
      %dma_wait3A_97 = arith.constant 0 : i32
      %dma_wait3A_98 = arith.constant 0 : i32
      %dma_wait3A_99 = tpu.memref_slice %arg2[%dma_wait3A_97, %dma_wait3A_98] : memref<20224x128xf32, #tpu.memory_space<hbm>> -> memref<20224x128xf32, #tpu.memory_space<hbm>>
      tpu.wait_indirect_dma semaphore(%arg12 : memref<!tpu.dma_semaphore, #tpu.memory_space<semaphore_mem>>) src(%dma_wait3A_99 : memref<20224x128xf32, #tpu.memory_space<hbm>>) dst(%arg10 : memref<128x128xf32, #tpu.memory_space<vmem>>)
      %dma_start3A_100 = arith.constant 0 : i32
      %dma_start3A_101 = tpu.memref_slice %arg7[%min3A_81, %dma_start3A_100] : memref<40x128xi32, #tpu.memory_space<vmem>> -> memref<1x128xi32, #tpu.memory_space<vmem>>
      %dma_start3A_102 = tpu.memref_squeeze %dma_start3A_101 : memref<1x128xi32, #tpu.memory_space<vmem>> -> memref<128xi32, #tpu.memory_space<vmem>>
      %dma_start3A_103 = arith.constant 0 : i32
      %dma_start3A_104 = arith.constant 0 : i32
      %dma_start3A_105 = tpu.memref_slice %arg2[%dma_start3A_103, %dma_start3A_104] : memref<20224x128xf32, #tpu.memory_space<hbm>> -> memref<20224x128xf32, #tpu.memory_space<hbm>>
      tpu.enqueue_indirect_dma source(%dma_start3A_105 : memref<20224x128xf32, #tpu.memory_space<hbm>>) target(%arg9 : memref<128x128xf32, #tpu.memory_space<vmem>>) offsets(%dma_start3A_102 : memref<128xi32, #tpu.memory_space<vmem>>) semaphore(%arg11 : memref<!tpu.dma_semaphore, #tpu.memory_space<semaphore_mem>>)
      "tpu.region"() ({
        %run_scoped3A = tpu.sem_alloc : memref<!tpu.dma_semaphore, #tpu.memory_space<semaphore_mem>>
        %dma_start3A_106 = arith.constant 0 : i32
        %dma_start3A_107 = tpu.memref_slice %arg8[%add3A_78, %dma_start3A_106] : memref<40x128xi32, #tpu.memory_space<vmem>> -> memref<1x128xi32, #tpu.memory_space<vmem>>
        %dma_start3A_108 = tpu.memref_squeeze %dma_start3A_107 : memref<1x128xi32, #tpu.memory_space<vmem>> -> memref<128xi32, #tpu.memory_space<vmem>>
        %dma_start3A_109 = arith.constant 0 : i32
        %dma_start3A_110 = arith.constant 0 : i32
        %dma_start3A_111 = tpu.memref_slice %arg6[%dma_start3A_109, %dma_start3A_110] : memref<10112x128xf32, #tpu.memory_space<vmem_shared>> -> memref<10112x128xf32, #tpu.memory_space<vmem_shared>>
        tpu.enqueue_indirect_dma source(%arg10 : memref<128x128xf32, #tpu.memory_space<vmem>>) target(%dma_start3A_111 : memref<10112x128xf32, #tpu.memory_space<vmem_shared>>) offsets(%dma_start3A_108 : memref<128xi32, #tpu.memory_space<vmem>>) semaphore(%run_scoped3A : memref<!tpu.dma_semaphore, #tpu.memory_space<semaphore_mem>>) {add = true}
        %dma_wait3A_112 = arith.constant 0 : i32
        %dma_wait3A_113 = tpu.memref_slice %arg8[%add3A_78, %dma_wait3A_112] : memref<40x128xi32, #tpu.memory_space<vmem>> -> memref<1x128xi32, #tpu.memory_space<vmem>>
        %dma_wait3A_114 = tpu.memref_squeeze %dma_wait3A_113 : memref<1x128xi32, #tpu.memory_space<vmem>> -> memref<128xi32, #tpu.memory_space<vmem>>
        %dma_wait3A_115 = arith.constant 0 : i32
        %dma_wait3A_116 = arith.constant 0 : i32
        %dma_wait3A_117 = tpu.memref_slice %arg6[%dma_wait3A_115, %dma_wait3A_116] : memref<10112x128xf32, #tpu.memory_space<vmem_shared>> -> memref<10112x128xf32, #tpu.memory_space<vmem_shared>>
        tpu.wait_indirect_dma semaphore(%run_scoped3A : memref<!tpu.dma_semaphore, #tpu.memory_space<semaphore_mem>>) src(%arg10 : memref<128x128xf32, #tpu.memory_space<vmem>>) dst(%dma_wait3A_117 : memref<10112x128xf32, #tpu.memory_space<vmem_shared>>)
        tpu.yield
      }) : () -> ()
    }
    %while3A_58 = arith.constant 1 : i32
    scf.for %while3A_74 = %while3A_56 to %while3A_52 step %while3A_58  : i32 {
      %mul3A_75 = arith.constant 2 : i32
      %mul3A_76 = arith.muli %while3A_74, %mul3A_75 : i32
      %add3A_77 = arith.constant 1 : i32
      %add3A_78 = arith.addi %mul3A_76, %add3A_77 : i32
      %add3A_79 = arith.constant 2 : i32
      %add3A_80 = arith.addi %mul3A_76, %add3A_79 : i32
      %min3A = arith.constant 39 : i32
      %min3A_81 = arith.minsi %add3A_80, %min3A : i32
      %dma_wait3A_82 = arith.constant 0 : i32
      %dma_wait3A_83 = tpu.memref_slice %arg7[%mul3A_76, %dma_wait3A_82] : memref<40x128xi32, #tpu.memory_space<vmem>> -> memref<1x128xi32, #tpu.memory_space<vmem>>
      %dma_wait3A_84 = tpu.memref_squeeze %dma_wait3A_83 : memref<1x128xi32, #tpu.memory_space<vmem>> -> memref<128xi32, #tpu.memory_space<vmem>>
      %dma_wait3A_85 = arith.constant 0 : i32
      %dma_wait3A_86 = arith.constant 0 : i32
      %dma_wait3A_87 = tpu.memref_slice %arg2[%dma_wait3A_85, %dma_wait3A_86] : memref<20224x128xf32, #tpu.memory_space<hbm>> -> memref<20224x128xf32, #tpu.memory_space<hbm>>
      tpu.wait_indirect_dma semaphore(%arg11 : memref<!tpu.dma_semaphore, #tpu.memory_space<semaphore_mem>>) src(%dma_wait3A_87 : memref<20224x128xf32, #tpu.memory_space<hbm>>) dst(%arg9 : memref<128x128xf32, #tpu.memory_space<vmem>>)
      %dma_start3A_88 = arith.constant 0 : i32
      %dma_start3A_89 = tpu.memref_slice %arg7[%add3A_78, %dma_start3A_88] : memref<40x128xi32, #tpu.memory_space<vmem>> -> memref<1x128xi32, #tpu.memory_space<vmem>>
      %dma_start3A_90 = tpu.memref_squeeze %dma_start3A_89 : memref<1x128xi32, #tpu.memory_space<vmem>> -> memref<128xi32, #tpu.memory_space<vmem>>
      %dma_start3A_91 = arith.constant 0 : i32
      %dma_start3A_92 = arith.constant 0 : i32
      %dma_start3A_93 = tpu.memref_slice %arg2[%dma_start3A_91, %dma_start3A_92] : memref<20224x128xf32, #tpu.memory_space<hbm>> -> memref<20224x128xf32, #tpu.memory_space<hbm>>
      tpu.enqueue_indirect_dma source(%dma_start3A_93 : memref<20224x128xf32, #tpu.memory_space<hbm>>) target(%arg10 : memref<128x128xf32, #tpu.memory_space<vmem>>) offsets(%dma_start3A_90 : memref<128xi32, #tpu.memory_space<vmem>>) semaphore(%arg12 : memref<!tpu.dma_semaphore, #tpu.memory_space<semaphore_mem>>)
      "tpu.region"() ({
        %run_scoped3A = tpu.sem_alloc : memref<!tpu.dma_semaphore, #tpu.memory_space<semaphore_mem>>
        %dma_start3A_106 = arith.constant 0 : i32
        %dma_start3A_107 = tpu.memref_slice %arg8[%mul3A_76, %dma_start3A_106] : memref<40x128xi32, #tpu.memory_space<vmem>> -> memref<1x128xi32, #tpu.memory_space<vmem>>
        %dma_start3A_108 = tpu.memref_squeeze %dma_start3A_107 : memref<1x128xi32, #tpu.memory_space<vmem>> -> memref<128xi32, #tpu.memory_space<vmem>>
        %dma_start3A_109 = arith.constant 0 : i32
        %dma_start3A_110 = arith.constant 0 : i32
        %dma_start3A_111 = tpu.memref_slice %arg6[%dma_start3A_109, %dma_start3A_110] : memref<10112x128xf32, #tpu.memory_space<vmem_shared>> -> memref<10112x128xf32, #tpu.memory_space<vmem_shared>>
        tpu.enqueue_indirect_dma source(%arg9 : memref<128x128xf32, #tpu.memory_space<vmem>>) target(%dma_start3A_111 : memref<10112x128xf32, #tpu.memory_space<vmem_shared>>) offsets(%dma_start3A_108 : memref<128xi32, #tpu.memory_space<vmem>>) semaphore(%run_scoped3A : memref<!tpu.dma_semaphore, #tpu.memory_space<semaphore_mem>>) {add = true}
        %dma_wait3A_112 = arith.constant 0 : i32
        %dma_wait3A_113 = tpu.memref_slice %arg8[%mul3A_76, %dma_wait3A_112] : memref<40x128xi32, #tpu.memory_space<vmem>> -> memref<1x128xi32, #tpu.memory_space<vmem>>
        %dma_wait3A_114 = tpu.memref_squeeze %dma_wait3A_113 : memref<1x128xi32, #tpu.memory_space<vmem>> -> memref<128xi32, #tpu.memory_space<vmem>>
        %dma_wait3A_115 = arith.constant 0 : i32
        %dma_wait3A_116 = arith.constant 0 : i32
        %dma_wait3A_117 = tpu.memref_slice %arg6[%dma_wait3A_115, %dma_wait3A_116] : memref<10112x128xf32, #tpu.memory_space<vmem_shared>> -> memref<10112x128xf32, #tpu.memory_space<vmem_shared>>
        tpu.wait_indirect_dma semaphore(%run_scoped3A : memref<!tpu.dma_semaphore, #tpu.memory_space<semaphore_mem>>) src(%arg9 : memref<128x128xf32, #tpu.memory_space<vmem>>) dst(%dma_wait3A_117 : memref<10112x128xf32, #tpu.memory_space<vmem_shared>>)
        tpu.yield
      }) : () -> ()
      %dma_wait3A_94 = arith.constant 0 : i32
      %dma_wait3A_95 = tpu.memref_slice %arg7[%add3A_78, %dma_wait3A_94] : memref<40x128xi32, #tpu.memory_space<vmem>> -> memref<1x128xi32, #tpu.memory_space<vmem>>
      %dma_wait3A_96 = tpu.memref_squeeze %dma_wait3A_95 : memref<1x128xi32, #tpu.memory_space<vmem>> -> memref<128xi32, #tpu.memory_space<vmem>>
      %dma_wait3A_97 = arith.constant 0 : i32
      %dma_wait3A_98 = arith.constant 0 : i32
      %dma_wait3A_99 = tpu.memref_slice %arg2[%dma_wait3A_97, %dma_wait3A_98] : memref<20224x128xf32, #tpu.memory_space<hbm>> -> memref<20224x128xf32, #tpu.memory_space<hbm>>
      tpu.wait_indirect_dma semaphore(%arg12 : memref<!tpu.dma_semaphore, #tpu.memory_space<semaphore_mem>>) src(%dma_wait3A_99 : memref<20224x128xf32, #tpu.memory_space<hbm>>) dst(%arg10 : memref<128x128xf32, #tpu.memory_space<vmem>>)
      %dma_start3A_100 = arith.constant 0 : i32
      %dma_start3A_101 = tpu.memref_slice %arg7[%min3A_81, %dma_start3A_100] : memref<40x128xi32, #tpu.memory_space<vmem>> -> memref<1x128xi32, #tpu.memory_space<vmem>>
      %dma_start3A_102 = tpu.memref_squeeze %dma_start3A_101 : memref<1x128xi32, #tpu.memory_space<vmem>> -> memref<128xi32, #tpu.memory_space<vmem>>
      %dma_start3A_103 = arith.constant 0 : i32
      %dma_start3A_104 = arith.constant 0 : i32
      %dma_start3A_105 = tpu.memref_slice %arg2[%dma_start3A_103, %dma_start3A_104] : memref<20224x128xf32, #tpu.memory_space<hbm>> -> memref<20224x128xf32, #tpu.memory_space<hbm>>
      tpu.enqueue_indirect_dma source(%dma_start3A_105 : memref<20224x128xf32, #tpu.memory_space<hbm>>) target(%arg9 : memref<128x128xf32, #tpu.memory_space<vmem>>) offsets(%dma_start3A_102 : memref<128xi32, #tpu.memory_space<vmem>>) semaphore(%arg11 : memref<!tpu.dma_semaphore, #tpu.memory_space<semaphore_mem>>)
      "tpu.region"() ({
        %run_scoped3A = tpu.sem_alloc : memref<!tpu.dma_semaphore, #tpu.memory_space<semaphore_mem>>
        %dma_start3A_106 = arith.constant 0 : i32
        %dma_start3A_107 = tpu.memref_slice %arg8[%add3A_78, %dma_start3A_106] : memref<40x128xi32, #tpu.memory_space<vmem>> -> memref<1x128xi32, #tpu.memory_space<vmem>>
        %dma_start3A_108 = tpu.memref_squeeze %dma_start3A_107 : memref<1x128xi32, #tpu.memory_space<vmem>> -> memref<128xi32, #tpu.memory_space<vmem>>
        %dma_start3A_109 = arith.constant 0 : i32
        %dma_start3A_110 = arith.constant 0 : i32
        %dma_start3A_111 = tpu.memref_slice %arg6[%dma_start3A_109, %dma_start3A_110] : memref<10112x128xf32, #tpu.memory_space<vmem_shared>> -> memref<10112x128xf32, #tpu.memory_space<vmem_shared>>
        tpu.enqueue_indirect_dma source(%arg10 : memref<128x128xf32, #tpu.memory_space<vmem>>) target(%dma_start3A_111 : memref<10112x128xf32, #tpu.memory_space<vmem_shared>>) offsets(%dma_start3A_108 : memref<128xi32, #tpu.memory_space<vmem>>) semaphore(%run_scoped3A : memref<!tpu.dma_semaphore, #tpu.memory_space<semaphore_mem>>) {add = true}
        %dma_wait3A_112 = arith.constant 0 : i32
        %dma_wait3A_113 = tpu.memref_slice %arg8[%add3A_78, %dma_wait3A_112] : memref<40x128xi32, #tpu.memory_space<vmem>> -> memref<1x128xi32, #tpu.memory_space<vmem>>
        %dma_wait3A_114 = tpu.memref_squeeze %dma_wait3A_113 : memref<1x128xi32, #tpu.memory_space<vmem>> -> memref<128xi32, #tpu.memory_space<vmem>>
        %dma_wait3A_115 = arith.constant 0 : i32
        %dma_wait3A_116 = arith.constant 0 : i32
        %dma_wait3A_117 = tpu.memref_slice %arg6[%dma_wait3A_115, %dma_wait3A_116] : memref<10112x128xf32, #tpu.memory_space<vmem_shared>> -> memref<10112x128xf32, #tpu.memory_space<vmem_shared>>
        tpu.wait_indirect_dma semaphore(%run_scoped3A : memref<!tpu.dma_semaphore, #tpu.memory_space<semaphore_mem>>) src(%arg10 : memref<128x128xf32, #tpu.memory_space<vmem>>) dst(%dma_wait3A_117 : memref<10112x128xf32, #tpu.memory_space<vmem_shared>>)
        tpu.yield
      }) : () -> ()
    }
    %dma_wait3A_59 = arith.constant 39 : i32
    %dma_wait3A_60 = arith.constant 0 : i32
    %dma_wait3A_61 = tpu.memref_slice %arg7[%dma_wait3A_59, %dma_wait3A_60] : memref<40x128xi32, #tpu.memory_space<vmem>> -> memref<1x128xi32, #tpu.memory_space<vmem>>
    %dma_wait3A_62 = tpu.memref_squeeze %dma_wait3A_61 : memref<1x128xi32, #tpu.memory_space<vmem>> -> memref<128xi32, #tpu.memory_space<vmem>>
    %dma_wait3A_63 = arith.constant 0 : i32
    %dma_wait3A_64 = arith.constant 0 : i32
    %dma_wait3A_65 = tpu.memref_slice %arg2[%dma_wait3A_63, %dma_wait3A_64] : memref<20224x128xf32, #tpu.memory_space<hbm>> -> memref<20224x128xf32, #tpu.memory_space<hbm>>
    tpu.wait_indirect_dma semaphore(%arg11 : memref<!tpu.dma_semaphore, #tpu.memory_space<semaphore_mem>>) src(%dma_wait3A_65 : memref<20224x128xf32, #tpu.memory_space<hbm>>) dst(%arg9 : memref<128x128xf32, #tpu.memory_space<vmem>>)
    %barrier3A_66 = arith.constant 0 : index
    tpu.barrier barrier_id(%barrier3A_66)
    %mul3A_67 = arith.constant 632 : i32
    %mul3A_68 = arith.muli %arg1, %mul3A_67 : i32
    %mul3A_69 = arith.constant 10112 : i32
    %mul3A_70 = arith.muli %arg0, %mul3A_69 : i32
    %mul3A_71 = arith.constant 632 : i32
    %mul3A_72 = arith.muli %arg1, %mul3A_71 : i32
    %add3A_73 = arith.addi %mul3A_70, %mul3A_72 : i32
    "tpu.region"() ({
      %run_scoped3A = tpu.sem_alloc : memref<!tpu.dma_semaphore, #tpu.memory_space<semaphore_mem>>
      %dma_start3A_74 = arith.constant 0 : i32
      %dma_start3A_75 = tpu.memref_slice %arg5[%add3A_73, %dma_start3A_74] : memref<20224x128xf32, #tpu.memory_space<hbm>> -> memref<632x128xf32, #tpu.memory_space<hbm>>
      %dma_start3A_76 = arith.constant 0 : i32
      %dma_start3A_77 = tpu.memref_slice %arg6[%mul3A_68, %dma_start3A_76] : memref<10112x128xf32, #tpu.memory_space<vmem_shared>> -> memref<632x128xf32, #tpu.memory_space<vmem_shared>>
      tpu.enqueue_dma source(%dma_start3A_77 : memref<632x128xf32, #tpu.memory_space<vmem_shared>>) target(%dma_start3A_75 : memref<632x128xf32, #tpu.memory_space<hbm>>) target_semaphore(%run_scoped3A : memref<!tpu.dma_semaphore, #tpu.memory_space<semaphore_mem>>)
      %dma_wait3A_78 = arith.constant 0 : i32
      %dma_wait3A_79 = tpu.memref_slice %arg5[%add3A_73, %dma_wait3A_78] : memref<20224x128xf32, #tpu.memory_space<hbm>> -> memref<632x128xf32, #tpu.memory_space<hbm>>
      %dma_wait3A_80 = arith.constant 0 : i32
      %dma_wait3A_81 = tpu.memref_slice %arg6[%mul3A_68, %dma_wait3A_80] : memref<10112x128xf32, #tpu.memory_space<vmem_shared>> -> memref<632x128xf32, #tpu.memory_space<vmem_shared>>
      tpu.wait_dma2 semaphore(%run_scoped3A : memref<!tpu.dma_semaphore, #tpu.memory_space<semaphore_mem>>) src(%dma_wait3A_81 : memref<632x128xf32, #tpu.memory_space<vmem_shared>>) dst(%dma_wait3A_79 : memref<632x128xf32, #tpu.memory_space<hbm>>)
      tpu.yield
    }) : () -> ()
    return
  }
}

#map = affine_map<(d0, d1) -> (0, 0)>
module attributes {stable_mosaic.version = 14 : i64} {
  func.func @_agg_body(%arg0: i32, %arg1: i32, %arg2: memref<20224x128xf32, #tpu.memory_space<hbm>>, %arg3: memref<2560x128xi32, #tpu.memory_space<hbm>>, %arg4: memref<1280x128xi32, #tpu.memory_space<hbm>>, %arg5: memref<20224x128xf32, #tpu.memory_space<hbm>>, %arg6: memref<10112x128xf32, #tpu.memory_space<vmem_shared>>, %arg7: memref<40x128xi32, #tpu.memory_space<vmem>>, %arg8: memref<40x128xi32, #tpu.memory_space<vmem>>, %arg9: memref<128x128xf32, #tpu.memory_space<vmem>>, %arg10: memref<128x128xf32, #tpu.memory_space<vmem>>, %arg11: memref<!tpu.dma_semaphore, #tpu.memory_space<semaphore_mem>>, %arg12: memref<!tpu.dma_semaphore, #tpu.memory_space<semaphore_mem>>) attributes {dimension_semantics = [#tpu.dimension_semantics<core_parallel>, #tpu.dimension_semantics<subcore_parallel>], iteration_bounds = array<i64: 2, 16>, scalar_prefetch = 0 : i64, scratch_operands = 7 : i64, tpu.core_type = #tpu.core_type<sc_vector_subcore>, window_params = [{transform_indices = #map}, {transform_indices = #map}, {transform_indices = #map}, {transform_indices = #map}]} {
    %mul3A = arith.constant 10112 : i32
    %mul3A_0 = arith.muli %arg0, %mul3A : i32
    %mul3A_1 = arith.constant 632 : i32
    %mul3A_2 = arith.muli %arg1, %mul3A_1 : i32
    %add3A = arith.addi %mul3A_0, %mul3A_2 : i32
    %mul3A_3 = arith.constant 632 : i32
    %mul3A_4 = arith.muli %arg1, %mul3A_3 : i32
    "tpu.region"() ({
      %run_scoped3A = tpu.sem_alloc : memref<!tpu.dma_semaphore, #tpu.memory_space<semaphore_mem>>
      %dma_start3A_74 = arith.constant 0 : i32
      %dma_start3A_75 = tpu.memref_slice %arg6[%mul3A_4, %dma_start3A_74] : memref<10112x128xf32, #tpu.memory_space<vmem_shared>> -> memref<632x128xf32, #tpu.memory_space<vmem_shared>>
      %dma_start3A_76 = arith.constant 0 : i32
      %dma_start3A_77 = tpu.memref_slice %arg2[%add3A, %dma_start3A_76] : memref<20224x128xf32, #tpu.memory_space<hbm>> -> memref<632x128xf32, #tpu.memory_space<hbm>>
      tpu.enqueue_dma source(%dma_start3A_77 : memref<632x128xf32, #tpu.memory_space<hbm>>) target(%dma_start3A_75 : memref<632x128xf32, #tpu.memory_space<vmem_shared>>) target_semaphore(%run_scoped3A : memref<!tpu.dma_semaphore, #tpu.memory_space<semaphore_mem>>)
      %dma_wait3A_78 = arith.constant 0 : i32
      %dma_wait3A_79 = tpu.memref_slice %arg6[%mul3A_4, %dma_wait3A_78] : memref<10112x128xf32, #tpu.memory_space<vmem_shared>> -> memref<632x128xf32, #tpu.memory_space<vmem_shared>>
      %dma_wait3A_80 = arith.constant 0 : i32
      %dma_wait3A_81 = tpu.memref_slice %arg2[%add3A, %dma_wait3A_80] : memref<20224x128xf32, #tpu.memory_space<hbm>> -> memref<632x128xf32, #tpu.memory_space<hbm>>
      tpu.wait_dma2 semaphore(%run_scoped3A : memref<!tpu.dma_semaphore, #tpu.memory_space<semaphore_mem>>) src(%dma_wait3A_81 : memref<632x128xf32, #tpu.memory_space<hbm>>) dst(%dma_wait3A_79 : memref<632x128xf32, #tpu.memory_space<vmem_shared>>)
      tpu.yield
    }) : () -> ()
    %barrier3A = arith.constant 0 : index
    tpu.barrier barrier_id(%barrier3A)
    %mul3A_5 = arith.constant 80 : i32
    %mul3A_6 = arith.muli %arg1, %mul3A_5 : i32
    %add3A_7 = arith.constant 0 : i32
    %add3A_8 = arith.addi %mul3A_6, %add3A_7 : i32
    %mul3A_9 = arith.constant 1280 : i32
    %mul3A_10 = arith.muli %arg0, %mul3A_9 : i32
    %add3A_11 = arith.addi %mul3A_10, %add3A_8 : i32
    "tpu.region"() ({
      %run_scoped3A = tpu.sem_alloc : memref<!tpu.dma_semaphore, #tpu.memory_space<semaphore_mem>>
      %dma_start3A_74 = arith.constant 0 : i32
      %dma_start3A_75 = tpu.memref_slice %arg3[%add3A_11, %dma_start3A_74] : memref<2560x128xi32, #tpu.memory_space<hbm>> -> memref<40x128xi32, #tpu.memory_space<hbm>>
      %dma_start3A_76 = arith.constant 0 : i32
      %dma_start3A_77 = tpu.memref_slice %arg3[%add3A_11, %dma_start3A_76] : memref<2560x128xi32, #tpu.memory_space<hbm>> -> memref<40x128xi32, #tpu.memory_space<hbm>>
      tpu.enqueue_dma source(%dma_start3A_77 : memref<40x128xi32, #tpu.memory_space<hbm>>) target(%arg7 : memref<40x128xi32, #tpu.memory_space<vmem>>) target_semaphore(%run_scoped3A : memref<!tpu.dma_semaphore, #tpu.memory_space<semaphore_mem>>)
      %dma_wait3A_78 = arith.constant 0 : i32
      %dma_wait3A_79 = tpu.memref_slice %arg3[%add3A_11, %dma_wait3A_78] : memref<2560x128xi32, #tpu.memory_space<hbm>> -> memref<40x128xi32, #tpu.memory_space<hbm>>
      %dma_wait3A_80 = arith.constant 0 : i32
      %dma_wait3A_81 = tpu.memref_slice %arg3[%add3A_11, %dma_wait3A_80] : memref<2560x128xi32, #tpu.memory_space<hbm>> -> memref<40x128xi32, #tpu.memory_space<hbm>>
      tpu.wait_dma2 semaphore(%run_scoped3A : memref<!tpu.dma_semaphore, #tpu.memory_space<semaphore_mem>>) src(%dma_wait3A_81 : memref<40x128xi32, #tpu.memory_space<hbm>>) dst(%arg7 : memref<40x128xi32, #tpu.memory_space<vmem>>)
      tpu.yield
    }) : () -> ()
    "tpu.region"() ({
      %run_scoped3A = tpu.sem_alloc : memref<!tpu.dma_semaphore, #tpu.memory_space<semaphore_mem>>
      %dma_start3A_74 = arith.constant 0 : i32
      %dma_start3A_75 = tpu.memref_slice %arg4[%add3A_8, %dma_start3A_74] : memref<1280x128xi32, #tpu.memory_space<hbm>> -> memref<40x128xi32, #tpu.memory_space<hbm>>
      %dma_start3A_76 = arith.constant 0 : i32
      %dma_start3A_77 = tpu.memref_slice %arg4[%add3A_8, %dma_start3A_76] : memref<1280x128xi32, #tpu.memory_space<hbm>> -> memref<40x128xi32, #tpu.memory_space<hbm>>
      tpu.enqueue_dma source(%dma_start3A_77 : memref<40x128xi32, #tpu.memory_space<hbm>>) target(%arg8 : memref<40x128xi32, #tpu.memory_space<vmem>>) target_semaphore(%run_scoped3A : memref<!tpu.dma_semaphore, #tpu.memory_space<semaphore_mem>>)
      %dma_wait3A_78 = arith.constant 0 : i32
      %dma_wait3A_79 = tpu.memref_slice %arg4[%add3A_8, %dma_wait3A_78] : memref<1280x128xi32, #tpu.memory_space<hbm>> -> memref<40x128xi32, #tpu.memory_space<hbm>>
      %dma_wait3A_80 = arith.constant 0 : i32
      %dma_wait3A_81 = tpu.memref_slice %arg4[%add3A_8, %dma_wait3A_80] : memref<1280x128xi32, #tpu.memory_space<hbm>> -> memref<40x128xi32, #tpu.memory_space<hbm>>
      tpu.wait_dma2 semaphore(%run_scoped3A : memref<!tpu.dma_semaphore, #tpu.memory_space<semaphore_mem>>) src(%dma_wait3A_81 : memref<40x128xi32, #tpu.memory_space<hbm>>) dst(%arg8 : memref<40x128xi32, #tpu.memory_space<vmem>>)
      tpu.yield
    }) : () -> ()
    %dma_start3A = arith.constant 0 : i32
    %dma_start3A_12 = arith.constant 0 : i32
    %dma_start3A_13 = tpu.memref_slice %arg7[%dma_start3A, %dma_start3A_12] : memref<40x128xi32, #tpu.memory_space<vmem>> -> memref<1x128xi32, #tpu.memory_space<vmem>>
    %dma_start3A_14 = tpu.memref_squeeze %dma_start3A_13 : memref<1x128xi32, #tpu.memory_space<vmem>> -> memref<128xi32, #tpu.memory_space<vmem>>
    %dma_start3A_15 = arith.constant 0 : i32
    %dma_start3A_16 = arith.constant 0 : i32
    %dma_start3A_17 = tpu.memref_slice %arg2[%dma_start3A_15, %dma_start3A_16] : memref<20224x128xf32, #tpu.memory_space<hbm>> -> memref<20224x128xf32, #tpu.memory_space<hbm>>
    tpu.enqueue_indirect_dma source(%dma_start3A_17 : memref<20224x128xf32, #tpu.memory_space<hbm>>) target(%arg9 : memref<128x128xf32, #tpu.memory_space<vmem>>) offsets(%dma_start3A_14 : memref<128xi32, #tpu.memory_space<vmem>>) semaphore(%arg11 : memref<!tpu.dma_semaphore, #tpu.memory_space<semaphore_mem>>)
    %while3A = arith.constant 0 : i32
    %while3A_18 = arith.constant 0 : i32
    %while3A_19 = arith.constant 20 : i32
    %while3A_20 = arith.subi %while3A_19, %while3A_18 : i32
    %while3A_21 = arith.addi %while3A_18, %while3A_20 : i32
    %while3A_22 = arith.constant 1 : i32
    %while3A_23 = arith.divsi %while3A_20, %while3A_22 : i32
    %while3A_24 = arith.muli %while3A_23, %while3A_22 : i32
    %while3A_25 = arith.addi %while3A_18, %while3A_24 : i32
    %while3A_26 = arith.constant 1 : i32
    scf.for %while3A_74 = %while3A_18 to %while3A_25 step %while3A_26  : i32 {
      %mul3A_75 = arith.constant 2 : i32
      %mul3A_76 = arith.muli %while3A_74, %mul3A_75 : i32
      %add3A_77 = arith.constant 1 : i32
      %add3A_78 = arith.addi %mul3A_76, %add3A_77 : i32
      %add3A_79 = arith.constant 2 : i32
      %add3A_80 = arith.addi %mul3A_76, %add3A_79 : i32
      %min3A = arith.constant 39 : i32
      %min3A_81 = arith.minsi %add3A_80, %min3A : i32
      %dma_wait3A_82 = arith.constant 0 : i32
      %dma_wait3A_83 = tpu.memref_slice %arg7[%mul3A_76, %dma_wait3A_82] : memref<40x128xi32, #tpu.memory_space<vmem>> -> memref<1x128xi32, #tpu.memory_space<vmem>>
      %dma_wait3A_84 = tpu.memref_squeeze %dma_wait3A_83 : memref<1x128xi32, #tpu.memory_space<vmem>> -> memref<128xi32, #tpu.memory_space<vmem>>
      %dma_wait3A_85 = arith.constant 0 : i32
      %dma_wait3A_86 = arith.constant 0 : i32
      %dma_wait3A_87 = tpu.memref_slice %arg2[%dma_wait3A_85, %dma_wait3A_86] : memref<20224x128xf32, #tpu.memory_space<hbm>> -> memref<20224x128xf32, #tpu.memory_space<hbm>>
      tpu.wait_indirect_dma semaphore(%arg11 : memref<!tpu.dma_semaphore, #tpu.memory_space<semaphore_mem>>) src(%dma_wait3A_87 : memref<20224x128xf32, #tpu.memory_space<hbm>>) dst(%arg9 : memref<128x128xf32, #tpu.memory_space<vmem>>)
      %dma_start3A_88 = arith.constant 0 : i32
      %dma_start3A_89 = tpu.memref_slice %arg7[%add3A_78, %dma_start3A_88] : memref<40x128xi32, #tpu.memory_space<vmem>> -> memref<1x128xi32, #tpu.memory_space<vmem>>
      %dma_start3A_90 = tpu.memref_squeeze %dma_start3A_89 : memref<1x128xi32, #tpu.memory_space<vmem>> -> memref<128xi32, #tpu.memory_space<vmem>>
      %dma_start3A_91 = arith.constant 0 : i32
      %dma_start3A_92 = arith.constant 0 : i32
      %dma_start3A_93 = tpu.memref_slice %arg2[%dma_start3A_91, %dma_start3A_92] : memref<20224x128xf32, #tpu.memory_space<hbm>> -> memref<20224x128xf32, #tpu.memory_space<hbm>>
      tpu.enqueue_indirect_dma source(%dma_start3A_93 : memref<20224x128xf32, #tpu.memory_space<hbm>>) target(%arg10 : memref<128x128xf32, #tpu.memory_space<vmem>>) offsets(%dma_start3A_90 : memref<128xi32, #tpu.memory_space<vmem>>) semaphore(%arg12 : memref<!tpu.dma_semaphore, #tpu.memory_space<semaphore_mem>>)
      "tpu.region"() ({
        %run_scoped3A = tpu.sem_alloc : memref<!tpu.dma_semaphore, #tpu.memory_space<semaphore_mem>>
        %dma_start3A_106 = arith.constant 0 : i32
        %dma_start3A_107 = tpu.memref_slice %arg8[%mul3A_76, %dma_start3A_106] : memref<40x128xi32, #tpu.memory_space<vmem>> -> memref<1x128xi32, #tpu.memory_space<vmem>>
        %dma_start3A_108 = tpu.memref_squeeze %dma_start3A_107 : memref<1x128xi32, #tpu.memory_space<vmem>> -> memref<128xi32, #tpu.memory_space<vmem>>
        %dma_start3A_109 = arith.constant 0 : i32
        %dma_start3A_110 = arith.constant 0 : i32
        %dma_start3A_111 = tpu.memref_slice %arg6[%dma_start3A_109, %dma_start3A_110] : memref<10112x128xf32, #tpu.memory_space<vmem_shared>> -> memref<10112x128xf32, #tpu.memory_space<vmem_shared>>
        tpu.enqueue_indirect_dma source(%arg9 : memref<128x128xf32, #tpu.memory_space<vmem>>) target(%dma_start3A_111 : memref<10112x128xf32, #tpu.memory_space<vmem_shared>>) offsets(%dma_start3A_108 : memref<128xi32, #tpu.memory_space<vmem>>) semaphore(%run_scoped3A : memref<!tpu.dma_semaphore, #tpu.memory_space<semaphore_mem>>) {add = true}
        %dma_wait3A_112 = arith.constant 0 : i32
        %dma_wait3A_113 = tpu.memref_slice %arg8[%mul3A_76, %dma_wait3A_112] : memref<40x128xi32, #tpu.memory_space<vmem>> -> memref<1x128xi32, #tpu.memory_space<vmem>>
        %dma_wait3A_114 = tpu.memref_squeeze %dma_wait3A_113 : memref<1x128xi32, #tpu.memory_space<vmem>> -> memref<128xi32, #tpu.memory_space<vmem>>
        %dma_wait3A_115 = arith.constant 0 : i32
        %dma_wait3A_116 = arith.constant 0 : i32
        %dma_wait3A_117 = tpu.memref_slice %arg6[%dma_wait3A_115, %dma_wait3A_116] : memref<10112x128xf32, #tpu.memory_space<vmem_shared>> -> memref<10112x128xf32, #tpu.memory_space<vmem_shared>>
        tpu.wait_indirect_dma semaphore(%run_scoped3A : memref<!tpu.dma_semaphore, #tpu.memory_space<semaphore_mem>>) src(%arg9 : memref<128x128xf32, #tpu.memory_space<vmem>>) dst(%dma_wait3A_117 : memref<10112x128xf32, #tpu.memory_space<vmem_shared>>)
        tpu.yield
      }) : () -> ()
      %dma_wait3A_94 = arith.constant 0 : i32
      %dma_wait3A_95 = tpu.memref_slice %arg7[%add3A_78, %dma_wait3A_94] : memref<40x128xi32, #tpu.memory_space<vmem>> -> memref<1x128xi32, #tpu.memory_space<vmem>>
      %dma_wait3A_96 = tpu.memref_squeeze %dma_wait3A_95 : memref<1x128xi32, #tpu.memory_space<vmem>> -> memref<128xi32, #tpu.memory_space<vmem>>
      %dma_wait3A_97 = arith.constant 0 : i32
      %dma_wait3A_98 = arith.constant 0 : i32
      %dma_wait3A_99 = tpu.memref_slice %arg2[%dma_wait3A_97, %dma_wait3A_98] : memref<20224x128xf32, #tpu.memory_space<hbm>> -> memref<20224x128xf32, #tpu.memory_space<hbm>>
      tpu.wait_indirect_dma semaphore(%arg12 : memref<!tpu.dma_semaphore, #tpu.memory_space<semaphore_mem>>) src(%dma_wait3A_99 : memref<20224x128xf32, #tpu.memory_space<hbm>>) dst(%arg10 : memref<128x128xf32, #tpu.memory_space<vmem>>)
      %dma_start3A_100 = arith.constant 0 : i32
      %dma_start3A_101 = tpu.memref_slice %arg7[%min3A_81, %dma_start3A_100] : memref<40x128xi32, #tpu.memory_space<vmem>> -> memref<1x128xi32, #tpu.memory_space<vmem>>
      %dma_start3A_102 = tpu.memref_squeeze %dma_start3A_101 : memref<1x128xi32, #tpu.memory_space<vmem>> -> memref<128xi32, #tpu.memory_space<vmem>>
      %dma_start3A_103 = arith.constant 0 : i32
      %dma_start3A_104 = arith.constant 0 : i32
      %dma_start3A_105 = tpu.memref_slice %arg2[%dma_start3A_103, %dma_start3A_104] : memref<20224x128xf32, #tpu.memory_space<hbm>> -> memref<20224x128xf32, #tpu.memory_space<hbm>>
      tpu.enqueue_indirect_dma source(%dma_start3A_105 : memref<20224x128xf32, #tpu.memory_space<hbm>>) target(%arg9 : memref<128x128xf32, #tpu.memory_space<vmem>>) offsets(%dma_start3A_102 : memref<128xi32, #tpu.memory_space<vmem>>) semaphore(%arg11 : memref<!tpu.dma_semaphore, #tpu.memory_space<semaphore_mem>>)
      "tpu.region"() ({
        %run_scoped3A = tpu.sem_alloc : memref<!tpu.dma_semaphore, #tpu.memory_space<semaphore_mem>>
        %dma_start3A_106 = arith.constant 0 : i32
        %dma_start3A_107 = tpu.memref_slice %arg8[%add3A_78, %dma_start3A_106] : memref<40x128xi32, #tpu.memory_space<vmem>> -> memref<1x128xi32, #tpu.memory_space<vmem>>
        %dma_start3A_108 = tpu.memref_squeeze %dma_start3A_107 : memref<1x128xi32, #tpu.memory_space<vmem>> -> memref<128xi32, #tpu.memory_space<vmem>>
        %dma_start3A_109 = arith.constant 0 : i32
        %dma_start3A_110 = arith.constant 0 : i32
        %dma_start3A_111 = tpu.memref_slice %arg6[%dma_start3A_109, %dma_start3A_110] : memref<10112x128xf32, #tpu.memory_space<vmem_shared>> -> memref<10112x128xf32, #tpu.memory_space<vmem_shared>>
        tpu.enqueue_indirect_dma source(%arg10 : memref<128x128xf32, #tpu.memory_space<vmem>>) target(%dma_start3A_111 : memref<10112x128xf32, #tpu.memory_space<vmem_shared>>) offsets(%dma_start3A_108 : memref<128xi32, #tpu.memory_space<vmem>>) semaphore(%run_scoped3A : memref<!tpu.dma_semaphore, #tpu.memory_space<semaphore_mem>>) {add = true}
        %dma_wait3A_112 = arith.constant 0 : i32
        %dma_wait3A_113 = tpu.memref_slice %arg8[%add3A_78, %dma_wait3A_112] : memref<40x128xi32, #tpu.memory_space<vmem>> -> memref<1x128xi32, #tpu.memory_space<vmem>>
        %dma_wait3A_114 = tpu.memref_squeeze %dma_wait3A_113 : memref<1x128xi32, #tpu.memory_space<vmem>> -> memref<128xi32, #tpu.memory_space<vmem>>
        %dma_wait3A_115 = arith.constant 0 : i32
        %dma_wait3A_116 = arith.constant 0 : i32
        %dma_wait3A_117 = tpu.memref_slice %arg6[%dma_wait3A_115, %dma_wait3A_116] : memref<10112x128xf32, #tpu.memory_space<vmem_shared>> -> memref<10112x128xf32, #tpu.memory_space<vmem_shared>>
        tpu.wait_indirect_dma semaphore(%run_scoped3A : memref<!tpu.dma_semaphore, #tpu.memory_space<semaphore_mem>>) src(%arg10 : memref<128x128xf32, #tpu.memory_space<vmem>>) dst(%dma_wait3A_117 : memref<10112x128xf32, #tpu.memory_space<vmem_shared>>)
        tpu.yield
      }) : () -> ()
    }
    %while3A_27 = arith.constant 1 : i32
    scf.for %while3A_74 = %while3A_25 to %while3A_21 step %while3A_27  : i32 {
      %mul3A_75 = arith.constant 2 : i32
      %mul3A_76 = arith.muli %while3A_74, %mul3A_75 : i32
      %add3A_77 = arith.constant 1 : i32
      %add3A_78 = arith.addi %mul3A_76, %add3A_77 : i32
      %add3A_79 = arith.constant 2 : i32
      %add3A_80 = arith.addi %mul3A_76, %add3A_79 : i32
      %min3A = arith.constant 39 : i32
      %min3A_81 = arith.minsi %add3A_80, %min3A : i32
      %dma_wait3A_82 = arith.constant 0 : i32
      %dma_wait3A_83 = tpu.memref_slice %arg7[%mul3A_76, %dma_wait3A_82] : memref<40x128xi32, #tpu.memory_space<vmem>> -> memref<1x128xi32, #tpu.memory_space<vmem>>
      %dma_wait3A_84 = tpu.memref_squeeze %dma_wait3A_83 : memref<1x128xi32, #tpu.memory_space<vmem>> -> memref<128xi32, #tpu.memory_space<vmem>>
      %dma_wait3A_85 = arith.constant 0 : i32
      %dma_wait3A_86 = arith.constant 0 : i32
      %dma_wait3A_87 = tpu.memref_slice %arg2[%dma_wait3A_85, %dma_wait3A_86] : memref<20224x128xf32, #tpu.memory_space<hbm>> -> memref<20224x128xf32, #tpu.memory_space<hbm>>
      tpu.wait_indirect_dma semaphore(%arg11 : memref<!tpu.dma_semaphore, #tpu.memory_space<semaphore_mem>>) src(%dma_wait3A_87 : memref<20224x128xf32, #tpu.memory_space<hbm>>) dst(%arg9 : memref<128x128xf32, #tpu.memory_space<vmem>>)
      %dma_start3A_88 = arith.constant 0 : i32
      %dma_start3A_89 = tpu.memref_slice %arg7[%add3A_78, %dma_start3A_88] : memref<40x128xi32, #tpu.memory_space<vmem>> -> memref<1x128xi32, #tpu.memory_space<vmem>>
      %dma_start3A_90 = tpu.memref_squeeze %dma_start3A_89 : memref<1x128xi32, #tpu.memory_space<vmem>> -> memref<128xi32, #tpu.memory_space<vmem>>
      %dma_start3A_91 = arith.constant 0 : i32
      %dma_start3A_92 = arith.constant 0 : i32
      %dma_start3A_93 = tpu.memref_slice %arg2[%dma_start3A_91, %dma_start3A_92] : memref<20224x128xf32, #tpu.memory_space<hbm>> -> memref<20224x128xf32, #tpu.memory_space<hbm>>
      tpu.enqueue_indirect_dma source(%dma_start3A_93 : memref<20224x128xf32, #tpu.memory_space<hbm>>) target(%arg10 : memref<128x128xf32, #tpu.memory_space<vmem>>) offsets(%dma_start3A_90 : memref<128xi32, #tpu.memory_space<vmem>>) semaphore(%arg12 : memref<!tpu.dma_semaphore, #tpu.memory_space<semaphore_mem>>)
      "tpu.region"() ({
        %run_scoped3A = tpu.sem_alloc : memref<!tpu.dma_semaphore, #tpu.memory_space<semaphore_mem>>
        %dma_start3A_106 = arith.constant 0 : i32
        %dma_start3A_107 = tpu.memref_slice %arg8[%mul3A_76, %dma_start3A_106] : memref<40x128xi32, #tpu.memory_space<vmem>> -> memref<1x128xi32, #tpu.memory_space<vmem>>
        %dma_start3A_108 = tpu.memref_squeeze %dma_start3A_107 : memref<1x128xi32, #tpu.memory_space<vmem>> -> memref<128xi32, #tpu.memory_space<vmem>>
        %dma_start3A_109 = arith.constant 0 : i32
        %dma_start3A_110 = arith.constant 0 : i32
        %dma_start3A_111 = tpu.memref_slice %arg6[%dma_start3A_109, %dma_start3A_110] : memref<10112x128xf32, #tpu.memory_space<vmem_shared>> -> memref<10112x128xf32, #tpu.memory_space<vmem_shared>>
        tpu.enqueue_indirect_dma source(%arg9 : memref<128x128xf32, #tpu.memory_space<vmem>>) target(%dma_start3A_111 : memref<10112x128xf32, #tpu.memory_space<vmem_shared>>) offsets(%dma_start3A_108 : memref<128xi32, #tpu.memory_space<vmem>>) semaphore(%run_scoped3A : memref<!tpu.dma_semaphore, #tpu.memory_space<semaphore_mem>>) {add = true}
        %dma_wait3A_112 = arith.constant 0 : i32
        %dma_wait3A_113 = tpu.memref_slice %arg8[%mul3A_76, %dma_wait3A_112] : memref<40x128xi32, #tpu.memory_space<vmem>> -> memref<1x128xi32, #tpu.memory_space<vmem>>
        %dma_wait3A_114 = tpu.memref_squeeze %dma_wait3A_113 : memref<1x128xi32, #tpu.memory_space<vmem>> -> memref<128xi32, #tpu.memory_space<vmem>>
        %dma_wait3A_115 = arith.constant 0 : i32
        %dma_wait3A_116 = arith.constant 0 : i32
        %dma_wait3A_117 = tpu.memref_slice %arg6[%dma_wait3A_115, %dma_wait3A_116] : memref<10112x128xf32, #tpu.memory_space<vmem_shared>> -> memref<10112x128xf32, #tpu.memory_space<vmem_shared>>
        tpu.wait_indirect_dma semaphore(%run_scoped3A : memref<!tpu.dma_semaphore, #tpu.memory_space<semaphore_mem>>) src(%arg9 : memref<128x128xf32, #tpu.memory_space<vmem>>) dst(%dma_wait3A_117 : memref<10112x128xf32, #tpu.memory_space<vmem_shared>>)
        tpu.yield
      }) : () -> ()
      %dma_wait3A_94 = arith.constant 0 : i32
      %dma_wait3A_95 = tpu.memref_slice %arg7[%add3A_78, %dma_wait3A_94] : memref<40x128xi32, #tpu.memory_space<vmem>> -> memref<1x128xi32, #tpu.memory_space<vmem>>
      %dma_wait3A_96 = tpu.memref_squeeze %dma_wait3A_95 : memref<1x128xi32, #tpu.memory_space<vmem>> -> memref<128xi32, #tpu.memory_space<vmem>>
      %dma_wait3A_97 = arith.constant 0 : i32
      %dma_wait3A_98 = arith.constant 0 : i32
      %dma_wait3A_99 = tpu.memref_slice %arg2[%dma_wait3A_97, %dma_wait3A_98] : memref<20224x128xf32, #tpu.memory_space<hbm>> -> memref<20224x128xf32, #tpu.memory_space<hbm>>
      tpu.wait_indirect_dma semaphore(%arg12 : memref<!tpu.dma_semaphore, #tpu.memory_space<semaphore_mem>>) src(%dma_wait3A_99 : memref<20224x128xf32, #tpu.memory_space<hbm>>) dst(%arg10 : memref<128x128xf32, #tpu.memory_space<vmem>>)
      %dma_start3A_100 = arith.constant 0 : i32
      %dma_start3A_101 = tpu.memref_slice %arg7[%min3A_81, %dma_start3A_100] : memref<40x128xi32, #tpu.memory_space<vmem>> -> memref<1x128xi32, #tpu.memory_space<vmem>>
      %dma_start3A_102 = tpu.memref_squeeze %dma_start3A_101 : memref<1x128xi32, #tpu.memory_space<vmem>> -> memref<128xi32, #tpu.memory_space<vmem>>
      %dma_start3A_103 = arith.constant 0 : i32
      %dma_start3A_104 = arith.constant 0 : i32
      %dma_start3A_105 = tpu.memref_slice %arg2[%dma_start3A_103, %dma_start3A_104] : memref<20224x128xf32, #tpu.memory_space<hbm>> -> memref<20224x128xf32, #tpu.memory_space<hbm>>
      tpu.enqueue_indirect_dma source(%dma_start3A_105 : memref<20224x128xf32, #tpu.memory_space<hbm>>) target(%arg9 : memref<128x128xf32, #tpu.memory_space<vmem>>) offsets(%dma_start3A_102 : memref<128xi32, #tpu.memory_space<vmem>>) semaphore(%arg11 : memref<!tpu.dma_semaphore, #tpu.memory_space<semaphore_mem>>)
      "tpu.region"() ({
        %run_scoped3A = tpu.sem_alloc : memref<!tpu.dma_semaphore, #tpu.memory_space<semaphore_mem>>
        %dma_start3A_106 = arith.constant 0 : i32
        %dma_start3A_107 = tpu.memref_slice %arg8[%add3A_78, %dma_start3A_106] : memref<40x128xi32, #tpu.memory_space<vmem>> -> memref<1x128xi32, #tpu.memory_space<vmem>>
        %dma_start3A_108 = tpu.memref_squeeze %dma_start3A_107 : memref<1x128xi32, #tpu.memory_space<vmem>> -> memref<128xi32, #tpu.memory_space<vmem>>
        %dma_start3A_109 = arith.constant 0 : i32
        %dma_start3A_110 = arith.constant 0 : i32
        %dma_start3A_111 = tpu.memref_slice %arg6[%dma_start3A_109, %dma_start3A_110] : memref<10112x128xf32, #tpu.memory_space<vmem_shared>> -> memref<10112x128xf32, #tpu.memory_space<vmem_shared>>
        tpu.enqueue_indirect_dma source(%arg10 : memref<128x128xf32, #tpu.memory_space<vmem>>) target(%dma_start3A_111 : memref<10112x128xf32, #tpu.memory_space<vmem_shared>>) offsets(%dma_start3A_108 : memref<128xi32, #tpu.memory_space<vmem>>) semaphore(%run_scoped3A : memref<!tpu.dma_semaphore, #tpu.memory_space<semaphore_mem>>) {add = true}
        %dma_wait3A_112 = arith.constant 0 : i32
        %dma_wait3A_113 = tpu.memref_slice %arg8[%add3A_78, %dma_wait3A_112] : memref<40x128xi32, #tpu.memory_space<vmem>> -> memref<1x128xi32, #tpu.memory_space<vmem>>
        %dma_wait3A_114 = tpu.memref_squeeze %dma_wait3A_113 : memref<1x128xi32, #tpu.memory_space<vmem>> -> memref<128xi32, #tpu.memory_space<vmem>>
        %dma_wait3A_115 = arith.constant 0 : i32
        %dma_wait3A_116 = arith.constant 0 : i32
        %dma_wait3A_117 = tpu.memref_slice %arg6[%dma_wait3A_115, %dma_wait3A_116] : memref<10112x128xf32, #tpu.memory_space<vmem_shared>> -> memref<10112x128xf32, #tpu.memory_space<vmem_shared>>
        tpu.wait_indirect_dma semaphore(%run_scoped3A : memref<!tpu.dma_semaphore, #tpu.memory_space<semaphore_mem>>) src(%arg10 : memref<128x128xf32, #tpu.memory_space<vmem>>) dst(%dma_wait3A_117 : memref<10112x128xf32, #tpu.memory_space<vmem_shared>>)
        tpu.yield
      }) : () -> ()
    }
    %dma_wait3A = arith.constant 39 : i32
    %dma_wait3A_28 = arith.constant 0 : i32
    %dma_wait3A_29 = tpu.memref_slice %arg7[%dma_wait3A, %dma_wait3A_28] : memref<40x128xi32, #tpu.memory_space<vmem>> -> memref<1x128xi32, #tpu.memory_space<vmem>>
    %dma_wait3A_30 = tpu.memref_squeeze %dma_wait3A_29 : memref<1x128xi32, #tpu.memory_space<vmem>> -> memref<128xi32, #tpu.memory_space<vmem>>
    %dma_wait3A_31 = arith.constant 0 : i32
    %dma_wait3A_32 = arith.constant 0 : i32
    %dma_wait3A_33 = tpu.memref_slice %arg2[%dma_wait3A_31, %dma_wait3A_32] : memref<20224x128xf32, #tpu.memory_space<hbm>> -> memref<20224x128xf32, #tpu.memory_space<hbm>>
    tpu.wait_indirect_dma semaphore(%arg11 : memref<!tpu.dma_semaphore, #tpu.memory_space<semaphore_mem>>) src(%dma_wait3A_33 : memref<20224x128xf32, #tpu.memory_space<hbm>>) dst(%arg9 : memref<128x128xf32, #tpu.memory_space<vmem>>)
    %mul3A_34 = arith.constant 80 : i32
    %mul3A_35 = arith.muli %arg1, %mul3A_34 : i32
    %add3A_36 = arith.constant 40 : i32
    %add3A_37 = arith.addi %mul3A_35, %add3A_36 : i32
    %mul3A_38 = arith.constant 1280 : i32
    %mul3A_39 = arith.muli %arg0, %mul3A_38 : i32
    %add3A_40 = arith.addi %mul3A_39, %add3A_37 : i32
    "tpu.region"() ({
      %run_scoped3A = tpu.sem_alloc : memref<!tpu.dma_semaphore, #tpu.memory_space<semaphore_mem>>
      %dma_start3A_74 = arith.constant 0 : i32
      %dma_start3A_75 = tpu.memref_slice %arg3[%add3A_40, %dma_start3A_74] : memref<2560x128xi32, #tpu.memory_space<hbm>> -> memref<40x128xi32, #tpu.memory_space<hbm>>
      %dma_start3A_76 = arith.constant 0 : i32
      %dma_start3A_77 = tpu.memref_slice %arg3[%add3A_40, %dma_start3A_76] : memref<2560x128xi32, #tpu.memory_space<hbm>> -> memref<40x128xi32, #tpu.memory_space<hbm>>
      tpu.enqueue_dma source(%dma_start3A_77 : memref<40x128xi32, #tpu.memory_space<hbm>>) target(%arg7 : memref<40x128xi32, #tpu.memory_space<vmem>>) target_semaphore(%run_scoped3A : memref<!tpu.dma_semaphore, #tpu.memory_space<semaphore_mem>>)
      %dma_wait3A_78 = arith.constant 0 : i32
      %dma_wait3A_79 = tpu.memref_slice %arg3[%add3A_40, %dma_wait3A_78] : memref<2560x128xi32, #tpu.memory_space<hbm>> -> memref<40x128xi32, #tpu.memory_space<hbm>>
      %dma_wait3A_80 = arith.constant 0 : i32
      %dma_wait3A_81 = tpu.memref_slice %arg3[%add3A_40, %dma_wait3A_80] : memref<2560x128xi32, #tpu.memory_space<hbm>> -> memref<40x128xi32, #tpu.memory_space<hbm>>
      tpu.wait_dma2 semaphore(%run_scoped3A : memref<!tpu.dma_semaphore, #tpu.memory_space<semaphore_mem>>) src(%dma_wait3A_81 : memref<40x128xi32, #tpu.memory_space<hbm>>) dst(%arg7 : memref<40x128xi32, #tpu.memory_space<vmem>>)
      tpu.yield
    }) : () -> ()
    "tpu.region"() ({
      %run_scoped3A = tpu.sem_alloc : memref<!tpu.dma_semaphore, #tpu.memory_space<semaphore_mem>>
      %dma_start3A_74 = arith.constant 0 : i32
      %dma_start3A_75 = tpu.memref_slice %arg4[%add3A_37, %dma_start3A_74] : memref<1280x128xi32, #tpu.memory_space<hbm>> -> memref<40x128xi32, #tpu.memory_space<hbm>>
      %dma_start3A_76 = arith.constant 0 : i32
      %dma_start3A_77 = tpu.memref_slice %arg4[%add3A_37, %dma_start3A_76] : memref<1280x128xi32, #tpu.memory_space<hbm>> -> memref<40x128xi32, #tpu.memory_space<hbm>>
      tpu.enqueue_dma source(%dma_start3A_77 : memref<40x128xi32, #tpu.memory_space<hbm>>) target(%arg8 : memref<40x128xi32, #tpu.memory_space<vmem>>) target_semaphore(%run_scoped3A : memref<!tpu.dma_semaphore, #tpu.memory_space<semaphore_mem>>)
      %dma_wait3A_78 = arith.constant 0 : i32
      %dma_wait3A_79 = tpu.memref_slice %arg4[%add3A_37, %dma_wait3A_78] : memref<1280x128xi32, #tpu.memory_space<hbm>> -> memref<40x128xi32, #tpu.memory_space<hbm>>
      %dma_wait3A_80 = arith.constant 0 : i32
      %dma_wait3A_81 = tpu.memref_slice %arg4[%add3A_37, %dma_wait3A_80] : memref<1280x128xi32, #tpu.memory_space<hbm>> -> memref<40x128xi32, #tpu.memory_space<hbm>>
      tpu.wait_dma2 semaphore(%run_scoped3A : memref<!tpu.dma_semaphore, #tpu.memory_space<semaphore_mem>>) src(%dma_wait3A_81 : memref<40x128xi32, #tpu.memory_space<hbm>>) dst(%arg8 : memref<40x128xi32, #tpu.memory_space<vmem>>)
      tpu.yield
    }) : () -> ()
    %dma_start3A_41 = arith.constant 0 : i32
    %dma_start3A_42 = arith.constant 0 : i32
    %dma_start3A_43 = tpu.memref_slice %arg7[%dma_start3A_41, %dma_start3A_42] : memref<40x128xi32, #tpu.memory_space<vmem>> -> memref<1x128xi32, #tpu.memory_space<vmem>>
    %dma_start3A_44 = tpu.memref_squeeze %dma_start3A_43 : memref<1x128xi32, #tpu.memory_space<vmem>> -> memref<128xi32, #tpu.memory_space<vmem>>
    %dma_start3A_45 = arith.constant 0 : i32
    %dma_start3A_46 = arith.constant 0 : i32
    %dma_start3A_47 = tpu.memref_slice %arg2[%dma_start3A_45, %dma_start3A_46] : memref<20224x128xf32, #tpu.memory_space<hbm>> -> memref<20224x128xf32, #tpu.memory_space<hbm>>
    tpu.enqueue_indirect_dma source(%dma_start3A_47 : memref<20224x128xf32, #tpu.memory_space<hbm>>) target(%arg9 : memref<128x128xf32, #tpu.memory_space<vmem>>) offsets(%dma_start3A_44 : memref<128xi32, #tpu.memory_space<vmem>>) semaphore(%arg11 : memref<!tpu.dma_semaphore, #tpu.memory_space<semaphore_mem>>)
    %while3A_48 = arith.constant 0 : i32
    %while3A_49 = arith.constant 0 : i32
    %while3A_50 = arith.constant 20 : i32
    %while3A_51 = arith.subi %while3A_50, %while3A_49 : i32
    %while3A_52 = arith.addi %while3A_49, %while3A_51 : i32
    %while3A_53 = arith.constant 1 : i32
    %while3A_54 = arith.divsi %while3A_51, %while3A_53 : i32
    %while3A_55 = arith.muli %while3A_54, %while3A_53 : i32
    %while3A_56 = arith.addi %while3A_49, %while3A_55 : i32
    %while3A_57 = arith.constant 1 : i32
    scf.for %while3A_74 = %while3A_49 to %while3A_56 step %while3A_57  : i32 {
      %mul3A_75 = arith.constant 2 : i32
      %mul3A_76 = arith.muli %while3A_74, %mul3A_75 : i32
      %add3A_77 = arith.constant 1 : i32
      %add3A_78 = arith.addi %mul3A_76, %add3A_77 : i32
      %add3A_79 = arith.constant 2 : i32
      %add3A_80 = arith.addi %mul3A_76, %add3A_79 : i32
      %min3A = arith.constant 39 : i32
      %min3A_81 = arith.minsi %add3A_80, %min3A : i32
      %dma_wait3A_82 = arith.constant 0 : i32
      %dma_wait3A_83 = tpu.memref_slice %arg7[%mul3A_76, %dma_wait3A_82] : memref<40x128xi32, #tpu.memory_space<vmem>> -> memref<1x128xi32, #tpu.memory_space<vmem>>
      %dma_wait3A_84 = tpu.memref_squeeze %dma_wait3A_83 : memref<1x128xi32, #tpu.memory_space<vmem>> -> memref<128xi32, #tpu.memory_space<vmem>>
      %dma_wait3A_85 = arith.constant 0 : i32
      %dma_wait3A_86 = arith.constant 0 : i32
      %dma_wait3A_87 = tpu.memref_slice %arg2[%dma_wait3A_85, %dma_wait3A_86] : memref<20224x128xf32, #tpu.memory_space<hbm>> -> memref<20224x128xf32, #tpu.memory_space<hbm>>
      tpu.wait_indirect_dma semaphore(%arg11 : memref<!tpu.dma_semaphore, #tpu.memory_space<semaphore_mem>>) src(%dma_wait3A_87 : memref<20224x128xf32, #tpu.memory_space<hbm>>) dst(%arg9 : memref<128x128xf32, #tpu.memory_space<vmem>>)
      %dma_start3A_88 = arith.constant 0 : i32
      %dma_start3A_89 = tpu.memref_slice %arg7[%add3A_78, %dma_start3A_88] : memref<40x128xi32, #tpu.memory_space<vmem>> -> memref<1x128xi32, #tpu.memory_space<vmem>>
      %dma_start3A_90 = tpu.memref_squeeze %dma_start3A_89 : memref<1x128xi32, #tpu.memory_space<vmem>> -> memref<128xi32, #tpu.memory_space<vmem>>
      %dma_start3A_91 = arith.constant 0 : i32
      %dma_start3A_92 = arith.constant 0 : i32
      %dma_start3A_93 = tpu.memref_slice %arg2[%dma_start3A_91, %dma_start3A_92] : memref<20224x128xf32, #tpu.memory_space<hbm>> -> memref<20224x128xf32, #tpu.memory_space<hbm>>
      tpu.enqueue_indirect_dma source(%dma_start3A_93 : memref<20224x128xf32, #tpu.memory_space<hbm>>) target(%arg10 : memref<128x128xf32, #tpu.memory_space<vmem>>) offsets(%dma_start3A_90 : memref<128xi32, #tpu.memory_space<vmem>>) semaphore(%arg12 : memref<!tpu.dma_semaphore, #tpu.memory_space<semaphore_mem>>)
      "tpu.region"() ({
        %run_scoped3A = tpu.sem_alloc : memref<!tpu.dma_semaphore, #tpu.memory_space<semaphore_mem>>
        %dma_start3A_106 = arith.constant 0 : i32
        %dma_start3A_107 = tpu.memref_slice %arg8[%mul3A_76, %dma_start3A_106] : memref<40x128xi32, #tpu.memory_space<vmem>> -> memref<1x128xi32, #tpu.memory_space<vmem>>
        %dma_start3A_108 = tpu.memref_squeeze %dma_start3A_107 : memref<1x128xi32, #tpu.memory_space<vmem>> -> memref<128xi32, #tpu.memory_space<vmem>>
        %dma_start3A_109 = arith.constant 0 : i32
        %dma_start3A_110 = arith.constant 0 : i32
        %dma_start3A_111 = tpu.memref_slice %arg6[%dma_start3A_109, %dma_start3A_110] : memref<10112x128xf32, #tpu.memory_space<vmem_shared>> -> memref<10112x128xf32, #tpu.memory_space<vmem_shared>>
        tpu.enqueue_indirect_dma source(%arg9 : memref<128x128xf32, #tpu.memory_space<vmem>>) target(%dma_start3A_111 : memref<10112x128xf32, #tpu.memory_space<vmem_shared>>) offsets(%dma_start3A_108 : memref<128xi32, #tpu.memory_space<vmem>>) semaphore(%run_scoped3A : memref<!tpu.dma_semaphore, #tpu.memory_space<semaphore_mem>>) {add = true}
        %dma_wait3A_112 = arith.constant 0 : i32
        %dma_wait3A_113 = tpu.memref_slice %arg8[%mul3A_76, %dma_wait3A_112] : memref<40x128xi32, #tpu.memory_space<vmem>> -> memref<1x128xi32, #tpu.memory_space<vmem>>
        %dma_wait3A_114 = tpu.memref_squeeze %dma_wait3A_113 : memref<1x128xi32, #tpu.memory_space<vmem>> -> memref<128xi32, #tpu.memory_space<vmem>>
        %dma_wait3A_115 = arith.constant 0 : i32
        %dma_wait3A_116 = arith.constant 0 : i32
        %dma_wait3A_117 = tpu.memref_slice %arg6[%dma_wait3A_115, %dma_wait3A_116] : memref<10112x128xf32, #tpu.memory_space<vmem_shared>> -> memref<10112x128xf32, #tpu.memory_space<vmem_shared>>
        tpu.wait_indirect_dma semaphore(%run_scoped3A : memref<!tpu.dma_semaphore, #tpu.memory_space<semaphore_mem>>) src(%arg9 : memref<128x128xf32, #tpu.memory_space<vmem>>) dst(%dma_wait3A_117 : memref<10112x128xf32, #tpu.memory_space<vmem_shared>>)
        tpu.yield
      }) : () -> ()
      %dma_wait3A_94 = arith.constant 0 : i32
      %dma_wait3A_95 = tpu.memref_slice %arg7[%add3A_78, %dma_wait3A_94] : memref<40x128xi32, #tpu.memory_space<vmem>> -> memref<1x128xi32, #tpu.memory_space<vmem>>
      %dma_wait3A_96 = tpu.memref_squeeze %dma_wait3A_95 : memref<1x128xi32, #tpu.memory_space<vmem>> -> memref<128xi32, #tpu.memory_space<vmem>>
      %dma_wait3A_97 = arith.constant 0 : i32
      %dma_wait3A_98 = arith.constant 0 : i32
      %dma_wait3A_99 = tpu.memref_slice %arg2[%dma_wait3A_97, %dma_wait3A_98] : memref<20224x128xf32, #tpu.memory_space<hbm>> -> memref<20224x128xf32, #tpu.memory_space<hbm>>
      tpu.wait_indirect_dma semaphore(%arg12 : memref<!tpu.dma_semaphore, #tpu.memory_space<semaphore_mem>>) src(%dma_wait3A_99 : memref<20224x128xf32, #tpu.memory_space<hbm>>) dst(%arg10 : memref<128x128xf32, #tpu.memory_space<vmem>>)
      %dma_start3A_100 = arith.constant 0 : i32
      %dma_start3A_101 = tpu.memref_slice %arg7[%min3A_81, %dma_start3A_100] : memref<40x128xi32, #tpu.memory_space<vmem>> -> memref<1x128xi32, #tpu.memory_space<vmem>>
      %dma_start3A_102 = tpu.memref_squeeze %dma_start3A_101 : memref<1x128xi32, #tpu.memory_space<vmem>> -> memref<128xi32, #tpu.memory_space<vmem>>
      %dma_start3A_103 = arith.constant 0 : i32
      %dma_start3A_104 = arith.constant 0 : i32
      %dma_start3A_105 = tpu.memref_slice %arg2[%dma_start3A_103, %dma_start3A_104] : memref<20224x128xf32, #tpu.memory_space<hbm>> -> memref<20224x128xf32, #tpu.memory_space<hbm>>
      tpu.enqueue_indirect_dma source(%dma_start3A_105 : memref<20224x128xf32, #tpu.memory_space<hbm>>) target(%arg9 : memref<128x128xf32, #tpu.memory_space<vmem>>) offsets(%dma_start3A_102 : memref<128xi32, #tpu.memory_space<vmem>>) semaphore(%arg11 : memref<!tpu.dma_semaphore, #tpu.memory_space<semaphore_mem>>)
      "tpu.region"() ({
        %run_scoped3A = tpu.sem_alloc : memref<!tpu.dma_semaphore, #tpu.memory_space<semaphore_mem>>
        %dma_start3A_106 = arith.constant 0 : i32
        %dma_start3A_107 = tpu.memref_slice %arg8[%add3A_78, %dma_start3A_106] : memref<40x128xi32, #tpu.memory_space<vmem>> -> memref<1x128xi32, #tpu.memory_space<vmem>>
        %dma_start3A_108 = tpu.memref_squeeze %dma_start3A_107 : memref<1x128xi32, #tpu.memory_space<vmem>> -> memref<128xi32, #tpu.memory_space<vmem>>
        %dma_start3A_109 = arith.constant 0 : i32
        %dma_start3A_110 = arith.constant 0 : i32
        %dma_start3A_111 = tpu.memref_slice %arg6[%dma_start3A_109, %dma_start3A_110] : memref<10112x128xf32, #tpu.memory_space<vmem_shared>> -> memref<10112x128xf32, #tpu.memory_space<vmem_shared>>
        tpu.enqueue_indirect_dma source(%arg10 : memref<128x128xf32, #tpu.memory_space<vmem>>) target(%dma_start3A_111 : memref<10112x128xf32, #tpu.memory_space<vmem_shared>>) offsets(%dma_start3A_108 : memref<128xi32, #tpu.memory_space<vmem>>) semaphore(%run_scoped3A : memref<!tpu.dma_semaphore, #tpu.memory_space<semaphore_mem>>) {add = true}
        %dma_wait3A_112 = arith.constant 0 : i32
        %dma_wait3A_113 = tpu.memref_slice %arg8[%add3A_78, %dma_wait3A_112] : memref<40x128xi32, #tpu.memory_space<vmem>> -> memref<1x128xi32, #tpu.memory_space<vmem>>
        %dma_wait3A_114 = tpu.memref_squeeze %dma_wait3A_113 : memref<1x128xi32, #tpu.memory_space<vmem>> -> memref<128xi32, #tpu.memory_space<vmem>>
        %dma_wait3A_115 = arith.constant 0 : i32
        %dma_wait3A_116 = arith.constant 0 : i32
        %dma_wait3A_117 = tpu.memref_slice %arg6[%dma_wait3A_115, %dma_wait3A_116] : memref<10112x128xf32, #tpu.memory_space<vmem_shared>> -> memref<10112x128xf32, #tpu.memory_space<vmem_shared>>
        tpu.wait_indirect_dma semaphore(%run_scoped3A : memref<!tpu.dma_semaphore, #tpu.memory_space<semaphore_mem>>) src(%arg10 : memref<128x128xf32, #tpu.memory_space<vmem>>) dst(%dma_wait3A_117 : memref<10112x128xf32, #tpu.memory_space<vmem_shared>>)
        tpu.yield
      }) : () -> ()
    }
    %while3A_58 = arith.constant 1 : i32
    scf.for %while3A_74 = %while3A_56 to %while3A_52 step %while3A_58  : i32 {
      %mul3A_75 = arith.constant 2 : i32
      %mul3A_76 = arith.muli %while3A_74, %mul3A_75 : i32
      %add3A_77 = arith.constant 1 : i32
      %add3A_78 = arith.addi %mul3A_76, %add3A_77 : i32
      %add3A_79 = arith.constant 2 : i32
      %add3A_80 = arith.addi %mul3A_76, %add3A_79 : i32
      %min3A = arith.constant 39 : i32
      %min3A_81 = arith.minsi %add3A_80, %min3A : i32
      %dma_wait3A_82 = arith.constant 0 : i32
      %dma_wait3A_83 = tpu.memref_slice %arg7[%mul3A_76, %dma_wait3A_82] : memref<40x128xi32, #tpu.memory_space<vmem>> -> memref<1x128xi32, #tpu.memory_space<vmem>>
      %dma_wait3A_84 = tpu.memref_squeeze %dma_wait3A_83 : memref<1x128xi32, #tpu.memory_space<vmem>> -> memref<128xi32, #tpu.memory_space<vmem>>
      %dma_wait3A_85 = arith.constant 0 : i32
      %dma_wait3A_86 = arith.constant 0 : i32
      %dma_wait3A_87 = tpu.memref_slice %arg2[%dma_wait3A_85, %dma_wait3A_86] : memref<20224x128xf32, #tpu.memory_space<hbm>> -> memref<20224x128xf32, #tpu.memory_space<hbm>>
      tpu.wait_indirect_dma semaphore(%arg11 : memref<!tpu.dma_semaphore, #tpu.memory_space<semaphore_mem>>) src(%dma_wait3A_87 : memref<20224x128xf32, #tpu.memory_space<hbm>>) dst(%arg9 : memref<128x128xf32, #tpu.memory_space<vmem>>)
      %dma_start3A_88 = arith.constant 0 : i32
      %dma_start3A_89 = tpu.memref_slice %arg7[%add3A_78, %dma_start3A_88] : memref<40x128xi32, #tpu.memory_space<vmem>> -> memref<1x128xi32, #tpu.memory_space<vmem>>
      %dma_start3A_90 = tpu.memref_squeeze %dma_start3A_89 : memref<1x128xi32, #tpu.memory_space<vmem>> -> memref<128xi32, #tpu.memory_space<vmem>>
      %dma_start3A_91 = arith.constant 0 : i32
      %dma_start3A_92 = arith.constant 0 : i32
      %dma_start3A_93 = tpu.memref_slice %arg2[%dma_start3A_91, %dma_start3A_92] : memref<20224x128xf32, #tpu.memory_space<hbm>> -> memref<20224x128xf32, #tpu.memory_space<hbm>>
      tpu.enqueue_indirect_dma source(%dma_start3A_93 : memref<20224x128xf32, #tpu.memory_space<hbm>>) target(%arg10 : memref<128x128xf32, #tpu.memory_space<vmem>>) offsets(%dma_start3A_90 : memref<128xi32, #tpu.memory_space<vmem>>) semaphore(%arg12 : memref<!tpu.dma_semaphore, #tpu.memory_space<semaphore_mem>>)
      "tpu.region"() ({
        %run_scoped3A = tpu.sem_alloc : memref<!tpu.dma_semaphore, #tpu.memory_space<semaphore_mem>>
        %dma_start3A_106 = arith.constant 0 : i32
        %dma_start3A_107 = tpu.memref_slice %arg8[%mul3A_76, %dma_start3A_106] : memref<40x128xi32, #tpu.memory_space<vmem>> -> memref<1x128xi32, #tpu.memory_space<vmem>>
        %dma_start3A_108 = tpu.memref_squeeze %dma_start3A_107 : memref<1x128xi32, #tpu.memory_space<vmem>> -> memref<128xi32, #tpu.memory_space<vmem>>
        %dma_start3A_109 = arith.constant 0 : i32
        %dma_start3A_110 = arith.constant 0 : i32
        %dma_start3A_111 = tpu.memref_slice %arg6[%dma_start3A_109, %dma_start3A_110] : memref<10112x128xf32, #tpu.memory_space<vmem_shared>> -> memref<10112x128xf32, #tpu.memory_space<vmem_shared>>
        tpu.enqueue_indirect_dma source(%arg9 : memref<128x128xf32, #tpu.memory_space<vmem>>) target(%dma_start3A_111 : memref<10112x128xf32, #tpu.memory_space<vmem_shared>>) offsets(%dma_start3A_108 : memref<128xi32, #tpu.memory_space<vmem>>) semaphore(%run_scoped3A : memref<!tpu.dma_semaphore, #tpu.memory_space<semaphore_mem>>) {add = true}
        %dma_wait3A_112 = arith.constant 0 : i32
        %dma_wait3A_113 = tpu.memref_slice %arg8[%mul3A_76, %dma_wait3A_112] : memref<40x128xi32, #tpu.memory_space<vmem>> -> memref<1x128xi32, #tpu.memory_space<vmem>>
        %dma_wait3A_114 = tpu.memref_squeeze %dma_wait3A_113 : memref<1x128xi32, #tpu.memory_space<vmem>> -> memref<128xi32, #tpu.memory_space<vmem>>
        %dma_wait3A_115 = arith.constant 0 : i32
        %dma_wait3A_116 = arith.constant 0 : i32
        %dma_wait3A_117 = tpu.memref_slice %arg6[%dma_wait3A_115, %dma_wait3A_116] : memref<10112x128xf32, #tpu.memory_space<vmem_shared>> -> memref<10112x128xf32, #tpu.memory_space<vmem_shared>>
        tpu.wait_indirect_dma semaphore(%run_scoped3A : memref<!tpu.dma_semaphore, #tpu.memory_space<semaphore_mem>>) src(%arg9 : memref<128x128xf32, #tpu.memory_space<vmem>>) dst(%dma_wait3A_117 : memref<10112x128xf32, #tpu.memory_space<vmem_shared>>)
        tpu.yield
      }) : () -> ()
      %dma_wait3A_94 = arith.constant 0 : i32
      %dma_wait3A_95 = tpu.memref_slice %arg7[%add3A_78, %dma_wait3A_94] : memref<40x128xi32, #tpu.memory_space<vmem>> -> memref<1x128xi32, #tpu.memory_space<vmem>>
      %dma_wait3A_96 = tpu.memref_squeeze %dma_wait3A_95 : memref<1x128xi32, #tpu.memory_space<vmem>> -> memref<128xi32, #tpu.memory_space<vmem>>
      %dma_wait3A_97 = arith.constant 0 : i32
      %dma_wait3A_98 = arith.constant 0 : i32
      %dma_wait3A_99 = tpu.memref_slice %arg2[%dma_wait3A_97, %dma_wait3A_98] : memref<20224x128xf32, #tpu.memory_space<hbm>> -> memref<20224x128xf32, #tpu.memory_space<hbm>>
      tpu.wait_indirect_dma semaphore(%arg12 : memref<!tpu.dma_semaphore, #tpu.memory_space<semaphore_mem>>) src(%dma_wait3A_99 : memref<20224x128xf32, #tpu.memory_space<hbm>>) dst(%arg10 : memref<128x128xf32, #tpu.memory_space<vmem>>)
      %dma_start3A_100 = arith.constant 0 : i32
      %dma_start3A_101 = tpu.memref_slice %arg7[%min3A_81, %dma_start3A_100] : memref<40x128xi32, #tpu.memory_space<vmem>> -> memref<1x128xi32, #tpu.memory_space<vmem>>
      %dma_start3A_102 = tpu.memref_squeeze %dma_start3A_101 : memref<1x128xi32, #tpu.memory_space<vmem>> -> memref<128xi32, #tpu.memory_space<vmem>>
      %dma_start3A_103 = arith.constant 0 : i32
      %dma_start3A_104 = arith.constant 0 : i32
      %dma_start3A_105 = tpu.memref_slice %arg2[%dma_start3A_103, %dma_start3A_104] : memref<20224x128xf32, #tpu.memory_space<hbm>> -> memref<20224x128xf32, #tpu.memory_space<hbm>>
      tpu.enqueue_indirect_dma source(%dma_start3A_105 : memref<20224x128xf32, #tpu.memory_space<hbm>>) target(%arg9 : memref<128x128xf32, #tpu.memory_space<vmem>>) offsets(%dma_start3A_102 : memref<128xi32, #tpu.memory_space<vmem>>) semaphore(%arg11 : memref<!tpu.dma_semaphore, #tpu.memory_space<semaphore_mem>>)
      "tpu.region"() ({
        %run_scoped3A = tpu.sem_alloc : memref<!tpu.dma_semaphore, #tpu.memory_space<semaphore_mem>>
        %dma_start3A_106 = arith.constant 0 : i32
        %dma_start3A_107 = tpu.memref_slice %arg8[%add3A_78, %dma_start3A_106] : memref<40x128xi32, #tpu.memory_space<vmem>> -> memref<1x128xi32, #tpu.memory_space<vmem>>
        %dma_start3A_108 = tpu.memref_squeeze %dma_start3A_107 : memref<1x128xi32, #tpu.memory_space<vmem>> -> memref<128xi32, #tpu.memory_space<vmem>>
        %dma_start3A_109 = arith.constant 0 : i32
        %dma_start3A_110 = arith.constant 0 : i32
        %dma_start3A_111 = tpu.memref_slice %arg6[%dma_start3A_109, %dma_start3A_110] : memref<10112x128xf32, #tpu.memory_space<vmem_shared>> -> memref<10112x128xf32, #tpu.memory_space<vmem_shared>>
        tpu.enqueue_indirect_dma source(%arg10 : memref<128x128xf32, #tpu.memory_space<vmem>>) target(%dma_start3A_111 : memref<10112x128xf32, #tpu.memory_space<vmem_shared>>) offsets(%dma_start3A_108 : memref<128xi32, #tpu.memory_space<vmem>>) semaphore(%run_scoped3A : memref<!tpu.dma_semaphore, #tpu.memory_space<semaphore_mem>>) {add = true}
        %dma_wait3A_112 = arith.constant 0 : i32
        %dma_wait3A_113 = tpu.memref_slice %arg8[%add3A_78, %dma_wait3A_112] : memref<40x128xi32, #tpu.memory_space<vmem>> -> memref<1x128xi32, #tpu.memory_space<vmem>>
        %dma_wait3A_114 = tpu.memref_squeeze %dma_wait3A_113 : memref<1x128xi32, #tpu.memory_space<vmem>> -> memref<128xi32, #tpu.memory_space<vmem>>
        %dma_wait3A_115 = arith.constant 0 : i32
        %dma_wait3A_116 = arith.constant 0 : i32
        %dma_wait3A_117 = tpu.memref_slice %arg6[%dma_wait3A_115, %dma_wait3A_116] : memref<10112x128xf32, #tpu.memory_space<vmem_shared>> -> memref<10112x128xf32, #tpu.memory_space<vmem_shared>>
        tpu.wait_indirect_dma semaphore(%run_scoped3A : memref<!tpu.dma_semaphore, #tpu.memory_space<semaphore_mem>>) src(%arg10 : memref<128x128xf32, #tpu.memory_space<vmem>>) dst(%dma_wait3A_117 : memref<10112x128xf32, #tpu.memory_space<vmem_shared>>)
        tpu.yield
      }) : () -> ()
    }
    %dma_wait3A_59 = arith.constant 39 : i32
    %dma_wait3A_60 = arith.constant 0 : i32
    %dma_wait3A_61 = tpu.memref_slice %arg7[%dma_wait3A_59, %dma_wait3A_60] : memref<40x128xi32, #tpu.memory_space<vmem>> -> memref<1x128xi32, #tpu.memory_space<vmem>>
    %dma_wait3A_62 = tpu.memref_squeeze %dma_wait3A_61 : memref<1x128xi32, #tpu.memory_space<vmem>> -> memref<128xi32, #tpu.memory_space<vmem>>
    %dma_wait3A_63 = arith.constant 0 : i32
    %dma_wait3A_64 = arith.constant 0 : i32
    %dma_wait3A_65 = tpu.memref_slice %arg2[%dma_wait3A_63, %dma_wait3A_64] : memref<20224x128xf32, #tpu.memory_space<hbm>> -> memref<20224x128xf32, #tpu.memory_space<hbm>>
    tpu.wait_indirect_dma semaphore(%arg11 : memref<!tpu.dma_semaphore, #tpu.memory_space<semaphore_mem>>) src(%dma_wait3A_65 : memref<20224x128xf32, #tpu.memory_space<hbm>>) dst(%arg9 : memref<128x128xf32, #tpu.memory_space<vmem>>)
    %barrier3A_66 = arith.constant 0 : index
    tpu.barrier barrier_id(%barrier3A_66)
    %mul3A_67 = arith.constant 632 : i32
    %mul3A_68 = arith.muli %arg1, %mul3A_67 : i32
    %mul3A_69 = arith.constant 10112 : i32
    %mul3A_70 = arith.muli %arg0, %mul3A_69 : i32
    %mul3A_71 = arith.constant 632 : i32
    %mul3A_72 = arith.muli %arg1, %mul3A_71 : i32
    %add3A_73 = arith.addi %mul3A_70, %mul3A_72 : i32
    "tpu.region"() ({
      %run_scoped3A = tpu.sem_alloc : memref<!tpu.dma_semaphore, #tpu.memory_space<semaphore_mem>>
      %dma_start3A_74 = arith.constant 0 : i32
      %dma_start3A_75 = tpu.memref_slice %arg5[%add3A_73, %dma_start3A_74] : memref<20224x128xf32, #tpu.memory_space<hbm>> -> memref<632x128xf32, #tpu.memory_space<hbm>>
      %dma_start3A_76 = arith.constant 0 : i32
      %dma_start3A_77 = tpu.memref_slice %arg6[%mul3A_68, %dma_start3A_76] : memref<10112x128xf32, #tpu.memory_space<vmem_shared>> -> memref<632x128xf32, #tpu.memory_space<vmem_shared>>
      tpu.enqueue_dma source(%dma_start3A_77 : memref<632x128xf32, #tpu.memory_space<vmem_shared>>) target(%dma_start3A_75 : memref<632x128xf32, #tpu.memory_space<hbm>>) target_semaphore(%run_scoped3A : memref<!tpu.dma_semaphore, #tpu.memory_space<semaphore_mem>>)
      %dma_wait3A_78 = arith.constant 0 : i32
      %dma_wait3A_79 = tpu.memref_slice %arg5[%add3A_73, %dma_wait3A_78] : memref<20224x128xf32, #tpu.memory_space<hbm>> -> memref<632x128xf32, #tpu.memory_space<hbm>>
      %dma_wait3A_80 = arith.constant 0 : i32
      %dma_wait3A_81 = tpu.memref_slice %arg6[%mul3A_68, %dma_wait3A_80] : memref<10112x128xf32, #tpu.memory_space<vmem_shared>> -> memref<632x128xf32, #tpu.memory_space<vmem_shared>>
      tpu.wait_dma2 semaphore(%run_scoped3A : memref<!tpu.dma_semaphore, #tpu.memory_space<semaphore_mem>>) src(%dma_wait3A_81 : memref<632x128xf32, #tpu.memory_space<vmem_shared>>) dst(%dma_wait3A_79 : memref<632x128xf32, #tpu.memory_space<hbm>>)
      tpu.yield
    }) : () -> ()
    return
  }
}

#map = affine_map<(d0, d1) -> (0, 0)>
module attributes {stable_mosaic.version = 14 : i64} {
  func.func @_agg_body(%arg0: i32, %arg1: i32, %arg2: memref<20224x128xf32, #tpu.memory_space<hbm>>, %arg3: memref<2560x128xi32, #tpu.memory_space<hbm>>, %arg4: memref<1280x128xi32, #tpu.memory_space<hbm>>, %arg5: memref<20224x128xf32, #tpu.memory_space<hbm>>, %arg6: memref<10112x128xf32, #tpu.memory_space<vmem_shared>>, %arg7: memref<40x128xi32, #tpu.memory_space<vmem>>, %arg8: memref<40x128xi32, #tpu.memory_space<vmem>>, %arg9: memref<128x128xf32, #tpu.memory_space<vmem>>, %arg10: memref<128x128xf32, #tpu.memory_space<vmem>>, %arg11: memref<!tpu.dma_semaphore, #tpu.memory_space<semaphore_mem>>, %arg12: memref<!tpu.dma_semaphore, #tpu.memory_space<semaphore_mem>>) attributes {dimension_semantics = [#tpu.dimension_semantics<core_parallel>, #tpu.dimension_semantics<subcore_parallel>], iteration_bounds = array<i64: 2, 16>, scalar_prefetch = 0 : i64, scratch_operands = 7 : i64, tpu.core_type = #tpu.core_type<sc_vector_subcore>, window_params = [{transform_indices = #map}, {transform_indices = #map}, {transform_indices = #map}, {transform_indices = #map}]} {
    %mul3A = arith.constant 10112 : i32
    %mul3A_0 = arith.muli %arg0, %mul3A : i32
    %mul3A_1 = arith.constant 632 : i32
    %mul3A_2 = arith.muli %arg1, %mul3A_1 : i32
    %add3A = arith.addi %mul3A_0, %mul3A_2 : i32
    %mul3A_3 = arith.constant 632 : i32
    %mul3A_4 = arith.muli %arg1, %mul3A_3 : i32
    "tpu.region"() ({
      %run_scoped3A = tpu.sem_alloc : memref<!tpu.dma_semaphore, #tpu.memory_space<semaphore_mem>>
      %dma_start3A_74 = arith.constant 0 : i32
      %dma_start3A_75 = tpu.memref_slice %arg6[%mul3A_4, %dma_start3A_74] : memref<10112x128xf32, #tpu.memory_space<vmem_shared>> -> memref<632x128xf32, #tpu.memory_space<vmem_shared>>
      %dma_start3A_76 = arith.constant 0 : i32
      %dma_start3A_77 = tpu.memref_slice %arg2[%add3A, %dma_start3A_76] : memref<20224x128xf32, #tpu.memory_space<hbm>> -> memref<632x128xf32, #tpu.memory_space<hbm>>
      tpu.enqueue_dma source(%dma_start3A_77 : memref<632x128xf32, #tpu.memory_space<hbm>>) target(%dma_start3A_75 : memref<632x128xf32, #tpu.memory_space<vmem_shared>>) target_semaphore(%run_scoped3A : memref<!tpu.dma_semaphore, #tpu.memory_space<semaphore_mem>>)
      %dma_wait3A_78 = arith.constant 0 : i32
      %dma_wait3A_79 = tpu.memref_slice %arg6[%mul3A_4, %dma_wait3A_78] : memref<10112x128xf32, #tpu.memory_space<vmem_shared>> -> memref<632x128xf32, #tpu.memory_space<vmem_shared>>
      %dma_wait3A_80 = arith.constant 0 : i32
      %dma_wait3A_81 = tpu.memref_slice %arg2[%add3A, %dma_wait3A_80] : memref<20224x128xf32, #tpu.memory_space<hbm>> -> memref<632x128xf32, #tpu.memory_space<hbm>>
      tpu.wait_dma2 semaphore(%run_scoped3A : memref<!tpu.dma_semaphore, #tpu.memory_space<semaphore_mem>>) src(%dma_wait3A_81 : memref<632x128xf32, #tpu.memory_space<hbm>>) dst(%dma_wait3A_79 : memref<632x128xf32, #tpu.memory_space<vmem_shared>>)
      tpu.yield
    }) : () -> ()
    %barrier3A = arith.constant 0 : index
    tpu.barrier barrier_id(%barrier3A)
    %mul3A_5 = arith.constant 80 : i32
    %mul3A_6 = arith.muli %arg1, %mul3A_5 : i32
    %add3A_7 = arith.constant 0 : i32
    %add3A_8 = arith.addi %mul3A_6, %add3A_7 : i32
    %mul3A_9 = arith.constant 1280 : i32
    %mul3A_10 = arith.muli %arg0, %mul3A_9 : i32
    %add3A_11 = arith.addi %mul3A_10, %add3A_8 : i32
    "tpu.region"() ({
      %run_scoped3A = tpu.sem_alloc : memref<!tpu.dma_semaphore, #tpu.memory_space<semaphore_mem>>
      %dma_start3A_74 = arith.constant 0 : i32
      %dma_start3A_75 = tpu.memref_slice %arg3[%add3A_11, %dma_start3A_74] : memref<2560x128xi32, #tpu.memory_space<hbm>> -> memref<40x128xi32, #tpu.memory_space<hbm>>
      %dma_start3A_76 = arith.constant 0 : i32
      %dma_start3A_77 = tpu.memref_slice %arg3[%add3A_11, %dma_start3A_76] : memref<2560x128xi32, #tpu.memory_space<hbm>> -> memref<40x128xi32, #tpu.memory_space<hbm>>
      tpu.enqueue_dma source(%dma_start3A_77 : memref<40x128xi32, #tpu.memory_space<hbm>>) target(%arg7 : memref<40x128xi32, #tpu.memory_space<vmem>>) target_semaphore(%run_scoped3A : memref<!tpu.dma_semaphore, #tpu.memory_space<semaphore_mem>>)
      %dma_wait3A_78 = arith.constant 0 : i32
      %dma_wait3A_79 = tpu.memref_slice %arg3[%add3A_11, %dma_wait3A_78] : memref<2560x128xi32, #tpu.memory_space<hbm>> -> memref<40x128xi32, #tpu.memory_space<hbm>>
      %dma_wait3A_80 = arith.constant 0 : i32
      %dma_wait3A_81 = tpu.memref_slice %arg3[%add3A_11, %dma_wait3A_80] : memref<2560x128xi32, #tpu.memory_space<hbm>> -> memref<40x128xi32, #tpu.memory_space<hbm>>
      tpu.wait_dma2 semaphore(%run_scoped3A : memref<!tpu.dma_semaphore, #tpu.memory_space<semaphore_mem>>) src(%dma_wait3A_81 : memref<40x128xi32, #tpu.memory_space<hbm>>) dst(%arg7 : memref<40x128xi32, #tpu.memory_space<vmem>>)
      tpu.yield
    }) : () -> ()
    "tpu.region"() ({
      %run_scoped3A = tpu.sem_alloc : memref<!tpu.dma_semaphore, #tpu.memory_space<semaphore_mem>>
      %dma_start3A_74 = arith.constant 0 : i32
      %dma_start3A_75 = tpu.memref_slice %arg4[%add3A_8, %dma_start3A_74] : memref<1280x128xi32, #tpu.memory_space<hbm>> -> memref<40x128xi32, #tpu.memory_space<hbm>>
      %dma_start3A_76 = arith.constant 0 : i32
      %dma_start3A_77 = tpu.memref_slice %arg4[%add3A_8, %dma_start3A_76] : memref<1280x128xi32, #tpu.memory_space<hbm>> -> memref<40x128xi32, #tpu.memory_space<hbm>>
      tpu.enqueue_dma source(%dma_start3A_77 : memref<40x128xi32, #tpu.memory_space<hbm>>) target(%arg8 : memref<40x128xi32, #tpu.memory_space<vmem>>) target_semaphore(%run_scoped3A : memref<!tpu.dma_semaphore, #tpu.memory_space<semaphore_mem>>)
      %dma_wait3A_78 = arith.constant 0 : i32
      %dma_wait3A_79 = tpu.memref_slice %arg4[%add3A_8, %dma_wait3A_78] : memref<1280x128xi32, #tpu.memory_space<hbm>> -> memref<40x128xi32, #tpu.memory_space<hbm>>
      %dma_wait3A_80 = arith.constant 0 : i32
      %dma_wait3A_81 = tpu.memref_slice %arg4[%add3A_8, %dma_wait3A_80] : memref<1280x128xi32, #tpu.memory_space<hbm>> -> memref<40x128xi32, #tpu.memory_space<hbm>>
      tpu.wait_dma2 semaphore(%run_scoped3A : memref<!tpu.dma_semaphore, #tpu.memory_space<semaphore_mem>>) src(%dma_wait3A_81 : memref<40x128xi32, #tpu.memory_space<hbm>>) dst(%arg8 : memref<40x128xi32, #tpu.memory_space<vmem>>)
      tpu.yield
    }) : () -> ()
    %dma_start3A = arith.constant 0 : i32
    %dma_start3A_12 = arith.constant 0 : i32
    %dma_start3A_13 = tpu.memref_slice %arg7[%dma_start3A, %dma_start3A_12] : memref<40x128xi32, #tpu.memory_space<vmem>> -> memref<1x128xi32, #tpu.memory_space<vmem>>
    %dma_start3A_14 = tpu.memref_squeeze %dma_start3A_13 : memref<1x128xi32, #tpu.memory_space<vmem>> -> memref<128xi32, #tpu.memory_space<vmem>>
    %dma_start3A_15 = arith.constant 0 : i32
    %dma_start3A_16 = arith.constant 0 : i32
    %dma_start3A_17 = tpu.memref_slice %arg2[%dma_start3A_15, %dma_start3A_16] : memref<20224x128xf32, #tpu.memory_space<hbm>> -> memref<20224x128xf32, #tpu.memory_space<hbm>>
    tpu.enqueue_indirect_dma source(%dma_start3A_17 : memref<20224x128xf32, #tpu.memory_space<hbm>>) target(%arg9 : memref<128x128xf32, #tpu.memory_space<vmem>>) offsets(%dma_start3A_14 : memref<128xi32, #tpu.memory_space<vmem>>) semaphore(%arg11 : memref<!tpu.dma_semaphore, #tpu.memory_space<semaphore_mem>>)
    %while3A = arith.constant 0 : i32
    %while3A_18 = arith.constant 0 : i32
    %while3A_19 = arith.constant 20 : i32
    %while3A_20 = arith.subi %while3A_19, %while3A_18 : i32
    %while3A_21 = arith.addi %while3A_18, %while3A_20 : i32
    %while3A_22 = arith.constant 1 : i32
    %while3A_23 = arith.divsi %while3A_20, %while3A_22 : i32
    %while3A_24 = arith.muli %while3A_23, %while3A_22 : i32
    %while3A_25 = arith.addi %while3A_18, %while3A_24 : i32
    %while3A_26 = arith.constant 1 : i32
    scf.for %while3A_74 = %while3A_18 to %while3A_25 step %while3A_26  : i32 {
      %mul3A_75 = arith.constant 2 : i32
      %mul3A_76 = arith.muli %while3A_74, %mul3A_75 : i32
      %add3A_77 = arith.constant 1 : i32
      %add3A_78 = arith.addi %mul3A_76, %add3A_77 : i32
      %add3A_79 = arith.constant 2 : i32
      %add3A_80 = arith.addi %mul3A_76, %add3A_79 : i32
      %min3A = arith.constant 39 : i32
      %min3A_81 = arith.minsi %add3A_80, %min3A : i32
      %dma_wait3A_82 = arith.constant 0 : i32
      %dma_wait3A_83 = tpu.memref_slice %arg7[%mul3A_76, %dma_wait3A_82] : memref<40x128xi32, #tpu.memory_space<vmem>> -> memref<1x128xi32, #tpu.memory_space<vmem>>
      %dma_wait3A_84 = tpu.memref_squeeze %dma_wait3A_83 : memref<1x128xi32, #tpu.memory_space<vmem>> -> memref<128xi32, #tpu.memory_space<vmem>>
      %dma_wait3A_85 = arith.constant 0 : i32
      %dma_wait3A_86 = arith.constant 0 : i32
      %dma_wait3A_87 = tpu.memref_slice %arg2[%dma_wait3A_85, %dma_wait3A_86] : memref<20224x128xf32, #tpu.memory_space<hbm>> -> memref<20224x128xf32, #tpu.memory_space<hbm>>
      tpu.wait_indirect_dma semaphore(%arg11 : memref<!tpu.dma_semaphore, #tpu.memory_space<semaphore_mem>>) src(%dma_wait3A_87 : memref<20224x128xf32, #tpu.memory_space<hbm>>) dst(%arg9 : memref<128x128xf32, #tpu.memory_space<vmem>>)
      %dma_start3A_88 = arith.constant 0 : i32
      %dma_start3A_89 = tpu.memref_slice %arg7[%add3A_78, %dma_start3A_88] : memref<40x128xi32, #tpu.memory_space<vmem>> -> memref<1x128xi32, #tpu.memory_space<vmem>>
      %dma_start3A_90 = tpu.memref_squeeze %dma_start3A_89 : memref<1x128xi32, #tpu.memory_space<vmem>> -> memref<128xi32, #tpu.memory_space<vmem>>
      %dma_start3A_91 = arith.constant 0 : i32
      %dma_start3A_92 = arith.constant 0 : i32
      %dma_start3A_93 = tpu.memref_slice %arg2[%dma_start3A_91, %dma_start3A_92] : memref<20224x128xf32, #tpu.memory_space<hbm>> -> memref<20224x128xf32, #tpu.memory_space<hbm>>
      tpu.enqueue_indirect_dma source(%dma_start3A_93 : memref<20224x128xf32, #tpu.memory_space<hbm>>) target(%arg10 : memref<128x128xf32, #tpu.memory_space<vmem>>) offsets(%dma_start3A_90 : memref<128xi32, #tpu.memory_space<vmem>>) semaphore(%arg12 : memref<!tpu.dma_semaphore, #tpu.memory_space<semaphore_mem>>)
      "tpu.region"() ({
        %run_scoped3A = tpu.sem_alloc : memref<!tpu.dma_semaphore, #tpu.memory_space<semaphore_mem>>
        %dma_start3A_106 = arith.constant 0 : i32
        %dma_start3A_107 = tpu.memref_slice %arg8[%mul3A_76, %dma_start3A_106] : memref<40x128xi32, #tpu.memory_space<vmem>> -> memref<1x128xi32, #tpu.memory_space<vmem>>
        %dma_start3A_108 = tpu.memref_squeeze %dma_start3A_107 : memref<1x128xi32, #tpu.memory_space<vmem>> -> memref<128xi32, #tpu.memory_space<vmem>>
        %dma_start3A_109 = arith.constant 0 : i32
        %dma_start3A_110 = arith.constant 0 : i32
        %dma_start3A_111 = tpu.memref_slice %arg6[%dma_start3A_109, %dma_start3A_110] : memref<10112x128xf32, #tpu.memory_space<vmem_shared>> -> memref<10112x128xf32, #tpu.memory_space<vmem_shared>>
        tpu.enqueue_indirect_dma source(%arg9 : memref<128x128xf32, #tpu.memory_space<vmem>>) target(%dma_start3A_111 : memref<10112x128xf32, #tpu.memory_space<vmem_shared>>) offsets(%dma_start3A_108 : memref<128xi32, #tpu.memory_space<vmem>>) semaphore(%run_scoped3A : memref<!tpu.dma_semaphore, #tpu.memory_space<semaphore_mem>>) {add = true}
        %dma_wait3A_112 = arith.constant 0 : i32
        %dma_wait3A_113 = tpu.memref_slice %arg8[%mul3A_76, %dma_wait3A_112] : memref<40x128xi32, #tpu.memory_space<vmem>> -> memref<1x128xi32, #tpu.memory_space<vmem>>
        %dma_wait3A_114 = tpu.memref_squeeze %dma_wait3A_113 : memref<1x128xi32, #tpu.memory_space<vmem>> -> memref<128xi32, #tpu.memory_space<vmem>>
        %dma_wait3A_115 = arith.constant 0 : i32
        %dma_wait3A_116 = arith.constant 0 : i32
        %dma_wait3A_117 = tpu.memref_slice %arg6[%dma_wait3A_115, %dma_wait3A_116] : memref<10112x128xf32, #tpu.memory_space<vmem_shared>> -> memref<10112x128xf32, #tpu.memory_space<vmem_shared>>
        tpu.wait_indirect_dma semaphore(%run_scoped3A : memref<!tpu.dma_semaphore, #tpu.memory_space<semaphore_mem>>) src(%arg9 : memref<128x128xf32, #tpu.memory_space<vmem>>) dst(%dma_wait3A_117 : memref<10112x128xf32, #tpu.memory_space<vmem_shared>>)
        tpu.yield
      }) : () -> ()
      %dma_wait3A_94 = arith.constant 0 : i32
      %dma_wait3A_95 = tpu.memref_slice %arg7[%add3A_78, %dma_wait3A_94] : memref<40x128xi32, #tpu.memory_space<vmem>> -> memref<1x128xi32, #tpu.memory_space<vmem>>
      %dma_wait3A_96 = tpu.memref_squeeze %dma_wait3A_95 : memref<1x128xi32, #tpu.memory_space<vmem>> -> memref<128xi32, #tpu.memory_space<vmem>>
      %dma_wait3A_97 = arith.constant 0 : i32
      %dma_wait3A_98 = arith.constant 0 : i32
      %dma_wait3A_99 = tpu.memref_slice %arg2[%dma_wait3A_97, %dma_wait3A_98] : memref<20224x128xf32, #tpu.memory_space<hbm>> -> memref<20224x128xf32, #tpu.memory_space<hbm>>
      tpu.wait_indirect_dma semaphore(%arg12 : memref<!tpu.dma_semaphore, #tpu.memory_space<semaphore_mem>>) src(%dma_wait3A_99 : memref<20224x128xf32, #tpu.memory_space<hbm>>) dst(%arg10 : memref<128x128xf32, #tpu.memory_space<vmem>>)
      %dma_start3A_100 = arith.constant 0 : i32
      %dma_start3A_101 = tpu.memref_slice %arg7[%min3A_81, %dma_start3A_100] : memref<40x128xi32, #tpu.memory_space<vmem>> -> memref<1x128xi32, #tpu.memory_space<vmem>>
      %dma_start3A_102 = tpu.memref_squeeze %dma_start3A_101 : memref<1x128xi32, #tpu.memory_space<vmem>> -> memref<128xi32, #tpu.memory_space<vmem>>
      %dma_start3A_103 = arith.constant 0 : i32
      %dma_start3A_104 = arith.constant 0 : i32
      %dma_start3A_105 = tpu.memref_slice %arg2[%dma_start3A_103, %dma_start3A_104] : memref<20224x128xf32, #tpu.memory_space<hbm>> -> memref<20224x128xf32, #tpu.memory_space<hbm>>
      tpu.enqueue_indirect_dma source(%dma_start3A_105 : memref<20224x128xf32, #tpu.memory_space<hbm>>) target(%arg9 : memref<128x128xf32, #tpu.memory_space<vmem>>) offsets(%dma_start3A_102 : memref<128xi32, #tpu.memory_space<vmem>>) semaphore(%arg11 : memref<!tpu.dma_semaphore, #tpu.memory_space<semaphore_mem>>)
      "tpu.region"() ({
        %run_scoped3A = tpu.sem_alloc : memref<!tpu.dma_semaphore, #tpu.memory_space<semaphore_mem>>
        %dma_start3A_106 = arith.constant 0 : i32
        %dma_start3A_107 = tpu.memref_slice %arg8[%add3A_78, %dma_start3A_106] : memref<40x128xi32, #tpu.memory_space<vmem>> -> memref<1x128xi32, #tpu.memory_space<vmem>>
        %dma_start3A_108 = tpu.memref_squeeze %dma_start3A_107 : memref<1x128xi32, #tpu.memory_space<vmem>> -> memref<128xi32, #tpu.memory_space<vmem>>
        %dma_start3A_109 = arith.constant 0 : i32
        %dma_start3A_110 = arith.constant 0 : i32
        %dma_start3A_111 = tpu.memref_slice %arg6[%dma_start3A_109, %dma_start3A_110] : memref<10112x128xf32, #tpu.memory_space<vmem_shared>> -> memref<10112x128xf32, #tpu.memory_space<vmem_shared>>
        tpu.enqueue_indirect_dma source(%arg10 : memref<128x128xf32, #tpu.memory_space<vmem>>) target(%dma_start3A_111 : memref<10112x128xf32, #tpu.memory_space<vmem_shared>>) offsets(%dma_start3A_108 : memref<128xi32, #tpu.memory_space<vmem>>) semaphore(%run_scoped3A : memref<!tpu.dma_semaphore, #tpu.memory_space<semaphore_mem>>) {add = true}
        %dma_wait3A_112 = arith.constant 0 : i32
        %dma_wait3A_113 = tpu.memref_slice %arg8[%add3A_78, %dma_wait3A_112] : memref<40x128xi32, #tpu.memory_space<vmem>> -> memref<1x128xi32, #tpu.memory_space<vmem>>
        %dma_wait3A_114 = tpu.memref_squeeze %dma_wait3A_113 : memref<1x128xi32, #tpu.memory_space<vmem>> -> memref<128xi32, #tpu.memory_space<vmem>>
        %dma_wait3A_115 = arith.constant 0 : i32
        %dma_wait3A_116 = arith.constant 0 : i32
        %dma_wait3A_117 = tpu.memref_slice %arg6[%dma_wait3A_115, %dma_wait3A_116] : memref<10112x128xf32, #tpu.memory_space<vmem_shared>> -> memref<10112x128xf32, #tpu.memory_space<vmem_shared>>
        tpu.wait_indirect_dma semaphore(%run_scoped3A : memref<!tpu.dma_semaphore, #tpu.memory_space<semaphore_mem>>) src(%arg10 : memref<128x128xf32, #tpu.memory_space<vmem>>) dst(%dma_wait3A_117 : memref<10112x128xf32, #tpu.memory_space<vmem_shared>>)
        tpu.yield
      }) : () -> ()
    }
    %while3A_27 = arith.constant 1 : i32
    scf.for %while3A_74 = %while3A_25 to %while3A_21 step %while3A_27  : i32 {
      %mul3A_75 = arith.constant 2 : i32
      %mul3A_76 = arith.muli %while3A_74, %mul3A_75 : i32
      %add3A_77 = arith.constant 1 : i32
      %add3A_78 = arith.addi %mul3A_76, %add3A_77 : i32
      %add3A_79 = arith.constant 2 : i32
      %add3A_80 = arith.addi %mul3A_76, %add3A_79 : i32
      %min3A = arith.constant 39 : i32
      %min3A_81 = arith.minsi %add3A_80, %min3A : i32
      %dma_wait3A_82 = arith.constant 0 : i32
      %dma_wait3A_83 = tpu.memref_slice %arg7[%mul3A_76, %dma_wait3A_82] : memref<40x128xi32, #tpu.memory_space<vmem>> -> memref<1x128xi32, #tpu.memory_space<vmem>>
      %dma_wait3A_84 = tpu.memref_squeeze %dma_wait3A_83 : memref<1x128xi32, #tpu.memory_space<vmem>> -> memref<128xi32, #tpu.memory_space<vmem>>
      %dma_wait3A_85 = arith.constant 0 : i32
      %dma_wait3A_86 = arith.constant 0 : i32
      %dma_wait3A_87 = tpu.memref_slice %arg2[%dma_wait3A_85, %dma_wait3A_86] : memref<20224x128xf32, #tpu.memory_space<hbm>> -> memref<20224x128xf32, #tpu.memory_space<hbm>>
      tpu.wait_indirect_dma semaphore(%arg11 : memref<!tpu.dma_semaphore, #tpu.memory_space<semaphore_mem>>) src(%dma_wait3A_87 : memref<20224x128xf32, #tpu.memory_space<hbm>>) dst(%arg9 : memref<128x128xf32, #tpu.memory_space<vmem>>)
      %dma_start3A_88 = arith.constant 0 : i32
      %dma_start3A_89 = tpu.memref_slice %arg7[%add3A_78, %dma_start3A_88] : memref<40x128xi32, #tpu.memory_space<vmem>> -> memref<1x128xi32, #tpu.memory_space<vmem>>
      %dma_start3A_90 = tpu.memref_squeeze %dma_start3A_89 : memref<1x128xi32, #tpu.memory_space<vmem>> -> memref<128xi32, #tpu.memory_space<vmem>>
      %dma_start3A_91 = arith.constant 0 : i32
      %dma_start3A_92 = arith.constant 0 : i32
      %dma_start3A_93 = tpu.memref_slice %arg2[%dma_start3A_91, %dma_start3A_92] : memref<20224x128xf32, #tpu.memory_space<hbm>> -> memref<20224x128xf32, #tpu.memory_space<hbm>>
      tpu.enqueue_indirect_dma source(%dma_start3A_93 : memref<20224x128xf32, #tpu.memory_space<hbm>>) target(%arg10 : memref<128x128xf32, #tpu.memory_space<vmem>>) offsets(%dma_start3A_90 : memref<128xi32, #tpu.memory_space<vmem>>) semaphore(%arg12 : memref<!tpu.dma_semaphore, #tpu.memory_space<semaphore_mem>>)
      "tpu.region"() ({
        %run_scoped3A = tpu.sem_alloc : memref<!tpu.dma_semaphore, #tpu.memory_space<semaphore_mem>>
        %dma_start3A_106 = arith.constant 0 : i32
        %dma_start3A_107 = tpu.memref_slice %arg8[%mul3A_76, %dma_start3A_106] : memref<40x128xi32, #tpu.memory_space<vmem>> -> memref<1x128xi32, #tpu.memory_space<vmem>>
        %dma_start3A_108 = tpu.memref_squeeze %dma_start3A_107 : memref<1x128xi32, #tpu.memory_space<vmem>> -> memref<128xi32, #tpu.memory_space<vmem>>
        %dma_start3A_109 = arith.constant 0 : i32
        %dma_start3A_110 = arith.constant 0 : i32
        %dma_start3A_111 = tpu.memref_slice %arg6[%dma_start3A_109, %dma_start3A_110] : memref<10112x128xf32, #tpu.memory_space<vmem_shared>> -> memref<10112x128xf32, #tpu.memory_space<vmem_shared>>
        tpu.enqueue_indirect_dma source(%arg9 : memref<128x128xf32, #tpu.memory_space<vmem>>) target(%dma_start3A_111 : memref<10112x128xf32, #tpu.memory_space<vmem_shared>>) offsets(%dma_start3A_108 : memref<128xi32, #tpu.memory_space<vmem>>) semaphore(%run_scoped3A : memref<!tpu.dma_semaphore, #tpu.memory_space<semaphore_mem>>) {add = true}
        %dma_wait3A_112 = arith.constant 0 : i32
        %dma_wait3A_113 = tpu.memref_slice %arg8[%mul3A_76, %dma_wait3A_112] : memref<40x128xi32, #tpu.memory_space<vmem>> -> memref<1x128xi32, #tpu.memory_space<vmem>>
        %dma_wait3A_114 = tpu.memref_squeeze %dma_wait3A_113 : memref<1x128xi32, #tpu.memory_space<vmem>> -> memref<128xi32, #tpu.memory_space<vmem>>
        %dma_wait3A_115 = arith.constant 0 : i32
        %dma_wait3A_116 = arith.constant 0 : i32
        %dma_wait3A_117 = tpu.memref_slice %arg6[%dma_wait3A_115, %dma_wait3A_116] : memref<10112x128xf32, #tpu.memory_space<vmem_shared>> -> memref<10112x128xf32, #tpu.memory_space<vmem_shared>>
        tpu.wait_indirect_dma semaphore(%run_scoped3A : memref<!tpu.dma_semaphore, #tpu.memory_space<semaphore_mem>>) src(%arg9 : memref<128x128xf32, #tpu.memory_space<vmem>>) dst(%dma_wait3A_117 : memref<10112x128xf32, #tpu.memory_space<vmem_shared>>)
        tpu.yield
      }) : () -> ()
      %dma_wait3A_94 = arith.constant 0 : i32
      %dma_wait3A_95 = tpu.memref_slice %arg7[%add3A_78, %dma_wait3A_94] : memref<40x128xi32, #tpu.memory_space<vmem>> -> memref<1x128xi32, #tpu.memory_space<vmem>>
      %dma_wait3A_96 = tpu.memref_squeeze %dma_wait3A_95 : memref<1x128xi32, #tpu.memory_space<vmem>> -> memref<128xi32, #tpu.memory_space<vmem>>
      %dma_wait3A_97 = arith.constant 0 : i32
      %dma_wait3A_98 = arith.constant 0 : i32
      %dma_wait3A_99 = tpu.memref_slice %arg2[%dma_wait3A_97, %dma_wait3A_98] : memref<20224x128xf32, #tpu.memory_space<hbm>> -> memref<20224x128xf32, #tpu.memory_space<hbm>>
      tpu.wait_indirect_dma semaphore(%arg12 : memref<!tpu.dma_semaphore, #tpu.memory_space<semaphore_mem>>) src(%dma_wait3A_99 : memref<20224x128xf32, #tpu.memory_space<hbm>>) dst(%arg10 : memref<128x128xf32, #tpu.memory_space<vmem>>)
      %dma_start3A_100 = arith.constant 0 : i32
      %dma_start3A_101 = tpu.memref_slice %arg7[%min3A_81, %dma_start3A_100] : memref<40x128xi32, #tpu.memory_space<vmem>> -> memref<1x128xi32, #tpu.memory_space<vmem>>
      %dma_start3A_102 = tpu.memref_squeeze %dma_start3A_101 : memref<1x128xi32, #tpu.memory_space<vmem>> -> memref<128xi32, #tpu.memory_space<vmem>>
      %dma_start3A_103 = arith.constant 0 : i32
      %dma_start3A_104 = arith.constant 0 : i32
      %dma_start3A_105 = tpu.memref_slice %arg2[%dma_start3A_103, %dma_start3A_104] : memref<20224x128xf32, #tpu.memory_space<hbm>> -> memref<20224x128xf32, #tpu.memory_space<hbm>>
      tpu.enqueue_indirect_dma source(%dma_start3A_105 : memref<20224x128xf32, #tpu.memory_space<hbm>>) target(%arg9 : memref<128x128xf32, #tpu.memory_space<vmem>>) offsets(%dma_start3A_102 : memref<128xi32, #tpu.memory_space<vmem>>) semaphore(%arg11 : memref<!tpu.dma_semaphore, #tpu.memory_space<semaphore_mem>>)
      "tpu.region"() ({
        %run_scoped3A = tpu.sem_alloc : memref<!tpu.dma_semaphore, #tpu.memory_space<semaphore_mem>>
        %dma_start3A_106 = arith.constant 0 : i32
        %dma_start3A_107 = tpu.memref_slice %arg8[%add3A_78, %dma_start3A_106] : memref<40x128xi32, #tpu.memory_space<vmem>> -> memref<1x128xi32, #tpu.memory_space<vmem>>
        %dma_start3A_108 = tpu.memref_squeeze %dma_start3A_107 : memref<1x128xi32, #tpu.memory_space<vmem>> -> memref<128xi32, #tpu.memory_space<vmem>>
        %dma_start3A_109 = arith.constant 0 : i32
        %dma_start3A_110 = arith.constant 0 : i32
        %dma_start3A_111 = tpu.memref_slice %arg6[%dma_start3A_109, %dma_start3A_110] : memref<10112x128xf32, #tpu.memory_space<vmem_shared>> -> memref<10112x128xf32, #tpu.memory_space<vmem_shared>>
        tpu.enqueue_indirect_dma source(%arg10 : memref<128x128xf32, #tpu.memory_space<vmem>>) target(%dma_start3A_111 : memref<10112x128xf32, #tpu.memory_space<vmem_shared>>) offsets(%dma_start3A_108 : memref<128xi32, #tpu.memory_space<vmem>>) semaphore(%run_scoped3A : memref<!tpu.dma_semaphore, #tpu.memory_space<semaphore_mem>>) {add = true}
        %dma_wait3A_112 = arith.constant 0 : i32
        %dma_wait3A_113 = tpu.memref_slice %arg8[%add3A_78, %dma_wait3A_112] : memref<40x128xi32, #tpu.memory_space<vmem>> -> memref<1x128xi32, #tpu.memory_space<vmem>>
        %dma_wait3A_114 = tpu.memref_squeeze %dma_wait3A_113 : memref<1x128xi32, #tpu.memory_space<vmem>> -> memref<128xi32, #tpu.memory_space<vmem>>
        %dma_wait3A_115 = arith.constant 0 : i32
        %dma_wait3A_116 = arith.constant 0 : i32
        %dma_wait3A_117 = tpu.memref_slice %arg6[%dma_wait3A_115, %dma_wait3A_116] : memref<10112x128xf32, #tpu.memory_space<vmem_shared>> -> memref<10112x128xf32, #tpu.memory_space<vmem_shared>>
        tpu.wait_indirect_dma semaphore(%run_scoped3A : memref<!tpu.dma_semaphore, #tpu.memory_space<semaphore_mem>>) src(%arg10 : memref<128x128xf32, #tpu.memory_space<vmem>>) dst(%dma_wait3A_117 : memref<10112x128xf32, #tpu.memory_space<vmem_shared>>)
        tpu.yield
      }) : () -> ()
    }
    %dma_wait3A = arith.constant 39 : i32
    %dma_wait3A_28 = arith.constant 0 : i32
    %dma_wait3A_29 = tpu.memref_slice %arg7[%dma_wait3A, %dma_wait3A_28] : memref<40x128xi32, #tpu.memory_space<vmem>> -> memref<1x128xi32, #tpu.memory_space<vmem>>
    %dma_wait3A_30 = tpu.memref_squeeze %dma_wait3A_29 : memref<1x128xi32, #tpu.memory_space<vmem>> -> memref<128xi32, #tpu.memory_space<vmem>>
    %dma_wait3A_31 = arith.constant 0 : i32
    %dma_wait3A_32 = arith.constant 0 : i32
    %dma_wait3A_33 = tpu.memref_slice %arg2[%dma_wait3A_31, %dma_wait3A_32] : memref<20224x128xf32, #tpu.memory_space<hbm>> -> memref<20224x128xf32, #tpu.memory_space<hbm>>
    tpu.wait_indirect_dma semaphore(%arg11 : memref<!tpu.dma_semaphore, #tpu.memory_space<semaphore_mem>>) src(%dma_wait3A_33 : memref<20224x128xf32, #tpu.memory_space<hbm>>) dst(%arg9 : memref<128x128xf32, #tpu.memory_space<vmem>>)
    %mul3A_34 = arith.constant 80 : i32
    %mul3A_35 = arith.muli %arg1, %mul3A_34 : i32
    %add3A_36 = arith.constant 40 : i32
    %add3A_37 = arith.addi %mul3A_35, %add3A_36 : i32
    %mul3A_38 = arith.constant 1280 : i32
    %mul3A_39 = arith.muli %arg0, %mul3A_38 : i32
    %add3A_40 = arith.addi %mul3A_39, %add3A_37 : i32
    "tpu.region"() ({
      %run_scoped3A = tpu.sem_alloc : memref<!tpu.dma_semaphore, #tpu.memory_space<semaphore_mem>>
      %dma_start3A_74 = arith.constant 0 : i32
      %dma_start3A_75 = tpu.memref_slice %arg3[%add3A_40, %dma_start3A_74] : memref<2560x128xi32, #tpu.memory_space<hbm>> -> memref<40x128xi32, #tpu.memory_space<hbm>>
      %dma_start3A_76 = arith.constant 0 : i32
      %dma_start3A_77 = tpu.memref_slice %arg3[%add3A_40, %dma_start3A_76] : memref<2560x128xi32, #tpu.memory_space<hbm>> -> memref<40x128xi32, #tpu.memory_space<hbm>>
      tpu.enqueue_dma source(%dma_start3A_77 : memref<40x128xi32, #tpu.memory_space<hbm>>) target(%arg7 : memref<40x128xi32, #tpu.memory_space<vmem>>) target_semaphore(%run_scoped3A : memref<!tpu.dma_semaphore, #tpu.memory_space<semaphore_mem>>)
      %dma_wait3A_78 = arith.constant 0 : i32
      %dma_wait3A_79 = tpu.memref_slice %arg3[%add3A_40, %dma_wait3A_78] : memref<2560x128xi32, #tpu.memory_space<hbm>> -> memref<40x128xi32, #tpu.memory_space<hbm>>
      %dma_wait3A_80 = arith.constant 0 : i32
      %dma_wait3A_81 = tpu.memref_slice %arg3[%add3A_40, %dma_wait3A_80] : memref<2560x128xi32, #tpu.memory_space<hbm>> -> memref<40x128xi32, #tpu.memory_space<hbm>>
      tpu.wait_dma2 semaphore(%run_scoped3A : memref<!tpu.dma_semaphore, #tpu.memory_space<semaphore_mem>>) src(%dma_wait3A_81 : memref<40x128xi32, #tpu.memory_space<hbm>>) dst(%arg7 : memref<40x128xi32, #tpu.memory_space<vmem>>)
      tpu.yield
    }) : () -> ()
    "tpu.region"() ({
      %run_scoped3A = tpu.sem_alloc : memref<!tpu.dma_semaphore, #tpu.memory_space<semaphore_mem>>
      %dma_start3A_74 = arith.constant 0 : i32
      %dma_start3A_75 = tpu.memref_slice %arg4[%add3A_37, %dma_start3A_74] : memref<1280x128xi32, #tpu.memory_space<hbm>> -> memref<40x128xi32, #tpu.memory_space<hbm>>
      %dma_start3A_76 = arith.constant 0 : i32
      %dma_start3A_77 = tpu.memref_slice %arg4[%add3A_37, %dma_start3A_76] : memref<1280x128xi32, #tpu.memory_space<hbm>> -> memref<40x128xi32, #tpu.memory_space<hbm>>
      tpu.enqueue_dma source(%dma_start3A_77 : memref<40x128xi32, #tpu.memory_space<hbm>>) target(%arg8 : memref<40x128xi32, #tpu.memory_space<vmem>>) target_semaphore(%run_scoped3A : memref<!tpu.dma_semaphore, #tpu.memory_space<semaphore_mem>>)
      %dma_wait3A_78 = arith.constant 0 : i32
      %dma_wait3A_79 = tpu.memref_slice %arg4[%add3A_37, %dma_wait3A_78] : memref<1280x128xi32, #tpu.memory_space<hbm>> -> memref<40x128xi32, #tpu.memory_space<hbm>>
      %dma_wait3A_80 = arith.constant 0 : i32
      %dma_wait3A_81 = tpu.memref_slice %arg4[%add3A_37, %dma_wait3A_80] : memref<1280x128xi32, #tpu.memory_space<hbm>> -> memref<40x128xi32, #tpu.memory_space<hbm>>
      tpu.wait_dma2 semaphore(%run_scoped3A : memref<!tpu.dma_semaphore, #tpu.memory_space<semaphore_mem>>) src(%dma_wait3A_81 : memref<40x128xi32, #tpu.memory_space<hbm>>) dst(%arg8 : memref<40x128xi32, #tpu.memory_space<vmem>>)
      tpu.yield
    }) : () -> ()
    %dma_start3A_41 = arith.constant 0 : i32
    %dma_start3A_42 = arith.constant 0 : i32
    %dma_start3A_43 = tpu.memref_slice %arg7[%dma_start3A_41, %dma_start3A_42] : memref<40x128xi32, #tpu.memory_space<vmem>> -> memref<1x128xi32, #tpu.memory_space<vmem>>
    %dma_start3A_44 = tpu.memref_squeeze %dma_start3A_43 : memref<1x128xi32, #tpu.memory_space<vmem>> -> memref<128xi32, #tpu.memory_space<vmem>>
    %dma_start3A_45 = arith.constant 0 : i32
    %dma_start3A_46 = arith.constant 0 : i32
    %dma_start3A_47 = tpu.memref_slice %arg2[%dma_start3A_45, %dma_start3A_46] : memref<20224x128xf32, #tpu.memory_space<hbm>> -> memref<20224x128xf32, #tpu.memory_space<hbm>>
    tpu.enqueue_indirect_dma source(%dma_start3A_47 : memref<20224x128xf32, #tpu.memory_space<hbm>>) target(%arg9 : memref<128x128xf32, #tpu.memory_space<vmem>>) offsets(%dma_start3A_44 : memref<128xi32, #tpu.memory_space<vmem>>) semaphore(%arg11 : memref<!tpu.dma_semaphore, #tpu.memory_space<semaphore_mem>>)
    %while3A_48 = arith.constant 0 : i32
    %while3A_49 = arith.constant 0 : i32
    %while3A_50 = arith.constant 20 : i32
    %while3A_51 = arith.subi %while3A_50, %while3A_49 : i32
    %while3A_52 = arith.addi %while3A_49, %while3A_51 : i32
    %while3A_53 = arith.constant 1 : i32
    %while3A_54 = arith.divsi %while3A_51, %while3A_53 : i32
    %while3A_55 = arith.muli %while3A_54, %while3A_53 : i32
    %while3A_56 = arith.addi %while3A_49, %while3A_55 : i32
    %while3A_57 = arith.constant 1 : i32
    scf.for %while3A_74 = %while3A_49 to %while3A_56 step %while3A_57  : i32 {
      %mul3A_75 = arith.constant 2 : i32
      %mul3A_76 = arith.muli %while3A_74, %mul3A_75 : i32
      %add3A_77 = arith.constant 1 : i32
      %add3A_78 = arith.addi %mul3A_76, %add3A_77 : i32
      %add3A_79 = arith.constant 2 : i32
      %add3A_80 = arith.addi %mul3A_76, %add3A_79 : i32
      %min3A = arith.constant 39 : i32
      %min3A_81 = arith.minsi %add3A_80, %min3A : i32
      %dma_wait3A_82 = arith.constant 0 : i32
      %dma_wait3A_83 = tpu.memref_slice %arg7[%mul3A_76, %dma_wait3A_82] : memref<40x128xi32, #tpu.memory_space<vmem>> -> memref<1x128xi32, #tpu.memory_space<vmem>>
      %dma_wait3A_84 = tpu.memref_squeeze %dma_wait3A_83 : memref<1x128xi32, #tpu.memory_space<vmem>> -> memref<128xi32, #tpu.memory_space<vmem>>
      %dma_wait3A_85 = arith.constant 0 : i32
      %dma_wait3A_86 = arith.constant 0 : i32
      %dma_wait3A_87 = tpu.memref_slice %arg2[%dma_wait3A_85, %dma_wait3A_86] : memref<20224x128xf32, #tpu.memory_space<hbm>> -> memref<20224x128xf32, #tpu.memory_space<hbm>>
      tpu.wait_indirect_dma semaphore(%arg11 : memref<!tpu.dma_semaphore, #tpu.memory_space<semaphore_mem>>) src(%dma_wait3A_87 : memref<20224x128xf32, #tpu.memory_space<hbm>>) dst(%arg9 : memref<128x128xf32, #tpu.memory_space<vmem>>)
      %dma_start3A_88 = arith.constant 0 : i32
      %dma_start3A_89 = tpu.memref_slice %arg7[%add3A_78, %dma_start3A_88] : memref<40x128xi32, #tpu.memory_space<vmem>> -> memref<1x128xi32, #tpu.memory_space<vmem>>
      %dma_start3A_90 = tpu.memref_squeeze %dma_start3A_89 : memref<1x128xi32, #tpu.memory_space<vmem>> -> memref<128xi32, #tpu.memory_space<vmem>>
      %dma_start3A_91 = arith.constant 0 : i32
      %dma_start3A_92 = arith.constant 0 : i32
      %dma_start3A_93 = tpu.memref_slice %arg2[%dma_start3A_91, %dma_start3A_92] : memref<20224x128xf32, #tpu.memory_space<hbm>> -> memref<20224x128xf32, #tpu.memory_space<hbm>>
      tpu.enqueue_indirect_dma source(%dma_start3A_93 : memref<20224x128xf32, #tpu.memory_space<hbm>>) target(%arg10 : memref<128x128xf32, #tpu.memory_space<vmem>>) offsets(%dma_start3A_90 : memref<128xi32, #tpu.memory_space<vmem>>) semaphore(%arg12 : memref<!tpu.dma_semaphore, #tpu.memory_space<semaphore_mem>>)
      "tpu.region"() ({
        %run_scoped3A = tpu.sem_alloc : memref<!tpu.dma_semaphore, #tpu.memory_space<semaphore_mem>>
        %dma_start3A_106 = arith.constant 0 : i32
        %dma_start3A_107 = tpu.memref_slice %arg8[%mul3A_76, %dma_start3A_106] : memref<40x128xi32, #tpu.memory_space<vmem>> -> memref<1x128xi32, #tpu.memory_space<vmem>>
        %dma_start3A_108 = tpu.memref_squeeze %dma_start3A_107 : memref<1x128xi32, #tpu.memory_space<vmem>> -> memref<128xi32, #tpu.memory_space<vmem>>
        %dma_start3A_109 = arith.constant 0 : i32
        %dma_start3A_110 = arith.constant 0 : i32
        %dma_start3A_111 = tpu.memref_slice %arg6[%dma_start3A_109, %dma_start3A_110] : memref<10112x128xf32, #tpu.memory_space<vmem_shared>> -> memref<10112x128xf32, #tpu.memory_space<vmem_shared>>
        tpu.enqueue_indirect_dma source(%arg9 : memref<128x128xf32, #tpu.memory_space<vmem>>) target(%dma_start3A_111 : memref<10112x128xf32, #tpu.memory_space<vmem_shared>>) offsets(%dma_start3A_108 : memref<128xi32, #tpu.memory_space<vmem>>) semaphore(%run_scoped3A : memref<!tpu.dma_semaphore, #tpu.memory_space<semaphore_mem>>) {add = true}
        %dma_wait3A_112 = arith.constant 0 : i32
        %dma_wait3A_113 = tpu.memref_slice %arg8[%mul3A_76, %dma_wait3A_112] : memref<40x128xi32, #tpu.memory_space<vmem>> -> memref<1x128xi32, #tpu.memory_space<vmem>>
        %dma_wait3A_114 = tpu.memref_squeeze %dma_wait3A_113 : memref<1x128xi32, #tpu.memory_space<vmem>> -> memref<128xi32, #tpu.memory_space<vmem>>
        %dma_wait3A_115 = arith.constant 0 : i32
        %dma_wait3A_116 = arith.constant 0 : i32
        %dma_wait3A_117 = tpu.memref_slice %arg6[%dma_wait3A_115, %dma_wait3A_116] : memref<10112x128xf32, #tpu.memory_space<vmem_shared>> -> memref<10112x128xf32, #tpu.memory_space<vmem_shared>>
        tpu.wait_indirect_dma semaphore(%run_scoped3A : memref<!tpu.dma_semaphore, #tpu.memory_space<semaphore_mem>>) src(%arg9 : memref<128x128xf32, #tpu.memory_space<vmem>>) dst(%dma_wait3A_117 : memref<10112x128xf32, #tpu.memory_space<vmem_shared>>)
        tpu.yield
      }) : () -> ()
      %dma_wait3A_94 = arith.constant 0 : i32
      %dma_wait3A_95 = tpu.memref_slice %arg7[%add3A_78, %dma_wait3A_94] : memref<40x128xi32, #tpu.memory_space<vmem>> -> memref<1x128xi32, #tpu.memory_space<vmem>>
      %dma_wait3A_96 = tpu.memref_squeeze %dma_wait3A_95 : memref<1x128xi32, #tpu.memory_space<vmem>> -> memref<128xi32, #tpu.memory_space<vmem>>
      %dma_wait3A_97 = arith.constant 0 : i32
      %dma_wait3A_98 = arith.constant 0 : i32
      %dma_wait3A_99 = tpu.memref_slice %arg2[%dma_wait3A_97, %dma_wait3A_98] : memref<20224x128xf32, #tpu.memory_space<hbm>> -> memref<20224x128xf32, #tpu.memory_space<hbm>>
      tpu.wait_indirect_dma semaphore(%arg12 : memref<!tpu.dma_semaphore, #tpu.memory_space<semaphore_mem>>) src(%dma_wait3A_99 : memref<20224x128xf32, #tpu.memory_space<hbm>>) dst(%arg10 : memref<128x128xf32, #tpu.memory_space<vmem>>)
      %dma_start3A_100 = arith.constant 0 : i32
      %dma_start3A_101 = tpu.memref_slice %arg7[%min3A_81, %dma_start3A_100] : memref<40x128xi32, #tpu.memory_space<vmem>> -> memref<1x128xi32, #tpu.memory_space<vmem>>
      %dma_start3A_102 = tpu.memref_squeeze %dma_start3A_101 : memref<1x128xi32, #tpu.memory_space<vmem>> -> memref<128xi32, #tpu.memory_space<vmem>>
      %dma_start3A_103 = arith.constant 0 : i32
      %dma_start3A_104 = arith.constant 0 : i32
      %dma_start3A_105 = tpu.memref_slice %arg2[%dma_start3A_103, %dma_start3A_104] : memref<20224x128xf32, #tpu.memory_space<hbm>> -> memref<20224x128xf32, #tpu.memory_space<hbm>>
      tpu.enqueue_indirect_dma source(%dma_start3A_105 : memref<20224x128xf32, #tpu.memory_space<hbm>>) target(%arg9 : memref<128x128xf32, #tpu.memory_space<vmem>>) offsets(%dma_start3A_102 : memref<128xi32, #tpu.memory_space<vmem>>) semaphore(%arg11 : memref<!tpu.dma_semaphore, #tpu.memory_space<semaphore_mem>>)
      "tpu.region"() ({
        %run_scoped3A = tpu.sem_alloc : memref<!tpu.dma_semaphore, #tpu.memory_space<semaphore_mem>>
        %dma_start3A_106 = arith.constant 0 : i32
        %dma_start3A_107 = tpu.memref_slice %arg8[%add3A_78, %dma_start3A_106] : memref<40x128xi32, #tpu.memory_space<vmem>> -> memref<1x128xi32, #tpu.memory_space<vmem>>
        %dma_start3A_108 = tpu.memref_squeeze %dma_start3A_107 : memref<1x128xi32, #tpu.memory_space<vmem>> -> memref<128xi32, #tpu.memory_space<vmem>>
        %dma_start3A_109 = arith.constant 0 : i32
        %dma_start3A_110 = arith.constant 0 : i32
        %dma_start3A_111 = tpu.memref_slice %arg6[%dma_start3A_109, %dma_start3A_110] : memref<10112x128xf32, #tpu.memory_space<vmem_shared>> -> memref<10112x128xf32, #tpu.memory_space<vmem_shared>>
        tpu.enqueue_indirect_dma source(%arg10 : memref<128x128xf32, #tpu.memory_space<vmem>>) target(%dma_start3A_111 : memref<10112x128xf32, #tpu.memory_space<vmem_shared>>) offsets(%dma_start3A_108 : memref<128xi32, #tpu.memory_space<vmem>>) semaphore(%run_scoped3A : memref<!tpu.dma_semaphore, #tpu.memory_space<semaphore_mem>>) {add = true}
        %dma_wait3A_112 = arith.constant 0 : i32
        %dma_wait3A_113 = tpu.memref_slice %arg8[%add3A_78, %dma_wait3A_112] : memref<40x128xi32, #tpu.memory_space<vmem>> -> memref<1x128xi32, #tpu.memory_space<vmem>>
        %dma_wait3A_114 = tpu.memref_squeeze %dma_wait3A_113 : memref<1x128xi32, #tpu.memory_space<vmem>> -> memref<128xi32, #tpu.memory_space<vmem>>
        %dma_wait3A_115 = arith.constant 0 : i32
        %dma_wait3A_116 = arith.constant 0 : i32
        %dma_wait3A_117 = tpu.memref_slice %arg6[%dma_wait3A_115, %dma_wait3A_116] : memref<10112x128xf32, #tpu.memory_space<vmem_shared>> -> memref<10112x128xf32, #tpu.memory_space<vmem_shared>>
        tpu.wait_indirect_dma semaphore(%run_scoped3A : memref<!tpu.dma_semaphore, #tpu.memory_space<semaphore_mem>>) src(%arg10 : memref<128x128xf32, #tpu.memory_space<vmem>>) dst(%dma_wait3A_117 : memref<10112x128xf32, #tpu.memory_space<vmem_shared>>)
        tpu.yield
      }) : () -> ()
    }
    %while3A_58 = arith.constant 1 : i32
    scf.for %while3A_74 = %while3A_56 to %while3A_52 step %while3A_58  : i32 {
      %mul3A_75 = arith.constant 2 : i32
      %mul3A_76 = arith.muli %while3A_74, %mul3A_75 : i32
      %add3A_77 = arith.constant 1 : i32
      %add3A_78 = arith.addi %mul3A_76, %add3A_77 : i32
      %add3A_79 = arith.constant 2 : i32
      %add3A_80 = arith.addi %mul3A_76, %add3A_79 : i32
      %min3A = arith.constant 39 : i32
      %min3A_81 = arith.minsi %add3A_80, %min3A : i32
      %dma_wait3A_82 = arith.constant 0 : i32
      %dma_wait3A_83 = tpu.memref_slice %arg7[%mul3A_76, %dma_wait3A_82] : memref<40x128xi32, #tpu.memory_space<vmem>> -> memref<1x128xi32, #tpu.memory_space<vmem>>
      %dma_wait3A_84 = tpu.memref_squeeze %dma_wait3A_83 : memref<1x128xi32, #tpu.memory_space<vmem>> -> memref<128xi32, #tpu.memory_space<vmem>>
      %dma_wait3A_85 = arith.constant 0 : i32
      %dma_wait3A_86 = arith.constant 0 : i32
      %dma_wait3A_87 = tpu.memref_slice %arg2[%dma_wait3A_85, %dma_wait3A_86] : memref<20224x128xf32, #tpu.memory_space<hbm>> -> memref<20224x128xf32, #tpu.memory_space<hbm>>
      tpu.wait_indirect_dma semaphore(%arg11 : memref<!tpu.dma_semaphore, #tpu.memory_space<semaphore_mem>>) src(%dma_wait3A_87 : memref<20224x128xf32, #tpu.memory_space<hbm>>) dst(%arg9 : memref<128x128xf32, #tpu.memory_space<vmem>>)
      %dma_start3A_88 = arith.constant 0 : i32
      %dma_start3A_89 = tpu.memref_slice %arg7[%add3A_78, %dma_start3A_88] : memref<40x128xi32, #tpu.memory_space<vmem>> -> memref<1x128xi32, #tpu.memory_space<vmem>>
      %dma_start3A_90 = tpu.memref_squeeze %dma_start3A_89 : memref<1x128xi32, #tpu.memory_space<vmem>> -> memref<128xi32, #tpu.memory_space<vmem>>
      %dma_start3A_91 = arith.constant 0 : i32
      %dma_start3A_92 = arith.constant 0 : i32
      %dma_start3A_93 = tpu.memref_slice %arg2[%dma_start3A_91, %dma_start3A_92] : memref<20224x128xf32, #tpu.memory_space<hbm>> -> memref<20224x128xf32, #tpu.memory_space<hbm>>
      tpu.enqueue_indirect_dma source(%dma_start3A_93 : memref<20224x128xf32, #tpu.memory_space<hbm>>) target(%arg10 : memref<128x128xf32, #tpu.memory_space<vmem>>) offsets(%dma_start3A_90 : memref<128xi32, #tpu.memory_space<vmem>>) semaphore(%arg12 : memref<!tpu.dma_semaphore, #tpu.memory_space<semaphore_mem>>)
      "tpu.region"() ({
        %run_scoped3A = tpu.sem_alloc : memref<!tpu.dma_semaphore, #tpu.memory_space<semaphore_mem>>
        %dma_start3A_106 = arith.constant 0 : i32
        %dma_start3A_107 = tpu.memref_slice %arg8[%mul3A_76, %dma_start3A_106] : memref<40x128xi32, #tpu.memory_space<vmem>> -> memref<1x128xi32, #tpu.memory_space<vmem>>
        %dma_start3A_108 = tpu.memref_squeeze %dma_start3A_107 : memref<1x128xi32, #tpu.memory_space<vmem>> -> memref<128xi32, #tpu.memory_space<vmem>>
        %dma_start3A_109 = arith.constant 0 : i32
        %dma_start3A_110 = arith.constant 0 : i32
        %dma_start3A_111 = tpu.memref_slice %arg6[%dma_start3A_109, %dma_start3A_110] : memref<10112x128xf32, #tpu.memory_space<vmem_shared>> -> memref<10112x128xf32, #tpu.memory_space<vmem_shared>>
        tpu.enqueue_indirect_dma source(%arg9 : memref<128x128xf32, #tpu.memory_space<vmem>>) target(%dma_start3A_111 : memref<10112x128xf32, #tpu.memory_space<vmem_shared>>) offsets(%dma_start3A_108 : memref<128xi32, #tpu.memory_space<vmem>>) semaphore(%run_scoped3A : memref<!tpu.dma_semaphore, #tpu.memory_space<semaphore_mem>>) {add = true}
        %dma_wait3A_112 = arith.constant 0 : i32
        %dma_wait3A_113 = tpu.memref_slice %arg8[%mul3A_76, %dma_wait3A_112] : memref<40x128xi32, #tpu.memory_space<vmem>> -> memref<1x128xi32, #tpu.memory_space<vmem>>
        %dma_wait3A_114 = tpu.memref_squeeze %dma_wait3A_113 : memref<1x128xi32, #tpu.memory_space<vmem>> -> memref<128xi32, #tpu.memory_space<vmem>>
        %dma_wait3A_115 = arith.constant 0 : i32
        %dma_wait3A_116 = arith.constant 0 : i32
        %dma_wait3A_117 = tpu.memref_slice %arg6[%dma_wait3A_115, %dma_wait3A_116] : memref<10112x128xf32, #tpu.memory_space<vmem_shared>> -> memref<10112x128xf32, #tpu.memory_space<vmem_shared>>
        tpu.wait_indirect_dma semaphore(%run_scoped3A : memref<!tpu.dma_semaphore, #tpu.memory_space<semaphore_mem>>) src(%arg9 : memref<128x128xf32, #tpu.memory_space<vmem>>) dst(%dma_wait3A_117 : memref<10112x128xf32, #tpu.memory_space<vmem_shared>>)
        tpu.yield
      }) : () -> ()
      %dma_wait3A_94 = arith.constant 0 : i32
      %dma_wait3A_95 = tpu.memref_slice %arg7[%add3A_78, %dma_wait3A_94] : memref<40x128xi32, #tpu.memory_space<vmem>> -> memref<1x128xi32, #tpu.memory_space<vmem>>
      %dma_wait3A_96 = tpu.memref_squeeze %dma_wait3A_95 : memref<1x128xi32, #tpu.memory_space<vmem>> -> memref<128xi32, #tpu.memory_space<vmem>>
      %dma_wait3A_97 = arith.constant 0 : i32
      %dma_wait3A_98 = arith.constant 0 : i32
      %dma_wait3A_99 = tpu.memref_slice %arg2[%dma_wait3A_97, %dma_wait3A_98] : memref<20224x128xf32, #tpu.memory_space<hbm>> -> memref<20224x128xf32, #tpu.memory_space<hbm>>
      tpu.wait_indirect_dma semaphore(%arg12 : memref<!tpu.dma_semaphore, #tpu.memory_space<semaphore_mem>>) src(%dma_wait3A_99 : memref<20224x128xf32, #tpu.memory_space<hbm>>) dst(%arg10 : memref<128x128xf32, #tpu.memory_space<vmem>>)
      %dma_start3A_100 = arith.constant 0 : i32
      %dma_start3A_101 = tpu.memref_slice %arg7[%min3A_81, %dma_start3A_100] : memref<40x128xi32, #tpu.memory_space<vmem>> -> memref<1x128xi32, #tpu.memory_space<vmem>>
      %dma_start3A_102 = tpu.memref_squeeze %dma_start3A_101 : memref<1x128xi32, #tpu.memory_space<vmem>> -> memref<128xi32, #tpu.memory_space<vmem>>
      %dma_start3A_103 = arith.constant 0 : i32
      %dma_start3A_104 = arith.constant 0 : i32
      %dma_start3A_105 = tpu.memref_slice %arg2[%dma_start3A_103, %dma_start3A_104] : memref<20224x128xf32, #tpu.memory_space<hbm>> -> memref<20224x128xf32, #tpu.memory_space<hbm>>
      tpu.enqueue_indirect_dma source(%dma_start3A_105 : memref<20224x128xf32, #tpu.memory_space<hbm>>) target(%arg9 : memref<128x128xf32, #tpu.memory_space<vmem>>) offsets(%dma_start3A_102 : memref<128xi32, #tpu.memory_space<vmem>>) semaphore(%arg11 : memref<!tpu.dma_semaphore, #tpu.memory_space<semaphore_mem>>)
      "tpu.region"() ({
        %run_scoped3A = tpu.sem_alloc : memref<!tpu.dma_semaphore, #tpu.memory_space<semaphore_mem>>
        %dma_start3A_106 = arith.constant 0 : i32
        %dma_start3A_107 = tpu.memref_slice %arg8[%add3A_78, %dma_start3A_106] : memref<40x128xi32, #tpu.memory_space<vmem>> -> memref<1x128xi32, #tpu.memory_space<vmem>>
        %dma_start3A_108 = tpu.memref_squeeze %dma_start3A_107 : memref<1x128xi32, #tpu.memory_space<vmem>> -> memref<128xi32, #tpu.memory_space<vmem>>
        %dma_start3A_109 = arith.constant 0 : i32
        %dma_start3A_110 = arith.constant 0 : i32
        %dma_start3A_111 = tpu.memref_slice %arg6[%dma_start3A_109, %dma_start3A_110] : memref<10112x128xf32, #tpu.memory_space<vmem_shared>> -> memref<10112x128xf32, #tpu.memory_space<vmem_shared>>
        tpu.enqueue_indirect_dma source(%arg10 : memref<128x128xf32, #tpu.memory_space<vmem>>) target(%dma_start3A_111 : memref<10112x128xf32, #tpu.memory_space<vmem_shared>>) offsets(%dma_start3A_108 : memref<128xi32, #tpu.memory_space<vmem>>) semaphore(%run_scoped3A : memref<!tpu.dma_semaphore, #tpu.memory_space<semaphore_mem>>) {add = true}
        %dma_wait3A_112 = arith.constant 0 : i32
        %dma_wait3A_113 = tpu.memref_slice %arg8[%add3A_78, %dma_wait3A_112] : memref<40x128xi32, #tpu.memory_space<vmem>> -> memref<1x128xi32, #tpu.memory_space<vmem>>
        %dma_wait3A_114 = tpu.memref_squeeze %dma_wait3A_113 : memref<1x128xi32, #tpu.memory_space<vmem>> -> memref<128xi32, #tpu.memory_space<vmem>>
        %dma_wait3A_115 = arith.constant 0 : i32
        %dma_wait3A_116 = arith.constant 0 : i32
        %dma_wait3A_117 = tpu.memref_slice %arg6[%dma_wait3A_115, %dma_wait3A_116] : memref<10112x128xf32, #tpu.memory_space<vmem_shared>> -> memref<10112x128xf32, #tpu.memory_space<vmem_shared>>
        tpu.wait_indirect_dma semaphore(%run_scoped3A : memref<!tpu.dma_semaphore, #tpu.memory_space<semaphore_mem>>) src(%arg10 : memref<128x128xf32, #tpu.memory_space<vmem>>) dst(%dma_wait3A_117 : memref<10112x128xf32, #tpu.memory_space<vmem_shared>>)
        tpu.yield
      }) : () -> ()
    }
    %dma_wait3A_59 = arith.constant 39 : i32
    %dma_wait3A_60 = arith.constant 0 : i32
    %dma_wait3A_61 = tpu.memref_slice %arg7[%dma_wait3A_59, %dma_wait3A_60] : memref<40x128xi32, #tpu.memory_space<vmem>> -> memref<1x128xi32, #tpu.memory_space<vmem>>
    %dma_wait3A_62 = tpu.memref_squeeze %dma_wait3A_61 : memref<1x128xi32, #tpu.memory_space<vmem>> -> memref<128xi32, #tpu.memory_space<vmem>>
    %dma_wait3A_63 = arith.constant 0 : i32
    %dma_wait3A_64 = arith.constant 0 : i32
    %dma_wait3A_65 = tpu.memref_slice %arg2[%dma_wait3A_63, %dma_wait3A_64] : memref<20224x128xf32, #tpu.memory_space<hbm>> -> memref<20224x128xf32, #tpu.memory_space<hbm>>
    tpu.wait_indirect_dma semaphore(%arg11 : memref<!tpu.dma_semaphore, #tpu.memory_space<semaphore_mem>>) src(%dma_wait3A_65 : memref<20224x128xf32, #tpu.memory_space<hbm>>) dst(%arg9 : memref<128x128xf32, #tpu.memory_space<vmem>>)
    %barrier3A_66 = arith.constant 0 : index
    tpu.barrier barrier_id(%barrier3A_66)
    %mul3A_67 = arith.constant 632 : i32
    %mul3A_68 = arith.muli %arg1, %mul3A_67 : i32
    %mul3A_69 = arith.constant 10112 : i32
    %mul3A_70 = arith.muli %arg0, %mul3A_69 : i32
    %mul3A_71 = arith.constant 632 : i32
    %mul3A_72 = arith.muli %arg1, %mul3A_71 : i32
    %add3A_73 = arith.addi %mul3A_70, %mul3A_72 : i32
    "tpu.region"() ({
      %run_scoped3A = tpu.sem_alloc : memref<!tpu.dma_semaphore, #tpu.memory_space<semaphore_mem>>
      %dma_start3A_74 = arith.constant 0 : i32
      %dma_start3A_75 = tpu.memref_slice %arg5[%add3A_73, %dma_start3A_74] : memref<20224x128xf32, #tpu.memory_space<hbm>> -> memref<632x128xf32, #tpu.memory_space<hbm>>
      %dma_start3A_76 = arith.constant 0 : i32
      %dma_start3A_77 = tpu.memref_slice %arg6[%mul3A_68, %dma_start3A_76] : memref<10112x128xf32, #tpu.memory_space<vmem_shared>> -> memref<632x128xf32, #tpu.memory_space<vmem_shared>>
      tpu.enqueue_dma source(%dma_start3A_77 : memref<632x128xf32, #tpu.memory_space<vmem_shared>>) target(%dma_start3A_75 : memref<632x128xf32, #tpu.memory_space<hbm>>) target_semaphore(%run_scoped3A : memref<!tpu.dma_semaphore, #tpu.memory_space<semaphore_mem>>)
      %dma_wait3A_78 = arith.constant 0 : i32
      %dma_wait3A_79 = tpu.memref_slice %arg5[%add3A_73, %dma_wait3A_78] : memref<20224x128xf32, #tpu.memory_space<hbm>> -> memref<632x128xf32, #tpu.memory_space<hbm>>
      %dma_wait3A_80 = arith.constant 0 : i32
      %dma_wait3A_81 = tpu.memref_slice %arg6[%mul3A_68, %dma_wait3A_80] : memref<10112x128xf32, #tpu.memory_space<vmem_shared>> -> memref<632x128xf32, #tpu.memory_space<vmem_shared>>
      tpu.wait_dma2 semaphore(%run_scoped3A : memref<!tpu.dma_semaphore, #tpu.memory_space<semaphore_mem>>) src(%dma_wait3A_81 : memref<632x128xf32, #tpu.memory_space<vmem_shared>>) dst(%dma_wait3A_79 : memref<632x128xf32, #tpu.memory_space<hbm>>)
      tpu.yield
    }) : () -> ()
    return
  }
}

module attributes {stable_mosaic.version = 14 : i64} {
  func.func @_dense0_body(%arg0: i32, %arg1: i32, %arg2: memref<632x256xf32, #tpu.memory_space<vmem>>, %arg3: memref<632x128xf32, #tpu.memory_space<vmem>>, %arg4: memref<632x128xf32, #tpu.memory_space<vmem>>, %arg5: memref<256x128xf32, #tpu.memory_space<vmem>>, %arg6: memref<632x128xf32, #tpu.memory_space<vmem>>) attributes {dimension_semantics = [#tpu.dimension_semantics<arbitrary>, #tpu.dimension_semantics<arbitrary>], iteration_bounds = array<i64: 16, 2>, scalar_prefetch = 0 : i64, scratch_operands = 0 : i64, tpu.core_type = #tpu.core_type<tc>, window_params = [{transform_indices = @transform_0, window_bounds = array<i64: 632, 256>}, {transform_indices = @transform_1, window_bounds = array<i64: 632, 128>}, {transform_indices = @transform_2, window_bounds = array<i64: 632, 128>}, {transform_indices = @transform_3, window_bounds = array<i64: 256, 128>}, {transform_indices = @transform_4, window_bounds = array<i64: 632, 128>}]} {
    %get3A = arith.constant 0 : index
    %get3A_0 = arith.constant 0 : index
    %get3A_1 = vector.load %arg3[%get3A, %get3A_0] : memref<632x128xf32, #tpu.memory_space<vmem>>, vector<632x1xf32>
    %get3A_2 = arith.constant 0 : index
    %get3A_3 = arith.constant 0 : index
    %get3A_4 = vector.load %arg4[%get3A_2, %get3A_3] : memref<632x128xf32, #tpu.memory_space<vmem>>, vector<632x1xf32>
    %add3A = arith.addf %get3A_1, %get3A_4 : vector<632x1xf32>
    %add3A_5 = arith.constant 1.000000e+00 : f32
    %add3A_6 = vector.broadcast %add3A_5 : f32 to vector<632x1xf32>
    %add3A_7 = arith.addf %add3A, %add3A_6 : vector<632x1xf32>
    %rsqrt3A = math.rsqrt %add3A_7 : vector<632x1xf32>
    %get3A_8 = arith.constant 0 : index
    %get3A_9 = arith.constant 0 : index
    %get3A_10 = vector.load %arg2[%get3A_8, %get3A_9] : memref<632x256xf32, #tpu.memory_space<vmem>>, vector<632x256xf32>
    %get3A_11 = arith.constant 0 : index
    %get3A_12 = arith.constant 0 : index
    %get3A_13 = vector.load %arg5[%get3A_11, %get3A_12] : memref<256x128xf32, #tpu.memory_space<vmem>>, vector<256x128xf32>
    %dot_general3A = arith.constant dense<0.000000e+00> : vector<632x128xf32>
    %dot_general3A_14 = tpu.matmul %get3A_10, %get3A_13, %dot_general3A {dimension_numbers = #tpu.dot_dimension_numbers<[1], [0], [0], [1], [0, 0, 1, 1], [], []>, transpose_lhs_hint = false} : vector<632x256xf32>, vector<256x128xf32>, vector<632x128xf32> -> vector<632x128xf32>
    %mul3A = vector.broadcast %rsqrt3A : vector<632x1xf32> to vector<632x128xf32>
    %mul3A_15 = arith.mulf %dot_general3A_14, %mul3A : vector<632x128xf32>
    %swap3A = arith.constant 0 : index
    %swap3A_16 = arith.constant 0 : index
    %swap3A_17 = vector.load %arg6[%swap3A, %swap3A_16] : memref<632x128xf32, #tpu.memory_space<vmem>>, vector<632x128xf32>
    tpu.vector_store %arg6[%swap3A, %swap3A_16], %mul3A_15 {strides = array<i32>} : memref<632x128xf32, #tpu.memory_space<vmem>>, vector<632x128xf32>,
    return
  }
  func.func @transform_0(%arg0: i32, %arg1: i32) -> (i32, i32) {
    %c0_i32 = arith.constant 0 : i32
    %c0_i32_0 = arith.constant 0 : i32
    return %arg0, %c0_i32 : i32, i32
  }
  func.func @transform_1(%arg0: i32, %arg1: i32) -> (i32, i32) {
    %c0_i32 = arith.constant 0 : i32
    %c0_i32_0 = arith.constant 0 : i32
    return %arg0, %c0_i32 : i32, i32
  }
  func.func @transform_2(%arg0: i32, %arg1: i32) -> (i32, i32) {
    %add3A = arith.constant 16 : i32
    %add3A_0 = arith.addi %add3A, %arg0 : i32
    %c0_i32 = arith.constant 0 : i32
    %c0_i32_1 = arith.constant 0 : i32
    return %add3A_0, %c0_i32 : i32, i32
  }
  func.func @transform_3(%arg0: i32, %arg1: i32) -> (i32, i32) {
    %c0_i32 = arith.constant 0 : i32
    %c0_i32_0 = arith.constant 0 : i32
    return %c0_i32, %arg1 : i32, i32
  }
  func.func @transform_4(%arg0: i32, %arg1: i32) -> (i32, i32) {
    %mul3A = arith.constant 16 : i32
    %mul3A_0 = arith.muli %arg1, %mul3A : i32
    %add3A = arith.addi %mul3A_0, %arg0 : i32
    %c0_i32 = arith.constant 0 : i32
    %c0_i32_1 = arith.constant 0 : i32
    return %add3A, %c0_i32 : i32, i32
  }
}

module attributes {stable_mosaic.version = 14 : i64} {
  func.func @_densem_body(%arg0: i32, %arg1: i32, %arg2: memref<632x128xf32, #tpu.memory_space<vmem>>, %arg3: memref<632x128xf32, #tpu.memory_space<vmem>>, %arg4: memref<632x128xf32, #tpu.memory_space<vmem>>, %arg5: memref<632x128xf32, #tpu.memory_space<vmem>>, %arg6: memref<1x256xf32, #tpu.memory_space<vmem>>, %arg7: memref<256x128xf32, #tpu.memory_space<vmem>>, %arg8: memref<632x128xf32, #tpu.memory_space<vmem>>) attributes {dimension_semantics = [#tpu.dimension_semantics<arbitrary>, #tpu.dimension_semantics<arbitrary>], iteration_bounds = array<i64: 16, 2>, scalar_prefetch = 0 : i64, scratch_operands = 0 : i64, tpu.core_type = #tpu.core_type<tc>, window_params = [{transform_indices = @transform_0, window_bounds = array<i64: 632, 128>}, {transform_indices = @transform_1, window_bounds = array<i64: 632, 128>}, {transform_indices = @transform_2, window_bounds = array<i64: 632, 128>}, {transform_indices = @transform_3, window_bounds = array<i64: 632, 128>}, {pipeline_mode = #tpu.pipeline_mode<synchronous>, transform_indices = @transform_4, window_bounds = array<i64: 1, 256>}, {transform_indices = @transform_5, window_bounds = array<i64: 256, 128>}, {transform_indices = @transform_6, window_bounds = array<i64: 632, 128>}]} {
    %get3A = arith.constant 0 : index
    %get3A_0 = arith.constant 0 : index
    %get3A_1 = vector.load %arg4[%get3A, %get3A_0] : memref<632x128xf32, #tpu.memory_space<vmem>>, vector<632x1xf32>
    %get3A_2 = arith.constant 0 : index
    %get3A_3 = arith.constant 0 : index
    %get3A_4 = vector.load %arg5[%get3A_2, %get3A_3] : memref<632x128xf32, #tpu.memory_space<vmem>>, vector<632x1xf32>
    %add3A = arith.addf %get3A_1, %get3A_4 : vector<632x1xf32>
    %add3A_5 = arith.constant 1.000000e+00 : f32
    %add3A_6 = vector.broadcast %add3A_5 : f32 to vector<632x1xf32>
    %add3A_7 = arith.addf %add3A, %add3A_6 : vector<632x1xf32>
    %rsqrt3A = math.rsqrt %add3A_7 : vector<632x1xf32>
    %get3A_8 = arith.constant 0 : index
    %get3A_9 = arith.constant 0 : index
    %get3A_10 = vector.load %arg2[%get3A_8, %get3A_9] : memref<632x128xf32, #tpu.memory_space<vmem>>, vector<632x128xf32>
    %get3A_11 = arith.constant 0 : index
    %get3A_12 = arith.constant 0 : index
    %get3A_13 = vector.load %arg3[%get3A_11, %get3A_12] : memref<632x128xf32, #tpu.memory_space<vmem>>, vector<632x128xf32>
    %concatenate3A = tpu.concatenate %get3A_10, %get3A_13 in 1 : vector<632x128xf32>, vector<632x128xf32> -> vector<632x256xf32>
    %mul3A = vector.broadcast %rsqrt3A : vector<632x1xf32> to vector<632x256xf32>
    %mul3A_14 = arith.mulf %concatenate3A, %mul3A : vector<632x256xf32>
    %get3A_15 = arith.constant 0 : index
    %get3A_16 = arith.constant 0 : index
    %get3A_17 = vector.load %arg6[%get3A_15, %get3A_16] : memref<1x256xf32, #tpu.memory_space<vmem>>, vector<1x256xf32>
    %add3A_18 = vector.broadcast %get3A_17 : vector<1x256xf32> to vector<632x256xf32>
    %add3A_19 = arith.addf %mul3A_14, %add3A_18 : vector<632x256xf32>
    %max3A = arith.constant 0.000000e+00 : f32
    %max3A_20 = vector.broadcast %max3A : f32 to vector<632x256xf32>
    %max3A_21 = arith.maximumf %add3A_19, %max3A_20 : vector<632x256xf32>
    %get3A_22 = arith.constant 0 : index
    %get3A_23 = arith.constant 0 : index
    %get3A_24 = vector.load %arg7[%get3A_22, %get3A_23] : memref<256x128xf32, #tpu.memory_space<vmem>>, vector<256x128xf32>
    %dot_general3A = arith.constant dense<0.000000e+00> : vector<632x128xf32>
    %dot_general3A_25 = tpu.matmul %max3A_21, %get3A_24, %dot_general3A {dimension_numbers = #tpu.dot_dimension_numbers<[1], [0], [0], [1], [0, 0, 1, 1], [], []>, transpose_lhs_hint = false} : vector<632x256xf32>, vector<256x128xf32>, vector<632x128xf32> -> vector<632x128xf32>
    %mul3A_26 = vector.broadcast %rsqrt3A : vector<632x1xf32> to vector<632x128xf32>
    %mul3A_27 = arith.mulf %dot_general3A_25, %mul3A_26 : vector<632x128xf32>
    %swap3A = arith.constant 0 : index
    %swap3A_28 = arith.constant 0 : index
    %swap3A_29 = vector.load %arg8[%swap3A, %swap3A_28] : memref<632x128xf32, #tpu.memory_space<vmem>>, vector<632x128xf32>
    tpu.vector_store %arg8[%swap3A, %swap3A_28], %mul3A_27 {strides = array<i32>} : memref<632x128xf32, #tpu.memory_space<vmem>>, vector<632x128xf32>,
    return
  }
  func.func @transform_0(%arg0: i32, %arg1: i32) -> (i32, i32) {
    %c0_i32 = arith.constant 0 : i32
    %c0_i32_0 = arith.constant 0 : i32
    return %arg0, %c0_i32 : i32, i32
  }
  func.func @transform_1(%arg0: i32, %arg1: i32) -> (i32, i32) {
    %add3A = arith.constant 16 : i32
    %add3A_0 = arith.addi %add3A, %arg0 : i32
    %c0_i32 = arith.constant 0 : i32
    %c0_i32_1 = arith.constant 0 : i32
    return %add3A_0, %c0_i32 : i32, i32
  }
  func.func @transform_2(%arg0: i32, %arg1: i32) -> (i32, i32) {
    %c0_i32 = arith.constant 0 : i32
    %c0_i32_0 = arith.constant 0 : i32
    return %arg0, %c0_i32 : i32, i32
  }
  func.func @transform_3(%arg0: i32, %arg1: i32) -> (i32, i32) {
    %add3A = arith.constant 16 : i32
    %add3A_0 = arith.addi %add3A, %arg0 : i32
    %c0_i32 = arith.constant 0 : i32
    %c0_i32_1 = arith.constant 0 : i32
    return %add3A_0, %c0_i32 : i32, i32
  }
  func.func @transform_4(%arg0: i32, %arg1: i32) -> (i32, i32) {
    %c0_i32 = arith.constant 0 : i32
    %c0_i32_0 = arith.constant 0 : i32
    %c0_i32_1 = arith.constant 0 : i32
    return %c0_i32, %c0_i32_0 : i32, i32
  }
  func.func @transform_5(%arg0: i32, %arg1: i32) -> (i32, i32) {
    %c0_i32 = arith.constant 0 : i32
    %c0_i32_0 = arith.constant 0 : i32
    return %c0_i32, %arg1 : i32, i32
  }
  func.func @transform_6(%arg0: i32, %arg1: i32) -> (i32, i32) {
    %mul3A = arith.constant 16 : i32
    %mul3A_0 = arith.muli %arg1, %mul3A : i32
    %add3A = arith.addi %mul3A_0, %arg0 : i32
    %c0_i32 = arith.constant 0 : i32
    %c0_i32_1 = arith.constant 0 : i32
    return %add3A, %c0_i32 : i32, i32
  }
}

module attributes {stable_mosaic.version = 14 : i64} {
  func.func @_read_body(%arg0: i32, %arg1: memref<8x128xf32, #tpu.memory_space<vmem>>, %arg2: memref<8x128xf32, #tpu.memory_space<vmem>>, %arg3: memref<8x128xf32, #tpu.memory_space<vmem>>, %arg4: memref<8x128xf32, #tpu.memory_space<vmem>>, %arg5: memref<8x128xf32, #tpu.memory_space<vmem>>, %arg6: memref<8x128xf32, #tpu.memory_space<vmem>>, %arg7: memref<8x128xf32, #tpu.memory_space<vmem>>, %arg8: memref<8x128xf32, #tpu.memory_space<vmem>>, %arg9: memref<8x128xf32, #tpu.memory_space<vmem>>, %arg10: memref<8x128xf32, #tpu.memory_space<vmem>>, %arg11: memref<8x128xf32, #tpu.memory_space<vmem>>, %arg12: memref<8x128xf32, #tpu.memory_space<vmem>>, %arg13: memref<8x128xf32, #tpu.memory_space<vmem>>, %arg14: memref<8x128xf32, #tpu.memory_space<vmem>>, %arg15: memref<8x128xf32, #tpu.memory_space<vmem>>, %arg16: memref<8x128xf32, #tpu.memory_space<vmem>>, %arg17: memref<8x128xf32, #tpu.memory_space<vmem>>, %arg18: memref<8x128xf32, #tpu.memory_space<vmem>>, %arg19: memref<8x128xf32, #tpu.memory_space<vmem>>, %arg20: memref<8x128xf32, #tpu.memory_space<vmem>>, %arg21: memref<8x128xf32, #tpu.memory_space<vmem>>, %arg22: memref<8x128xf32, #tpu.memory_space<vmem>>, %arg23: memref<8x128xf32, #tpu.memory_space<vmem>>, %arg24: memref<8x128xf32, #tpu.memory_space<vmem>>, %arg25: memref<8x128xf32, #tpu.memory_space<vmem>>, %arg26: memref<8x128xf32, #tpu.memory_space<vmem>>, %arg27: memref<8x128xf32, #tpu.memory_space<vmem>>, %arg28: memref<8x128xf32, #tpu.memory_space<vmem>>, %arg29: memref<8x128xf32, #tpu.memory_space<vmem>>, %arg30: memref<8x128xf32, #tpu.memory_space<vmem>>, %arg31: memref<8x128xf32, #tpu.memory_space<vmem>>, %arg32: memref<8x128xf32, #tpu.memory_space<vmem>>, %arg33: memref<1x256xf32, #tpu.memory_space<vmem>>, %arg34: memref<8x512x16xf32, #tpu.memory_space<vmem>>, %arg35: memref<8x16xf32, #tpu.memory_space<vmem>>, %arg36: memref<8x512xf32, #tpu.memory_space<vmem>>, %arg37: memref<8x1xf32, #tpu.memory_space<vmem>>, %arg38: memref<8x16xf32, #tpu.memory_space<vmem>>, %arg39: memref<8x1xf32, #tpu.memory_space<vmem>>) attributes {dimension_semantics = [#tpu.dimension_semantics<arbitrary>], iteration_bounds = array<i64: 1>, scalar_prefetch = 0 : i64, scratch_operands = 0 : i64, tpu.core_type = #tpu.core_type<tc>, window_params = [{transform_indices = @transform_0, window_bounds = array<i64: 8, 128>}, {transform_indices = @transform_1, window_bounds = array<i64: 8, 128>}, {transform_indices = @transform_2, window_bounds = array<i64: 8, 128>}, {transform_indices = @transform_3, window_bounds = array<i64: 8, 128>}, {transform_indices = @transform_4, window_bounds = array<i64: 8, 128>}, {transform_indices = @transform_5, window_bounds = array<i64: 8, 128>}, {transform_indices = @transform_6, window_bounds = array<i64: 8, 128>}, {transform_indices = @transform_7, window_bounds = array<i64: 8, 128>}, {transform_indices = @transform_8, window_bounds = array<i64: 8, 128>}, {transform_indices = @transform_9, window_bounds = array<i64: 8, 128>}, {transform_indices = @transform_10, window_bounds = array<i64: 8, 128>}, {transform_indices = @transform_11, window_bounds = array<i64: 8, 128>}, {transform_indices = @transform_12, window_bounds = array<i64: 8, 128>}, {transform_indices = @transform_13, window_bounds = array<i64: 8, 128>}, {transform_indices = @transform_14, window_bounds = array<i64: 8, 128>}, {transform_indices = @transform_15, window_bounds = array<i64: 8, 128>}, {transform_indices = @transform_16, window_bounds = array<i64: 8, 128>}, {transform_indices = @transform_17, window_bounds = array<i64: 8, 128>}, {transform_indices = @transform_18, window_bounds = array<i64: 8, 128>}, {transform_indices = @transform_19, window_bounds = array<i64: 8, 128>}, {transform_indices = @transform_20, window_bounds = array<i64: 8, 128>}, {transform_indices = @transform_21, window_bounds = array<i64: 8, 128>}, {transform_indices = @transform_22, window_bounds = array<i64: 8, 128>}, {transform_indices = @transform_23, window_bounds = array<i64: 8, 128>}, {transform_indices = @transform_24, window_bounds = array<i64: 8, 128>}, {transform_indices = @transform_25, window_bounds = array<i64: 8, 128>}, {transform_indices = @transform_26, window_bounds = array<i64: 8, 128>}, {transform_indices = @transform_27, window_bounds = array<i64: 8, 128>}, {transform_indices = @transform_28, window_bounds = array<i64: 8, 128>}, {transform_indices = @transform_29, window_bounds = array<i64: 8, 128>}, {transform_indices = @transform_30, window_bounds = array<i64: 8, 128>}, {transform_indices = @transform_31, window_bounds = array<i64: 8, 128>}, {pipeline_mode = #tpu.pipeline_mode<synchronous>, transform_indices = @transform_32, window_bounds = array<i64: 1, 256>}, {pipeline_mode = #tpu.pipeline_mode<synchronous>, transform_indices = @transform_33, window_bounds = array<i64: 8, 512, 16>}, {pipeline_mode = #tpu.pipeline_mode<synchronous>, transform_indices = @transform_34, window_bounds = array<i64: 8, 16>}, {pipeline_mode = #tpu.pipeline_mode<synchronous>, transform_indices = @transform_35, window_bounds = array<i64: 8, 512>}, {pipeline_mode = #tpu.pipeline_mode<synchronous>, transform_indices = @transform_36, window_bounds = array<i64: 8, 1>}, {pipeline_mode = #tpu.pipeline_mode<synchronous>, transform_indices = @transform_37, window_bounds = array<i64: 8, 16>}, {pipeline_mode = #tpu.pipeline_mode<synchronous>, transform_indices = @transform_38, window_bounds = array<i64: 8, 1>}]} {
    %get3A = arith.constant 0 : index
    %get3A_0 = arith.constant 0 : index
    %get3A_1 = vector.load %arg17[%get3A, %get3A_0] : memref<8x128xf32, #tpu.memory_space<vmem>>, vector<8x1xf32>
    %get3A_2 = arith.constant 0 : index
    %get3A_3 = arith.constant 0 : index
    %get3A_4 = vector.load %arg25[%get3A_2, %get3A_3] : memref<8x128xf32, #tpu.memory_space<vmem>>, vector<8x1xf32>
    %add3A = arith.addf %get3A_1, %get3A_4 : vector<8x1xf32>
    %add3A_5 = arith.constant 1.000000e+00 : f32
    %add3A_6 = vector.broadcast %add3A_5 : f32 to vector<8x1xf32>
    %add3A_7 = arith.addf %add3A, %add3A_6 : vector<8x1xf32>
    %rsqrt3A = math.rsqrt %add3A_7 : vector<8x1xf32>
    %get3A_8 = arith.constant 0 : index
    %get3A_9 = arith.constant 0 : index
    %get3A_10 = vector.load %arg1[%get3A_8, %get3A_9] : memref<8x128xf32, #tpu.memory_space<vmem>>, vector<8x128xf32>
    %get3A_11 = arith.constant 0 : index
    %get3A_12 = arith.constant 0 : index
    %get3A_13 = vector.load %arg9[%get3A_11, %get3A_12] : memref<8x128xf32, #tpu.memory_space<vmem>>, vector<8x128xf32>
    %concatenate3A = tpu.concatenate %get3A_10, %get3A_13 in 1 : vector<8x128xf32>, vector<8x128xf32> -> vector<8x256xf32>
    %mul3A = vector.broadcast %rsqrt3A : vector<8x1xf32> to vector<8x256xf32>
    %mul3A_14 = arith.mulf %concatenate3A, %mul3A : vector<8x256xf32>
    %get3A_15 = arith.constant 0 : index
    %get3A_16 = arith.constant 0 : index
    %get3A_17 = vector.load %arg33[%get3A_15, %get3A_16] : memref<1x256xf32, #tpu.memory_space<vmem>>, vector<1x256xf32>
    %add3A_18 = vector.broadcast %get3A_17 : vector<1x256xf32> to vector<8x256xf32>
    %add3A_19 = arith.addf %mul3A_14, %add3A_18 : vector<8x256xf32>
    %max3A = arith.constant 0.000000e+00 : f32
    %max3A_20 = vector.broadcast %max3A : f32 to vector<8x256xf32>
    %max3A_21 = arith.maximumf %add3A_19, %max3A_20 : vector<8x256xf32>
    %reduce_sum3A = arith.constant dense<0.000000e+00> : vector<256xf32>
    %reduce_sum3A_22 = vector.multi_reduction <add>, %max3A_21, %reduce_sum3A [0] : vector<8x256xf32> to vector<256xf32>
    %broadcast_in_dim3A = vector.shape_cast %reduce_sum3A_22 : vector<256xf32> to vector<1x256xf32>
    %div3A = arith.constant 8.000000e+00 : f32
    %div3A_23 = vector.broadcast %div3A : f32 to vector<1x256xf32>
    %div3A_24 = arith.divf %broadcast_in_dim3A, %div3A_23 : vector<1x256xf32>
    %reduce_max3A = arith.constant dense<0xFF800000> : vector<256xf32>
    %reduce_max3A_25 = vector.multi_reduction <maximumf>, %max3A_21, %reduce_max3A [0] : vector<8x256xf32> to vector<256xf32>
    %broadcast_in_dim3A_26 = vector.shape_cast %reduce_max3A_25 : vector<256xf32> to vector<1x256xf32>
    %concatenate3A_27 = tpu.concatenate %div3A_24, %broadcast_in_dim3A_26 in 1 : vector<1x256xf32>, vector<1x256xf32> -> vector<1x512xf32>
    %get3A_28 = arith.constant 0 : index
    %get3A_29 = arith.constant 0 : index
    %get3A_30 = arith.constant 0 : index
    %get3A_31 = vector.load %arg34[%get3A_28, %get3A_29, %get3A_30] : memref<8x512x16xf32, #tpu.memory_space<vmem>>, vector<1x512x16xf32>
    %get3A_32 = vector.shape_cast %get3A_31 : vector<1x512x16xf32> to vector<512x16xf32>
    %dot_general3A = arith.constant dense<0.000000e+00> : vector<1x16xf32>
    %dot_general3A_33 = tpu.matmul %concatenate3A_27, %get3A_32, %dot_general3A {dimension_numbers = #tpu.dot_dimension_numbers<[1], [0], [0], [1], [0, 0, 1, 1], [], []>, transpose_lhs_hint = false} : vector<1x512xf32>, vector<512x16xf32>, vector<1x16xf32> -> vector<1x16xf32>
    %get3A_34 = arith.constant 0 : index
    %get3A_35 = arith.constant 0 : index
    %get3A_36 = vector.load %arg35[%get3A_34, %get3A_35] : memref<8x16xf32, #tpu.memory_space<vmem>>, vector<1x16xf32>
    %add3A_37 = arith.addf %dot_general3A_33, %get3A_36 : vector<1x16xf32>
    %swap3A = arith.constant 0 : index
    %swap3A_38 = arith.constant 0 : index
    %swap3A_39 = vector.load %arg38[%swap3A, %swap3A_38] : memref<8x16xf32, #tpu.memory_space<vmem>>, vector<1x16xf32>
    tpu.vector_store %arg38[%swap3A, %swap3A_38], %add3A_37 {strides = array<i32>} : memref<8x16xf32, #tpu.memory_space<vmem>>, vector<1x16xf32>,
    %squeeze3A = vector.shape_cast %concatenate3A_27 : vector<1x512xf32> to vector<512xf32>
    %get3A_40 = arith.constant 0 : index
    %get3A_41 = arith.constant 0 : index
    %get3A_42 = vector.load %arg36[%get3A_40, %get3A_41] : memref<8x512xf32, #tpu.memory_space<vmem>>, vector<1x512xf32>
    %get3A_43 = vector.shape_cast %get3A_42 : vector<1x512xf32> to vector<512xf32>
    %mul3A_44 = arith.mulf %squeeze3A, %get3A_43 : vector<512xf32>
    %reduce_sum3A_45 = vector.shape_cast %mul3A_44 : vector<512xf32> to vector<1x512xf32>
    %reduce_sum3A_46 = arith.constant dense<0.000000e+00> : vector<1xf32>
    %reduce_sum3A_47 = vector.multi_reduction <add>, %reduce_sum3A_45, %reduce_sum3A_46 [1] : vector<1x512xf32> to vector<1xf32>
    %reduce_sum3A_48 = vector.shape_cast %reduce_sum3A_47 : vector<1xf32> to vector<1x1xf32>
    %reduce_sum3A_49 = vector.extract %reduce_sum3A_48[0, 0] : f32 from vector<1x1xf32>
    %reshape3A = vector.broadcast %reduce_sum3A_49 : f32 to vector<1x1xf32>
    %get3A_50 = arith.constant 0 : index
    %get3A_51 = arith.constant 0 : index
    %get3A_52 = vector.load %arg37[%get3A_50, %get3A_51] : memref<8x1xf32, #tpu.memory_space<vmem>>, vector<1x1xf32>
    %add3A_53 = arith.addf %reshape3A, %get3A_52 : vector<1x1xf32>
    %swap3A_54 = arith.constant 0 : index
    %swap3A_55 = arith.constant 0 : index
    %swap3A_56 = vector.load %arg39[%swap3A_54, %swap3A_55] : memref<8x1xf32, #tpu.memory_space<vmem>>, vector<1x1xf32>
    tpu.vector_store %arg39[%swap3A_54, %swap3A_55], %add3A_53 {strides = array<i32>} : memref<8x1xf32, #tpu.memory_space<vmem>>, vector<1x1xf32>,
    %get3A_57 = arith.constant 0 : index
    %get3A_58 = arith.constant 0 : index
    %get3A_59 = vector.load %arg18[%get3A_57, %get3A_58] : memref<8x128xf32, #tpu.memory_space<vmem>>, vector<8x1xf32>
    %get3A_60 = arith.constant 0 : index
    %get3A_61 = arith.constant 0 : index
    %get3A_62 = vector.load %arg26[%get3A_60, %get3A_61] : memref<8x128xf32, #tpu.memory_space<vmem>>, vector<8x1xf32>
    %add3A_63 = arith.addf %get3A_59, %get3A_62 : vector<8x1xf32>
    %add3A_64 = arith.constant 1.000000e+00 : f32
    %add3A_65 = vector.broadcast %add3A_64 : f32 to vector<8x1xf32>
    %add3A_66 = arith.addf %add3A_63, %add3A_65 : vector<8x1xf32>
    %rsqrt3A_67 = math.rsqrt %add3A_66 : vector<8x1xf32>
    %get3A_68 = arith.constant 0 : index
    %get3A_69 = arith.constant 0 : index
    %get3A_70 = vector.load %arg2[%get3A_68, %get3A_69] : memref<8x128xf32, #tpu.memory_space<vmem>>, vector<8x128xf32>
    %get3A_71 = arith.constant 0 : index
    %get3A_72 = arith.constant 0 : index
    %get3A_73 = vector.load %arg10[%get3A_71, %get3A_72] : memref<8x128xf32, #tpu.memory_space<vmem>>, vector<8x128xf32>
    %concatenate3A_74 = tpu.concatenate %get3A_70, %get3A_73 in 1 : vector<8x128xf32>, vector<8x128xf32> -> vector<8x256xf32>
    %mul3A_75 = vector.broadcast %rsqrt3A_67 : vector<8x1xf32> to vector<8x256xf32>
    %mul3A_76 = arith.mulf %concatenate3A_74, %mul3A_75 : vector<8x256xf32>
    %get3A_77 = arith.constant 0 : index
    %get3A_78 = arith.constant 0 : index
    %get3A_79 = vector.load %arg33[%get3A_77, %get3A_78] : memref<1x256xf32, #tpu.memory_space<vmem>>, vector<1x256xf32>
    %add3A_80 = vector.broadcast %get3A_79 : vector<1x256xf32> to vector<8x256xf32>
    %add3A_81 = arith.addf %mul3A_76, %add3A_80 : vector<8x256xf32>
    %max3A_82 = arith.constant 0.000000e+00 : f32
    %max3A_83 = vector.broadcast %max3A_82 : f32 to vector<8x256xf32>
    %max3A_84 = arith.maximumf %add3A_81, %max3A_83 : vector<8x256xf32>
    %reduce_sum3A_85 = arith.constant dense<0.000000e+00> : vector<256xf32>
    %reduce_sum3A_86 = vector.multi_reduction <add>, %max3A_84, %reduce_sum3A_85 [0] : vector<8x256xf32> to vector<256xf32>
    %broadcast_in_dim3A_87 = vector.shape_cast %reduce_sum3A_86 : vector<256xf32> to vector<1x256xf32>
    %div3A_88 = arith.constant 8.000000e+00 : f32
    %div3A_89 = vector.broadcast %div3A_88 : f32 to vector<1x256xf32>
    %div3A_90 = arith.divf %broadcast_in_dim3A_87, %div3A_89 : vector<1x256xf32>
    %reduce_max3A_91 = arith.constant dense<0xFF800000> : vector<256xf32>
    %reduce_max3A_92 = vector.multi_reduction <maximumf>, %max3A_84, %reduce_max3A_91 [0] : vector<8x256xf32> to vector<256xf32>
    %broadcast_in_dim3A_93 = vector.shape_cast %reduce_max3A_92 : vector<256xf32> to vector<1x256xf32>
    %concatenate3A_94 = tpu.concatenate %div3A_90, %broadcast_in_dim3A_93 in 1 : vector<1x256xf32>, vector<1x256xf32> -> vector<1x512xf32>
    %get3A_95 = arith.constant 1 : index
    %get3A_96 = arith.constant 0 : index
    %get3A_97 = arith.constant 0 : index
    %get3A_98 = vector.load %arg34[%get3A_95, %get3A_96, %get3A_97] : memref<8x512x16xf32, #tpu.memory_space<vmem>>, vector<1x512x16xf32>
    %get3A_99 = vector.shape_cast %get3A_98 : vector<1x512x16xf32> to vector<512x16xf32>
    %dot_general3A_100 = arith.constant dense<0.000000e+00> : vector<1x16xf32>
    %dot_general3A_101 = tpu.matmul %concatenate3A_94, %get3A_99, %dot_general3A_100 {dimension_numbers = #tpu.dot_dimension_numbers<[1], [0], [0], [1], [0, 0, 1, 1], [], []>, transpose_lhs_hint = false} : vector<1x512xf32>, vector<512x16xf32>, vector<1x16xf32> -> vector<1x16xf32>
    %get3A_102 = arith.constant 1 : index
    %get3A_103 = arith.constant 0 : index
    %get3A_104 = vector.load %arg35[%get3A_102, %get3A_103] : memref<8x16xf32, #tpu.memory_space<vmem>>, vector<1x16xf32>
    %add3A_105 = arith.addf %dot_general3A_101, %get3A_104 : vector<1x16xf32>
    %swap3A_106 = arith.constant 1 : index
    %swap3A_107 = arith.constant 0 : index
    %swap3A_108 = vector.load %arg38[%swap3A_106, %swap3A_107] : memref<8x16xf32, #tpu.memory_space<vmem>>, vector<1x16xf32>
    tpu.vector_store %arg38[%swap3A_106, %swap3A_107], %add3A_105 {strides = array<i32>} : memref<8x16xf32, #tpu.memory_space<vmem>>, vector<1x16xf32>,
    %squeeze3A_109 = vector.shape_cast %concatenate3A_94 : vector<1x512xf32> to vector<512xf32>
    %get3A_110 = arith.constant 1 : index
    %get3A_111 = arith.constant 0 : index
    %get3A_112 = vector.load %arg36[%get3A_110, %get3A_111] : memref<8x512xf32, #tpu.memory_space<vmem>>, vector<1x512xf32>
    %get3A_113 = vector.shape_cast %get3A_112 : vector<1x512xf32> to vector<512xf32>
    %mul3A_114 = arith.mulf %squeeze3A_109, %get3A_113 : vector<512xf32>
    %reduce_sum3A_115 = vector.shape_cast %mul3A_114 : vector<512xf32> to vector<1x512xf32>
    %reduce_sum3A_116 = arith.constant dense<0.000000e+00> : vector<1xf32>
    %reduce_sum3A_117 = vector.multi_reduction <add>, %reduce_sum3A_115, %reduce_sum3A_116 [1] : vector<1x512xf32> to vector<1xf32>
    %reduce_sum3A_118 = vector.shape_cast %reduce_sum3A_117 : vector<1xf32> to vector<1x1xf32>
    %reduce_sum3A_119 = vector.extract %reduce_sum3A_118[0, 0] : f32 from vector<1x1xf32>
    %reshape3A_120 = vector.broadcast %reduce_sum3A_119 : f32 to vector<1x1xf32>
    %get3A_121 = arith.constant 1 : index
    %get3A_122 = arith.constant 0 : index
    %get3A_123 = vector.load %arg37[%get3A_121, %get3A_122] : memref<8x1xf32, #tpu.memory_space<vmem>>, vector<1x1xf32>
    %add3A_124 = arith.addf %reshape3A_120, %get3A_123 : vector<1x1xf32>
    %swap3A_125 = arith.constant 1 : index
    %swap3A_126 = arith.constant 0 : index
    %swap3A_127 = vector.load %arg39[%swap3A_125, %swap3A_126] : memref<8x1xf32, #tpu.memory_space<vmem>>, vector<1x1xf32>
    tpu.vector_store %arg39[%swap3A_125, %swap3A_126], %add3A_124 {strides = array<i32>} : memref<8x1xf32, #tpu.memory_space<vmem>>, vector<1x1xf32>,
    %get3A_128 = arith.constant 0 : index
    %get3A_129 = arith.constant 0 : index
    %get3A_130 = vector.load %arg19[%get3A_128, %get3A_129] : memref<8x128xf32, #tpu.memory_space<vmem>>, vector<8x1xf32>
    %get3A_131 = arith.constant 0 : index
    %get3A_132 = arith.constant 0 : index
    %get3A_133 = vector.load %arg27[%get3A_131, %get3A_132] : memref<8x128xf32, #tpu.memory_space<vmem>>, vector<8x1xf32>
    %add3A_134 = arith.addf %get3A_130, %get3A_133 : vector<8x1xf32>
    %add3A_135 = arith.constant 1.000000e+00 : f32
    %add3A_136 = vector.broadcast %add3A_135 : f32 to vector<8x1xf32>
    %add3A_137 = arith.addf %add3A_134, %add3A_136 : vector<8x1xf32>
    %rsqrt3A_138 = math.rsqrt %add3A_137 : vector<8x1xf32>
    %get3A_139 = arith.constant 0 : index
    %get3A_140 = arith.constant 0 : index
    %get3A_141 = vector.load %arg3[%get3A_139, %get3A_140] : memref<8x128xf32, #tpu.memory_space<vmem>>, vector<8x128xf32>
    %get3A_142 = arith.constant 0 : index
    %get3A_143 = arith.constant 0 : index
    %get3A_144 = vector.load %arg11[%get3A_142, %get3A_143] : memref<8x128xf32, #tpu.memory_space<vmem>>, vector<8x128xf32>
    %concatenate3A_145 = tpu.concatenate %get3A_141, %get3A_144 in 1 : vector<8x128xf32>, vector<8x128xf32> -> vector<8x256xf32>
    %mul3A_146 = vector.broadcast %rsqrt3A_138 : vector<8x1xf32> to vector<8x256xf32>
    %mul3A_147 = arith.mulf %concatenate3A_145, %mul3A_146 : vector<8x256xf32>
    %get3A_148 = arith.constant 0 : index
    %get3A_149 = arith.constant 0 : index
    %get3A_150 = vector.load %arg33[%get3A_148, %get3A_149] : memref<1x256xf32, #tpu.memory_space<vmem>>, vector<1x256xf32>
    %add3A_151 = vector.broadcast %get3A_150 : vector<1x256xf32> to vector<8x256xf32>
    %add3A_152 = arith.addf %mul3A_147, %add3A_151 : vector<8x256xf32>
    %max3A_153 = arith.constant 0.000000e+00 : f32
    %max3A_154 = vector.broadcast %max3A_153 : f32 to vector<8x256xf32>
    %max3A_155 = arith.maximumf %add3A_152, %max3A_154 : vector<8x256xf32>
    %reduce_sum3A_156 = arith.constant dense<0.000000e+00> : vector<256xf32>
    %reduce_sum3A_157 = vector.multi_reduction <add>, %max3A_155, %reduce_sum3A_156 [0] : vector<8x256xf32> to vector<256xf32>
    %broadcast_in_dim3A_158 = vector.shape_cast %reduce_sum3A_157 : vector<256xf32> to vector<1x256xf32>
    %div3A_159 = arith.constant 8.000000e+00 : f32
    %div3A_160 = vector.broadcast %div3A_159 : f32 to vector<1x256xf32>
    %div3A_161 = arith.divf %broadcast_in_dim3A_158, %div3A_160 : vector<1x256xf32>
    %reduce_max3A_162 = arith.constant dense<0xFF800000> : vector<256xf32>
    %reduce_max3A_163 = vector.multi_reduction <maximumf>, %max3A_155, %reduce_max3A_162 [0] : vector<8x256xf32> to vector<256xf32>
    %broadcast_in_dim3A_164 = vector.shape_cast %reduce_max3A_163 : vector<256xf32> to vector<1x256xf32>
    %concatenate3A_165 = tpu.concatenate %div3A_161, %broadcast_in_dim3A_164 in 1 : vector<1x256xf32>, vector<1x256xf32> -> vector<1x512xf32>
    %get3A_166 = arith.constant 2 : index
    %get3A_167 = arith.constant 0 : index
    %get3A_168 = arith.constant 0 : index
    %get3A_169 = vector.load %arg34[%get3A_166, %get3A_167, %get3A_168] : memref<8x512x16xf32, #tpu.memory_space<vmem>>, vector<1x512x16xf32>
    %get3A_170 = vector.shape_cast %get3A_169 : vector<1x512x16xf32> to vector<512x16xf32>
    %dot_general3A_171 = arith.constant dense<0.000000e+00> : vector<1x16xf32>
    %dot_general3A_172 = tpu.matmul %concatenate3A_165, %get3A_170, %dot_general3A_171 {dimension_numbers = #tpu.dot_dimension_numbers<[1], [0], [0], [1], [0, 0, 1, 1], [], []>, transpose_lhs_hint = false} : vector<1x512xf32>, vector<512x16xf32>, vector<1x16xf32> -> vector<1x16xf32>
    %get3A_173 = arith.constant 2 : index
    %get3A_174 = arith.constant 0 : index
    %get3A_175 = vector.load %arg35[%get3A_173, %get3A_174] : memref<8x16xf32, #tpu.memory_space<vmem>>, vector<1x16xf32>
    %add3A_176 = arith.addf %dot_general3A_172, %get3A_175 : vector<1x16xf32>
    %swap3A_177 = arith.constant 2 : index
    %swap3A_178 = arith.constant 0 : index
    %swap3A_179 = vector.load %arg38[%swap3A_177, %swap3A_178] : memref<8x16xf32, #tpu.memory_space<vmem>>, vector<1x16xf32>
    tpu.vector_store %arg38[%swap3A_177, %swap3A_178], %add3A_176 {strides = array<i32>} : memref<8x16xf32, #tpu.memory_space<vmem>>, vector<1x16xf32>,
    %squeeze3A_180 = vector.shape_cast %concatenate3A_165 : vector<1x512xf32> to vector<512xf32>
    %get3A_181 = arith.constant 2 : index
    %get3A_182 = arith.constant 0 : index
    %get3A_183 = vector.load %arg36[%get3A_181, %get3A_182] : memref<8x512xf32, #tpu.memory_space<vmem>>, vector<1x512xf32>
    %get3A_184 = vector.shape_cast %get3A_183 : vector<1x512xf32> to vector<512xf32>
    %mul3A_185 = arith.mulf %squeeze3A_180, %get3A_184 : vector<512xf32>
    %reduce_sum3A_186 = vector.shape_cast %mul3A_185 : vector<512xf32> to vector<1x512xf32>
    %reduce_sum3A_187 = arith.constant dense<0.000000e+00> : vector<1xf32>
    %reduce_sum3A_188 = vector.multi_reduction <add>, %reduce_sum3A_186, %reduce_sum3A_187 [1] : vector<1x512xf32> to vector<1xf32>
    %reduce_sum3A_189 = vector.shape_cast %reduce_sum3A_188 : vector<1xf32> to vector<1x1xf32>
    %reduce_sum3A_190 = vector.extract %reduce_sum3A_189[0, 0] : f32 from vector<1x1xf32>
    %reshape3A_191 = vector.broadcast %reduce_sum3A_190 : f32 to vector<1x1xf32>
    %get3A_192 = arith.constant 2 : index
    %get3A_193 = arith.constant 0 : index
    %get3A_194 = vector.load %arg37[%get3A_192, %get3A_193] : memref<8x1xf32, #tpu.memory_space<vmem>>, vector<1x1xf32>
    %add3A_195 = arith.addf %reshape3A_191, %get3A_194 : vector<1x1xf32>
    %swap3A_196 = arith.constant 2 : index
    %swap3A_197 = arith.constant 0 : index
    %swap3A_198 = vector.load %arg39[%swap3A_196, %swap3A_197] : memref<8x1xf32, #tpu.memory_space<vmem>>, vector<1x1xf32>
    tpu.vector_store %arg39[%swap3A_196, %swap3A_197], %add3A_195 {strides = array<i32>} : memref<8x1xf32, #tpu.memory_space<vmem>>, vector<1x1xf32>,
    %get3A_199 = arith.constant 0 : index
    %get3A_200 = arith.constant 0 : index
    %get3A_201 = vector.load %arg20[%get3A_199, %get3A_200] : memref<8x128xf32, #tpu.memory_space<vmem>>, vector<8x1xf32>
    %get3A_202 = arith.constant 0 : index
    %get3A_203 = arith.constant 0 : index
    %get3A_204 = vector.load %arg28[%get3A_202, %get3A_203] : memref<8x128xf32, #tpu.memory_space<vmem>>, vector<8x1xf32>
    %add3A_205 = arith.addf %get3A_201, %get3A_204 : vector<8x1xf32>
    %add3A_206 = arith.constant 1.000000e+00 : f32
    %add3A_207 = vector.broadcast %add3A_206 : f32 to vector<8x1xf32>
    %add3A_208 = arith.addf %add3A_205, %add3A_207 : vector<8x1xf32>
    %rsqrt3A_209 = math.rsqrt %add3A_208 : vector<8x1xf32>
    %get3A_210 = arith.constant 0 : index
    %get3A_211 = arith.constant 0 : index
    %get3A_212 = vector.load %arg4[%get3A_210, %get3A_211] : memref<8x128xf32, #tpu.memory_space<vmem>>, vector<8x128xf32>
    %get3A_213 = arith.constant 0 : index
    %get3A_214 = arith.constant 0 : index
    %get3A_215 = vector.load %arg12[%get3A_213, %get3A_214] : memref<8x128xf32, #tpu.memory_space<vmem>>, vector<8x128xf32>
    %concatenate3A_216 = tpu.concatenate %get3A_212, %get3A_215 in 1 : vector<8x128xf32>, vector<8x128xf32> -> vector<8x256xf32>
    %mul3A_217 = vector.broadcast %rsqrt3A_209 : vector<8x1xf32> to vector<8x256xf32>
    %mul3A_218 = arith.mulf %concatenate3A_216, %mul3A_217 : vector<8x256xf32>
    %get3A_219 = arith.constant 0 : index
    %get3A_220 = arith.constant 0 : index
    %get3A_221 = vector.load %arg33[%get3A_219, %get3A_220] : memref<1x256xf32, #tpu.memory_space<vmem>>, vector<1x256xf32>
    %add3A_222 = vector.broadcast %get3A_221 : vector<1x256xf32> to vector<8x256xf32>
    %add3A_223 = arith.addf %mul3A_218, %add3A_222 : vector<8x256xf32>
    %max3A_224 = arith.constant 0.000000e+00 : f32
    %max3A_225 = vector.broadcast %max3A_224 : f32 to vector<8x256xf32>
    %max3A_226 = arith.maximumf %add3A_223, %max3A_225 : vector<8x256xf32>
    %reduce_sum3A_227 = arith.constant dense<0.000000e+00> : vector<256xf32>
    %reduce_sum3A_228 = vector.multi_reduction <add>, %max3A_226, %reduce_sum3A_227 [0] : vector<8x256xf32> to vector<256xf32>
    %broadcast_in_dim3A_229 = vector.shape_cast %reduce_sum3A_228 : vector<256xf32> to vector<1x256xf32>
    %div3A_230 = arith.constant 8.000000e+00 : f32
    %div3A_231 = vector.broadcast %div3A_230 : f32 to vector<1x256xf32>
    %div3A_232 = arith.divf %broadcast_in_dim3A_229, %div3A_231 : vector<1x256xf32>
    %reduce_max3A_233 = arith.constant dense<0xFF800000> : vector<256xf32>
    %reduce_max3A_234 = vector.multi_reduction <maximumf>, %max3A_226, %reduce_max3A_233 [0] : vector<8x256xf32> to vector<256xf32>
    %broadcast_in_dim3A_235 = vector.shape_cast %reduce_max3A_234 : vector<256xf32> to vector<1x256xf32>
    %concatenate3A_236 = tpu.concatenate %div3A_232, %broadcast_in_dim3A_235 in 1 : vector<1x256xf32>, vector<1x256xf32> -> vector<1x512xf32>
    %get3A_237 = arith.constant 3 : index
    %get3A_238 = arith.constant 0 : index
    %get3A_239 = arith.constant 0 : index
    %get3A_240 = vector.load %arg34[%get3A_237, %get3A_238, %get3A_239] : memref<8x512x16xf32, #tpu.memory_space<vmem>>, vector<1x512x16xf32>
    %get3A_241 = vector.shape_cast %get3A_240 : vector<1x512x16xf32> to vector<512x16xf32>
    %dot_general3A_242 = arith.constant dense<0.000000e+00> : vector<1x16xf32>
    %dot_general3A_243 = tpu.matmul %concatenate3A_236, %get3A_241, %dot_general3A_242 {dimension_numbers = #tpu.dot_dimension_numbers<[1], [0], [0], [1], [0, 0, 1, 1], [], []>, transpose_lhs_hint = false} : vector<1x512xf32>, vector<512x16xf32>, vector<1x16xf32> -> vector<1x16xf32>
    %get3A_244 = arith.constant 3 : index
    %get3A_245 = arith.constant 0 : index
    %get3A_246 = vector.load %arg35[%get3A_244, %get3A_245] : memref<8x16xf32, #tpu.memory_space<vmem>>, vector<1x16xf32>
    %add3A_247 = arith.addf %dot_general3A_243, %get3A_246 : vector<1x16xf32>
    %swap3A_248 = arith.constant 3 : index
    %swap3A_249 = arith.constant 0 : index
    %swap3A_250 = vector.load %arg38[%swap3A_248, %swap3A_249] : memref<8x16xf32, #tpu.memory_space<vmem>>, vector<1x16xf32>
    tpu.vector_store %arg38[%swap3A_248, %swap3A_249], %add3A_247 {strides = array<i32>} : memref<8x16xf32, #tpu.memory_space<vmem>>, vector<1x16xf32>,
    %squeeze3A_251 = vector.shape_cast %concatenate3A_236 : vector<1x512xf32> to vector<512xf32>
    %get3A_252 = arith.constant 3 : index
    %get3A_253 = arith.constant 0 : index
    %get3A_254 = vector.load %arg36[%get3A_252, %get3A_253] : memref<8x512xf32, #tpu.memory_space<vmem>>, vector<1x512xf32>
    %get3A_255 = vector.shape_cast %get3A_254 : vector<1x512xf32> to vector<512xf32>
    %mul3A_256 = arith.mulf %squeeze3A_251, %get3A_255 : vector<512xf32>
    %reduce_sum3A_257 = vector.shape_cast %mul3A_256 : vector<512xf32> to vector<1x512xf32>
    %reduce_sum3A_258 = arith.constant dense<0.000000e+00> : vector<1xf32>
    %reduce_sum3A_259 = vector.multi_reduction <add>, %reduce_sum3A_257, %reduce_sum3A_258 [1] : vector<1x512xf32> to vector<1xf32>
    %reduce_sum3A_260 = vector.shape_cast %reduce_sum3A_259 : vector<1xf32> to vector<1x1xf32>
    %reduce_sum3A_261 = vector.extract %reduce_sum3A_260[0, 0] : f32 from vector<1x1xf32>
    %reshape3A_262 = vector.broadcast %reduce_sum3A_261 : f32 to vector<1x1xf32>
    %get3A_263 = arith.constant 3 : index
    %get3A_264 = arith.constant 0 : index
    %get3A_265 = vector.load %arg37[%get3A_263, %get3A_264] : memref<8x1xf32, #tpu.memory_space<vmem>>, vector<1x1xf32>
    %add3A_266 = arith.addf %reshape3A_262, %get3A_265 : vector<1x1xf32>
    %swap3A_267 = arith.constant 3 : index
    %swap3A_268 = arith.constant 0 : index
    %swap3A_269 = vector.load %arg39[%swap3A_267, %swap3A_268] : memref<8x1xf32, #tpu.memory_space<vmem>>, vector<1x1xf32>
    tpu.vector_store %arg39[%swap3A_267, %swap3A_268], %add3A_266 {strides = array<i32>} : memref<8x1xf32, #tpu.memory_space<vmem>>, vector<1x1xf32>,
    %get3A_270 = arith.constant 0 : index
    %get3A_271 = arith.constant 0 : index
    %get3A_272 = vector.load %arg21[%get3A_270, %get3A_271] : memref<8x128xf32, #tpu.memory_space<vmem>>, vector<8x1xf32>
    %get3A_273 = arith.constant 0 : index
    %get3A_274 = arith.constant 0 : index
    %get3A_275 = vector.load %arg29[%get3A_273, %get3A_274] : memref<8x128xf32, #tpu.memory_space<vmem>>, vector<8x1xf32>
    %add3A_276 = arith.addf %get3A_272, %get3A_275 : vector<8x1xf32>
    %add3A_277 = arith.constant 1.000000e+00 : f32
    %add3A_278 = vector.broadcast %add3A_277 : f32 to vector<8x1xf32>
    %add3A_279 = arith.addf %add3A_276, %add3A_278 : vector<8x1xf32>
    %rsqrt3A_280 = math.rsqrt %add3A_279 : vector<8x1xf32>
    %get3A_281 = arith.constant 0 : index
    %get3A_282 = arith.constant 0 : index
    %get3A_283 = vector.load %arg5[%get3A_281, %get3A_282] : memref<8x128xf32, #tpu.memory_space<vmem>>, vector<8x128xf32>
    %get3A_284 = arith.constant 0 : index
    %get3A_285 = arith.constant 0 : index
    %get3A_286 = vector.load %arg13[%get3A_284, %get3A_285] : memref<8x128xf32, #tpu.memory_space<vmem>>, vector<8x128xf32>
    %concatenate3A_287 = tpu.concatenate %get3A_283, %get3A_286 in 1 : vector<8x128xf32>, vector<8x128xf32> -> vector<8x256xf32>
    %mul3A_288 = vector.broadcast %rsqrt3A_280 : vector<8x1xf32> to vector<8x256xf32>
    %mul3A_289 = arith.mulf %concatenate3A_287, %mul3A_288 : vector<8x256xf32>
    %get3A_290 = arith.constant 0 : index
    %get3A_291 = arith.constant 0 : index
    %get3A_292 = vector.load %arg33[%get3A_290, %get3A_291] : memref<1x256xf32, #tpu.memory_space<vmem>>, vector<1x256xf32>
    %add3A_293 = vector.broadcast %get3A_292 : vector<1x256xf32> to vector<8x256xf32>
    %add3A_294 = arith.addf %mul3A_289, %add3A_293 : vector<8x256xf32>
    %max3A_295 = arith.constant 0.000000e+00 : f32
    %max3A_296 = vector.broadcast %max3A_295 : f32 to vector<8x256xf32>
    %max3A_297 = arith.maximumf %add3A_294, %max3A_296 : vector<8x256xf32>
    %reduce_sum3A_298 = arith.constant dense<0.000000e+00> : vector<256xf32>
    %reduce_sum3A_299 = vector.multi_reduction <add>, %max3A_297, %reduce_sum3A_298 [0] : vector<8x256xf32> to vector<256xf32>
    %broadcast_in_dim3A_300 = vector.shape_cast %reduce_sum3A_299 : vector<256xf32> to vector<1x256xf32>
    %div3A_301 = arith.constant 8.000000e+00 : f32
    %div3A_302 = vector.broadcast %div3A_301 : f32 to vector<1x256xf32>
    %div3A_303 = arith.divf %broadcast_in_dim3A_300, %div3A_302 : vector<1x256xf32>
    %reduce_max3A_304 = arith.constant dense<0xFF800000> : vector<256xf32>
    %reduce_max3A_305 = vector.multi_reduction <maximumf>, %max3A_297, %reduce_max3A_304 [0] : vector<8x256xf32> to vector<256xf32>
    %broadcast_in_dim3A_306 = vector.shape_cast %reduce_max3A_305 : vector<256xf32> to vector<1x256xf32>
    %concatenate3A_307 = tpu.concatenate %div3A_303, %broadcast_in_dim3A_306 in 1 : vector<1x256xf32>, vector<1x256xf32> -> vector<1x512xf32>
    %get3A_308 = arith.constant 4 : index
    %get3A_309 = arith.constant 0 : index
    %get3A_310 = arith.constant 0 : index
    %get3A_311 = vector.load %arg34[%get3A_308, %get3A_309, %get3A_310] : memref<8x512x16xf32, #tpu.memory_space<vmem>>, vector<1x512x16xf32>
    %get3A_312 = vector.shape_cast %get3A_311 : vector<1x512x16xf32> to vector<512x16xf32>
    %dot_general3A_313 = arith.constant dense<0.000000e+00> : vector<1x16xf32>
    %dot_general3A_314 = tpu.matmul %concatenate3A_307, %get3A_312, %dot_general3A_313 {dimension_numbers = #tpu.dot_dimension_numbers<[1], [0], [0], [1], [0, 0, 1, 1], [], []>, transpose_lhs_hint = false} : vector<1x512xf32>, vector<512x16xf32>, vector<1x16xf32> -> vector<1x16xf32>
    %get3A_315 = arith.constant 4 : index
    %get3A_316 = arith.constant 0 : index
    %get3A_317 = vector.load %arg35[%get3A_315, %get3A_316] : memref<8x16xf32, #tpu.memory_space<vmem>>, vector<1x16xf32>
    %add3A_318 = arith.addf %dot_general3A_314, %get3A_317 : vector<1x16xf32>
    %swap3A_319 = arith.constant 4 : index
    %swap3A_320 = arith.constant 0 : index
    %swap3A_321 = vector.load %arg38[%swap3A_319, %swap3A_320] : memref<8x16xf32, #tpu.memory_space<vmem>>, vector<1x16xf32>
    tpu.vector_store %arg38[%swap3A_319, %swap3A_320], %add3A_318 {strides = array<i32>} : memref<8x16xf32, #tpu.memory_space<vmem>>, vector<1x16xf32>,
    %squeeze3A_322 = vector.shape_cast %concatenate3A_307 : vector<1x512xf32> to vector<512xf32>
    %get3A_323 = arith.constant 4 : index
    %get3A_324 = arith.constant 0 : index
    %get3A_325 = vector.load %arg36[%get3A_323, %get3A_324] : memref<8x512xf32, #tpu.memory_space<vmem>>, vector<1x512xf32>
    %get3A_326 = vector.shape_cast %get3A_325 : vector<1x512xf32> to vector<512xf32>
    %mul3A_327 = arith.mulf %squeeze3A_322, %get3A_326 : vector<512xf32>
    %reduce_sum3A_328 = vector.shape_cast %mul3A_327 : vector<512xf32> to vector<1x512xf32>
    %reduce_sum3A_329 = arith.constant dense<0.000000e+00> : vector<1xf32>
    %reduce_sum3A_330 = vector.multi_reduction <add>, %reduce_sum3A_328, %reduce_sum3A_329 [1] : vector<1x512xf32> to vector<1xf32>
    %reduce_sum3A_331 = vector.shape_cast %reduce_sum3A_330 : vector<1xf32> to vector<1x1xf32>
    %reduce_sum3A_332 = vector.extract %reduce_sum3A_331[0, 0] : f32 from vector<1x1xf32>
    %reshape3A_333 = vector.broadcast %reduce_sum3A_332 : f32 to vector<1x1xf32>
    %get3A_334 = arith.constant 4 : index
    %get3A_335 = arith.constant 0 : index
    %get3A_336 = vector.load %arg37[%get3A_334, %get3A_335] : memref<8x1xf32, #tpu.memory_space<vmem>>, vector<1x1xf32>
    %add3A_337 = arith.addf %reshape3A_333, %get3A_336 : vector<1x1xf32>
    %swap3A_338 = arith.constant 4 : index
    %swap3A_339 = arith.constant 0 : index
    %swap3A_340 = vector.load %arg39[%swap3A_338, %swap3A_339] : memref<8x1xf32, #tpu.memory_space<vmem>>, vector<1x1xf32>
    tpu.vector_store %arg39[%swap3A_338, %swap3A_339], %add3A_337 {strides = array<i32>} : memref<8x1xf32, #tpu.memory_space<vmem>>, vector<1x1xf32>,
    %get3A_341 = arith.constant 0 : index
    %get3A_342 = arith.constant 0 : index
    %get3A_343 = vector.load %arg22[%get3A_341, %get3A_342] : memref<8x128xf32, #tpu.memory_space<vmem>>, vector<8x1xf32>
    %get3A_344 = arith.constant 0 : index
    %get3A_345 = arith.constant 0 : index
    %get3A_346 = vector.load %arg30[%get3A_344, %get3A_345] : memref<8x128xf32, #tpu.memory_space<vmem>>, vector<8x1xf32>
    %add3A_347 = arith.addf %get3A_343, %get3A_346 : vector<8x1xf32>
    %add3A_348 = arith.constant 1.000000e+00 : f32
    %add3A_349 = vector.broadcast %add3A_348 : f32 to vector<8x1xf32>
    %add3A_350 = arith.addf %add3A_347, %add3A_349 : vector<8x1xf32>
    %rsqrt3A_351 = math.rsqrt %add3A_350 : vector<8x1xf32>
    %get3A_352 = arith.constant 0 : index
    %get3A_353 = arith.constant 0 : index
    %get3A_354 = vector.load %arg6[%get3A_352, %get3A_353] : memref<8x128xf32, #tpu.memory_space<vmem>>, vector<8x128xf32>
    %get3A_355 = arith.constant 0 : index
    %get3A_356 = arith.constant 0 : index
    %get3A_357 = vector.load %arg14[%get3A_355, %get3A_356] : memref<8x128xf32, #tpu.memory_space<vmem>>, vector<8x128xf32>
    %concatenate3A_358 = tpu.concatenate %get3A_354, %get3A_357 in 1 : vector<8x128xf32>, vector<8x128xf32> -> vector<8x256xf32>
    %mul3A_359 = vector.broadcast %rsqrt3A_351 : vector<8x1xf32> to vector<8x256xf32>
    %mul3A_360 = arith.mulf %concatenate3A_358, %mul3A_359 : vector<8x256xf32>
    %get3A_361 = arith.constant 0 : index
    %get3A_362 = arith.constant 0 : index
    %get3A_363 = vector.load %arg33[%get3A_361, %get3A_362] : memref<1x256xf32, #tpu.memory_space<vmem>>, vector<1x256xf32>
    %add3A_364 = vector.broadcast %get3A_363 : vector<1x256xf32> to vector<8x256xf32>
    %add3A_365 = arith.addf %mul3A_360, %add3A_364 : vector<8x256xf32>
    %max3A_366 = arith.constant 0.000000e+00 : f32
    %max3A_367 = vector.broadcast %max3A_366 : f32 to vector<8x256xf32>
    %max3A_368 = arith.maximumf %add3A_365, %max3A_367 : vector<8x256xf32>
    %reduce_sum3A_369 = arith.constant dense<0.000000e+00> : vector<256xf32>
    %reduce_sum3A_370 = vector.multi_reduction <add>, %max3A_368, %reduce_sum3A_369 [0] : vector<8x256xf32> to vector<256xf32>
    %broadcast_in_dim3A_371 = vector.shape_cast %reduce_sum3A_370 : vector<256xf32> to vector<1x256xf32>
    %div3A_372 = arith.constant 8.000000e+00 : f32
    %div3A_373 = vector.broadcast %div3A_372 : f32 to vector<1x256xf32>
    %div3A_374 = arith.divf %broadcast_in_dim3A_371, %div3A_373 : vector<1x256xf32>
    %reduce_max3A_375 = arith.constant dense<0xFF800000> : vector<256xf32>
    %reduce_max3A_376 = vector.multi_reduction <maximumf>, %max3A_368, %reduce_max3A_375 [0] : vector<8x256xf32> to vector<256xf32>
    %broadcast_in_dim3A_377 = vector.shape_cast %reduce_max3A_376 : vector<256xf32> to vector<1x256xf32>
    %concatenate3A_378 = tpu.concatenate %div3A_374, %broadcast_in_dim3A_377 in 1 : vector<1x256xf32>, vector<1x256xf32> -> vector<1x512xf32>
    %get3A_379 = arith.constant 5 : index
    %get3A_380 = arith.constant 0 : index
    %get3A_381 = arith.constant 0 : index
    %get3A_382 = vector.load %arg34[%get3A_379, %get3A_380, %get3A_381] : memref<8x512x16xf32, #tpu.memory_space<vmem>>, vector<1x512x16xf32>
    %get3A_383 = vector.shape_cast %get3A_382 : vector<1x512x16xf32> to vector<512x16xf32>
    %dot_general3A_384 = arith.constant dense<0.000000e+00> : vector<1x16xf32>
    %dot_general3A_385 = tpu.matmul %concatenate3A_378, %get3A_383, %dot_general3A_384 {dimension_numbers = #tpu.dot_dimension_numbers<[1], [0], [0], [1], [0, 0, 1, 1], [], []>, transpose_lhs_hint = false} : vector<1x512xf32>, vector<512x16xf32>, vector<1x16xf32> -> vector<1x16xf32>
    %get3A_386 = arith.constant 5 : index
    %get3A_387 = arith.constant 0 : index
    %get3A_388 = vector.load %arg35[%get3A_386, %get3A_387] : memref<8x16xf32, #tpu.memory_space<vmem>>, vector<1x16xf32>
    %add3A_389 = arith.addf %dot_general3A_385, %get3A_388 : vector<1x16xf32>
    %swap3A_390 = arith.constant 5 : index
    %swap3A_391 = arith.constant 0 : index
    %swap3A_392 = vector.load %arg38[%swap3A_390, %swap3A_391] : memref<8x16xf32, #tpu.memory_space<vmem>>, vector<1x16xf32>
    tpu.vector_store %arg38[%swap3A_390, %swap3A_391], %add3A_389 {strides = array<i32>} : memref<8x16xf32, #tpu.memory_space<vmem>>, vector<1x16xf32>,
    %squeeze3A_393 = vector.shape_cast %concatenate3A_378 : vector<1x512xf32> to vector<512xf32>
    %get3A_394 = arith.constant 5 : index
    %get3A_395 = arith.constant 0 : index
    %get3A_396 = vector.load %arg36[%get3A_394, %get3A_395] : memref<8x512xf32, #tpu.memory_space<vmem>>, vector<1x512xf32>
    %get3A_397 = vector.shape_cast %get3A_396 : vector<1x512xf32> to vector<512xf32>
    %mul3A_398 = arith.mulf %squeeze3A_393, %get3A_397 : vector<512xf32>
    %reduce_sum3A_399 = vector.shape_cast %mul3A_398 : vector<512xf32> to vector<1x512xf32>
    %reduce_sum3A_400 = arith.constant dense<0.000000e+00> : vector<1xf32>
    %reduce_sum3A_401 = vector.multi_reduction <add>, %reduce_sum3A_399, %reduce_sum3A_400 [1] : vector<1x512xf32> to vector<1xf32>
    %reduce_sum3A_402 = vector.shape_cast %reduce_sum3A_401 : vector<1xf32> to vector<1x1xf32>
    %reduce_sum3A_403 = vector.extract %reduce_sum3A_402[0, 0] : f32 from vector<1x1xf32>
    %reshape3A_404 = vector.broadcast %reduce_sum3A_403 : f32 to vector<1x1xf32>
    %get3A_405 = arith.constant 5 : index
    %get3A_406 = arith.constant 0 : index
    %get3A_407 = vector.load %arg37[%get3A_405, %get3A_406] : memref<8x1xf32, #tpu.memory_space<vmem>>, vector<1x1xf32>
    %add3A_408 = arith.addf %reshape3A_404, %get3A_407 : vector<1x1xf32>
    %swap3A_409 = arith.constant 5 : index
    %swap3A_410 = arith.constant 0 : index
    %swap3A_411 = vector.load %arg39[%swap3A_409, %swap3A_410] : memref<8x1xf32, #tpu.memory_space<vmem>>, vector<1x1xf32>
    tpu.vector_store %arg39[%swap3A_409, %swap3A_410], %add3A_408 {strides = array<i32>} : memref<8x1xf32, #tpu.memory_space<vmem>>, vector<1x1xf32>,
    %get3A_412 = arith.constant 0 : index
    %get3A_413 = arith.constant 0 : index
    %get3A_414 = vector.load %arg23[%get3A_412, %get3A_413] : memref<8x128xf32, #tpu.memory_space<vmem>>, vector<8x1xf32>
    %get3A_415 = arith.constant 0 : index
    %get3A_416 = arith.constant 0 : index
    %get3A_417 = vector.load %arg31[%get3A_415, %get3A_416] : memref<8x128xf32, #tpu.memory_space<vmem>>, vector<8x1xf32>
    %add3A_418 = arith.addf %get3A_414, %get3A_417 : vector<8x1xf32>
    %add3A_419 = arith.constant 1.000000e+00 : f32
    %add3A_420 = vector.broadcast %add3A_419 : f32 to vector<8x1xf32>
    %add3A_421 = arith.addf %add3A_418, %add3A_420 : vector<8x1xf32>
    %rsqrt3A_422 = math.rsqrt %add3A_421 : vector<8x1xf32>
    %get3A_423 = arith.constant 0 : index
    %get3A_424 = arith.constant 0 : index
    %get3A_425 = vector.load %arg7[%get3A_423, %get3A_424] : memref<8x128xf32, #tpu.memory_space<vmem>>, vector<8x128xf32>
    %get3A_426 = arith.constant 0 : index
    %get3A_427 = arith.constant 0 : index
    %get3A_428 = vector.load %arg15[%get3A_426, %get3A_427] : memref<8x128xf32, #tpu.memory_space<vmem>>, vector<8x128xf32>
    %concatenate3A_429 = tpu.concatenate %get3A_425, %get3A_428 in 1 : vector<8x128xf32>, vector<8x128xf32> -> vector<8x256xf32>
    %mul3A_430 = vector.broadcast %rsqrt3A_422 : vector<8x1xf32> to vector<8x256xf32>
    %mul3A_431 = arith.mulf %concatenate3A_429, %mul3A_430 : vector<8x256xf32>
    %get3A_432 = arith.constant 0 : index
    %get3A_433 = arith.constant 0 : index
    %get3A_434 = vector.load %arg33[%get3A_432, %get3A_433] : memref<1x256xf32, #tpu.memory_space<vmem>>, vector<1x256xf32>
    %add3A_435 = vector.broadcast %get3A_434 : vector<1x256xf32> to vector<8x256xf32>
    %add3A_436 = arith.addf %mul3A_431, %add3A_435 : vector<8x256xf32>
    %max3A_437 = arith.constant 0.000000e+00 : f32
    %max3A_438 = vector.broadcast %max3A_437 : f32 to vector<8x256xf32>
    %max3A_439 = arith.maximumf %add3A_436, %max3A_438 : vector<8x256xf32>
    %reduce_sum3A_440 = arith.constant dense<0.000000e+00> : vector<256xf32>
    %reduce_sum3A_441 = vector.multi_reduction <add>, %max3A_439, %reduce_sum3A_440 [0] : vector<8x256xf32> to vector<256xf32>
    %broadcast_in_dim3A_442 = vector.shape_cast %reduce_sum3A_441 : vector<256xf32> to vector<1x256xf32>
    %div3A_443 = arith.constant 8.000000e+00 : f32
    %div3A_444 = vector.broadcast %div3A_443 : f32 to vector<1x256xf32>
    %div3A_445 = arith.divf %broadcast_in_dim3A_442, %div3A_444 : vector<1x256xf32>
    %reduce_max3A_446 = arith.constant dense<0xFF800000> : vector<256xf32>
    %reduce_max3A_447 = vector.multi_reduction <maximumf>, %max3A_439, %reduce_max3A_446 [0] : vector<8x256xf32> to vector<256xf32>
    %broadcast_in_dim3A_448 = vector.shape_cast %reduce_max3A_447 : vector<256xf32> to vector<1x256xf32>
    %concatenate3A_449 = tpu.concatenate %div3A_445, %broadcast_in_dim3A_448 in 1 : vector<1x256xf32>, vector<1x256xf32> -> vector<1x512xf32>
    %get3A_450 = arith.constant 6 : index
    %get3A_451 = arith.constant 0 : index
    %get3A_452 = arith.constant 0 : index
    %get3A_453 = vector.load %arg34[%get3A_450, %get3A_451, %get3A_452] : memref<8x512x16xf32, #tpu.memory_space<vmem>>, vector<1x512x16xf32>
    %get3A_454 = vector.shape_cast %get3A_453 : vector<1x512x16xf32> to vector<512x16xf32>
    %dot_general3A_455 = arith.constant dense<0.000000e+00> : vector<1x16xf32>
    %dot_general3A_456 = tpu.matmul %concatenate3A_449, %get3A_454, %dot_general3A_455 {dimension_numbers = #tpu.dot_dimension_numbers<[1], [0], [0], [1], [0, 0, 1, 1], [], []>, transpose_lhs_hint = false} : vector<1x512xf32>, vector<512x16xf32>, vector<1x16xf32> -> vector<1x16xf32>
    %get3A_457 = arith.constant 6 : index
    %get3A_458 = arith.constant 0 : index
    %get3A_459 = vector.load %arg35[%get3A_457, %get3A_458] : memref<8x16xf32, #tpu.memory_space<vmem>>, vector<1x16xf32>
    %add3A_460 = arith.addf %dot_general3A_456, %get3A_459 : vector<1x16xf32>
    %swap3A_461 = arith.constant 6 : index
    %swap3A_462 = arith.constant 0 : index
    %swap3A_463 = vector.load %arg38[%swap3A_461, %swap3A_462] : memref<8x16xf32, #tpu.memory_space<vmem>>, vector<1x16xf32>
    tpu.vector_store %arg38[%swap3A_461, %swap3A_462], %add3A_460 {strides = array<i32>} : memref<8x16xf32, #tpu.memory_space<vmem>>, vector<1x16xf32>,
    %squeeze3A_464 = vector.shape_cast %concatenate3A_449 : vector<1x512xf32> to vector<512xf32>
    %get3A_465 = arith.constant 6 : index
    %get3A_466 = arith.constant 0 : index
    %get3A_467 = vector.load %arg36[%get3A_465, %get3A_466] : memref<8x512xf32, #tpu.memory_space<vmem>>, vector<1x512xf32>
    %get3A_468 = vector.shape_cast %get3A_467 : vector<1x512xf32> to vector<512xf32>
    %mul3A_469 = arith.mulf %squeeze3A_464, %get3A_468 : vector<512xf32>
    %reduce_sum3A_470 = vector.shape_cast %mul3A_469 : vector<512xf32> to vector<1x512xf32>
    %reduce_sum3A_471 = arith.constant dense<0.000000e+00> : vector<1xf32>
    %reduce_sum3A_472 = vector.multi_reduction <add>, %reduce_sum3A_470, %reduce_sum3A_471 [1] : vector<1x512xf32> to vector<1xf32>
    %reduce_sum3A_473 = vector.shape_cast %reduce_sum3A_472 : vector<1xf32> to vector<1x1xf32>
    %reduce_sum3A_474 = vector.extract %reduce_sum3A_473[0, 0] : f32 from vector<1x1xf32>
    %reshape3A_475 = vector.broadcast %reduce_sum3A_474 : f32 to vector<1x1xf32>
    %get3A_476 = arith.constant 6 : index
    %get3A_477 = arith.constant 0 : index
    %get3A_478 = vector.load %arg37[%get3A_476, %get3A_477] : memref<8x1xf32, #tpu.memory_space<vmem>>, vector<1x1xf32>
    %add3A_479 = arith.addf %reshape3A_475, %get3A_478 : vector<1x1xf32>
    %swap3A_480 = arith.constant 6 : index
    %swap3A_481 = arith.constant 0 : index
    %swap3A_482 = vector.load %arg39[%swap3A_480, %swap3A_481] : memref<8x1xf32, #tpu.memory_space<vmem>>, vector<1x1xf32>
    tpu.vector_store %arg39[%swap3A_480, %swap3A_481], %add3A_479 {strides = array<i32>} : memref<8x1xf32, #tpu.memory_space<vmem>>, vector<1x1xf32>,
    %get3A_483 = arith.constant 0 : index
    %get3A_484 = arith.constant 0 : index
    %get3A_485 = vector.load %arg24[%get3A_483, %get3A_484] : memref<8x128xf32, #tpu.memory_space<vmem>>, vector<8x1xf32>
    %get3A_486 = arith.constant 0 : index
    %get3A_487 = arith.constant 0 : index
    %get3A_488 = vector.load %arg32[%get3A_486, %get3A_487] : memref<8x128xf32, #tpu.memory_space<vmem>>, vector<8x1xf32>
    %add3A_489 = arith.addf %get3A_485, %get3A_488 : vector<8x1xf32>
    %add3A_490 = arith.constant 1.000000e+00 : f32
    %add3A_491 = vector.broadcast %add3A_490 : f32 to vector<8x1xf32>
    %add3A_492 = arith.addf %add3A_489, %add3A_491 : vector<8x1xf32>
    %rsqrt3A_493 = math.rsqrt %add3A_492 : vector<8x1xf32>
    %get3A_494 = arith.constant 0 : index
    %get3A_495 = arith.constant 0 : index
    %get3A_496 = vector.load %arg8[%get3A_494, %get3A_495] : memref<8x128xf32, #tpu.memory_space<vmem>>, vector<8x128xf32>
    %get3A_497 = arith.constant 0 : index
    %get3A_498 = arith.constant 0 : index
    %get3A_499 = vector.load %arg16[%get3A_497, %get3A_498] : memref<8x128xf32, #tpu.memory_space<vmem>>, vector<8x128xf32>
    %concatenate3A_500 = tpu.concatenate %get3A_496, %get3A_499 in 1 : vector<8x128xf32>, vector<8x128xf32> -> vector<8x256xf32>
    %mul3A_501 = vector.broadcast %rsqrt3A_493 : vector<8x1xf32> to vector<8x256xf32>
    %mul3A_502 = arith.mulf %concatenate3A_500, %mul3A_501 : vector<8x256xf32>
    %get3A_503 = arith.constant 0 : index
    %get3A_504 = arith.constant 0 : index
    %get3A_505 = vector.load %arg33[%get3A_503, %get3A_504] : memref<1x256xf32, #tpu.memory_space<vmem>>, vector<1x256xf32>
    %add3A_506 = vector.broadcast %get3A_505 : vector<1x256xf32> to vector<8x256xf32>
    %add3A_507 = arith.addf %mul3A_502, %add3A_506 : vector<8x256xf32>
    %max3A_508 = arith.constant 0.000000e+00 : f32
    %max3A_509 = vector.broadcast %max3A_508 : f32 to vector<8x256xf32>
    %max3A_510 = arith.maximumf %add3A_507, %max3A_509 : vector<8x256xf32>
    %reduce_sum3A_511 = arith.constant dense<0.000000e+00> : vector<256xf32>
    %reduce_sum3A_512 = vector.multi_reduction <add>, %max3A_510, %reduce_sum3A_511 [0] : vector<8x256xf32> to vector<256xf32>
    %broadcast_in_dim3A_513 = vector.shape_cast %reduce_sum3A_512 : vector<256xf32> to vector<1x256xf32>
    %div3A_514 = arith.constant 8.000000e+00 : f32
    %div3A_515 = vector.broadcast %div3A_514 : f32 to vector<1x256xf32>
    %div3A_516 = arith.divf %broadcast_in_dim3A_513, %div3A_515 : vector<1x256xf32>
    %reduce_max3A_517 = arith.constant dense<0xFF800000> : vector<256xf32>
    %reduce_max3A_518 = vector.multi_reduction <maximumf>, %max3A_510, %reduce_max3A_517 [0] : vector<8x256xf32> to vector<256xf32>
    %broadcast_in_dim3A_519 = vector.shape_cast %reduce_max3A_518 : vector<256xf32> to vector<1x256xf32>
    %concatenate3A_520 = tpu.concatenate %div3A_516, %broadcast_in_dim3A_519 in 1 : vector<1x256xf32>, vector<1x256xf32> -> vector<1x512xf32>
    %get3A_521 = arith.constant 7 : index
    %get3A_522 = arith.constant 0 : index
    %get3A_523 = arith.constant 0 : index
    %get3A_524 = vector.load %arg34[%get3A_521, %get3A_522, %get3A_523] : memref<8x512x16xf32, #tpu.memory_space<vmem>>, vector<1x512x16xf32>
    %get3A_525 = vector.shape_cast %get3A_524 : vector<1x512x16xf32> to vector<512x16xf32>
    %dot_general3A_526 = arith.constant dense<0.000000e+00> : vector<1x16xf32>
    %dot_general3A_527 = tpu.matmul %concatenate3A_520, %get3A_525, %dot_general3A_526 {dimension_numbers = #tpu.dot_dimension_numbers<[1], [0], [0], [1], [0, 0, 1, 1], [], []>, transpose_lhs_hint = false} : vector<1x512xf32>, vector<512x16xf32>, vector<1x16xf32> -> vector<1x16xf32>
    %get3A_528 = arith.constant 7 : index
    %get3A_529 = arith.constant 0 : index
    %get3A_530 = vector.load %arg35[%get3A_528, %get3A_529] : memref<8x16xf32, #tpu.memory_space<vmem>>, vector<1x16xf32>
    %add3A_531 = arith.addf %dot_general3A_527, %get3A_530 : vector<1x16xf32>
    %swap3A_532 = arith.constant 7 : index
    %swap3A_533 = arith.constant 0 : index
    %swap3A_534 = vector.load %arg38[%swap3A_532, %swap3A_533] : memref<8x16xf32, #tpu.memory_space<vmem>>, vector<1x16xf32>
    tpu.vector_store %arg38[%swap3A_532, %swap3A_533], %add3A_531 {strides = array<i32>} : memref<8x16xf32, #tpu.memory_space<vmem>>, vector<1x16xf32>,
    %squeeze3A_535 = vector.shape_cast %concatenate3A_520 : vector<1x512xf32> to vector<512xf32>
    %get3A_536 = arith.constant 7 : index
    %get3A_537 = arith.constant 0 : index
    %get3A_538 = vector.load %arg36[%get3A_536, %get3A_537] : memref<8x512xf32, #tpu.memory_space<vmem>>, vector<1x512xf32>
    %get3A_539 = vector.shape_cast %get3A_538 : vector<1x512xf32> to vector<512xf32>
    %mul3A_540 = arith.mulf %squeeze3A_535, %get3A_539 : vector<512xf32>
    %reduce_sum3A_541 = vector.shape_cast %mul3A_540 : vector<512xf32> to vector<1x512xf32>
    %reduce_sum3A_542 = arith.constant dense<0.000000e+00> : vector<1xf32>
    %reduce_sum3A_543 = vector.multi_reduction <add>, %reduce_sum3A_541, %reduce_sum3A_542 [1] : vector<1x512xf32> to vector<1xf32>
    %reduce_sum3A_544 = vector.shape_cast %reduce_sum3A_543 : vector<1xf32> to vector<1x1xf32>
    %reduce_sum3A_545 = vector.extract %reduce_sum3A_544[0, 0] : f32 from vector<1x1xf32>
    %reshape3A_546 = vector.broadcast %reduce_sum3A_545 : f32 to vector<1x1xf32>
    %get3A_547 = arith.constant 7 : index
    %get3A_548 = arith.constant 0 : index
    %get3A_549 = vector.load %arg37[%get3A_547, %get3A_548] : memref<8x1xf32, #tpu.memory_space<vmem>>, vector<1x1xf32>
    %add3A_550 = arith.addf %reshape3A_546, %get3A_549 : vector<1x1xf32>
    %swap3A_551 = arith.constant 7 : index
    %swap3A_552 = arith.constant 0 : index
    %swap3A_553 = vector.load %arg39[%swap3A_551, %swap3A_552] : memref<8x1xf32, #tpu.memory_space<vmem>>, vector<1x1xf32>
    tpu.vector_store %arg39[%swap3A_551, %swap3A_552], %add3A_550 {strides = array<i32>} : memref<8x1xf32, #tpu.memory_space<vmem>>, vector<1x1xf32>,
    return
  }
  func.func @transform_0(%arg0: i32) -> (i32, i32) {
    %c0_i32 = arith.constant 0 : i32
    %c0_i32_0 = arith.constant 0 : i32
    %c0_i32_1 = arith.constant 0 : i32
    return %c0_i32, %c0_i32_0 : i32, i32
  }
  func.func @transform_1(%arg0: i32) -> (i32, i32) {
    %c125_i32 = arith.constant 125 : i32
    %c0_i32 = arith.constant 0 : i32
    %c0_i32_0 = arith.constant 0 : i32
    return %c125_i32, %c0_i32 : i32, i32
  }
  func.func @transform_2(%arg0: i32) -> (i32, i32) {
    %c250_i32 = arith.constant 250 : i32
    %c0_i32 = arith.constant 0 : i32
    %c0_i32_0 = arith.constant 0 : i32
    return %c250_i32, %c0_i32 : i32, i32
  }
  func.func @transform_3(%arg0: i32) -> (i32, i32) {
    %c375_i32 = arith.constant 375 : i32
    %c0_i32 = arith.constant 0 : i32
    %c0_i32_0 = arith.constant 0 : i32
    return %c375_i32, %c0_i32 : i32, i32
  }
  func.func @transform_4(%arg0: i32) -> (i32, i32) {
    %c500_i32 = arith.constant 500 : i32
    %c0_i32 = arith.constant 0 : i32
    %c0_i32_0 = arith.constant 0 : i32
    return %c500_i32, %c0_i32 : i32, i32
  }
  func.func @transform_5(%arg0: i32) -> (i32, i32) {
    %c625_i32 = arith.constant 625 : i32
    %c0_i32 = arith.constant 0 : i32
    %c0_i32_0 = arith.constant 0 : i32
    return %c625_i32, %c0_i32 : i32, i32
  }
  func.func @transform_6(%arg0: i32) -> (i32, i32) {
    %c750_i32 = arith.constant 750 : i32
    %c0_i32 = arith.constant 0 : i32
    %c0_i32_0 = arith.constant 0 : i32
    return %c750_i32, %c0_i32 : i32, i32
  }
  func.func @transform_7(%arg0: i32) -> (i32, i32) {
    %c875_i32 = arith.constant 875 : i32
    %c0_i32 = arith.constant 0 : i32
    %c0_i32_0 = arith.constant 0 : i32
    return %c875_i32, %c0_i32 : i32, i32
  }
  func.func @transform_8(%arg0: i32) -> (i32, i32) {
    %c1264_i32 = arith.constant 1264 : i32
    %c0_i32 = arith.constant 0 : i32
    %c0_i32_0 = arith.constant 0 : i32
    return %c1264_i32, %c0_i32 : i32, i32
  }
  func.func @transform_9(%arg0: i32) -> (i32, i32) {
    %c1389_i32 = arith.constant 1389 : i32
    %c0_i32 = arith.constant 0 : i32
    %c0_i32_0 = arith.constant 0 : i32
    return %c1389_i32, %c0_i32 : i32, i32
  }
  func.func @transform_10(%arg0: i32) -> (i32, i32) {
    %c1514_i32 = arith.constant 1514 : i32
    %c0_i32 = arith.constant 0 : i32
    %c0_i32_0 = arith.constant 0 : i32
    return %c1514_i32, %c0_i32 : i32, i32
  }
  func.func @transform_11(%arg0: i32) -> (i32, i32) {
    %c1639_i32 = arith.constant 1639 : i32
    %c0_i32 = arith.constant 0 : i32
    %c0_i32_0 = arith.constant 0 : i32
    return %c1639_i32, %c0_i32 : i32, i32
  }
  func.func @transform_12(%arg0: i32) -> (i32, i32) {
    %c1764_i32 = arith.constant 1764 : i32
    %c0_i32 = arith.constant 0 : i32
    %c0_i32_0 = arith.constant 0 : i32
    return %c1764_i32, %c0_i32 : i32, i32
  }
  func.func @transform_13(%arg0: i32) -> (i32, i32) {
    %c1889_i32 = arith.constant 1889 : i32
    %c0_i32 = arith.constant 0 : i32
    %c0_i32_0 = arith.constant 0 : i32
    return %c1889_i32, %c0_i32 : i32, i32
  }
  func.func @transform_14(%arg0: i32) -> (i32, i32) {
    %c2014_i32 = arith.constant 2014 : i32
    %c0_i32 = arith.constant 0 : i32
    %c0_i32_0 = arith.constant 0 : i32
    return %c2014_i32, %c0_i32 : i32, i32
  }
  func.func @transform_15(%arg0: i32) -> (i32, i32) {
    %c2139_i32 = arith.constant 2139 : i32
    %c0_i32 = arith.constant 0 : i32
    %c0_i32_0 = arith.constant 0 : i32
    return %c2139_i32, %c0_i32 : i32, i32
  }
  func.func @transform_16(%arg0: i32) -> (i32, i32) {
    %c0_i32 = arith.constant 0 : i32
    %c0_i32_0 = arith.constant 0 : i32
    %c0_i32_1 = arith.constant 0 : i32
    return %c0_i32, %c0_i32_0 : i32, i32
  }
  func.func @transform_17(%arg0: i32) -> (i32, i32) {
    %c125_i32 = arith.constant 125 : i32
    %c0_i32 = arith.constant 0 : i32
    %c0_i32_0 = arith.constant 0 : i32
    return %c125_i32, %c0_i32 : i32, i32
  }
  func.func @transform_18(%arg0: i32) -> (i32, i32) {
    %c250_i32 = arith.constant 250 : i32
    %c0_i32 = arith.constant 0 : i32
    %c0_i32_0 = arith.constant 0 : i32
    return %c250_i32, %c0_i32 : i32, i32
  }
  func.func @transform_19(%arg0: i32) -> (i32, i32) {
    %c375_i32 = arith.constant 375 : i32
    %c0_i32 = arith.constant 0 : i32
    %c0_i32_0 = arith.constant 0 : i32
    return %c375_i32, %c0_i32 : i32, i32
  }
  func.func @transform_20(%arg0: i32) -> (i32, i32) {
    %c500_i32 = arith.constant 500 : i32
    %c0_i32 = arith.constant 0 : i32
    %c0_i32_0 = arith.constant 0 : i32
    return %c500_i32, %c0_i32 : i32, i32
  }
  func.func @transform_21(%arg0: i32) -> (i32, i32) {
    %c625_i32 = arith.constant 625 : i32
    %c0_i32 = arith.constant 0 : i32
    %c0_i32_0 = arith.constant 0 : i32
    return %c625_i32, %c0_i32 : i32, i32
  }
  func.func @transform_22(%arg0: i32) -> (i32, i32) {
    %c750_i32 = arith.constant 750 : i32
    %c0_i32 = arith.constant 0 : i32
    %c0_i32_0 = arith.constant 0 : i32
    return %c750_i32, %c0_i32 : i32, i32
  }
  func.func @transform_23(%arg0: i32) -> (i32, i32) {
    %c875_i32 = arith.constant 875 : i32
    %c0_i32 = arith.constant 0 : i32
    %c0_i32_0 = arith.constant 0 : i32
    return %c875_i32, %c0_i32 : i32, i32
  }
  func.func @transform_24(%arg0: i32) -> (i32, i32) {
    %c1264_i32 = arith.constant 1264 : i32
    %c0_i32 = arith.constant 0 : i32
    %c0_i32_0 = arith.constant 0 : i32
    return %c1264_i32, %c0_i32 : i32, i32
  }
  func.func @transform_25(%arg0: i32) -> (i32, i32) {
    %c1389_i32 = arith.constant 1389 : i32
    %c0_i32 = arith.constant 0 : i32
    %c0_i32_0 = arith.constant 0 : i32
    return %c1389_i32, %c0_i32 : i32, i32
  }
  func.func @transform_26(%arg0: i32) -> (i32, i32) {
    %c1514_i32 = arith.constant 1514 : i32
    %c0_i32 = arith.constant 0 : i32
    %c0_i32_0 = arith.constant 0 : i32
    return %c1514_i32, %c0_i32 : i32, i32
  }
  func.func @transform_27(%arg0: i32) -> (i32, i32) {
    %c1639_i32 = arith.constant 1639 : i32
    %c0_i32 = arith.constant 0 : i32
    %c0_i32_0 = arith.constant 0 : i32
    return %c1639_i32, %c0_i32 : i32, i32
  }
  func.func @transform_28(%arg0: i32) -> (i32, i32) {
    %c1764_i32 = arith.constant 1764 : i32
    %c0_i32 = arith.constant 0 : i32
    %c0_i32_0 = arith.constant 0 : i32
    return %c1764_i32, %c0_i32 : i32, i32
  }
  func.func @transform_29(%arg0: i32) -> (i32, i32) {
    %c1889_i32 = arith.constant 1889 : i32
    %c0_i32 = arith.constant 0 : i32
    %c0_i32_0 = arith.constant 0 : i32
    return %c1889_i32, %c0_i32 : i32, i32
  }
  func.func @transform_30(%arg0: i32) -> (i32, i32) {
    %c2014_i32 = arith.constant 2014 : i32
    %c0_i32 = arith.constant 0 : i32
    %c0_i32_0 = arith.constant 0 : i32
    return %c2014_i32, %c0_i32 : i32, i32
  }
  func.func @transform_31(%arg0: i32) -> (i32, i32) {
    %c2139_i32 = arith.constant 2139 : i32
    %c0_i32 = arith.constant 0 : i32
    %c0_i32_0 = arith.constant 0 : i32
    return %c2139_i32, %c0_i32 : i32, i32
  }
  func.func @transform_32(%arg0: i32) -> (i32, i32) {
    %c0_i32 = arith.constant 0 : i32
    %c0_i32_0 = arith.constant 0 : i32
    %c0_i32_1 = arith.constant 0 : i32
    return %c0_i32, %c0_i32_0 : i32, i32
  }
  func.func @transform_33(%arg0: i32) -> (i32, i32, i32) {
    %c0_i32 = arith.constant 0 : i32
    %c0_i32_0 = arith.constant 0 : i32
    %c0_i32_1 = arith.constant 0 : i32
    %c0_i32_2 = arith.constant 0 : i32
    return %c0_i32, %c0_i32_0, %c0_i32_1 : i32, i32, i32
  }
  func.func @transform_34(%arg0: i32) -> (i32, i32) {
    %c0_i32 = arith.constant 0 : i32
    %c0_i32_0 = arith.constant 0 : i32
    %c0_i32_1 = arith.constant 0 : i32
    return %c0_i32, %c0_i32_0 : i32, i32
  }
  func.func @transform_35(%arg0: i32) -> (i32, i32) {
    %c0_i32 = arith.constant 0 : i32
    %c0_i32_0 = arith.constant 0 : i32
    %c0_i32_1 = arith.constant 0 : i32
    return %c0_i32, %c0_i32_0 : i32, i32
  }
  func.func @transform_36(%arg0: i32) -> (i32, i32) {
    %c0_i32 = arith.constant 0 : i32
    %c0_i32_0 = arith.constant 0 : i32
    %c0_i32_1 = arith.constant 0 : i32
    return %c0_i32, %c0_i32_0 : i32, i32
  }
  func.func @transform_37(%arg0: i32) -> (i32, i32) {
    %c0_i32 = arith.constant 0 : i32
    %c0_i32_0 = arith.constant 0 : i32
    %c0_i32_1 = arith.constant 0 : i32
    return %c0_i32, %c0_i32_0 : i32, i32
  }
  func.func @transform_38(%arg0: i32) -> (i32, i32) {
    %c0_i32 = arith.constant 0 : i32
    %c0_i32_0 = arith.constant 0 : i32
    %c0_i32_1 = arith.constant 0 : i32
    return %c0_i32, %c0_i32_0 : i32, i32
  }
}

</mosaic_0001>

<sc_bundles>
// kernel: kernel.10.cloned.1.call-start
scs
__scs_entry_jumppad:
0x0: {  	(pc) =	sbr.rel $0x88, $3  }
0x1: {  	(tag) =	ssettag $0x0;
	lr =	simm.s32 $0x1  }
0x2: {  	[smem:$0x3F95] =	sst lr;
	_ =	strace $0xD0000000  }
0x3: {  	_ = 	snop  }
0x4: {  	_ = 	snop  }
0x5: {  	_ = 	snop  }
0x6: {  	_ = 	snop  }
0x7: {  	_ = 	snop  }
__scs_overlays_trampoline_lowered:
0x8: {  	[smem:$0x3FA4] =	sst s0  }
0x9: {  	[smem:$0x3FA5] =	sst s1  }
0xa: {  	[smem:$0x3FA6] =	sst s2  }
0xb: {  	[smem:$0x3FA7] =	sst s3  }
0xc: {  	[smem:$0x3FA8] =	sst s4  }
0xd: {  	[smem:$0x3FA9] =	sst s5  }
0xe: {  	[smem:$0x3FAA] =	sst s6  }
0xf: {  	[smem:$0x3FAB] =	sst s7  }
0x10: {  	[smem:$0x3FAC] =	sst s8  }
0x11: {  	[smem:$0x3FAD] =	sst s9;
	s0 =	simm.s32 @!p0 $0x0  }
0x12: {  	s1 =	sld [smem:$0x3F93];
	s0 =	simm.s32 @p0 $0x1  }
0x13: {  	[smem:$0x3FAE] =	sst s0;
	s0 =	simm.s32 @!p1 $0x0  }
0x14: {  	s2 =	sld [smem:$0x3F92];
	s0 =	simm.s32 @p1 $0x1  }
0x15: {  	[smem:$0x3FAF] =	sst s0;
	s0 =	simm.s32 @!p2 $0x0  }
0x16: {  	s3 =	sld [smem:$0x3FDB];
	s0 =	simm.s32 @p2 $0x1  }
0x17: {  	s4 =	simm.s32 $0x1BF5;
	[smem:$0x3FB1] =	sst s0  }
0x18: {  	s0 =	sld [smem:$0x3F94];
	_ =	swait.ge [sflag:s4], $0x0  }
0x19: {  	s7 =	sld [smem:$0x3F95]  }
0x1a: {  	s8 =	sadd.s32 $0xFFFFE003, lr  }
0x1b: {  	s9 =	sadd.s32 $0xFFFFFEF7, lr;
	s5 =	simm.s32 $0xFFFFFFFF;
	p2 =	slt.u32 s8, $0xFFFFF086  }
0x1c: {  	p1 =	slt.u32 s9, $0xF7A;
	s5 =	simm.s32 @!p2 $0x0  }
0x1d: {  	s5 =	simm.s32 @p1 $0x1;
	p0 =	seq.s32 s7, s2  }
0x1e: {  	s7 =	smul.u32 @!p0 $0xF7A, s2;
	p2 =	seq.s32 @!p0 s5, $0x0  }
0x1f: {  	s9 =	smul.u32 $0xF7A, s1;
	s8 =	simm.s32 @!p0 $0x1BF5;
	p2 =	por !p2, p0  }
0x20: {  	[sflag:s8] =	ssyncset.s32 @!p0 $0xFFFFF086;
	s6 =	sadd.s32 @!p0 s3, s7;
	s7 =	simm.s32 @!p0 $0x108  }
0x21: {  	s3 =	sadd.s32 s3, s9;
	s6 =	sadd.s32 @!p0 $0x88, s6;
	s7 =	simm.s32 @p2 $0x1082  }
0x22: {  	[simem:s7], [sflag:s8] =	dma.local @!p0 [hbm:s6], $0xF7A  }
0x23: {  	s9 =	sor.u32 $0xD0000000, s2;
	s6 =	simm.s32 $0x108;
	_ =	swait.ge @!p0 [sflag:s8], $0x0  }
0x24: {  	s3 =	sadd.s32 $0x88, s3;
	s6 =	simm.s32 @!p1 $0x1082;
	[sflag:s4] =	ssyncset.s32 $0xFFFFF086  }
0x25: {  	[simem:s6], [sflag:s4] =	dma.local [hbm:s3], $0xF7A  }
0x26: {  	[smem:$0x3F95] =	sst s1;
	(tag) =	ssettag s2;
	_ =	strace s9  }
0x27: {  	s1 =	sld [smem:$0x3FA5]  }
0x28: {  	s2 =	sld [smem:$0x3FA6]  }
0x29: {  	s4 =	sld [smem:$0x3FA8]  }
0x2a: {  	p0 =	seq.s32 s5, $0x0;
	s5 =	sld [smem:$0x3FA9]  }
0x2b: {  	s6 =	sld [smem:$0x3FAA]  }
0x2c: {  	s7 =	sld [smem:$0x3FAB]  }
0x2d: {  	s3 =	simm.s32 $0x108;
	s8 =	sld [smem:$0x3FAC]  }
0x2e: {  	s3 =	simm.s32 @!p0 $0x1082;
	s9 =	sld [smem:$0x3FAD]  }
0x2f: {  	lr =	sadd.s32 s0, s3;
	s0 =	sld [smem:$0x3FA4]  }
0x30: {  	s3 =	sld [smem:$0x3FA7]  }
0x31: {  	[smem:$0x3FB0] =	sst s10  }
0x32: {  	s10 =	sld [smem:$0x3FAE];
	_ =	sdelay $0x3  }
0x33: {  	p0 =	seq.s32 s10, $0x1;
	s10 =	sld [smem:$0x3FB0];
	_ =	sdelay $0x3  }
0x34: {  	[smem:$0x3FB0] =	sst s10  }
0x35: {  	s10 =	sld [smem:$0x3FAF];
	_ =	sdelay $0x3  }
0x36: {  	p1 =	seq.s32 s10, $0x1;
	s10 =	sld [smem:$0x3FB0];
	_ =	sdelay $0x3  }
0x37: {  	[smem:$0x3FB0] =	sst s10  }
0x38: {  	s10 =	sld [smem:$0x3FB1]  }
0x39: {  	_ = 	snop;
	(pc) =	sbr.ind lr, $3  }
0x3a: {  	_ = 	snop  }
0x3b: {  	_ = 	snop  }
0x3c: {  	p2 =	seq.s32 s10, $0x1;
	s10 =	sld [smem:$0x3FB0]  }
0x3d: {  	_ =	shalt  }
0x3e: {  	_ =	shalt  }
0x3f: {  	_ =	shalt  }
0x40: {  	_ =	shalt  }
0x41: {  	_ =	shalt  }
0x42: {  	_ =	shalt  }
0x43: {  	_ =	shalt  }
0x44: {  	_ =	shalt  }
0x45: {  	_ =	shalt  }
0x46: {  	_ =	shalt  }
0x47: {  	_ =	shalt  }
0x48: {  	_ =	shalt  }
0x49: {  	_ =	shalt  }
0x4a: {  	_ =	shalt  }
0x4b: {  	_ =	shalt  }
0x4c: {  	_ =	shalt  }
0x4d: {  	_ =	shalt  }
0x4e: {  	_ =	shalt  }
0x4f: {  	_ =	shalt  }
0x50: {  	_ =	shalt  }
0x51: {  	_ =	shalt  }
0x52: {  	_ =	shalt  }
0x53: {  	_ =	shalt  }
0x54: {  	_ =	shalt  }
0x55: {  	_ =	shalt  }
0x56: {  	_ =	shalt  }
0x57: {  	_ =	shalt  }
0x58: {  	_ =	shalt  }
0x59: {  	_ =	shalt  }
0x5a: {  	_ =	shalt  }
0x5b: {  	_ =	shalt  }
0x5c: {  	_ =	shalt  }
0x5d: {  	_ =	shalt  }
0x5e: {  	_ =	shalt  }
0x5f: {  	_ =	shalt  }
0x60: {  	_ =	shalt  }
0x61: {  	_ =	shalt  }
0x62: {  	_ =	shalt  }
0x63: {  	_ =	shalt  }
0x64: {  	_ =	shalt  }
0x65: {  	_ =	shalt  }
0x66: {  	_ =	shalt  }
0x67: {  	_ =	shalt  }
0x68: {  	_ =	shalt  }
0x69: {  	_ =	shalt  }
0x6a: {  	_ =	shalt  }
0x6b: {  	_ =	shalt  }
0x6c: {  	_ =	shalt  }
0x6d: {  	_ =	shalt  }
0x6e: {  	_ =	shalt  }
0x6f: {  	_ =	shalt  }
0x70: {  	_ =	shalt  }
0x71: {  	_ =	shalt  }
0x72: {  	_ =	shalt  }
0x73: {  	_ =	shalt  }
0x74: {  	_ =	shalt  }
0x75: {  	_ =	shalt  }
0x76: {  	_ =	shalt  }
0x77: {  	_ =	shalt  }
0x78: {  	_ =	shalt  }
0x79: {  	_ =	shalt  }
0x7a: {  	_ =	shalt  }
0x7b: {  	_ =	shalt  }
0x7c: {  	_ =	shalt  }
0x7d: {  	_ =	shalt  }
0x7e: {  	_ =	shalt  }
0x7f: {  	_ =	shalt  }
0x80: {  	_ =	shalt  }
0x81: {  	_ =	shalt  }
0x82: {  	_ =	shalt  }
0x83: {  	_ =	shalt  }
0x84: {  	_ =	shalt  }
0x85: {  	_ =	shalt  }
0x86: {  	_ =	shalt  }
0x87: {  	_ =	shalt  }
.Lfunc_end0:
.L_simem_size_0:
called_computation_lowered:
.L_overlay_start_0:
0x88: {  	s2 =	sld [smem:$0x3FD9]  }
0x89: {  	s3 =	sld [smem:$0x3FFE];
	_ =	sdelay $0x1  }
0x8a: {  	s1 =	srdreg.scid  }
0x8b: {  	s0 =	sand.u32 $0x1, s1  }
0x8c: {  	s16 =	sshll.u32 s0, $0xA;
	s2 =	sadd.s32 s3, s2  }
0x8d: {  	s2 =	sadd.s32 s2, s16  }
0x8e: {  	[smem:$0x3FBC] =	sst s2  }
0x8f: {  	_ = 	snop  }
0x90: {  	(tm) =	ssettm $0x1  }
0x91: {  	s17 =	sld [smem:$0x3FFB];
	_ =	sdelay $0x3  }
0x92: {  	_ =	strace s17  }
0x93: {  	s2 =	sld [smem:$0x3FFC];
	_ =	sdelay $0x3  }
0x94: {  	_ =	strace s2  }
0x95: {  	s2 =	sld [smem:$0x3FFD];
	_ =	sdelay $0x3  }
0x96: {  	_ =	strace s2  }
0x97: {  	_ =	strace $0x8FFFFFFF  }
0x98: {  	s18 =	sld [smem:$0x3FDB];
	_ =	sdelay $0x1  }
0x99: {  	s19 =	simm.s32 $_scs_section_size  }
0x9a: {  	s4 =	simm.s32 $_size__tile_overlayer_lowered;
	s5 =	simm.s32 $_tile_overlayer_lowered  }
0x9b: {  	s22 =	simm.s32 $0x1BFF;
	s21 =	sshll.u32 s5, $0x1;
	s2 =	sadd.s32 s19, s18  }
0x9c: {  	s6 =	simm.s32 $0x0;
	s20 =	sshll.u32 s4, $0x1;
	s4 =	sadd.s32 s21, s2  }
0x9d: {  	[timem:s6], [sflag:s22] =	dma.local [hbm:s4], s20  }
0x9e: {  	_ =	swait.ge [sflag:s22], s20  }
0x9f: {  	s3 =	ssub.s32 $0x0, s20;
	[sflag:s22] =	ssyncset.done $0x0  }
0xa0: {  	[sflag:s22] =	ssyncadd.s32 s3;
	_ =	sdelay $0x1  }
0xa1: {  	s23 =	simm.s32 $0x1B8B  }
0xa2: {  	_ =	swait.ge [sflag:s23], $0x1  }
0xa3: {  	[sflag:s23] =	ssyncset.done $0x0  }
0xa4: {  	s25 =	simm.s32 $0x1B8E;
	s24 =	sld [smem:$0x3FFE];
	[sflag:s23] =	ssyncadd.s32 $0xFFFFFFFF  }
0xa5: {  	s26 =	simm.s32 $execute0_lowered;
	[smem:$0x3FD2] =	sst s25  }
0xa6: {  	s4 =	sshll.u32 s26, $0x1;
	_ =	strace $0x80000046;
	[dreg:$0x1] =	wrdreg $0xFFFFFFFF  }
0xa7: {  	s28 =	simm.s32 $_size_execute0_lowered;
	s2 =	sadd.s32 s2, s4;
	[dreg:$0x0] =	wrdreg $0x0  }
0xa8: {  	s4 =	sshll.u32 s28, $0x1;
	[dreg:$0x2] =	wrdreg s2  }
0xa9: {  	[dreg:$0x3] =	wrdreg s4  }
0xaa: {  	[dreg:$0x4] =	wrdreg $0xC0  }
0xab: {  	_ =	task [dreg:s6], $0x5FFFF  }
0xac: {  	[dreg:$0x1] =	wrdreg $0xFFFFFFFF  }
0xad: {  	[dreg:$0x0] =	wrdreg $0x60  }
0xae: {  	[dreg:$0x2] =	wrdreg s24  }
0xaf: {  	[dreg:$0x3] =	wrdreg $0x0  }
0xb0: {  	[dreg:$0x4] =	wrdreg $0x9  }
0xb1: {  	_ =	task.clear_ibuf [dreg:s6], $0x5FFFF;
	_ =	strace $0x90000046  }
0xb2: {  	s29 =	simm.s32 $0x9;
	_ =	strace $0x80000048  }
0xb3: {  	_ =	swait.ge [sflag:s29], $0x1  }
0xb4: {  	[sflag:s29] =	ssyncadd.s32 $0xFFFFFFFF  }
0xb5: {  	_ =	strace $0x90000048  }
0xb6: {  	_ =	sfence  }
0xb7: {  	s30 =	sld [smem:$0x0];
	_ =	sdelay $0x2  }
0xb8: {  	s31 =	sshll.u32 s1, $0xD;
	s1 =	sshrl.u32 s1, $0x2  }
0xb9: {  	s3 =	sand.u32 $0x4000, s31;
	s1 =	sadd.s32 s1, s30  }
0xba: {  	s0 =	sor.u32 s3, s0;
	s1 =	sshll.u32 s1, $0x11  }
0xbb: {  	s0 =	sor.u32 s1, s0  }
0xbc: {  	s0 =	sadd.s32 $0x8F2B, s0  }
0xbd: {  	[sflag:s0] =	ssyncadd.remote.s32 $0x1  }
0xbe: {  	_ =	sfence.sel $0xFFFF  }
0xbf: {  	[dreg:$0x0] =	wrdreg $0xFFFFFFFF;
	(pc) =	sbr.abs _section_cstart, $3  }
0xc0: {  	[dreg:$0x1] =	wrdreg $0xFFFFFFFF  }
0xc1: {  	_ =	task.clear_ibuf [dreg:s6], $0x2FFFF;
	_ =	strace $0x9FFFFFFF  }
0xc2: {  	(tm) =	ssettm $0x7FFFFFFF  }
0xc3: {  	_ =	shalt  }
tec
execute0_lowered:
.L_overlay_start_1:
0x0: {  	(tag) =	ssettag $0x1  }
0x1: {  	s1 =	srdreg.scid;
	s5 =	rddreg [dreg:$0x0]  }
0x2: {  	s0 =	stileid.u32;
	s2 =	rddreg [dreg:$0x1]  }
0x3: {  	s3 =	simm.s32 $0x0;
	s13 =	simm.s32 $0x13C00;
	s14 =	simm.s32 $0x80  }
0x4: {  	s15 =	simm.s32 $0x0;
	s4 =	sand.u32 $0x1, s1;
	s7 =	smul.u32 $0x2780, s0  }
0x5: {  	s25 =	sshll.u32 s0, $0x1;
	[smem:$0x7FF] =	sst s3;
	s10 =	smul.u32 $0x4F000, s0  }
0x6: {  	s31 =	sshll.u32 s0, $0x6;
	s1 =	sor.u32 s4, s25;
	s8 =	smul.u32 $0x27800, s4  }
0x7: {  	s28 =	ssub.s32 $0x2, s4;
	s4 =	sadd.s32 $0x30C00, s5;
	s6 =	smul.u32 $0x280, s1  }
0x8: {  	s1 =	rddreg [dreg:$0x2];
	_ =	strace $0x80000047;
	s26 =	sadd.s32 s7, s5  }
0x9: {  	s29 =	sshrl.u32 s28, $0x1;
	s30 =	sshrl.u32 s10, $0x2;
	s7 =	sadd.s32 s7, s8  }
0xa: {  	s12 =	ssub.s32 s28, s29;
	s10 =	sadd.s32 s30, s2;
	s9 =	sadd.s32 s6, s5  }
0xb: {  	s11 =	sadd.s32 s7, s5;
	s5 =	sadd.s32 $0x9400, s26;
	s6 =	sor.u32 $0x1C01, s31  }
0xc: {  	s10 =	sshrl.u32 s10, $0x3;
	s7 =	sadd.s32 $0x4400, s9;
	s8 =	sadd.s32 $0x31400, s11  }
0xd: {  	s9 =	smax.u32 s12, $0x1;
	s11 =	simm.s32 $0x1;
	s12 =	simm.s32 $0x15000  }
.LBB2_1:
0xe: {  	[spmem:s10], [sflag:s6] =	dma.local [hbm:s5], $0x2780  }
0xf: {  	_ =	swait.ge [sflag:s11], $0x2780  }
0x10: {  	[sflag:s11] =	ssyncset.done $0x0  }
0x11: {  	[sflag:s11] =	ssyncadd.s32 $0xFFFFD880  }
0x12: {  	[tilespmem:s12], [sflag:$0x1] =	stream.linear.gather [hbm4b:s4+s3], $0x4000, $0x38;
	[tilespmem:$0x19000] =	vst v63  }
0x13: {  	_ =	swait.ge [sflag:s11], $0x4000  }
0x14: {  	[sflag:s11] =	ssyncset.done $0x0  }
0x15: {  	[sflag:s11] =	ssyncadd.s32 $0xFFFFC000  }
0x16: {  	[tilespmem:s13], [sflag:$0x1] =	stream.linear.gather [hbm4b:s7+s3], $0x1400, $0x38;
	[tilespmem:$0x19000] =	vst v63  }
0x17: {  	_ =	swait.ge [sflag:s11], $0x1400  }
0x18: {  	[sflag:s11] =	ssyncset.done $0x0  }
0x19: {  	[sflag:s11] =	ssyncadd.s32 $0xFFFFEC00  }
0x1a: {  	s16 =	simm.s32 $0x13C00;
	[bflag:$0x0] =	sbarrier.arrive $0xFFFF  }
0x1b: {  	[spmem:s2] =	stream.indirect.scatter.add.f32 [tilespmem:s12], [sflag:$0x1], $0x80, s16, s14, $0xb8;
	[tilespmem:$0x19000] =	vst v63  }
0x1c: {  	s16 =	simm.s32 $0x200;
	_ =	swait.ge [sflag:s11], $0x4000  }
.LBB2_2:
0x1d: {  	s17 =	sshra.s32 s16, $0x2;
	[sflag:s11] =	ssyncset.done $0x0;
	p0 =	sne.s32 s16, $0x4E00  }
.Ltmp0:
0x1e: {  	s17 =	sadd.s32 $0x13C00, s17;
	[sflag:s11] =	ssyncadd.s32 $0xFFFFC000;
	(pc) =	sbr.rel @p0 .LBB2_2-.Ltmp0, $3  }
0x1f: {  	[spmem:s2] =	stream.indirect.scatter.add.f32 [tilespmem:s12], [sflag:$0x1], $0x80, s17, s14, $0xb8;
	[tilespmem:$0x19000] =	vst v63  }
0x20: {  	s16 =	sadd.s32 $0x200, s16;
	_ =	sdelay $0x1  }
0x21: {  	_ =	swait.ge [sflag:s11], $0x4000  }
0x22: {  	[sflag:s11] =	ssyncset.done $0x0;
	s15 =	sadd.s32 $0x1, s15  }
0x23: {  	[sflag:s11] =	ssyncadd.s32 $0xFFFFC000;
	p0 =	sne.s32 s15, s9  }
.Ltmp1:
0x24: {  	[bflag:$0x0] =	sbarrier.arrive $0xFFFF;
	(pc) =	sbr.rel @p0 .LBB2_1-.Ltmp1, $4  }
0x25: {  	[hbm:s8], [sflag:s6] =	dma.local [spmem:s10], $0x2780  }
0x26: {  	_ =	swait.ge [sflag:s11], $0x2780  }
0x27: {  	[sflag:s11] =	ssyncset.done $0x0  }
0x28: {  	[sflag:s11] =	ssyncadd.s32 $0xFFFFD880  }
0x29: {  	_ =	sfence.sel $0x180000  }
0x2a: {  	[bflag:$0x0] =	sbarrier.arrive $0xFFFF  }
0x2b: {  	p0 =	sne.s32 s0, $0x0;
	_ =	strace $0x90000047  }
0x2c: {  	s0 =	sadd.s32 @!p0 $0x100000, s1;
	[bflag:$0x2] =	sbarrier.arrive $0xFFFF  }
0x2d: {  	[sflag:s0] =	ssyncadd.tile.s32 @!p0 $0x1;
	_ =	shalt  }
.Lfunc_end2:
_tile_overlayer_lowered:
.L_overlay_start_2:
0x2e: {  	(tag) =	ssettag $0x2  }
0x2f: {  	s0 =	rddreg [dreg:$0x0];
	s2 =	stileid.u32  }
0x30: {  	s1 =	rddreg [dreg:$0x1];
	p0 =	sne.s32 s2, $0x0  }
0x31: {  	s3 =	rddreg [dreg:$0x2];
	[bflag:$0x3] =	sbarrier.arrive $0xFFFF;
	s2 =	simm.s32 @!p0 $0x1C01  }
0x32: {  	[timem:s3], [sflag:s2] =	dma.local @!p0 [hbm:s0], s1  }
0x33: {  	s0 =	simm.s32 @!p0 $0x1  }
0x34: {  	_ =	swait.ge @!p0 [sflag:s0], s1  }
0x35: {  	s1 =	ssub.s32 @!p0 $0x0, s1;
	[sflag:s0] =	ssyncset.done @!p0 $0x0  }
0x36: {  	[sflag:s0] =	ssyncadd.s32 @!p0 s1  }
0x37: {  	[bflag:$0x3] =	sbarrier.arrive $0xFFFF  }
0x38: {  	_ =	shalt  }

// kernel: kernel.13.cloned.1.call-start
scs
__scs_entry_jumppad:
0x0: {  	(pc) =	sbr.rel $0x88, $3  }
0x1: {  	(tag) =	ssettag $0x0;
	lr =	simm.s32 $0x1  }
0x2: {  	[smem:$0x3F95] =	sst lr;
	_ =	strace $0xD0000000  }
0x3: {  	_ = 	snop  }
0x4: {  	_ = 	snop  }
0x5: {  	_ = 	snop  }
0x6: {  	_ = 	snop  }
0x7: {  	_ = 	snop  }
__scs_overlays_trampoline_lowered:
0x8: {  	[smem:$0x3FA4] =	sst s0  }
0x9: {  	[smem:$0x3FA5] =	sst s1  }
0xa: {  	[smem:$0x3FA6] =	sst s2  }
0xb: {  	[smem:$0x3FA7] =	sst s3  }
0xc: {  	[smem:$0x3FA8] =	sst s4  }
0xd: {  	[smem:$0x3FA9] =	sst s5  }
0xe: {  	[smem:$0x3FAA] =	sst s6  }
0xf: {  	[smem:$0x3FAB] =	sst s7  }
0x10: {  	[smem:$0x3FAC] =	sst s8  }
0x11: {  	[smem:$0x3FAD] =	sst s9;
	s0 =	simm.s32 @!p0 $0x0  }
0x12: {  	s1 =	sld [smem:$0x3F93];
	s0 =	simm.s32 @p0 $0x1  }
0x13: {  	[smem:$0x3FAE] =	sst s0;
	s0 =	simm.s32 @!p1 $0x0  }
0x14: {  	s2 =	sld [smem:$0x3F92];
	s0 =	simm.s32 @p1 $0x1  }
0x15: {  	[smem:$0x3FAF] =	sst s0;
	s0 =	simm.s32 @!p2 $0x0  }
0x16: {  	s3 =	sld [smem:$0x3FDB];
	s0 =	simm.s32 @p2 $0x1  }
0x17: {  	s4 =	simm.s32 $0x1BF5;
	[smem:$0x3FB1] =	sst s0  }
0x18: {  	s0 =	sld [smem:$0x3F94];
	_ =	swait.ge [sflag:s4], $0x0  }
0x19: {  	s7 =	sld [smem:$0x3F95]  }
0x1a: {  	s8 =	sadd.s32 $0xFFFFE003, lr  }
0x1b: {  	s9 =	sadd.s32 $0xFFFFFEF7, lr;
	s5 =	simm.s32 $0xFFFFFFFF;
	p2 =	slt.u32 s8, $0xFFFFF086  }
0x1c: {  	p1 =	slt.u32 s9, $0xF7A;
	s5 =	simm.s32 @!p2 $0x0  }
0x1d: {  	s5 =	simm.s32 @p1 $0x1;
	p0 =	seq.s32 s7, s2  }
0x1e: {  	s7 =	smul.u32 @!p0 $0xF7A, s2;
	p2 =	seq.s32 @!p0 s5, $0x0  }
0x1f: {  	s9 =	smul.u32 $0xF7A, s1;
	s8 =	simm.s32 @!p0 $0x1BF5;
	p2 =	por !p2, p0  }
0x20: {  	[sflag:s8] =	ssyncset.s32 @!p0 $0xFFFFF086;
	s6 =	sadd.s32 @!p0 s3, s7;
	s7 =	simm.s32 @!p0 $0x108  }
0x21: {  	s3 =	sadd.s32 s3, s9;
	s6 =	sadd.s32 @!p0 $0x88, s6;
	s7 =	simm.s32 @p2 $0x1082  }
0x22: {  	[simem:s7], [sflag:s8] =	dma.local @!p0 [hbm:s6], $0xF7A  }
0x23: {  	s9 =	sor.u32 $0xD0000000, s2;
	s6 =	simm.s32 $0x108;
	_ =	swait.ge @!p0 [sflag:s8], $0x0  }
0x24: {  	s3 =	sadd.s32 $0x88, s3;
	s6 =	simm.s32 @!p1 $0x1082;
	[sflag:s4] =	ssyncset.s32 $0xFFFFF086  }
0x25: {  	[simem:s6], [sflag:s4] =	dma.local [hbm:s3], $0xF7A  }
0x26: {  	[smem:$0x3F95] =	sst s1;
	(tag) =	ssettag s2;
	_ =	strace s9  }
0x27: {  	s1 =	sld [smem:$0x3FA5]  }
0x28: {  	s2 =	sld [smem:$0x3FA6]  }
0x29: {  	s4 =	sld [smem:$0x3FA8]  }
0x2a: {  	p0 =	seq.s32 s5, $0x0;
	s5 =	sld [smem:$0x3FA9]  }
0x2b: {  	s6 =	sld [smem:$0x3FAA]  }
0x2c: {  	s7 =	sld [smem:$0x3FAB]  }
0x2d: {  	s3 =	simm.s32 $0x108;
	s8 =	sld [smem:$0x3FAC]  }
0x2e: {  	s3 =	simm.s32 @!p0 $0x1082;
	s9 =	sld [smem:$0x3FAD]  }
0x2f: {  	lr =	sadd.s32 s0, s3;
	s0 =	sld [smem:$0x3FA4]  }
0x30: {  	s3 =	sld [smem:$0x3FA7]  }
0x31: {  	[smem:$0x3FB0] =	sst s10  }
0x32: {  	s10 =	sld [smem:$0x3FAE];
	_ =	sdelay $0x3  }
0x33: {  	p0 =	seq.s32 s10, $0x1;
	s10 =	sld [smem:$0x3FB0];
	_ =	sdelay $0x3  }
0x34: {  	[smem:$0x3FB0] =	sst s10  }
0x35: {  	s10 =	sld [smem:$0x3FAF];
	_ =	sdelay $0x3  }
0x36: {  	p1 =	seq.s32 s10, $0x1;
	s10 =	sld [smem:$0x3FB0];
	_ =	sdelay $0x3  }
0x37: {  	[smem:$0x3FB0] =	sst s10  }
0x38: {  	s10 =	sld [smem:$0x3FB1]  }
0x39: {  	_ = 	snop;
	(pc) =	sbr.ind lr, $3  }
0x3a: {  	_ = 	snop  }
0x3b: {  	_ = 	snop  }
0x3c: {  	p2 =	seq.s32 s10, $0x1;
	s10 =	sld [smem:$0x3FB0]  }
0x3d: {  	_ =	shalt  }
0x3e: {  	_ =	shalt  }
0x3f: {  	_ =	shalt  }
0x40: {  	_ =	shalt  }
0x41: {  	_ =	shalt  }
0x42: {  	_ =	shalt  }
0x43: {  	_ =	shalt  }
0x44: {  	_ =	shalt  }
0x45: {  	_ =	shalt  }
0x46: {  	_ =	shalt  }
0x47: {  	_ =	shalt  }
0x48: {  	_ =	shalt  }
0x49: {  	_ =	shalt  }
0x4a: {  	_ =	shalt  }
0x4b: {  	_ =	shalt  }
0x4c: {  	_ =	shalt  }
0x4d: {  	_ =	shalt  }
0x4e: {  	_ =	shalt  }
0x4f: {  	_ =	shalt  }
0x50: {  	_ =	shalt  }
0x51: {  	_ =	shalt  }
0x52: {  	_ =	shalt  }
0x53: {  	_ =	shalt  }
0x54: {  	_ =	shalt  }
0x55: {  	_ =	shalt  }
0x56: {  	_ =	shalt  }
0x57: {  	_ =	shalt  }
0x58: {  	_ =	shalt  }
0x59: {  	_ =	shalt  }
0x5a: {  	_ =	shalt  }
0x5b: {  	_ =	shalt  }
0x5c: {  	_ =	shalt  }
0x5d: {  	_ =	shalt  }
0x5e: {  	_ =	shalt  }
0x5f: {  	_ =	shalt  }
0x60: {  	_ =	shalt  }
0x61: {  	_ =	shalt  }
0x62: {  	_ =	shalt  }
0x63: {  	_ =	shalt  }
0x64: {  	_ =	shalt  }
0x65: {  	_ =	shalt  }
0x66: {  	_ =	shalt  }
0x67: {  	_ =	shalt  }
0x68: {  	_ =	shalt  }
0x69: {  	_ =	shalt  }
0x6a: {  	_ =	shalt  }
0x6b: {  	_ =	shalt  }
0x6c: {  	_ =	shalt  }
0x6d: {  	_ =	shalt  }
0x6e: {  	_ =	shalt  }
0x6f: {  	_ =	shalt  }
0x70: {  	_ =	shalt  }
0x71: {  	_ =	shalt  }
0x72: {  	_ =	shalt  }
0x73: {  	_ =	shalt  }
0x74: {  	_ =	shalt  }
0x75: {  	_ =	shalt  }
0x76: {  	_ =	shalt  }
0x77: {  	_ =	shalt  }
0x78: {  	_ =	shalt  }
0x79: {  	_ =	shalt  }
0x7a: {  	_ =	shalt  }
0x7b: {  	_ =	shalt  }
0x7c: {  	_ =	shalt  }
0x7d: {  	_ =	shalt  }
0x7e: {  	_ =	shalt  }
0x7f: {  	_ =	shalt  }
0x80: {  	_ =	shalt  }
0x81: {  	_ =	shalt  }
0x82: {  	_ =	shalt  }
0x83: {  	_ =	shalt  }
0x84: {  	_ =	shalt  }
0x85: {  	_ =	shalt  }
0x86: {  	_ =	shalt  }
0x87: {  	_ =	shalt  }
.Lfunc_end0:
.L_simem_size_0:
called_computation.1_lowered:
.L_overlay_start_0:
0x88: {  	s2 =	sld [smem:$0x3FD9]  }
0x89: {  	s3 =	sld [smem:$0x3FFE];
	_ =	sdelay $0x1  }
0x8a: {  	s1 =	srdreg.scid  }
0x8b: {  	s0 =	sand.u32 $0x1, s1  }
0x8c: {  	s16 =	sshll.u32 s0, $0xA;
	s2 =	sadd.s32 s3, s2  }
0x8d: {  	s2 =	sadd.s32 s2, s16  }
0x8e: {  	[smem:$0x3FBC] =	sst s2  }
0x8f: {  	_ = 	snop  }
0x90: {  	(tm) =	ssettm $0x1  }
0x91: {  	s17 =	sld [smem:$0x3FFB];
	_ =	sdelay $0x3  }
0x92: {  	_ =	strace s17  }
0x93: {  	s2 =	sld [smem:$0x3FFC];
	_ =	sdelay $0x3  }
0x94: {  	_ =	strace s2  }
0x95: {  	s2 =	sld [smem:$0x3FFD];
	_ =	sdelay $0x3  }
0x96: {  	_ =	strace s2  }
0x97: {  	_ =	strace $0x8FFFFFFF  }
0x98: {  	s18 =	sld [smem:$0x3FDB];
	_ =	sdelay $0x1  }
0x99: {  	s19 =	simm.s32 $_scs_section_size  }
0x9a: {  	s4 =	simm.s32 $_size__tile_overlayer_lowered;
	s5 =	simm.s32 $_tile_overlayer_lowered  }
0x9b: {  	s22 =	simm.s32 $0x1BFF;
	s21 =	sshll.u32 s5, $0x1;
	s2 =	sadd.s32 s19, s18  }
0x9c: {  	s6 =	simm.s32 $0x0;
	s20 =	sshll.u32 s4, $0x1;
	s4 =	sadd.s32 s21, s2  }
0x9d: {  	[timem:s6], [sflag:s22] =	dma.local [hbm:s4], s20  }
0x9e: {  	_ =	swait.ge [sflag:s22], s20  }
0x9f: {  	s3 =	ssub.s32 $0x0, s20;
	[sflag:s22] =	ssyncset.done $0x0  }
0xa0: {  	[sflag:s22] =	ssyncadd.s32 s3;
	_ =	sdelay $0x1  }
0xa1: {  	s23 =	simm.s32 $0x1B8B  }
0xa2: {  	_ =	swait.ge [sflag:s23], $0x1  }
0xa3: {  	[sflag:s23] =	ssyncset.done $0x0  }
0xa4: {  	s25 =	simm.s32 $0x1B8E;
	s24 =	sld [smem:$0x3FFE];
	[sflag:s23] =	ssyncadd.s32 $0xFFFFFFFF  }
0xa5: {  	s26 =	simm.s32 $execute0_lowered;
	[smem:$0x3FD2] =	sst s25  }
0xa6: {  	s4 =	sshll.u32 s26, $0x1;
	_ =	strace $0x80000049;
	[dreg:$0x1] =	wrdreg $0xFFFFFFFF  }
0xa7: {  	s28 =	simm.s32 $_size_execute0_lowered;
	s2 =	sadd.s32 s2, s4;
	[dreg:$0x0] =	wrdreg $0x0  }
0xa8: {  	s4 =	sshll.u32 s28, $0x1;
	[dreg:$0x2] =	wrdreg s2  }
0xa9: {  	[dreg:$0x3] =	wrdreg s4  }
0xaa: {  	[dreg:$0x4] =	wrdreg $0xC0  }
0xab: {  	_ =	task [dreg:s6], $0x5FFFF  }
0xac: {  	[dreg:$0x1] =	wrdreg $0xFFFFFFFF  }
0xad: {  	[dreg:$0x0] =	wrdreg $0x60  }
0xae: {  	[dreg:$0x2] =	wrdreg s24  }
0xaf: {  	[dreg:$0x3] =	wrdreg $0x0  }
0xb0: {  	[dreg:$0x4] =	wrdreg $0x9  }
0xb1: {  	_ =	task.clear_ibuf [dreg:s6], $0x5FFFF;
	_ =	strace $0x90000049  }
0xb2: {  	s29 =	simm.s32 $0x9;
	_ =	strace $0x8000004B  }
0xb3: {  	_ =	swait.ge [sflag:s29], $0x1  }
0xb4: {  	[sflag:s29] =	ssyncadd.s32 $0xFFFFFFFF  }
0xb5: {  	_ =	strace $0x9000004B  }
0xb6: {  	_ =	sfence  }
0xb7: {  	s30 =	sld [smem:$0x0];
	_ =	sdelay $0x2  }
0xb8: {  	s31 =	sshll.u32 s1, $0xD;
	s1 =	sshrl.u32 s1, $0x2  }
0xb9: {  	s3 =	sand.u32 $0x4000, s31;
	s1 =	sadd.s32 s1, s30  }
0xba: {  	s0 =	sor.u32 s3, s0;
	s1 =	sshll.u32 s1, $0x11  }
0xbb: {  	s0 =	sor.u32 s1, s0  }
0xbc: {  	s0 =	sadd.s32 $0x8F2B, s0  }
0xbd: {  	[sflag:s0] =	ssyncadd.remote.s32 $0x1  }
0xbe: {  	_ =	sfence.sel $0xFFFF  }
0xbf: {  	[dreg:$0x0] =	wrdreg $0xFFFFFFFF;
	(pc) =	sbr.abs _section_cstart, $3  }
0xc0: {  	[dreg:$0x1] =	wrdreg $0xFFFFFFFF  }
0xc1: {  	_ =	task.clear_ibuf [dreg:s6], $0x2FFFF;
	_ =	strace $0x9FFFFFFF  }
0xc2: {  	(tm) =	ssettm $0x7FFFFFFF  }
0xc3: {  	_ =	shalt  }
tec
execute0_lowered:
.L_overlay_start_1:
0x0: {  	(tag) =	ssettag $0x1  }
0x1: {  	s5 =	rddreg [dreg:$0x0]  }
0x2: {  	s1 =	rddreg [dreg:$0x1];
	s2 =	srdreg.scid  }
0x3: {  	s0 =	rddreg [dreg:$0x2];
	s3 =	simm.s32 $0x0;
	s17 =	simm.s32 $0x80  }
0x4: {  	s18 =	simm.s32 $0x16400;
	s19 =	simm.s32 $0x1;
	s6 =	sand.u32 $0x1, s2  }
0x5: {  	s20 =	simm.s32 $0x1A400;
	s2 =	stileid.u32;
	s7 =	smul.u32 $0x2780, s6  }
0x6: {  	s21 =	simm.s32 $0x2;
	s22 =	simm.s32 $0x14F80;
	s8 =	smul.u32 $0x278, s2  }
0x7: {  	[smem:$0x7FF] =	sst s3;
	s4 =	sadd.s32 $0x8A400, s5;
	s11 =	smul.u32 $0x4F000, s2  }
0x8: {  	s9 =	sadd.s32 $0x80400, s5;
	s10 =	sadd.s32 $0x4400, s5;
	s13 =	smul.u32 $0x50, s2  }
0x9: {  	_ =	strace $0x8000004A;
	s23 =	ssub.s32 $0x2, s6;
	s26 =	smul.u32 $0x500, s6  }
0xa: {  	s28 =	sshll.u32 s2, $0x6;
	s31 =	smul.u32 $0x500, s2;
	s24 =	sshrl.u32 s23, $0x1  }
0xb: {  	s6 =	sor.u32 $0x1C03, s28;
	s7 =	sadd.s32 s8, s7;
	s14 =	ssub.s32 s23, s24  }
0xc: {  	s25 =	sshrl.u32 s11, $0x2;
	s29 =	sadd.s32 s13, s26;
	s30 =	sadd.s32 $0x28, s13  }
0xd: {  	s23 =	simm.s32 $0x16300;
	s24 =	simm.s32 $0x16380;
	s7 =	sshll.u32 s7, $0x4  }
0xe: {  	s15 =	sadd.s32 s25, s1;
	s8 =	sadd.s32 s26, s30;
	s11 =	sshll.u32 s30, $0x4  }
0xf: {  	s25 =	simm.s32 $0x0;
	s12 =	sadd.s32 s7, s5;
	s5 =	sadd.s32 s4, s7  }
0x10: {  	s7 =	sshll.u32 s29, $0x4;
	s16 =	sshll.u32 s8, $0x4;
	s8 =	sadd.s32 s10, s31  }
0x11: {  	s10 =	sadd.s32 s10, s11;
	s13 =	sshrl.u32 s15, $0x3;
	s15 =	simm.s32 $0x13C00  }
0x12: {  	s7 =	sadd.s32 s9, s7;
	s9 =	sadd.s32 s9, s16;
	s11 =	sadd.s32 $0xD9400, s12  }
0x13: {  	s12 =	smax.u32 s14, $0x1;
	s14 =	simm.s32 $0x3;
	s16 =	simm.s32 $0x15000  }
.LBB2_1:
0x14: {  	[spmem:s13], [sflag:s6] =	dma.local [hbm:s5], $0x2780  }
0x15: {  	_ =	swait.ge [sflag:s14], $0x2780  }
0x16: {  	[sflag:s14] =	ssyncset.done $0x0  }
0x17: {  	[sflag:s14] =	ssyncadd.s32 $0xFFFFD880  }
0x18: {  	[bflag:$0x0] =	sbarrier.arrive $0xFFFF  }
0x19: {  	[tilespmem:s15], [sflag:$0x3] =	stream.linear.gather [hbm4b:s7+s3], $0x1400, $0x38;
	[tilespmem:$0x1E400] =	vst v63  }
0x1a: {  	_ =	swait.ge [sflag:s14], $0x1400  }
0x1b: {  	[sflag:s14] =	ssyncset.done $0x0  }
0x1c: {  	[sflag:s14] =	ssyncadd.s32 $0xFFFFEC00  }
0x1d: {  	[tilespmem:s16], [sflag:$0x3] =	stream.linear.gather [hbm4b:s8+s3], $0x1400, $0x38;
	[tilespmem:$0x1E400] =	vst v63  }
0x1e: {  	_ =	swait.ge [sflag:s14], $0x1400  }
0x1f: {  	[sflag:s14] =	ssyncset.done $0x0  }
0x20: {  	[sflag:s14] =	ssyncadd.s32 $0xFFFFEC00  }
0x21: {  	[tilespmem:s18], [sflag:$0x1] =	stream.indirect.gather [hbm4b:s4+s17], $0x80, s15, s17, $0xb8;
	[tilespmem:$0x1E400] =	vst v63  }
0x22: {  	_ =	swait.ge [sflag:s19], $0x4000  }
0x23: {  	[sflag:s19] =	ssyncset.done $0x0  }
0x24: {  	s26 =	simm.s32 $0x13C80;
	[sflag:s19] =	ssyncadd.s32 $0xFFFFC000  }
0x25: {  	[tilespmem:s20], [sflag:$0x2] =	stream.indirect.gather [hbm4b:s4+s17], $0x80, s26, s17, $0xb8;
	[tilespmem:$0x1E400] =	vst v63  }
0x26: {  	s29 =	simm.s32 $0x15000  }
0x27: {  	[spmem:s1] =	stream.indirect.scatter.add.f32 [tilespmem:s18], [sflag:$0x3], $0x80, s29, s17, $0xb8;
	[tilespmem:$0x1E400] =	vst v63  }
0x28: {  	_ =	swait.ge [sflag:s14], $0x4000  }
0x29: {  	[sflag:s14] =	ssyncset.done $0x0  }
0x2a: {  	[sflag:s14] =	ssyncadd.s32 $0xFFFFC000  }
0x2b: {  	_ =	swait.ge [sflag:s21], $0x4000  }
0x2c: {  	[sflag:s21] =	ssyncset.done $0x0  }
0x2d: {  	s30 =	simm.s32 $0x13D00;
	[sflag:s21] =	ssyncadd.s32 $0xFFFFC000  }
0x2e: {  	[tilespmem:s18], [sflag:$0x1] =	stream.indirect.gather [hbm4b:s4+s17], $0x80, s30, s17, $0xb8;
	[tilespmem:$0x1E400] =	vst v63  }
0x2f: {  	s31 =	simm.s32 $0x15080  }
0x30: {  	[spmem:s1] =	stream.indirect.scatter.add.f32 [tilespmem:s20], [sflag:$0x3], $0x80, s31, s17, $0xb8;
	[tilespmem:$0x1E400] =	vst v63  }
0x31: {  	_ =	swait.ge [sflag:s14], $0x4000  }
0x32: {  	s26 =	simm.s32 $0x400;
	[sflag:s14] =	ssyncset.done $0x0  }
.LBB2_2:
0x33: {  	p0 =	sne.s32 s26, $0x4800  }
0x34: {  	[sflag:s14] =	ssyncadd.s32 $0xFFFFC000;
	s28 =	smov.u32 s26;
	s26 =	sadd.s32 $0x400, s26  }
0x35: {  	_ = 	snop  }
0x36: {  	_ =	swait.ge [sflag:s19], $0x4000  }
0x37: {  	s28 =	sshra.s32 s28, $0x2;
	[sflag:s19] =	ssyncset.done $0x0  }
0x38: {  	s29 =	sadd.s32 $0x13C80, s28;
	[sflag:s19] =	ssyncadd.s32 $0xFFFFC000  }
0x39: {  	[tilespmem:s20], [sflag:$0x2] =	stream.indirect.gather [hbm4b:s4+s17], $0x80, s29, s17, $0xb8;
	[tilespmem:$0x1E400] =	vst v63  }
0x3a: {  	s29 =	sadd.s32 $0x15000, s28  }
0x3b: {  	[spmem:s1] =	stream.indirect.scatter.add.f32 [tilespmem:s18], [sflag:$0x3], $0x80, s29, s17, $0xb8;
	[tilespmem:$0x1E400] =	vst v63  }
0x3c: {  	_ =	swait.ge [sflag:s14], $0x4000  }
0x3d: {  	[sflag:s14] =	ssyncset.done $0x0  }
0x3e: {  	[sflag:s14] =	ssyncadd.s32 $0xFFFFC000  }
0x3f: {  	_ =	swait.ge [sflag:s21], $0x4000  }
0x40: {  	[sflag:s21] =	ssyncset.done $0x0  }
0x41: {  	s29 =	sadd.s32 $0x13D00, s28;
	[sflag:s21] =	ssyncadd.s32 $0xFFFFC000  }
0x42: {  	[tilespmem:s18], [sflag:$0x1] =	stream.indirect.gather [hbm4b:s4+s17], $0x80, s29, s17, $0xb8;
	[tilespmem:$0x1E400] =	vst v63  }
.Ltmp0:
0x43: {  	_ = 	snop;
	(pc) =	sbr.rel @p0 .LBB2_2-.Ltmp0, $4  }
0x44: {  	s28 =	sadd.s32 $0x15080, s28  }
0x45: {  	[spmem:s1] =	stream.indirect.scatter.add.f32 [tilespmem:s20], [sflag:$0x3], $0x80, s28, s17, $0xb8;
	[tilespmem:$0x1E400] =	vst v63  }
0x46: {  	_ =	swait.ge [sflag:s14], $0x4000  }
0x47: {  	[sflag:s14] =	ssyncset.done $0x0  }
0x48: {  	[sflag:s14] =	ssyncadd.s32 $0xFFFFC000  }
0x49: {  	_ =	swait.ge [sflag:s19], $0x4000  }
0x4a: {  	[sflag:s19] =	ssyncset.done $0x0  }
0x4b: {  	[sflag:s19] =	ssyncadd.s32 $0xFFFFC000  }
0x4c: {  	[tilespmem:s20], [sflag:$0x2] =	stream.indirect.gather [hbm4b:s4+s17], $0x80, s22, s17, $0xb8;
	[tilespmem:$0x1E400] =	vst v63  }
0x4d: {  	_ = 	snop  }
0x4e: {  	[spmem:s1] =	stream.indirect.scatter.add.f32 [tilespmem:s18], [sflag:$0x3], $0x80, s23, s17, $0xb8;
	[tilespmem:$0x1E400] =	vst v63  }
0x4f: {  	_ =	swait.ge [sflag:s14], $0x4000  }
0x50: {  	[sflag:s14] =	ssyncset.done $0x0  }
0x51: {  	[sflag:s14] =	ssyncadd.s32 $0xFFFFC000  }
0x52: {  	_ =	swait.ge [sflag:s21], $0x4000  }
0x53: {  	[sflag:s21] =	ssyncset.done $0x0  }
0x54: {  	[sflag:s21] =	ssyncadd.s32 $0xFFFFC000  }
0x55: {  	[tilespmem:s18], [sflag:$0x1] =	stream.indirect.gather [hbm4b:s4+s17], $0x80, s22, s17, $0xb8;
	[tilespmem:$0x1E400] =	vst v63  }
0x56: {  	_ = 	snop  }
0x57: {  	[spmem:s1] =	stream.indirect.scatter.add.f32 [tilespmem:s20], [sflag:$0x3], $0x80, s24, s17, $0xb8;
	[tilespmem:$0x1E400] =	vst v63  }
0x58: {  	_ =	swait.ge [sflag:s14], $0x4000  }
0x59: {  	[sflag:s14] =	ssyncset.done $0x0  }
0x5a: {  	[sflag:s14] =	ssyncadd.s32 $0xFFFFC000  }
0x5b: {  	_ =	swait.ge [sflag:s19], $0x4000  }
0x5c: {  	[sflag:s19] =	ssyncset.done $0x0  }
0x5d: {  	s26 =	simm.s32 $0x0;
	[sflag:s19] =	ssyncadd.s32 $0xFFFFC000  }
0x5e: {  	[tilespmem:s15], [sflag:$0x3] =	stream.linear.gather [hbm4b:s9+s26], $0x1400, $0x38;
	[tilespmem:$0x1E400] =	vst v63  }
0x5f: {  	_ =	swait.ge [sflag:s14], $0x1400  }
0x60: {  	[sflag:s14] =	ssyncset.done $0x0  }
0x61: {  	[sflag:s14] =	ssyncadd.s32 $0xFFFFEC00  }
0x62: {  	[tilespmem:s16], [sflag:$0x3] =	stream.linear.gather [hbm4b:s10+s26], $0x1400, $0x38;
	[tilespmem:$0x1E400] =	vst v63  }
0x63: {  	_ =	swait.ge [sflag:s14], $0x1400  }
0x64: {  	[sflag:s14] =	ssyncset.done $0x0  }
0x65: {  	[sflag:s14] =	ssyncadd.s32 $0xFFFFEC00  }
0x66: {  	[tilespmem:s18], [sflag:$0x1] =	stream.indirect.gather [hbm4b:s4+s17], $0x80, s15, s17, $0xb8;
	[tilespmem:$0x1E400] =	vst v63  }
0x67: {  	_ =	swait.ge [sflag:s19], $0x4000  }
0x68: {  	[sflag:s19] =	ssyncset.done $0x0  }
0x69: {  	s28 =	simm.s32 $0x13C80;
	[sflag:s19] =	ssyncadd.s32 $0xFFFFC000  }
0x6a: {  	[tilespmem:s20], [sflag:$0x2] =	stream.indirect.gather [hbm4b:s4+s17], $0x80, s28, s17, $0xb8;
	[tilespmem:$0x1E400] =	vst v63  }
0x6b: {  	s29 =	simm.s32 $0x15000  }
0x6c: {  	[spmem:s1] =	stream.indirect.scatter.add.f32 [tilespmem:s18], [sflag:$0x3], $0x80, s29, s17, $0xb8;
	[tilespmem:$0x1E400] =	vst v63  }
0x6d: {  	_ =	swait.ge [sflag:s14], $0x4000  }
0x6e: {  	[sflag:s14] =	ssyncset.done $0x0  }
0x6f: {  	[sflag:s14] =	ssyncadd.s32 $0xFFFFC000  }
0x70: {  	_ =	swait.ge [sflag:s21], $0x4000  }
0x71: {  	[sflag:s21] =	ssyncset.done $0x0  }
0x72: {  	s30 =	simm.s32 $0x13D00;
	[sflag:s21] =	ssyncadd.s32 $0xFFFFC000  }
0x73: {  	[tilespmem:s18], [sflag:$0x1] =	stream.indirect.gather [hbm4b:s4+s17], $0x80, s30, s17, $0xb8;
	[tilespmem:$0x1E400] =	vst v63  }
0x74: {  	s31 =	simm.s32 $0x15080  }
0x75: {  	[spmem:s1] =	stream.indirect.scatter.add.f32 [tilespmem:s20], [sflag:$0x3], $0x80, s31, s17, $0xb8;
	[tilespmem:$0x1E400] =	vst v63  }
0x76: {  	_ =	swait.ge [sflag:s14], $0x4000  }
0x77: {  	s26 =	simm.s32 $0x400;
	[sflag:s14] =	ssyncset.done $0x0  }
.LBB2_4:
0x78: {  	p0 =	sne.s32 s26, $0x4800  }
0x79: {  	[sflag:s14] =	ssyncadd.s32 $0xFFFFC000;
	s28 =	smov.u32 s26;
	s26 =	sadd.s32 $0x400, s26  }
0x7a: {  	_ = 	snop  }
0x7b: {  	_ =	swait.ge [sflag:s19], $0x4000  }
0x7c: {  	s28 =	sshra.s32 s28, $0x2;
	[sflag:s19] =	ssyncset.done $0x0  }
0x7d: {  	s29 =	sadd.s32 $0x13C80, s28;
	[sflag:s19] =	ssyncadd.s32 $0xFFFFC000  }
0x7e: {  	[tilespmem:s20], [sflag:$0x2] =	stream.indirect.gather [hbm4b:s4+s17], $0x80, s29, s17, $0xb8;
	[tilespmem:$0x1E400] =	vst v63  }
0x7f: {  	s29 =	sadd.s32 $0x15000, s28  }
0x80: {  	[spmem:s1] =	stream.indirect.scatter.add.f32 [tilespmem:s18], [sflag:$0x3], $0x80, s29, s17, $0xb8;
	[tilespmem:$0x1E400] =	vst v63  }
0x81: {  	_ =	swait.ge [sflag:s14], $0x4000  }
0x82: {  	[sflag:s14] =	ssyncset.done $0x0  }
0x83: {  	[sflag:s14] =	ssyncadd.s32 $0xFFFFC000  }
0x84: {  	_ =	swait.ge [sflag:s21], $0x4000  }
0x85: {  	[sflag:s21] =	ssyncset.done $0x0  }
0x86: {  	s29 =	sadd.s32 $0x13D00, s28;
	[sflag:s21] =	ssyncadd.s32 $0xFFFFC000  }
0x87: {  	[tilespmem:s18], [sflag:$0x1] =	stream.indirect.gather [hbm4b:s4+s17], $0x80, s29, s17, $0xb8;
	[tilespmem:$0x1E400] =	vst v63  }
.Ltmp1:
0x88: {  	_ = 	snop;
	(pc) =	sbr.rel @p0 .LBB2_4-.Ltmp1, $4  }
0x89: {  	s28 =	sadd.s32 $0x15080, s28  }
0x8a: {  	[spmem:s1] =	stream.indirect.scatter.add.f32 [tilespmem:s20], [sflag:$0x3], $0x80, s28, s17, $0xb8;
	[tilespmem:$0x1E400] =	vst v63  }
0x8b: {  	_ =	swait.ge [sflag:s14], $0x4000  }
0x8c: {  	[sflag:s14] =	ssyncset.done $0x0  }
0x8d: {  	[sflag:s14] =	ssyncadd.s32 $0xFFFFC000  }
0x8e: {  	_ =	swait.ge [sflag:s19], $0x4000  }
0x8f: {  	[sflag:s19] =	ssyncset.done $0x0  }
0x90: {  	[sflag:s19] =	ssyncadd.s32 $0xFFFFC000  }
0x91: {  	[tilespmem:s20], [sflag:$0x2] =	stream.indirect.gather [hbm4b:s4+s17], $0x80, s22, s17, $0xb8;
	[tilespmem:$0x1E400] =	vst v63  }
0x92: {  	_ = 	snop  }
0x93: {  	[spmem:s1] =	stream.indirect.scatter.add.f32 [tilespmem:s18], [sflag:$0x3], $0x80, s23, s17, $0xb8;
	[tilespmem:$0x1E400] =	vst v63  }
0x94: {  	_ =	swait.ge [sflag:s14], $0x4000  }
0x95: {  	[sflag:s14] =	ssyncset.done $0x0  }
0x96: {  	[sflag:s14] =	ssyncadd.s32 $0xFFFFC000  }
0x97: {  	_ =	swait.ge [sflag:s21], $0x4000  }
0x98: {  	[sflag:s21] =	ssyncset.done $0x0  }
0x99: {  	[sflag:s21] =	ssyncadd.s32 $0xFFFFC000  }
0x9a: {  	[tilespmem:s18], [sflag:$0x1] =	stream.indirect.gather [hbm4b:s4+s17], $0x80, s22, s17, $0xb8;
	[tilespmem:$0x1E400] =	vst v63  }
0x9b: {  	_ = 	snop  }
0x9c: {  	[spmem:s1] =	stream.indirect.scatter.add.f32 [tilespmem:s20], [sflag:$0x3], $0x80, s24, s17, $0xb8;
	[tilespmem:$0x1E400] =	vst v63  }
0x9d: {  	_ =	swait.ge [sflag:s14], $0x4000  }
0x9e: {  	[sflag:s14] =	ssyncset.done $0x0  }
0x9f: {  	[sflag:s14] =	ssyncadd.s32 $0xFFFFC000  }
0xa0: {  	_ =	swait.ge [sflag:s19], $0x4000  }
0xa1: {  	s25 =	sadd.s32 $0x1, s25;
	[sflag:s19] =	ssyncset.done $0x0  }
0xa2: {  	p0 =	sne.s32 s25, s12;
	[sflag:s19] =	ssyncadd.s32 $0xFFFFC000  }
.Ltmp2:
0xa3: {  	[bflag:$0x0] =	sbarrier.arrive $0xFFFF;
	(pc) =	sbr.rel @p0 .LBB2_1-.Ltmp2, $4  }
0xa4: {  	[hbm:s11], [sflag:s6] =	dma.local [spmem:s13], $0x2780  }
0xa5: {  	_ =	swait.ge [sflag:s14], $0x2780  }
0xa6: {  	[sflag:s14] =	ssyncset.done $0x0  }
0xa7: {  	[sflag:s14] =	ssyncadd.s32 $0xFFFFD880  }
0xa8: {  	_ =	sfence.sel $0x180000  }
0xa9: {  	[bflag:$0x0] =	sbarrier.arrive $0xFFFF  }
0xaa: {  	p0 =	sne.s32 s2, $0x0;
	_ =	strace $0x9000004A  }
0xab: {  	s0 =	sadd.s32 @!p0 $0x100000, s0;
	[bflag:$0x2] =	sbarrier.arrive $0xFFFF  }
0xac: {  	[sflag:s0] =	ssyncadd.tile.s32 @!p0 $0x1;
	_ =	shalt  }
.Lfunc_end2:
_tile_overlayer_lowered:
.L_overlay_start_2:
0xad: {  	(tag) =	ssettag $0x2  }
0xae: {  	s0 =	rddreg [dreg:$0x0];
	s2 =	stileid.u32  }
0xaf: {  	s1 =	rddreg [dreg:$0x1];
	p0 =	sne.s32 s2, $0x0  }
0xb0: {  	s3 =	rddreg [dreg:$0x2];
	[bflag:$0x3] =	sbarrier.arrive $0xFFFF;
	s2 =	simm.s32 @!p0 $0x1C03  }
0xb1: {  	[timem:s3], [sflag:s2] =	dma.local @!p0 [hbm:s0], s1  }
0xb2: {  	s0 =	simm.s32 @!p0 $0x3  }
0xb3: {  	_ =	swait.ge @!p0 [sflag:s0], s1  }
0xb4: {  	s1 =	ssub.s32 @!p0 $0x0, s1;
	[sflag:s0] =	ssyncset.done @!p0 $0x0  }
0xb5: {  	[sflag:s0] =	ssyncadd.s32 @!p0 s1  }
0xb6: {  	[bflag:$0x3] =	sbarrier.arrive $0xFFFF  }
0xb7: {  	_ =	shalt  }

// kernel: kernel.16.cloned.1.call-start
scs
__scs_entry_jumppad:
0x0: {  	(pc) =	sbr.rel $0x88, $3  }
0x1: {  	(tag) =	ssettag $0x0;
	lr =	simm.s32 $0x1  }
0x2: {  	[smem:$0x3F95] =	sst lr;
	_ =	strace $0xD0000000  }
0x3: {  	_ = 	snop  }
0x4: {  	_ = 	snop  }
0x5: {  	_ = 	snop  }
0x6: {  	_ = 	snop  }
0x7: {  	_ = 	snop  }
__scs_overlays_trampoline_lowered:
0x8: {  	[smem:$0x3FA4] =	sst s0  }
0x9: {  	[smem:$0x3FA5] =	sst s1  }
0xa: {  	[smem:$0x3FA6] =	sst s2  }
0xb: {  	[smem:$0x3FA7] =	sst s3  }
0xc: {  	[smem:$0x3FA8] =	sst s4  }
0xd: {  	[smem:$0x3FA9] =	sst s5  }
0xe: {  	[smem:$0x3FAA] =	sst s6  }
0xf: {  	[smem:$0x3FAB] =	sst s7  }
0x10: {  	[smem:$0x3FAC] =	sst s8  }
0x11: {  	[smem:$0x3FAD] =	sst s9;
	s0 =	simm.s32 @!p0 $0x0  }
0x12: {  	s1 =	sld [smem:$0x3F93];
	s0 =	simm.s32 @p0 $0x1  }
0x13: {  	[smem:$0x3FAE] =	sst s0;
	s0 =	simm.s32 @!p1 $0x0  }
0x14: {  	s2 =	sld [smem:$0x3F92];
	s0 =	simm.s32 @p1 $0x1  }
0x15: {  	[smem:$0x3FAF] =	sst s0;
	s0 =	simm.s32 @!p2 $0x0  }
0x16: {  	s3 =	sld [smem:$0x3FDB];
	s0 =	simm.s32 @p2 $0x1  }
0x17: {  	s4 =	simm.s32 $0x1BF5;
	[smem:$0x3FB1] =	sst s0  }
0x18: {  	s0 =	sld [smem:$0x3F94];
	_ =	swait.ge [sflag:s4], $0x0  }
0x19: {  	s7 =	sld [smem:$0x3F95]  }
0x1a: {  	s8 =	sadd.s32 $0xFFFFE003, lr  }
0x1b: {  	s9 =	sadd.s32 $0xFFFFFEF7, lr;
	s5 =	simm.s32 $0xFFFFFFFF;
	p2 =	slt.u32 s8, $0xFFFFF086  }
0x1c: {  	p1 =	slt.u32 s9, $0xF7A;
	s5 =	simm.s32 @!p2 $0x0  }
0x1d: {  	s5 =	simm.s32 @p1 $0x1;
	p0 =	seq.s32 s7, s2  }
0x1e: {  	s7 =	smul.u32 @!p0 $0xF7A, s2;
	p2 =	seq.s32 @!p0 s5, $0x0  }
0x1f: {  	s9 =	smul.u32 $0xF7A, s1;
	s8 =	simm.s32 @!p0 $0x1BF5;
	p2 =	por !p2, p0  }
0x20: {  	[sflag:s8] =	ssyncset.s32 @!p0 $0xFFFFF086;
	s6 =	sadd.s32 @!p0 s3, s7;
	s7 =	simm.s32 @!p0 $0x108  }
0x21: {  	s3 =	sadd.s32 s3, s9;
	s6 =	sadd.s32 @!p0 $0x88, s6;
	s7 =	simm.s32 @p2 $0x1082  }
0x22: {  	[simem:s7], [sflag:s8] =	dma.local @!p0 [hbm:s6], $0xF7A  }
0x23: {  	s9 =	sor.u32 $0xD0000000, s2;
	s6 =	simm.s32 $0x108;
	_ =	swait.ge @!p0 [sflag:s8], $0x0  }
0x24: {  	s3 =	sadd.s32 $0x88, s3;
	s6 =	simm.s32 @!p1 $0x1082;
	[sflag:s4] =	ssyncset.s32 $0xFFFFF086  }
0x25: {  	[simem:s6], [sflag:s4] =	dma.local [hbm:s3], $0xF7A  }
0x26: {  	[smem:$0x3F95] =	sst s1;
	(tag) =	ssettag s2;
	_ =	strace s9  }
0x27: {  	s1 =	sld [smem:$0x3FA5]  }
0x28: {  	s2 =	sld [smem:$0x3FA6]  }
0x29: {  	s4 =	sld [smem:$0x3FA8]  }
0x2a: {  	p0 =	seq.s32 s5, $0x0;
	s5 =	sld [smem:$0x3FA9]  }
0x2b: {  	s6 =	sld [smem:$0x3FAA]  }
0x2c: {  	s7 =	sld [smem:$0x3FAB]  }
0x2d: {  	s3 =	simm.s32 $0x108;
	s8 =	sld [smem:$0x3FAC]  }
0x2e: {  	s3 =	simm.s32 @!p0 $0x1082;
	s9 =	sld [smem:$0x3FAD]  }
0x2f: {  	lr =	sadd.s32 s0, s3;
	s0 =	sld [smem:$0x3FA4]  }
0x30: {  	s3 =	sld [smem:$0x3FA7]  }
0x31: {  	[smem:$0x3FB0] =	sst s10  }
0x32: {  	s10 =	sld [smem:$0x3FAE];
	_ =	sdelay $0x3  }
0x33: {  	p0 =	seq.s32 s10, $0x1;
	s10 =	sld [smem:$0x3FB0];
	_ =	sdelay $0x3  }
0x34: {  	[smem:$0x3FB0] =	sst s10  }
0x35: {  	s10 =	sld [smem:$0x3FAF];
	_ =	sdelay $0x3  }
0x36: {  	p1 =	seq.s32 s10, $0x1;
	s10 =	sld [smem:$0x3FB0];
	_ =	sdelay $0x3  }
0x37: {  	[smem:$0x3FB0] =	sst s10  }
0x38: {  	s10 =	sld [smem:$0x3FB1]  }
0x39: {  	_ = 	snop;
	(pc) =	sbr.ind lr, $3  }
0x3a: {  	_ = 	snop  }
0x3b: {  	_ = 	snop  }
0x3c: {  	p2 =	seq.s32 s10, $0x1;
	s10 =	sld [smem:$0x3FB0]  }
0x3d: {  	_ =	shalt  }
0x3e: {  	_ =	shalt  }
0x3f: {  	_ =	shalt  }
0x40: {  	_ =	shalt  }
0x41: {  	_ =	shalt  }
0x42: {  	_ =	shalt  }
0x43: {  	_ =	shalt  }
0x44: {  	_ =	shalt  }
0x45: {  	_ =	shalt  }
0x46: {  	_ =	shalt  }
0x47: {  	_ =	shalt  }
0x48: {  	_ =	shalt  }
0x49: {  	_ =	shalt  }
0x4a: {  	_ =	shalt  }
0x4b: {  	_ =	shalt  }
0x4c: {  	_ =	shalt  }
0x4d: {  	_ =	shalt  }
0x4e: {  	_ =	shalt  }
0x4f: {  	_ =	shalt  }
0x50: {  	_ =	shalt  }
0x51: {  	_ =	shalt  }
0x52: {  	_ =	shalt  }
0x53: {  	_ =	shalt  }
0x54: {  	_ =	shalt  }
0x55: {  	_ =	shalt  }
0x56: {  	_ =	shalt  }
0x57: {  	_ =	shalt  }
0x58: {  	_ =	shalt  }
0x59: {  	_ =	shalt  }
0x5a: {  	_ =	shalt  }
0x5b: {  	_ =	shalt  }
0x5c: {  	_ =	shalt  }
0x5d: {  	_ =	shalt  }
0x5e: {  	_ =	shalt  }
0x5f: {  	_ =	shalt  }
0x60: {  	_ =	shalt  }
0x61: {  	_ =	shalt  }
0x62: {  	_ =	shalt  }
0x63: {  	_ =	shalt  }
0x64: {  	_ =	shalt  }
0x65: {  	_ =	shalt  }
0x66: {  	_ =	shalt  }
0x67: {  	_ =	shalt  }
0x68: {  	_ =	shalt  }
0x69: {  	_ =	shalt  }
0x6a: {  	_ =	shalt  }
0x6b: {  	_ =	shalt  }
0x6c: {  	_ =	shalt  }
0x6d: {  	_ =	shalt  }
0x6e: {  	_ =	shalt  }
0x6f: {  	_ =	shalt  }
0x70: {  	_ =	shalt  }
0x71: {  	_ =	shalt  }
0x72: {  	_ =	shalt  }
0x73: {  	_ =	shalt  }
0x74: {  	_ =	shalt  }
0x75: {  	_ =	shalt  }
0x76: {  	_ =	shalt  }
0x77: {  	_ =	shalt  }
0x78: {  	_ =	shalt  }
0x79: {  	_ =	shalt  }
0x7a: {  	_ =	shalt  }
0x7b: {  	_ =	shalt  }
0x7c: {  	_ =	shalt  }
0x7d: {  	_ =	shalt  }
0x7e: {  	_ =	shalt  }
0x7f: {  	_ =	shalt  }
0x80: {  	_ =	shalt  }
0x81: {  	_ =	shalt  }
0x82: {  	_ =	shalt  }
0x83: {  	_ =	shalt  }
0x84: {  	_ =	shalt  }
0x85: {  	_ =	shalt  }
0x86: {  	_ =	shalt  }
0x87: {  	_ =	shalt  }
.Lfunc_end0:
.L_simem_size_0:
called_computation.2_lowered:
.L_overlay_start_0:
0x88: {  	s2 =	sld [smem:$0x3FD9]  }
0x89: {  	s3 =	sld [smem:$0x3FFE];
	_ =	sdelay $0x1  }
0x8a: {  	s1 =	srdreg.scid  }
0x8b: {  	s0 =	sand.u32 $0x1, s1  }
0x8c: {  	s16 =	sshll.u32 s0, $0xA;
	s2 =	sadd.s32 s3, s2  }
0x8d: {  	s2 =	sadd.s32 s2, s16  }
0x8e: {  	[smem:$0x3FBC] =	sst s2  }
0x8f: {  	_ = 	snop  }
0x90: {  	(tm) =	ssettm $0x1  }
0x91: {  	s17 =	sld [smem:$0x3FFB];
	_ =	sdelay $0x3  }
0x92: {  	_ =	strace s17  }
0x93: {  	s2 =	sld [smem:$0x3FFC];
	_ =	sdelay $0x3  }
0x94: {  	_ =	strace s2  }
0x95: {  	s2 =	sld [smem:$0x3FFD];
	_ =	sdelay $0x3  }
0x96: {  	_ =	strace s2  }
0x97: {  	_ =	strace $0x8FFFFFFF  }
0x98: {  	s18 =	sld [smem:$0x3FDB];
	_ =	sdelay $0x1  }
0x99: {  	s19 =	simm.s32 $_scs_section_size  }
0x9a: {  	s4 =	simm.s32 $_size__tile_overlayer_lowered;
	s5 =	simm.s32 $_tile_overlayer_lowered  }
0x9b: {  	s22 =	simm.s32 $0x1BFF;
	s21 =	sshll.u32 s5, $0x1;
	s2 =	sadd.s32 s19, s18  }
0x9c: {  	s6 =	simm.s32 $0x0;
	s20 =	sshll.u32 s4, $0x1;
	s4 =	sadd.s32 s21, s2  }
0x9d: {  	[timem:s6], [sflag:s22] =	dma.local [hbm:s4], s20  }
0x9e: {  	_ =	swait.ge [sflag:s22], s20  }
0x9f: {  	s3 =	ssub.s32 $0x0, s20;
	[sflag:s22] =	ssyncset.done $0x0  }
0xa0: {  	[sflag:s22] =	ssyncadd.s32 s3;
	_ =	sdelay $0x1  }
0xa1: {  	s23 =	simm.s32 $0x1B8B  }
0xa2: {  	_ =	swait.ge [sflag:s23], $0x1  }
0xa3: {  	[sflag:s23] =	ssyncset.done $0x0  }
0xa4: {  	s25 =	simm.s32 $0x1B8E;
	s24 =	sld [smem:$0x3FFE];
	[sflag:s23] =	ssyncadd.s32 $0xFFFFFFFF  }
0xa5: {  	s26 =	simm.s32 $execute0_lowered;
	[smem:$0x3FD2] =	sst s25  }
0xa6: {  	s4 =	sshll.u32 s26, $0x1;
	_ =	strace $0x8000004C;
	[dreg:$0x1] =	wrdreg $0xFFFFFFFF  }
0xa7: {  	s28 =	simm.s32 $_size_execute0_lowered;
	s2 =	sadd.s32 s2, s4;
	[dreg:$0x0] =	wrdreg $0x0  }
0xa8: {  	s4 =	sshll.u32 s28, $0x1;
	[dreg:$0x2] =	wrdreg s2  }
0xa9: {  	[dreg:$0x3] =	wrdreg s4  }
0xaa: {  	[dreg:$0x4] =	wrdreg $0xC0  }
0xab: {  	_ =	task [dreg:s6], $0x5FFFF  }
0xac: {  	[dreg:$0x1] =	wrdreg $0xFFFFFFFF  }
0xad: {  	[dreg:$0x0] =	wrdreg $0x60  }
0xae: {  	[dreg:$0x2] =	wrdreg s24  }
0xaf: {  	[dreg:$0x3] =	wrdreg $0x0  }
0xb0: {  	[dreg:$0x4] =	wrdreg $0x9  }
0xb1: {  	_ =	task.clear_ibuf [dreg:s6], $0x5FFFF;
	_ =	strace $0x9000004C  }
0xb2: {  	s29 =	simm.s32 $0x9;
	_ =	strace $0x8000004E  }
0xb3: {  	_ =	swait.ge [sflag:s29], $0x1  }
0xb4: {  	[sflag:s29] =	ssyncadd.s32 $0xFFFFFFFF  }
0xb5: {  	_ =	strace $0x9000004E  }
0xb6: {  	_ =	sfence  }
0xb7: {  	s30 =	sld [smem:$0x0];
	_ =	sdelay $0x2  }
0xb8: {  	s31 =	sshll.u32 s1, $0xD;
	s1 =	sshrl.u32 s1, $0x2  }
0xb9: {  	s3 =	sand.u32 $0x4000, s31;
	s1 =	sadd.s32 s1, s30  }
0xba: {  	s0 =	sor.u32 s3, s0;
	s1 =	sshll.u32 s1, $0x11  }
0xbb: {  	s0 =	sor.u32 s1, s0  }
0xbc: {  	s0 =	sadd.s32 $0x8F2B, s0  }
0xbd: {  	[sflag:s0] =	ssyncadd.remote.s32 $0x1  }
0xbe: {  	_ =	sfence.sel $0xFFFF  }
0xbf: {  	[dreg:$0x0] =	wrdreg $0xFFFFFFFF;
	(pc) =	sbr.abs _section_cstart, $3  }
0xc0: {  	[dreg:$0x1] =	wrdreg $0xFFFFFFFF  }
0xc1: {  	_ =	task.clear_ibuf [dreg:s6], $0x2FFFF;
	_ =	strace $0x9FFFFFFF  }
0xc2: {  	(tm) =	ssettm $0x7FFFFFFF  }
0xc3: {  	_ =	shalt  }
tec
execute0_lowered:
.L_overlay_start_1:
0x0: {  	(tag) =	ssettag $0x1  }
0x1: {  	s5 =	rddreg [dreg:$0x0]  }
0x2: {  	s1 =	rddreg [dreg:$0x1];
	s2 =	srdreg.scid  }
0x3: {  	s0 =	rddreg [dreg:$0x2];
	s3 =	simm.s32 $0x0;
	s17 =	simm.s32 $0x80  }
0x4: {  	s18 =	simm.s32 $0x16400;
	s19 =	simm.s32 $0x1;
	s6 =	sand.u32 $0x1, s2  }
0x5: {  	s20 =	simm.s32 $0x1A400;
	s2 =	stileid.u32;
	s7 =	smul.u32 $0x2780, s6  }
0x6: {  	s21 =	simm.s32 $0x2;
	s22 =	simm.s32 $0x14F80;
	s8 =	smul.u32 $0x278, s2  }
0x7: {  	[smem:$0x7FF] =	sst s3;
	s4 =	sadd.s32 $0x8A400, s5;
	s11 =	smul.u32 $0x4F000, s2  }
0x8: {  	s9 =	sadd.s32 $0x80400, s5;
	s10 =	sadd.s32 $0x4400, s5;
	s13 =	smul.u32 $0x50, s2  }
0x9: {  	_ =	strace $0x8000004D;
	s23 =	ssub.s32 $0x2, s6;
	s26 =	smul.u32 $0x500, s6  }
0xa: {  	s28 =	sshll.u32 s2, $0x6;
	s31 =	smul.u32 $0x500, s2;
	s24 =	sshrl.u32 s23, $0x1  }
0xb: {  	s6 =	sor.u32 $0x1C03, s28;
	s7 =	sadd.s32 s8, s7;
	s14 =	ssub.s32 s23, s24  }
0xc: {  	s25 =	sshrl.u32 s11, $0x2;
	s29 =	sadd.s32 s13, s26;
	s30 =	sadd.s32 $0x28, s13  }
0xd: {  	s23 =	simm.s32 $0x16300;
	s24 =	simm.s32 $0x16380;
	s7 =	sshll.u32 s7, $0x4  }
0xe: {  	s15 =	sadd.s32 s25, s1;
	s8 =	sadd.s32 s26, s30;
	s11 =	sshll.u32 s30, $0x4  }
0xf: {  	s25 =	simm.s32 $0x0;
	s12 =	sadd.s32 s7, s5;
	s5 =	sadd.s32 s4, s7  }
0x10: {  	s7 =	sshll.u32 s29, $0x4;
	s16 =	sshll.u32 s8, $0x4;
	s8 =	sadd.s32 s10, s31  }
0x11: {  	s10 =	sadd.s32 s10, s11;
	s13 =	sshrl.u32 s15, $0x3;
	s15 =	simm.s32 $0x13C00  }
0x12: {  	s7 =	sadd.s32 s9, s7;
	s9 =	sadd.s32 s9, s16;
	s11 =	sadd.s32 $0xD9400, s12  }
0x13: {  	s12 =	smax.u32 s14, $0x1;
	s14 =	simm.s32 $0x3;
	s16 =	simm.s32 $0x15000  }
.LBB2_1:
0x14: {  	[spmem:s13], [sflag:s6] =	dma.local [hbm:s5], $0x2780  }
0x15: {  	_ =	swait.ge [sflag:s14], $0x2780  }
0x16: {  	[sflag:s14] =	ssyncset.done $0x0  }
0x17: {  	[sflag:s14] =	ssyncadd.s32 $0xFFFFD880  }
0x18: {  	[bflag:$0x0] =	sbarrier.arrive $0xFFFF  }
0x19: {  	[tilespmem:s15], [sflag:$0x3] =	stream.linear.gather [hbm4b:s7+s3], $0x1400, $0x38;
	[tilespmem:$0x1E400] =	vst v63  }
0x1a: {  	_ =	swait.ge [sflag:s14], $0x1400  }
0x1b: {  	[sflag:s14] =	ssyncset.done $0x0  }
0x1c: {  	[sflag:s14] =	ssyncadd.s32 $0xFFFFEC00  }
0x1d: {  	[tilespmem:s16], [sflag:$0x3] =	stream.linear.gather [hbm4b:s8+s3], $0x1400, $0x38;
	[tilespmem:$0x1E400] =	vst v63  }
0x1e: {  	_ =	swait.ge [sflag:s14], $0x1400  }
0x1f: {  	[sflag:s14] =	ssyncset.done $0x0  }
0x20: {  	[sflag:s14] =	ssyncadd.s32 $0xFFFFEC00  }
0x21: {  	[tilespmem:s18], [sflag:$0x1] =	stream.indirect.gather [hbm4b:s4+s17], $0x80, s15, s17, $0xb8;
	[tilespmem:$0x1E400] =	vst v63  }
0x22: {  	_ =	swait.ge [sflag:s19], $0x4000  }
0x23: {  	[sflag:s19] =	ssyncset.done $0x0  }
0x24: {  	s26 =	simm.s32 $0x13C80;
	[sflag:s19] =	ssyncadd.s32 $0xFFFFC000  }
0x25: {  	[tilespmem:s20], [sflag:$0x2] =	stream.indirect.gather [hbm4b:s4+s17], $0x80, s26, s17, $0xb8;
	[tilespmem:$0x1E400] =	vst v63  }
0x26: {  	s29 =	simm.s32 $0x15000  }
0x27: {  	[spmem:s1] =	stream.indirect.scatter.add.f32 [tilespmem:s18], [sflag:$0x3], $0x80, s29, s17, $0xb8;
	[tilespmem:$0x1E400] =	vst v63  }
0x28: {  	_ =	swait.ge [sflag:s14], $0x4000  }
0x29: {  	[sflag:s14] =	ssyncset.done $0x0  }
0x2a: {  	[sflag:s14] =	ssyncadd.s32 $0xFFFFC000  }
0x2b: {  	_ =	swait.ge [sflag:s21], $0x4000  }
0x2c: {  	[sflag:s21] =	ssyncset.done $0x0  }
0x2d: {  	s30 =	simm.s32 $0x13D00;
	[sflag:s21] =	ssyncadd.s32 $0xFFFFC000  }
0x2e: {  	[tilespmem:s18], [sflag:$0x1] =	stream.indirect.gather [hbm4b:s4+s17], $0x80, s30, s17, $0xb8;
	[tilespmem:$0x1E400] =	vst v63  }
0x2f: {  	s31 =	simm.s32 $0x15080  }
0x30: {  	[spmem:s1] =	stream.indirect.scatter.add.f32 [tilespmem:s20], [sflag:$0x3], $0x80, s31, s17, $0xb8;
	[tilespmem:$0x1E400] =	vst v63  }
0x31: {  	_ =	swait.ge [sflag:s14], $0x4000  }
0x32: {  	s26 =	simm.s32 $0x400;
	[sflag:s14] =	ssyncset.done $0x0  }
.LBB2_2:
0x33: {  	p0 =	sne.s32 s26, $0x4800  }
0x34: {  	[sflag:s14] =	ssyncadd.s32 $0xFFFFC000;
	s28 =	smov.u32 s26;
	s26 =	sadd.s32 $0x400, s26  }
0x35: {  	_ = 	snop  }
0x36: {  	_ =	swait.ge [sflag:s19], $0x4000  }
0x37: {  	s28 =	sshra.s32 s28, $0x2;
	[sflag:s19] =	ssyncset.done $0x0  }
0x38: {  	s29 =	sadd.s32 $0x13C80, s28;
	[sflag:s19] =	ssyncadd.s32 $0xFFFFC000  }
0x39: {  	[tilespmem:s20], [sflag:$0x2] =	stream.indirect.gather [hbm4b:s4+s17], $0x80, s29, s17, $0xb8;
	[tilespmem:$0x1E400] =	vst v63  }
0x3a: {  	s29 =	sadd.s32 $0x15000, s28  }
0x3b: {  	[spmem:s1] =	stream.indirect.scatter.add.f32 [tilespmem:s18], [sflag:$0x3], $0x80, s29, s17, $0xb8;
	[tilespmem:$0x1E400] =	vst v63  }
0x3c: {  	_ =	swait.ge [sflag:s14], $0x4000  }
0x3d: {  	[sflag:s14] =	ssyncset.done $0x0  }
0x3e: {  	[sflag:s14] =	ssyncadd.s32 $0xFFFFC000  }
0x3f: {  	_ =	swait.ge [sflag:s21], $0x4000  }
0x40: {  	[sflag:s21] =	ssyncset.done $0x0  }
0x41: {  	s29 =	sadd.s32 $0x13D00, s28;
	[sflag:s21] =	ssyncadd.s32 $0xFFFFC000  }
0x42: {  	[tilespmem:s18], [sflag:$0x1] =	stream.indirect.gather [hbm4b:s4+s17], $0x80, s29, s17, $0xb8;
	[tilespmem:$0x1E400] =	vst v63  }
.Ltmp0:
0x43: {  	_ = 	snop;
	(pc) =	sbr.rel @p0 .LBB2_2-.Ltmp0, $4  }
0x44: {  	s28 =	sadd.s32 $0x15080, s28  }
0x45: {  	[spmem:s1] =	stream.indirect.scatter.add.f32 [tilespmem:s20], [sflag:$0x3], $0x80, s28, s17, $0xb8;
	[tilespmem:$0x1E400] =	vst v63  }
0x46: {  	_ =	swait.ge [sflag:s14], $0x4000  }
0x47: {  	[sflag:s14] =	ssyncset.done $0x0  }
0x48: {  	[sflag:s14] =	ssyncadd.s32 $0xFFFFC000  }
0x49: {  	_ =	swait.ge [sflag:s19], $0x4000  }
0x4a: {  	[sflag:s19] =	ssyncset.done $0x0  }
0x4b: {  	[sflag:s19] =	ssyncadd.s32 $0xFFFFC000  }
0x4c: {  	[tilespmem:s20], [sflag:$0x2] =	stream.indirect.gather [hbm4b:s4+s17], $0x80, s22, s17, $0xb8;
	[tilespmem:$0x1E400] =	vst v63  }
0x4d: {  	_ = 	snop  }
0x4e: {  	[spmem:s1] =	stream.indirect.scatter.add.f32 [tilespmem:s18], [sflag:$0x3], $0x80, s23, s17, $0xb8;
	[tilespmem:$0x1E400] =	vst v63  }
0x4f: {  	_ =	swait.ge [sflag:s14], $0x4000  }
0x50: {  	[sflag:s14] =	ssyncset.done $0x0  }
0x51: {  	[sflag:s14] =	ssyncadd.s32 $0xFFFFC000  }
0x52: {  	_ =	swait.ge [sflag:s21], $0x4000  }
0x53: {  	[sflag:s21] =	ssyncset.done $0x0  }
0x54: {  	[sflag:s21] =	ssyncadd.s32 $0xFFFFC000  }
0x55: {  	[tilespmem:s18], [sflag:$0x1] =	stream.indirect.gather [hbm4b:s4+s17], $0x80, s22, s17, $0xb8;
	[tilespmem:$0x1E400] =	vst v63  }
0x56: {  	_ = 	snop  }
0x57: {  	[spmem:s1] =	stream.indirect.scatter.add.f32 [tilespmem:s20], [sflag:$0x3], $0x80, s24, s17, $0xb8;
	[tilespmem:$0x1E400] =	vst v63  }
0x58: {  	_ =	swait.ge [sflag:s14], $0x4000  }
0x59: {  	[sflag:s14] =	ssyncset.done $0x0  }
0x5a: {  	[sflag:s14] =	ssyncadd.s32 $0xFFFFC000  }
0x5b: {  	_ =	swait.ge [sflag:s19], $0x4000  }
0x5c: {  	[sflag:s19] =	ssyncset.done $0x0  }
0x5d: {  	s26 =	simm.s32 $0x0;
	[sflag:s19] =	ssyncadd.s32 $0xFFFFC000  }
0x5e: {  	[tilespmem:s15], [sflag:$0x3] =	stream.linear.gather [hbm4b:s9+s26], $0x1400, $0x38;
	[tilespmem:$0x1E400] =	vst v63  }
0x5f: {  	_ =	swait.ge [sflag:s14], $0x1400  }
0x60: {  	[sflag:s14] =	ssyncset.done $0x0  }
0x61: {  	[sflag:s14] =	ssyncadd.s32 $0xFFFFEC00  }
0x62: {  	[tilespmem:s16], [sflag:$0x3] =	stream.linear.gather [hbm4b:s10+s26], $0x1400, $0x38;
	[tilespmem:$0x1E400] =	vst v63  }
0x63: {  	_ =	swait.ge [sflag:s14], $0x1400  }
0x64: {  	[sflag:s14] =	ssyncset.done $0x0  }
0x65: {  	[sflag:s14] =	ssyncadd.s32 $0xFFFFEC00  }
0x66: {  	[tilespmem:s18], [sflag:$0x1] =	stream.indirect.gather [hbm4b:s4+s17], $0x80, s15, s17, $0xb8;
	[tilespmem:$0x1E400] =	vst v63  }
0x67: {  	_ =	swait.ge [sflag:s19], $0x4000  }
0x68: {  	[sflag:s19] =	ssyncset.done $0x0  }
0x69: {  	s28 =	simm.s32 $0x13C80;
	[sflag:s19] =	ssyncadd.s32 $0xFFFFC000  }
0x6a: {  	[tilespmem:s20], [sflag:$0x2] =	stream.indirect.gather [hbm4b:s4+s17], $0x80, s28, s17, $0xb8;
	[tilespmem:$0x1E400] =	vst v63  }
0x6b: {  	s29 =	simm.s32 $0x15000  }
0x6c: {  	[spmem:s1] =	stream.indirect.scatter.add.f32 [tilespmem:s18], [sflag:$0x3], $0x80, s29, s17, $0xb8;
	[tilespmem:$0x1E400] =	vst v63  }
0x6d: {  	_ =	swait.ge [sflag:s14], $0x4000  }
0x6e: {  	[sflag:s14] =	ssyncset.done $0x0  }
0x6f: {  	[sflag:s14] =	ssyncadd.s32 $0xFFFFC000  }
0x70: {  	_ =	swait.ge [sflag:s21], $0x4000  }
0x71: {  	[sflag:s21] =	ssyncset.done $0x0  }
0x72: {  	s30 =	simm.s32 $0x13D00;
	[sflag:s21] =	ssyncadd.s32 $0xFFFFC000  }
0x73: {  	[tilespmem:s18], [sflag:$0x1] =	stream.indirect.gather [hbm4b:s4+s17], $0x80, s30, s17, $0xb8;
	[tilespmem:$0x1E400] =	vst v63  }
0x74: {  	s31 =	simm.s32 $0x15080  }
0x75: {  	[spmem:s1] =	stream.indirect.scatter.add.f32 [tilespmem:s20], [sflag:$0x3], $0x80, s31, s17, $0xb8;
	[tilespmem:$0x1E400] =	vst v63  }
0x76: {  	_ =	swait.ge [sflag:s14], $0x4000  }
0x77: {  	s26 =	simm.s32 $0x400;
	[sflag:s14] =	ssyncset.done $0x0  }
.LBB2_4:
0x78: {  	p0 =	sne.s32 s26, $0x4800  }
0x79: {  	[sflag:s14] =	ssyncadd.s32 $0xFFFFC000;
	s28 =	smov.u32 s26;
	s26 =	sadd.s32 $0x400, s26  }
0x7a: {  	_ = 	snop  }
0x7b: {  	_ =	swait.ge [sflag:s19], $0x4000  }
0x7c: {  	s28 =	sshra.s32 s28, $0x2;
	[sflag:s19] =	ssyncset.done $0x0  }
0x7d: {  	s29 =	sadd.s32 $0x13C80, s28;
	[sflag:s19] =	ssyncadd.s32 $0xFFFFC000  }
0x7e: {  	[tilespmem:s20], [sflag:$0x2] =	stream.indirect.gather [hbm4b:s4+s17], $0x80, s29, s17, $0xb8;
	[tilespmem:$0x1E400] =	vst v63  }
0x7f: {  	s29 =	sadd.s32 $0x15000, s28  }
0x80: {  	[spmem:s1] =	stream.indirect.scatter.add.f32 [tilespmem:s18], [sflag:$0x3], $0x80, s29, s17, $0xb8;
	[tilespmem:$0x1E400] =	vst v63  }
0x81: {  	_ =	swait.ge [sflag:s14], $0x4000  }
0x82: {  	[sflag:s14] =	ssyncset.done $0x0  }
0x83: {  	[sflag:s14] =	ssyncadd.s32 $0xFFFFC000  }
0x84: {  	_ =	swait.ge [sflag:s21], $0x4000  }
0x85: {  	[sflag:s21] =	ssyncset.done $0x0  }
0x86: {  	s29 =	sadd.s32 $0x13D00, s28;
	[sflag:s21] =	ssyncadd.s32 $0xFFFFC000  }
0x87: {  	[tilespmem:s18], [sflag:$0x1] =	stream.indirect.gather [hbm4b:s4+s17], $0x80, s29, s17, $0xb8;
	[tilespmem:$0x1E400] =	vst v63  }
.Ltmp1:
0x88: {  	_ = 	snop;
	(pc) =	sbr.rel @p0 .LBB2_4-.Ltmp1, $4  }
0x89: {  	s28 =	sadd.s32 $0x15080, s28  }
0x8a: {  	[spmem:s1] =	stream.indirect.scatter.add.f32 [tilespmem:s20], [sflag:$0x3], $0x80, s28, s17, $0xb8;
	[tilespmem:$0x1E400] =	vst v63  }
0x8b: {  	_ =	swait.ge [sflag:s14], $0x4000  }
0x8c: {  	[sflag:s14] =	ssyncset.done $0x0  }
0x8d: {  	[sflag:s14] =	ssyncadd.s32 $0xFFFFC000  }
0x8e: {  	_ =	swait.ge [sflag:s19], $0x4000  }
0x8f: {  	[sflag:s19] =	ssyncset.done $0x0  }
0x90: {  	[sflag:s19] =	ssyncadd.s32 $0xFFFFC000  }
0x91: {  	[tilespmem:s20], [sflag:$0x2] =	stream.indirect.gather [hbm4b:s4+s17], $0x80, s22, s17, $0xb8;
	[tilespmem:$0x1E400] =	vst v63  }
0x92: {  	_ = 	snop  }
0x93: {  	[spmem:s1] =	stream.indirect.scatter.add.f32 [tilespmem:s18], [sflag:$0x3], $0x80, s23, s17, $0xb8;
	[tilespmem:$0x1E400] =	vst v63  }
0x94: {  	_ =	swait.ge [sflag:s14], $0x4000  }
0x95: {  	[sflag:s14] =	ssyncset.done $0x0  }
0x96: {  	[sflag:s14] =	ssyncadd.s32 $0xFFFFC000  }
0x97: {  	_ =	swait.ge [sflag:s21], $0x4000  }
0x98: {  	[sflag:s21] =	ssyncset.done $0x0  }
0x99: {  	[sflag:s21] =	ssyncadd.s32 $0xFFFFC000  }
0x9a: {  	[tilespmem:s18], [sflag:$0x1] =	stream.indirect.gather [hbm4b:s4+s17], $0x80, s22, s17, $0xb8;
	[tilespmem:$0x1E400] =	vst v63  }
0x9b: {  	_ = 	snop  }
0x9c: {  	[spmem:s1] =	stream.indirect.scatter.add.f32 [tilespmem:s20], [sflag:$0x3], $0x80, s24, s17, $0xb8;
	[tilespmem:$0x1E400] =	vst v63  }
0x9d: {  	_ =	swait.ge [sflag:s14], $0x4000  }
0x9e: {  	[sflag:s14] =	ssyncset.done $0x0  }
0x9f: {  	[sflag:s14] =	ssyncadd.s32 $0xFFFFC000  }
0xa0: {  	_ =	swait.ge [sflag:s19], $0x4000  }
0xa1: {  	s25 =	sadd.s32 $0x1, s25;
	[sflag:s19] =	ssyncset.done $0x0  }
0xa2: {  	p0 =	sne.s32 s25, s12;
	[sflag:s19] =	ssyncadd.s32 $0xFFFFC000  }
.Ltmp2:
0xa3: {  	[bflag:$0x0] =	sbarrier.arrive $0xFFFF;
	(pc) =	sbr.rel @p0 .LBB2_1-.Ltmp2, $4  }
0xa4: {  	[hbm:s11], [sflag:s6] =	dma.local [spmem:s13], $0x2780  }
0xa5: {  	_ =	swait.ge [sflag:s14], $0x2780  }
0xa6: {  	[sflag:s14] =	ssyncset.done $0x0  }
0xa7: {  	[sflag:s14] =	ssyncadd.s32 $0xFFFFD880  }
0xa8: {  	_ =	sfence.sel $0x180000  }
0xa9: {  	[bflag:$0x0] =	sbarrier.arrive $0xFFFF  }
0xaa: {  	p0 =	sne.s32 s2, $0x0;
	_ =	strace $0x9000004D  }
0xab: {  	s0 =	sadd.s32 @!p0 $0x100000, s0;
	[bflag:$0x2] =	sbarrier.arrive $0xFFFF  }
0xac: {  	[sflag:s0] =	ssyncadd.tile.s32 @!p0 $0x1;
	_ =	shalt  }
.Lfunc_end2:
_tile_overlayer_lowered:
.L_overlay_start_2:
0xad: {  	(tag) =	ssettag $0x2  }
0xae: {  	s0 =	rddreg [dreg:$0x0];
	s2 =	stileid.u32  }
0xaf: {  	s1 =	rddreg [dreg:$0x1];
	p0 =	sne.s32 s2, $0x0  }
0xb0: {  	s3 =	rddreg [dreg:$0x2];
	[bflag:$0x3] =	sbarrier.arrive $0xFFFF;
	s2 =	simm.s32 @!p0 $0x1C03  }
0xb1: {  	[timem:s3], [sflag:s2] =	dma.local @!p0 [hbm:s0], s1  }
0xb2: {  	s0 =	simm.s32 @!p0 $0x3  }
0xb3: {  	_ =	swait.ge @!p0 [sflag:s0], s1  }
0xb4: {  	s1 =	ssub.s32 @!p0 $0x0, s1;
	[sflag:s0] =	ssyncset.done @!p0 $0x0  }
0xb5: {  	[sflag:s0] =	ssyncadd.s32 @!p0 s1  }
0xb6: {  	[bflag:$0x3] =	sbarrier.arrive $0xFFFF  }
0xb7: {  	_ =	shalt  }

// kernel: kernel.19.cloned.1.call-start
scs
__scs_entry_jumppad:
0x0: {  	(pc) =	sbr.rel $0x88, $3  }
0x1: {  	(tag) =	ssettag $0x0;
	lr =	simm.s32 $0x1  }
0x2: {  	[smem:$0x3F95] =	sst lr;
	_ =	strace $0xD0000000  }
0x3: {  	_ = 	snop  }
0x4: {  	_ = 	snop  }
0x5: {  	_ = 	snop  }
0x6: {  	_ = 	snop  }
0x7: {  	_ = 	snop  }
__scs_overlays_trampoline_lowered:
0x8: {  	[smem:$0x3FA4] =	sst s0  }
0x9: {  	[smem:$0x3FA5] =	sst s1  }
0xa: {  	[smem:$0x3FA6] =	sst s2  }
0xb: {  	[smem:$0x3FA7] =	sst s3  }
0xc: {  	[smem:$0x3FA8] =	sst s4  }
0xd: {  	[smem:$0x3FA9] =	sst s5  }
0xe: {  	[smem:$0x3FAA] =	sst s6  }
0xf: {  	[smem:$0x3FAB] =	sst s7  }
0x10: {  	[smem:$0x3FAC] =	sst s8  }
0x11: {  	[smem:$0x3FAD] =	sst s9;
	s0 =	simm.s32 @!p0 $0x0  }
0x12: {  	s1 =	sld [smem:$0x3F93];
	s0 =	simm.s32 @p0 $0x1  }
0x13: {  	[smem:$0x3FAE] =	sst s0;
	s0 =	simm.s32 @!p1 $0x0  }
0x14: {  	s2 =	sld [smem:$0x3F92];
	s0 =	simm.s32 @p1 $0x1  }
0x15: {  	[smem:$0x3FAF] =	sst s0;
	s0 =	simm.s32 @!p2 $0x0  }
0x16: {  	s3 =	sld [smem:$0x3FDB];
	s0 =	simm.s32 @p2 $0x1  }
0x17: {  	s4 =	simm.s32 $0x1BF5;
	[smem:$0x3FB1] =	sst s0  }
0x18: {  	s0 =	sld [smem:$0x3F94];
	_ =	swait.ge [sflag:s4], $0x0  }
0x19: {  	s7 =	sld [smem:$0x3F95]  }
0x1a: {  	s8 =	sadd.s32 $0xFFFFE003, lr  }
0x1b: {  	s9 =	sadd.s32 $0xFFFFFEF7, lr;
	s5 =	simm.s32 $0xFFFFFFFF;
	p2 =	slt.u32 s8, $0xFFFFF086  }
0x1c: {  	p1 =	slt.u32 s9, $0xF7A;
	s5 =	simm.s32 @!p2 $0x0  }
0x1d: {  	s5 =	simm.s32 @p1 $0x1;
	p0 =	seq.s32 s7, s2  }
0x1e: {  	s7 =	smul.u32 @!p0 $0xF7A, s2;
	p2 =	seq.s32 @!p0 s5, $0x0  }
0x1f: {  	s9 =	smul.u32 $0xF7A, s1;
	s8 =	simm.s32 @!p0 $0x1BF5;
	p2 =	por !p2, p0  }
0x20: {  	[sflag:s8] =	ssyncset.s32 @!p0 $0xFFFFF086;
	s6 =	sadd.s32 @!p0 s3, s7;
	s7 =	simm.s32 @!p0 $0x108  }
0x21: {  	s3 =	sadd.s32 s3, s9;
	s6 =	sadd.s32 @!p0 $0x88, s6;
	s7 =	simm.s32 @p2 $0x1082  }
0x22: {  	[simem:s7], [sflag:s8] =	dma.local @!p0 [hbm:s6], $0xF7A  }
0x23: {  	s9 =	sor.u32 $0xD0000000, s2;
	s6 =	simm.s32 $0x108;
	_ =	swait.ge @!p0 [sflag:s8], $0x0  }
0x24: {  	s3 =	sadd.s32 $0x88, s3;
	s6 =	simm.s32 @!p1 $0x1082;
	[sflag:s4] =	ssyncset.s32 $0xFFFFF086  }
0x25: {  	[simem:s6], [sflag:s4] =	dma.local [hbm:s3], $0xF7A  }
0x26: {  	[smem:$0x3F95] =	sst s1;
	(tag) =	ssettag s2;
	_ =	strace s9  }
0x27: {  	s1 =	sld [smem:$0x3FA5]  }
0x28: {  	s2 =	sld [smem:$0x3FA6]  }
0x29: {  	s4 =	sld [smem:$0x3FA8]  }
0x2a: {  	p0 =	seq.s32 s5, $0x0;
	s5 =	sld [smem:$0x3FA9]  }
0x2b: {  	s6 =	sld [smem:$0x3FAA]  }
0x2c: {  	s7 =	sld [smem:$0x3FAB]  }
0x2d: {  	s3 =	simm.s32 $0x108;
	s8 =	sld [smem:$0x3FAC]  }
0x2e: {  	s3 =	simm.s32 @!p0 $0x1082;
	s9 =	sld [smem:$0x3FAD]  }
0x2f: {  	lr =	sadd.s32 s0, s3;
	s0 =	sld [smem:$0x3FA4]  }
0x30: {  	s3 =	sld [smem:$0x3FA7]  }
0x31: {  	[smem:$0x3FB0] =	sst s10  }
0x32: {  	s10 =	sld [smem:$0x3FAE];
	_ =	sdelay $0x3  }
0x33: {  	p0 =	seq.s32 s10, $0x1;
	s10 =	sld [smem:$0x3FB0];
	_ =	sdelay $0x3  }
0x34: {  	[smem:$0x3FB0] =	sst s10  }
0x35: {  	s10 =	sld [smem:$0x3FAF];
	_ =	sdelay $0x3  }
0x36: {  	p1 =	seq.s32 s10, $0x1;
	s10 =	sld [smem:$0x3FB0];
	_ =	sdelay $0x3  }
0x37: {  	[smem:$0x3FB0] =	sst s10  }
0x38: {  	s10 =	sld [smem:$0x3FB1]  }
0x39: {  	_ = 	snop;
	(pc) =	sbr.ind lr, $3  }
0x3a: {  	_ = 	snop  }
0x3b: {  	_ = 	snop  }
0x3c: {  	p2 =	seq.s32 s10, $0x1;
	s10 =	sld [smem:$0x3FB0]  }
0x3d: {  	_ =	shalt  }
0x3e: {  	_ =	shalt  }
0x3f: {  	_ =	shalt  }
0x40: {  	_ =	shalt  }
0x41: {  	_ =	shalt  }
0x42: {  	_ =	shalt  }
0x43: {  	_ =	shalt  }
0x44: {  	_ =	shalt  }
0x45: {  	_ =	shalt  }
0x46: {  	_ =	shalt  }
0x47: {  	_ =	shalt  }
0x48: {  	_ =	shalt  }
0x49: {  	_ =	shalt  }
0x4a: {  	_ =	shalt  }
0x4b: {  	_ =	shalt  }
0x4c: {  	_ =	shalt  }
0x4d: {  	_ =	shalt  }
0x4e: {  	_ =	shalt  }
0x4f: {  	_ =	shalt  }
0x50: {  	_ =	shalt  }
0x51: {  	_ =	shalt  }
0x52: {  	_ =	shalt  }
0x53: {  	_ =	shalt  }
0x54: {  	_ =	shalt  }
0x55: {  	_ =	shalt  }
0x56: {  	_ =	shalt  }
0x57: {  	_ =	shalt  }
0x58: {  	_ =	shalt  }
0x59: {  	_ =	shalt  }
0x5a: {  	_ =	shalt  }
0x5b: {  	_ =	shalt  }
0x5c: {  	_ =	shalt  }
0x5d: {  	_ =	shalt  }
0x5e: {  	_ =	shalt  }
0x5f: {  	_ =	shalt  }
0x60: {  	_ =	shalt  }
0x61: {  	_ =	shalt  }
0x62: {  	_ =	shalt  }
0x63: {  	_ =	shalt  }
0x64: {  	_ =	shalt  }
0x65: {  	_ =	shalt  }
0x66: {  	_ =	shalt  }
0x67: {  	_ =	shalt  }
0x68: {  	_ =	shalt  }
0x69: {  	_ =	shalt  }
0x6a: {  	_ =	shalt  }
0x6b: {  	_ =	shalt  }
0x6c: {  	_ =	shalt  }
0x6d: {  	_ =	shalt  }
0x6e: {  	_ =	shalt  }
0x6f: {  	_ =	shalt  }
0x70: {  	_ =	shalt  }
0x71: {  	_ =	shalt  }
0x72: {  	_ =	shalt  }
0x73: {  	_ =	shalt  }
0x74: {  	_ =	shalt  }
0x75: {  	_ =	shalt  }
0x76: {  	_ =	shalt  }
0x77: {  	_ =	shalt  }
0x78: {  	_ =	shalt  }
0x79: {  	_ =	shalt  }
0x7a: {  	_ =	shalt  }
0x7b: {  	_ =	shalt  }
0x7c: {  	_ =	shalt  }
0x7d: {  	_ =	shalt  }
0x7e: {  	_ =	shalt  }
0x7f: {  	_ =	shalt  }
0x80: {  	_ =	shalt  }
0x81: {  	_ =	shalt  }
0x82: {  	_ =	shalt  }
0x83: {  	_ =	shalt  }
0x84: {  	_ =	shalt  }
0x85: {  	_ =	shalt  }
0x86: {  	_ =	shalt  }
0x87: {  	_ =	shalt  }
.Lfunc_end0:
.L_simem_size_0:
called_computation.3_lowered:
.L_overlay_start_0:
0x88: {  	s2 =	sld [smem:$0x3FD9]  }
0x89: {  	s3 =	sld [smem:$0x3FFE];
	_ =	sdelay $0x1  }
0x8a: {  	s1 =	srdreg.scid  }
0x8b: {  	s0 =	sand.u32 $0x1, s1  }
0x8c: {  	s16 =	sshll.u32 s0, $0xA;
	s2 =	sadd.s32 s3, s2  }
0x8d: {  	s2 =	sadd.s32 s2, s16  }
0x8e: {  	[smem:$0x3FBC] =	sst s2  }
0x8f: {  	_ = 	snop  }
0x90: {  	(tm) =	ssettm $0x1  }
0x91: {  	s17 =	sld [smem:$0x3FFB];
	_ =	sdelay $0x3  }
0x92: {  	_ =	strace s17  }
0x93: {  	s2 =	sld [smem:$0x3FFC];
	_ =	sdelay $0x3  }
0x94: {  	_ =	strace s2  }
0x95: {  	s2 =	sld [smem:$0x3FFD];
	_ =	sdelay $0x3  }
0x96: {  	_ =	strace s2  }
0x97: {  	_ =	strace $0x8FFFFFFF  }
0x98: {  	s18 =	sld [smem:$0x3FDB];
	_ =	sdelay $0x1  }
0x99: {  	s19 =	simm.s32 $_scs_section_size  }
0x9a: {  	s4 =	simm.s32 $_size__tile_overlayer_lowered;
	s5 =	simm.s32 $_tile_overlayer_lowered  }
0x9b: {  	s22 =	simm.s32 $0x1BFF;
	s21 =	sshll.u32 s5, $0x1;
	s2 =	sadd.s32 s19, s18  }
0x9c: {  	s6 =	simm.s32 $0x0;
	s20 =	sshll.u32 s4, $0x1;
	s4 =	sadd.s32 s21, s2  }
0x9d: {  	[timem:s6], [sflag:s22] =	dma.local [hbm:s4], s20  }
0x9e: {  	_ =	swait.ge [sflag:s22], s20  }
0x9f: {  	s3 =	ssub.s32 $0x0, s20;
	[sflag:s22] =	ssyncset.done $0x0  }
0xa0: {  	[sflag:s22] =	ssyncadd.s32 s3;
	_ =	sdelay $0x1  }
0xa1: {  	s23 =	simm.s32 $0x1B8B  }
0xa2: {  	_ =	swait.ge [sflag:s23], $0x1  }
0xa3: {  	[sflag:s23] =	ssyncset.done $0x0  }
0xa4: {  	s25 =	simm.s32 $0x1B8E;
	s24 =	sld [smem:$0x3FFE];
	[sflag:s23] =	ssyncadd.s32 $0xFFFFFFFF  }
0xa5: {  	s26 =	simm.s32 $execute0_lowered;
	[smem:$0x3FD2] =	sst s25  }
0xa6: {  	s4 =	sshll.u32 s26, $0x1;
	_ =	strace $0x8000004F;
	[dreg:$0x1] =	wrdreg $0xFFFFFFFF  }
0xa7: {  	s28 =	simm.s32 $_size_execute0_lowered;
	s2 =	sadd.s32 s2, s4;
	[dreg:$0x0] =	wrdreg $0x0  }
0xa8: {  	s4 =	sshll.u32 s28, $0x1;
	[dreg:$0x2] =	wrdreg s2  }
0xa9: {  	[dreg:$0x3] =	wrdreg s4  }
0xaa: {  	[dreg:$0x4] =	wrdreg $0xC0  }
0xab: {  	_ =	task [dreg:s6], $0x5FFFF  }
0xac: {  	[dreg:$0x1] =	wrdreg $0xFFFFFFFF  }
0xad: {  	[dreg:$0x0] =	wrdreg $0x60  }
0xae: {  	[dreg:$0x2] =	wrdreg s24  }
0xaf: {  	[dreg:$0x3] =	wrdreg $0x0  }
0xb0: {  	[dreg:$0x4] =	wrdreg $0x9  }
0xb1: {  	_ =	task.clear_ibuf [dreg:s6], $0x5FFFF;
	_ =	strace $0x9000004F  }
0xb2: {  	s29 =	simm.s32 $0x9;
	_ =	strace $0x80000051  }
0xb3: {  	_ =	swait.ge [sflag:s29], $0x1  }
0xb4: {  	[sflag:s29] =	ssyncadd.s32 $0xFFFFFFFF  }
0xb5: {  	_ =	strace $0x90000051  }
0xb6: {  	_ =	sfence  }
0xb7: {  	s30 =	sld [smem:$0x0];
	_ =	sdelay $0x2  }
0xb8: {  	s31 =	sshll.u32 s1, $0xD;
	s1 =	sshrl.u32 s1, $0x2  }
0xb9: {  	s3 =	sand.u32 $0x4000, s31;
	s1 =	sadd.s32 s1, s30  }
0xba: {  	s0 =	sor.u32 s3, s0;
	s1 =	sshll.u32 s1, $0x11  }
0xbb: {  	s0 =	sor.u32 s1, s0  }
0xbc: {  	s0 =	sadd.s32 $0x8F2B, s0  }
0xbd: {  	[sflag:s0] =	ssyncadd.remote.s32 $0x1  }
0xbe: {  	_ =	sfence.sel $0xFFFF  }
0xbf: {  	[dreg:$0x0] =	wrdreg $0xFFFFFFFF;
	(pc) =	sbr.abs _section_cstart, $3  }
0xc0: {  	[dreg:$0x1] =	wrdreg $0xFFFFFFFF  }
0xc1: {  	_ =	task.clear_ibuf [dreg:s6], $0x2FFFF;
	_ =	strace $0x9FFFFFFF  }
0xc2: {  	(tm) =	ssettm $0x7FFFFFFF  }
0xc3: {  	_ =	shalt  }
tec
execute0_lowered:
.L_overlay_start_1:
0x0: {  	(tag) =	ssettag $0x1  }
0x1: {  	s5 =	rddreg [dreg:$0x0]  }
0x2: {  	s1 =	rddreg [dreg:$0x1];
	s2 =	srdreg.scid  }
0x3: {  	s0 =	rddreg [dreg:$0x2];
	s3 =	simm.s32 $0x0;
	s17 =	simm.s32 $0x80  }
0x4: {  	s18 =	simm.s32 $0x16400;
	s19 =	simm.s32 $0x1;
	s6 =	sand.u32 $0x1, s2  }
0x5: {  	s20 =	simm.s32 $0x1A400;
	s2 =	stileid.u32;
	s7 =	smul.u32 $0x2780, s6  }
0x6: {  	s21 =	simm.s32 $0x2;
	s22 =	simm.s32 $0x14F80;
	s8 =	smul.u32 $0x278, s2  }
0x7: {  	[smem:$0x7FF] =	sst s3;
	s4 =	sadd.s32 $0x8A400, s5;
	s11 =	smul.u32 $0x4F000, s2  }
0x8: {  	s9 =	sadd.s32 $0x80400, s5;
	s10 =	sadd.s32 $0x4400, s5;
	s13 =	smul.u32 $0x50, s2  }
0x9: {  	_ =	strace $0x80000050;
	s23 =	ssub.s32 $0x2, s6;
	s26 =	smul.u32 $0x500, s6  }
0xa: {  	s28 =	sshll.u32 s2, $0x6;
	s31 =	smul.u32 $0x500, s2;
	s24 =	sshrl.u32 s23, $0x1  }
0xb: {  	s6 =	sor.u32 $0x1C03, s28;
	s7 =	sadd.s32 s8, s7;
	s14 =	ssub.s32 s23, s24  }
0xc: {  	s25 =	sshrl.u32 s11, $0x2;
	s29 =	sadd.s32 s13, s26;
	s30 =	sadd.s32 $0x28, s13  }
0xd: {  	s23 =	simm.s32 $0x16300;
	s24 =	simm.s32 $0x16380;
	s7 =	sshll.u32 s7, $0x4  }
0xe: {  	s15 =	sadd.s32 s25, s1;
	s8 =	sadd.s32 s26, s30;
	s11 =	sshll.u32 s30, $0x4  }
0xf: {  	s25 =	simm.s32 $0x0;
	s12 =	sadd.s32 s7, s5;
	s5 =	sadd.s32 s4, s7  }
0x10: {  	s7 =	sshll.u32 s29, $0x4;
	s16 =	sshll.u32 s8, $0x4;
	s8 =	sadd.s32 s10, s31  }
0x11: {  	s10 =	sadd.s32 s10, s11;
	s13 =	sshrl.u32 s15, $0x3;
	s15 =	simm.s32 $0x13C00  }
0x12: {  	s7 =	sadd.s32 s9, s7;
	s9 =	sadd.s32 s9, s16;
	s11 =	sadd.s32 $0xD9400, s12  }
0x13: {  	s12 =	smax.u32 s14, $0x1;
	s14 =	simm.s32 $0x3;
	s16 =	simm.s32 $0x15000  }
.LBB2_1:
0x14: {  	[spmem:s13], [sflag:s6] =	dma.local [hbm:s5], $0x2780  }
0x15: {  	_ =	swait.ge [sflag:s14], $0x2780  }
0x16: {  	[sflag:s14] =	ssyncset.done $0x0  }
0x17: {  	[sflag:s14] =	ssyncadd.s32 $0xFFFFD880  }
0x18: {  	[bflag:$0x0] =	sbarrier.arrive $0xFFFF  }
0x19: {  	[tilespmem:s15], [sflag:$0x3] =	stream.linear.gather [hbm4b:s7+s3], $0x1400, $0x38;
	[tilespmem:$0x1E400] =	vst v63  }
0x1a: {  	_ =	swait.ge [sflag:s14], $0x1400  }
0x1b: {  	[sflag:s14] =	ssyncset.done $0x0  }
0x1c: {  	[sflag:s14] =	ssyncadd.s32 $0xFFFFEC00  }
0x1d: {  	[tilespmem:s16], [sflag:$0x3] =	stream.linear.gather [hbm4b:s8+s3], $0x1400, $0x38;
	[tilespmem:$0x1E400] =	vst v63  }
0x1e: {  	_ =	swait.ge [sflag:s14], $0x1400  }
0x1f: {  	[sflag:s14] =	ssyncset.done $0x0  }
0x20: {  	[sflag:s14] =	ssyncadd.s32 $0xFFFFEC00  }
0x21: {  	[tilespmem:s18], [sflag:$0x1] =	stream.indirect.gather [hbm4b:s4+s17], $0x80, s15, s17, $0xb8;
	[tilespmem:$0x1E400] =	vst v63  }
0x22: {  	_ =	swait.ge [sflag:s19], $0x4000  }
0x23: {  	[sflag:s19] =	ssyncset.done $0x0  }
0x24: {  	s26 =	simm.s32 $0x13C80;
	[sflag:s19] =	ssyncadd.s32 $0xFFFFC000  }
0x25: {  	[tilespmem:s20], [sflag:$0x2] =	stream.indirect.gather [hbm4b:s4+s17], $0x80, s26, s17, $0xb8;
	[tilespmem:$0x1E400] =	vst v63  }
0x26: {  	s29 =	simm.s32 $0x15000  }
0x27: {  	[spmem:s1] =	stream.indirect.scatter.add.f32 [tilespmem:s18], [sflag:$0x3], $0x80, s29, s17, $0xb8;
	[tilespmem:$0x1E400] =	vst v63  }
0x28: {  	_ =	swait.ge [sflag:s14], $0x4000  }
0x29: {  	[sflag:s14] =	ssyncset.done $0x0  }
0x2a: {  	[sflag:s14] =	ssyncadd.s32 $0xFFFFC000  }
0x2b: {  	_ =	swait.ge [sflag:s21], $0x4000  }
0x2c: {  	[sflag:s21] =	ssyncset.done $0x0  }
0x2d: {  	s30 =	simm.s32 $0x13D00;
	[sflag:s21] =	ssyncadd.s32 $0xFFFFC000  }
0x2e: {  	[tilespmem:s18], [sflag:$0x1] =	stream.indirect.gather [hbm4b:s4+s17], $0x80, s30, s17, $0xb8;
	[tilespmem:$0x1E400] =	vst v63  }
0x2f: {  	s31 =	simm.s32 $0x15080  }
0x30: {  	[spmem:s1] =	stream.indirect.scatter.add.f32 [tilespmem:s20], [sflag:$0x3], $0x80, s31, s17, $0xb8;
	[tilespmem:$0x1E400] =	vst v63  }
0x31: {  	_ =	swait.ge [sflag:s14], $0x4000  }
0x32: {  	s26 =	simm.s32 $0x400;
	[sflag:s14] =	ssyncset.done $0x0  }
.LBB2_2:
0x33: {  	p0 =	sne.s32 s26, $0x4800  }
0x34: {  	[sflag:s14] =	ssyncadd.s32 $0xFFFFC000;
	s28 =	smov.u32 s26;
	s26 =	sadd.s32 $0x400, s26  }
0x35: {  	_ = 	snop  }
0x36: {  	_ =	swait.ge [sflag:s19], $0x4000  }
0x37: {  	s28 =	sshra.s32 s28, $0x2;
	[sflag:s19] =	ssyncset.done $0x0  }
0x38: {  	s29 =	sadd.s32 $0x13C80, s28;
	[sflag:s19] =	ssyncadd.s32 $0xFFFFC000  }
0x39: {  	[tilespmem:s20], [sflag:$0x2] =	stream.indirect.gather [hbm4b:s4+s17], $0x80, s29, s17, $0xb8;
	[tilespmem:$0x1E400] =	vst v63  }
0x3a: {  	s29 =	sadd.s32 $0x15000, s28  }
0x3b: {  	[spmem:s1] =	stream.indirect.scatter.add.f32 [tilespmem:s18], [sflag:$0x3], $0x80, s29, s17, $0xb8;
	[tilespmem:$0x1E400] =	vst v63  }
0x3c: {  	_ =	swait.ge [sflag:s14], $0x4000  }
0x3d: {  	[sflag:s14] =	ssyncset.done $0x0  }
0x3e: {  	[sflag:s14] =	ssyncadd.s32 $0xFFFFC000  }
0x3f: {  	_ =	swait.ge [sflag:s21], $0x4000  }
0x40: {  	[sflag:s21] =	ssyncset.done $0x0  }
0x41: {  	s29 =	sadd.s32 $0x13D00, s28;
	[sflag:s21] =	ssyncadd.s32 $0xFFFFC000  }
0x42: {  	[tilespmem:s18], [sflag:$0x1] =	stream.indirect.gather [hbm4b:s4+s17], $0x80, s29, s17, $0xb8;
	[tilespmem:$0x1E400] =	vst v63  }
.Ltmp0:
0x43: {  	_ = 	snop;
	(pc) =	sbr.rel @p0 .LBB2_2-.Ltmp0, $4  }
0x44: {  	s28 =	sadd.s32 $0x15080, s28  }
0x45: {  	[spmem:s1] =	stream.indirect.scatter.add.f32 [tilespmem:s20], [sflag:$0x3], $0x80, s28, s17, $0xb8;
	[tilespmem:$0x1E400] =	vst v63  }
0x46: {  	_ =	swait.ge [sflag:s14], $0x4000  }
0x47: {  	[sflag:s14] =	ssyncset.done $0x0  }
0x48: {  	[sflag:s14] =	ssyncadd.s32 $0xFFFFC000  }
0x49: {  	_ =	swait.ge [sflag:s19], $0x4000  }
0x4a: {  	[sflag:s19] =	ssyncset.done $0x0  }
0x4b: {  	[sflag:s19] =	ssyncadd.s32 $0xFFFFC000  }
0x4c: {  	[tilespmem:s20], [sflag:$0x2] =	stream.indirect.gather [hbm4b:s4+s17], $0x80, s22, s17, $0xb8;
	[tilespmem:$0x1E400] =	vst v63  }
0x4d: {  	_ = 	snop  }
0x4e: {  	[spmem:s1] =	stream.indirect.scatter.add.f32 [tilespmem:s18], [sflag:$0x3], $0x80, s23, s17, $0xb8;
	[tilespmem:$0x1E400] =	vst v63  }
0x4f: {  	_ =	swait.ge [sflag:s14], $0x4000  }
0x50: {  	[sflag:s14] =	ssyncset.done $0x0  }
0x51: {  	[sflag:s14] =	ssyncadd.s32 $0xFFFFC000  }
0x52: {  	_ =	swait.ge [sflag:s21], $0x4000  }
0x53: {  	[sflag:s21] =	ssyncset.done $0x0  }
0x54: {  	[sflag:s21] =	ssyncadd.s32 $0xFFFFC000  }
0x55: {  	[tilespmem:s18], [sflag:$0x1] =	stream.indirect.gather [hbm4b:s4+s17], $0x80, s22, s17, $0xb8;
	[tilespmem:$0x1E400] =	vst v63  }
0x56: {  	_ = 	snop  }
0x57: {  	[spmem:s1] =	stream.indirect.scatter.add.f32 [tilespmem:s20], [sflag:$0x3], $0x80, s24, s17, $0xb8;
	[tilespmem:$0x1E400] =	vst v63  }
0x58: {  	_ =	swait.ge [sflag:s14], $0x4000  }
0x59: {  	[sflag:s14] =	ssyncset.done $0x0  }
0x5a: {  	[sflag:s14] =	ssyncadd.s32 $0xFFFFC000  }
0x5b: {  	_ =	swait.ge [sflag:s19], $0x4000  }
0x5c: {  	[sflag:s19] =	ssyncset.done $0x0  }
0x5d: {  	s26 =	simm.s32 $0x0;
	[sflag:s19] =	ssyncadd.s32 $0xFFFFC000  }
0x5e: {  	[tilespmem:s15], [sflag:$0x3] =	stream.linear.gather [hbm4b:s9+s26], $0x1400, $0x38;
	[tilespmem:$0x1E400] =	vst v63  }
0x5f: {  	_ =	swait.ge [sflag:s14], $0x1400  }
0x60: {  	[sflag:s14] =	ssyncset.done $0x0  }
0x61: {  	[sflag:s14] =	ssyncadd.s32 $0xFFFFEC00  }
0x62: {  	[tilespmem:s16], [sflag:$0x3] =	stream.linear.gather [hbm4b:s10+s26], $0x1400, $0x38;
	[tilespmem:$0x1E400] =	vst v63  }
0x63: {  	_ =	swait.ge [sflag:s14], $0x1400  }
0x64: {  	[sflag:s14] =	ssyncset.done $0x0  }
0x65: {  	[sflag:s14] =	ssyncadd.s32 $0xFFFFEC00  }
0x66: {  	[tilespmem:s18], [sflag:$0x1] =	stream.indirect.gather [hbm4b:s4+s17], $0x80, s15, s17, $0xb8;
	[tilespmem:$0x1E400] =	vst v63  }
0x67: {  	_ =	swait.ge [sflag:s19], $0x4000  }
0x68: {  	[sflag:s19] =	ssyncset.done $0x0  }
0x69: {  	s28 =	simm.s32 $0x13C80;
	[sflag:s19] =	ssyncadd.s32 $0xFFFFC000  }
0x6a: {  	[tilespmem:s20], [sflag:$0x2] =	stream.indirect.gather [hbm4b:s4+s17], $0x80, s28, s17, $0xb8;
	[tilespmem:$0x1E400] =	vst v63  }
0x6b: {  	s29 =	simm.s32 $0x15000  }
0x6c: {  	[spmem:s1] =	stream.indirect.scatter.add.f32 [tilespmem:s18], [sflag:$0x3], $0x80, s29, s17, $0xb8;
	[tilespmem:$0x1E400] =	vst v63  }
0x6d: {  	_ =	swait.ge [sflag:s14], $0x4000  }
0x6e: {  	[sflag:s14] =	ssyncset.done $0x0  }
0x6f: {  	[sflag:s14] =	ssyncadd.s32 $0xFFFFC000  }
0x70: {  	_ =	swait.ge [sflag:s21], $0x4000  }
0x71: {  	[sflag:s21] =	ssyncset.done $0x0  }
0x72: {  	s30 =	simm.s32 $0x13D00;
	[sflag:s21] =	ssyncadd.s32 $0xFFFFC000  }
0x73: {  	[tilespmem:s18], [sflag:$0x1] =	stream.indirect.gather [hbm4b:s4+s17], $0x80, s30, s17, $0xb8;
	[tilespmem:$0x1E400] =	vst v63  }
0x74: {  	s31 =	simm.s32 $0x15080  }
0x75: {  	[spmem:s1] =	stream.indirect.scatter.add.f32 [tilespmem:s20], [sflag:$0x3], $0x80, s31, s17, $0xb8;
	[tilespmem:$0x1E400] =	vst v63  }
0x76: {  	_ =	swait.ge [sflag:s14], $0x4000  }
0x77: {  	s26 =	simm.s32 $0x400;
	[sflag:s14] =	ssyncset.done $0x0  }
.LBB2_4:
0x78: {  	p0 =	sne.s32 s26, $0x4800  }
0x79: {  	[sflag:s14] =	ssyncadd.s32 $0xFFFFC000;
	s28 =	smov.u32 s26;
	s26 =	sadd.s32 $0x400, s26  }
0x7a: {  	_ = 	snop  }
0x7b: {  	_ =	swait.ge [sflag:s19], $0x4000  }
0x7c: {  	s28 =	sshra.s32 s28, $0x2;
	[sflag:s19] =	ssyncset.done $0x0  }
0x7d: {  	s29 =	sadd.s32 $0x13C80, s28;
	[sflag:s19] =	ssyncadd.s32 $0xFFFFC000  }
0x7e: {  	[tilespmem:s20], [sflag:$0x2] =	stream.indirect.gather [hbm4b:s4+s17], $0x80, s29, s17, $0xb8;
	[tilespmem:$0x1E400] =	vst v63  }
0x7f: {  	s29 =	sadd.s32 $0x15000, s28  }
0x80: {  	[spmem:s1] =	stream.indirect.scatter.add.f32 [tilespmem:s18], [sflag:$0x3], $0x80, s29, s17, $0xb8;
	[tilespmem:$0x1E400] =	vst v63  }
0x81: {  	_ =	swait.ge [sflag:s14], $0x4000  }
0x82: {  	[sflag:s14] =	ssyncset.done $0x0  }
0x83: {  	[sflag:s14] =	ssyncadd.s32 $0xFFFFC000  }
0x84: {  	_ =	swait.ge [sflag:s21], $0x4000  }
0x85: {  	[sflag:s21] =	ssyncset.done $0x0  }
0x86: {  	s29 =	sadd.s32 $0x13D00, s28;
	[sflag:s21] =	ssyncadd.s32 $0xFFFFC000  }
0x87: {  	[tilespmem:s18], [sflag:$0x1] =	stream.indirect.gather [hbm4b:s4+s17], $0x80, s29, s17, $0xb8;
	[tilespmem:$0x1E400] =	vst v63  }
.Ltmp1:
0x88: {  	_ = 	snop;
	(pc) =	sbr.rel @p0 .LBB2_4-.Ltmp1, $4  }
0x89: {  	s28 =	sadd.s32 $0x15080, s28  }
0x8a: {  	[spmem:s1] =	stream.indirect.scatter.add.f32 [tilespmem:s20], [sflag:$0x3], $0x80, s28, s17, $0xb8;
	[tilespmem:$0x1E400] =	vst v63  }
0x8b: {  	_ =	swait.ge [sflag:s14], $0x4000  }
0x8c: {  	[sflag:s14] =	ssyncset.done $0x0  }
0x8d: {  	[sflag:s14] =	ssyncadd.s32 $0xFFFFC000  }
0x8e: {  	_ =	swait.ge [sflag:s19], $0x4000  }
0x8f: {  	[sflag:s19] =	ssyncset.done $0x0  }
0x90: {  	[sflag:s19] =	ssyncadd.s32 $0xFFFFC000  }
0x91: {  	[tilespmem:s20], [sflag:$0x2] =	stream.indirect.gather [hbm4b:s4+s17], $0x80, s22, s17, $0xb8;
	[tilespmem:$0x1E400] =	vst v63  }
0x92: {  	_ = 	snop  }
0x93: {  	[spmem:s1] =	stream.indirect.scatter.add.f32 [tilespmem:s18], [sflag:$0x3], $0x80, s23, s17, $0xb8;
	[tilespmem:$0x1E400] =	vst v63  }
0x94: {  	_ =	swait.ge [sflag:s14], $0x4000  }
0x95: {  	[sflag:s14] =	ssyncset.done $0x0  }
0x96: {  	[sflag:s14] =	ssyncadd.s32 $0xFFFFC000  }
0x97: {  	_ =	swait.ge [sflag:s21], $0x4000  }
0x98: {  	[sflag:s21] =	ssyncset.done $0x0  }
0x99: {  	[sflag:s21] =	ssyncadd.s32 $0xFFFFC000  }
0x9a: {  	[tilespmem:s18], [sflag:$0x1] =	stream.indirect.gather [hbm4b:s4+s17], $0x80, s22, s17, $0xb8;
	[tilespmem:$0x1E400] =	vst v63  }
0x9b: {  	_ = 	snop  }
0x9c: {  	[spmem:s1] =	stream.indirect.scatter.add.f32 [tilespmem:s20], [sflag:$0x3], $0x80, s24, s17, $0xb8;
	[tilespmem:$0x1E400] =	vst v63  }
0x9d: {  	_ =	swait.ge [sflag:s14], $0x4000  }
0x9e: {  	[sflag:s14] =	ssyncset.done $0x0  }
0x9f: {  	[sflag:s14] =	ssyncadd.s32 $0xFFFFC000  }
0xa0: {  	_ =	swait.ge [sflag:s19], $0x4000  }
0xa1: {  	s25 =	sadd.s32 $0x1, s25;
	[sflag:s19] =	ssyncset.done $0x0  }
0xa2: {  	p0 =	sne.s32 s25, s12;
	[sflag:s19] =	ssyncadd.s32 $0xFFFFC000  }
.Ltmp2:
0xa3: {  	[bflag:$0x0] =	sbarrier.arrive $0xFFFF;
	(pc) =	sbr.rel @p0 .LBB2_1-.Ltmp2, $4  }
0xa4: {  	[hbm:s11], [sflag:s6] =	dma.local [spmem:s13], $0x2780  }
0xa5: {  	_ =	swait.ge [sflag:s14], $0x2780  }
0xa6: {  	[sflag:s14] =	ssyncset.done $0x0  }
0xa7: {  	[sflag:s14] =	ssyncadd.s32 $0xFFFFD880  }
0xa8: {  	_ =	sfence.sel $0x180000  }
0xa9: {  	[bflag:$0x0] =	sbarrier.arrive $0xFFFF  }
0xaa: {  	p0 =	sne.s32 s2, $0x0;
	_ =	strace $0x90000050  }
0xab: {  	s0 =	sadd.s32 @!p0 $0x100000, s0;
	[bflag:$0x2] =	sbarrier.arrive $0xFFFF  }
0xac: {  	[sflag:s0] =	ssyncadd.tile.s32 @!p0 $0x1;
	_ =	shalt  }
.Lfunc_end2:
_tile_overlayer_lowered:
.L_overlay_start_2:
0xad: {  	(tag) =	ssettag $0x2  }
0xae: {  	s0 =	rddreg [dreg:$0x0];
	s2 =	stileid.u32  }
0xaf: {  	s1 =	rddreg [dreg:$0x1];
	p0 =	sne.s32 s2, $0x0  }
0xb0: {  	s3 =	rddreg [dreg:$0x2];
	[bflag:$0x3] =	sbarrier.arrive $0xFFFF;
	s2 =	simm.s32 @!p0 $0x1C03  }
0xb1: {  	[timem:s3], [sflag:s2] =	dma.local @!p0 [hbm:s0], s1  }
0xb2: {  	s0 =	simm.s32 @!p0 $0x3  }
0xb3: {  	_ =	swait.ge @!p0 [sflag:s0], s1  }
0xb4: {  	s1 =	ssub.s32 @!p0 $0x0, s1;
	[sflag:s0] =	ssyncset.done @!p0 $0x0  }
0xb5: {  	[sflag:s0] =	ssyncadd.s32 @!p0 s1  }
0xb6: {  	[bflag:$0x3] =	sbarrier.arrive $0xFFFF  }
0xb7: {  	_ =	shalt  }

</sc_bundles>
